<compile_context>
chip_gen: v7x
topology: tpu7x:2x2x1
jax: 0.10.2.dev20260603
libtpu: 0.0.44.dev20260713+nightly
codegen_flags: <defaults>
</compile_context>

<pallas_src>
import functools
import math

import jax
import jax.numpy as jnp
import numpy as np
from jax import lax
from jax.experimental import pallas as pl
from jax.experimental.pallas import tpu as pltpu
from jax.experimental.pallas import tpu_sc as plsc

ANCHOR_AREAS = [1024.0, 4096.0, 16384.0, 65536.0, 262144.0]
ASPECT_RATIOS = [0.5, 1.0, 2.0]
SCALE_RATIOS = [1.0, 2.0 ** (1.0 / 3.0), 2.0 ** (2.0 / 3.0)]
INPUT_W, INPUT_H = 1024.0, 1024.0

NC, NS, L = 2, 16, 16
NW = NC * NS
A = 196416
A_PAD = 196608
GSIZE = 96
NG = A_PAD // GSIZE
NR = A // GSIZE
GPW = NG // NW
UNROLL = GSIZE // L
NBOX = 200
NBV = 13
TBOX = 256
REC = 8 + 6 * GSIZE
KPP = UNROLL // 2
DEPTH = 8


def _anchor_channels():
    wh = []
    for s in ANCHOR_AREAS:
        for ar in ASPECT_RATIOS:
            h = math.sqrt(s / ar)
            w = ar * h
            for sr in SCALE_RATIOS:
                wh.append([w * sr, h * sr])
    num_fms = len(ANCHOR_AREAS)
    num_anchors = len(ASPECT_RATIOS) * len(SCALE_RATIOS)
    anchor_wh = np.asarray(wh, dtype=np.float32).reshape(num_fms, -1, 2)
    boxes = []
    for i in range(num_fms):
        fm_w = int(math.ceil(INPUT_W / 2.0 ** (i + 3)))
        fm_h = int(math.ceil(INPUT_H / 2.0 ** (i + 3)))
        gx = INPUT_W / fm_w
        gy = INPUT_H / fm_h
        xs = (np.arange(fm_w, dtype=np.float32) + 0.5) * gx
        ys = (np.arange(fm_h, dtype=np.float32) + 0.5) * gy
        xv, yv = np.meshgrid(xs, ys)
        xy = np.stack([xv, yv], axis=-1).reshape(fm_h, fm_w, 1, 2)
        xy = np.broadcast_to(xy, (fm_h, fm_w, num_anchors, 2))
        whb = np.broadcast_to(
            anchor_wh[i].reshape(1, 1, num_anchors, 2), (fm_h, fm_w, num_anchors, 2))
        box = np.concatenate([xy, whb], axis=3)
        boxes.append(box.reshape(-1, 4))
    anc = np.concatenate(boxes, axis=0).astype(np.float32)
    pad = np.zeros((A_PAD - A, 4), np.float32)
    pad[:, 2:] = 1.0
    anc = np.concatenate([anc, pad], axis=0)
    ax, ay, aw, ah = (anc[:, j].copy() for j in range(4))
    return (ax, ay, aw, ah,
            np.log(aw).astype(np.float32), np.log(ah).astype(np.float32))


def _build_records():
    ax, ay, aw, ah, law, lah = _anchor_channels()
    half = np.float32(0.5)
    altx = ax - aw * half
    arbx = ax + aw * half
    alty = ay - ah * half
    arby = ay + ah * half
    chan = np.stack([ax, ay, aw, ah, law, lah], 0).reshape(6, NG, GSIZE)
    gminx = altx.reshape(NG, GSIZE).min(1)
    gmaxx = arbx.reshape(NG, GSIZE).max(1)
    gminy = alty.reshape(NG, GSIZE).min(1)
    gmaxy = arby.reshape(NG, GSIZE).max(1)
    npad_g = (A_PAD - A) // GSIZE
    gminx[NG - npad_g:] = np.float32(3e38)
    gmaxx[NG - npad_g:] = np.float32(-3e38)
    rec = np.zeros((NG, REC), np.float32)
    rec[:, 0] = gminx
    rec[:, 1] = gmaxx
    rec[:, 2] = gminy
    rec[:, 3] = gmaxy
    rec[:, 8:] = np.transpose(chan, (1, 0, 2)).reshape(NG, 6 * GSIZE)
    rec = rec.reshape(GPW, NW, REC).transpose(1, 0, 2)
    return np.ascontiguousarray(rec).reshape(-1)


_REC = _build_records()


_LOGC = (1.44251703, -0.71789838, 0.45689417,
         -0.27736505, 0.12191414, -0.0260663)
_LN2 = 0.6931471805599453


def _vlog(x):
    i = plsc.bitcast(x, jnp.int32)
    e = (i >> 23) - 127
    m = plsc.bitcast((i & 0x007FFFFF) | 0x3F800000, jnp.float32)
    t = m - 1.0
    p = jnp.float32(_LOGC[5])
    for k in range(4, -1, -1):
        p = jnp.float32(_LOGC[k]) + t * p
    p = t * p
    return (e.astype(jnp.float32) + p) * jnp.float32(_LN2)

_MESH = plsc.VectorSubcoreMesh(
    core_axis_name="c", subcore_axis_name="s", num_cores=NC, num_subcores=NS)


@functools.partial(
    pl.kernel,
    out_type=[
        jax.ShapeDtypeStruct((4 * A,), jnp.float32),
        jax.ShapeDtypeStruct((A,), jnp.int32),
        jax.ShapeDtypeStruct((A,), jnp.float32),
    ],
    mesh=_MESH,
    compiler_params=pltpu.CompilerParams(needs_layout_passes=False),
    scratch_types=[
        pltpu.VMEM((GPW * REC,), jnp.float32),
        pltpu.VMEM((NBV * L * 4,), jnp.float32),
        pltpu.VMEM((12 * TBOX,), jnp.float32),
        pltpu.VMEM((TBOX,), jnp.int32),
        pltpu.VMEM((TBOX,), jnp.int32),
        pltpu.VMEM((GPW * GSIZE,), jnp.float32),
        pltpu.VMEM((GPW * GSIZE,), jnp.float32),
        pltpu.VMEM((GPW * GSIZE,), jnp.float32),
        pltpu.VMEM((GPW * GSIZE,), jnp.float32),
        pltpu.VMEM((GPW * GSIZE,), jnp.int32),
        pltpu.VMEM((GPW * GSIZE,), jnp.float32),
        pltpu.SemaphoreType.DMA,
        pltpu.SemaphoreType.DMA,
    ],
)
def _sc_encode(rec_h, box_h, lab_h,
               loc_hbm, cls_hbm, miou_hbm,
               rec_v, box_v, tab_v, lab_v, list_v,
               lx_v, ly_v, lw_v, lh_v, cls_v, miou_v, osem, rsem):
    w = lax.axis_index("s") * NC + lax.axis_index("c")
    rec_dma = pltpu.async_copy(
        rec_h.at[pl.ds(w * (GPW * REC), GPW * REC)], rec_v, rsem)
    pltpu.sync_copy(box_h, box_v.at[pl.ds(0, NBOX * 4)])
    pltpu.sync_copy(lab_h, lab_v.at[pl.ds(0, NBOX)])

    zero = jnp.zeros((L,), jnp.float32)
    one = jnp.ones((L,), jnp.float32)
    zi = jnp.zeros((L,), jnp.int32)
    iota = lax.iota(jnp.int32, L)
    big = jnp.float32(3e38)

    for v in range(NBV):
        lane = iota + v * L
        idx = lane * 4
        x1 = plsc.load_gather(box_v, [idx])
        y1 = plsc.load_gather(box_v, [idx + 1])
        x2 = plsc.load_gather(box_v, [idx + 2])
        y2 = plsc.load_gather(box_v, [idx + 3])
        bx = (x1 + x2) * 0.5
        by = (y1 + y2) * 0.5
        bw = x2 - x1
        bh = y2 - y1
        hbw = bw * 0.5
        hbh = bh * 0.5
        valid = lane < NBOX
        sl = pl.ds(v * L, L)
        tab_v[sl] = jnp.where(valid, bx - hbw, big)
        tab_v[pl.ds(TBOX + v * L, L)] = jnp.where(valid, by - hbh, big)
        tab_v[pl.ds(2 * TBOX + v * L, L)] = jnp.where(valid, bx + hbw, -big)
        tab_v[pl.ds(3 * TBOX + v * L, L)] = jnp.where(valid, by + hbh, -big)
        tab_v[pl.ds(4 * TBOX + v * L, L)] = jnp.where(valid, bw * bh, zero)
        tab_v[pl.ds(5 * TBOX + v * L, L)] = bx
        tab_v[pl.ds(6 * TBOX + v * L, L)] = by
        tab_v[pl.ds(7 * TBOX + v * L, L)] = bw
        tab_v[pl.ds(8 * TBOX + v * L, L)] = bh
        tab_v[pl.ds(9 * TBOX + v * L, L)] = _vlog(jnp.where(valid, bw, one))
        tab_v[pl.ds(10 * TBOX + v * L, L)] = _vlog(jnp.where(valid, bh, one))

    rec_dma.wait()

    def group_body(gl, carry):
        ro = gl * REC
        g = gl * NW + w
        rbase = lax.broadcast(ro, (L,))
        gminx = plsc.load_gather(rec_v, [rbase])
        gmaxx = plsc.load_gather(rec_v, [rbase + 1])
        gminy = plsc.load_gather(rec_v, [rbase + 2])
        gmaxy = plsc.load_gather(rec_v, [rbase + 3])

        off = zi
        for v in range(NBV):
            bltxv = tab_v[pl.ds(v * L, L)]
            bltyv = tab_v[pl.ds(TBOX + v * L, L)]
            brbxv = tab_v[pl.ds(2 * TBOX + v * L, L)]
            brbyv = tab_v[pl.ds(3 * TBOX + v * L, L)]
            incl = ((brbxv > gminx) & (bltxv < gmaxx)
                    & (brbyv > gminy) & (bltyv < gmaxy))
            pos = (off + plsc.cumsum(incl.astype(jnp.int32))) - 1
            plsc.store_scatter(list_v, [pos], iota + (v * L), mask=incl)
            off = off + plsc.all_reduce_population_count(incl)
        count = jnp.max(off)

        ab = ro + 8
        axs, ays, aws, ahs = [], [], [], []
        altx, alty, arbx, arby, area = [], [], [], [], []
        for k in range(UNROLL):
            axk = rec_v[pl.ds(ab + k * L, L)]
            ayk = rec_v[pl.ds(ab + GSIZE + k * L, L)]
            awk = rec_v[pl.ds(ab + 2 * GSIZE + k * L, L)]
            ahk = rec_v[pl.ds(ab + 3 * GSIZE + k * L, L)]
            hx = awk * 0.5
            hy = ahk * 0.5
            axs.append(axk)
            ays.append(ayk)
            aws.append(awk)
            ahs.append(ahk)
            altx.append(axk - hx)
            arbx.append(axk + hx)
            alty.append(ayk - hy)
            arby.append(ayk + hy)
            area.append(awk * ahk)

        def run_pass(k0):
            def box_body(it, bc):
                bi, bs, bid = bc
                cid = plsc.load_gather(list_v, [lax.broadcast(it, (L,))])
                bltx = plsc.load_gather(tab_v, [cid])
                blty = plsc.load_gather(tab_v, [cid + TBOX])
                brbx = plsc.load_gather(tab_v, [cid + 2 * TBOX])
                brby = plsc.load_gather(tab_v, [cid + 3 * TBOX])
                areab = plsc.load_gather(tab_v, [cid + 4 * TBOX])
                nbi, nbs, nbid = [], [], []
                for kk in range(KPP):
                    k = k0 + kk
                    ltx = jnp.maximum(altx[k], bltx)
                    lty = jnp.maximum(alty[k], blty)
                    rbx = jnp.minimum(arbx[k], brbx)
                    rby = jnp.minimum(arby[k], brby)
                    wx = jnp.maximum(rbx - ltx, zero)
                    wy = jnp.maximum(rby - lty, zero)
                    inter = wx * wy
                    sab = area[k] + areab
                    p = inter * bs[kk] > bi[kk] * sab
                    nbi.append(jnp.where(p, inter, bi[kk]))
                    nbs.append(jnp.where(p, sab, bs[kk]))
                    nbid.append(jnp.where(p, cid, bid[kk]))
                return (tuple(nbi), tuple(nbs), tuple(nbid))

            init = (tuple(zero for _ in range(KPP)),
                    tuple(one for _ in range(KPP)),
                    tuple(zi for _ in range(KPP)))
            return lax.fori_loop(0, count, box_body, init)

        bi0, bs0, bid0 = run_pass(0)
        bi1, bs1, bid1 = run_pass(KPP)
        binter = bi0 + bi1
        bsab = bs0 + bs1
        bid = bid0 + bid1

        for k in range(UNROLL):
            lo = gl * GSIZE + k * L
            idk = bid[k]
            bxg = plsc.load_gather(tab_v, [idk + 5 * TBOX])
            byg = plsc.load_gather(tab_v, [idk + 6 * TBOX])
            lbw = plsc.load_gather(tab_v, [idk + 9 * TBOX])
            lbh = plsc.load_gather(tab_v, [idk + 10 * TBOX])
            areab = plsc.load_gather(tab_v, [idk + 4 * TBOX])
            lab = plsc.load_gather(lab_v, [idk])
            lx = (bxg - axs[k]) / aws[k]
            ly = (byg - ays[k]) / ahs[k]
            lw = lbw - rec_v[pl.ds(ab + 4 * GSIZE + k * L, L)]
            lh = lbh - rec_v[pl.ds(ab + 5 * GSIZE + k * L, L)]
            denom = (area[k] + areab) - binter[k]
            miou = binter[k] / denom
            cls = jnp.where(miou > 0.5, lab + 1,
                            jnp.where(miou > 0.4, -1, 0))
            sl = pl.ds(lo, L)
            lx_v[sl] = lx
            ly_v[sl] = ly
            lw_v[sl] = lw
            lh_v[sl] = lh
            cls_v[sl] = cls
            miou_v[sl] = miou

        @pl.when(g < NR)
        def _issue_out():
            src = pl.ds(gl * GSIZE, GSIZE)
            dst = g * GSIZE
            pltpu.async_copy(lx_v.at[src], loc_hbm.at[pl.ds(dst, GSIZE)], osem)
            pltpu.async_copy(ly_v.at[src], loc_hbm.at[pl.ds(A + dst, GSIZE)], osem)
            pltpu.async_copy(lw_v.at[src], loc_hbm.at[pl.ds(2 * A + dst, GSIZE)], osem)
            pltpu.async_copy(lh_v.at[src], loc_hbm.at[pl.ds(3 * A + dst, GSIZE)], osem)
            pltpu.async_copy(cls_v.at[src], cls_hbm.at[pl.ds(dst, GSIZE)], osem)
            pltpu.async_copy(miou_v.at[src], miou_hbm.at[pl.ds(dst, GSIZE)], osem)

        @pl.when(gl >= DEPTH)
        def _drain_one():
            pltpu.make_async_copy(
                loc_hbm.at[pl.ds(0, 6 * GSIZE)],
                lx_v.at[pl.ds(0, 6 * GSIZE)], osem).wait()

        return carry

    lax.fori_loop(0, GPW, group_body, 0)

    @pl.when(w < NR - (GPW - 1) * NW)
    def _drain_full():
        pltpu.make_async_copy(
            loc_hbm.at[pl.ds(0, DEPTH * 6 * GSIZE)],
            lx_v.at[pl.ds(0, DEPTH * 6 * GSIZE)], osem).wait()

    @pl.when(w >= NR - (GPW - 1) * NW)
    def _drain_short():
        pltpu.make_async_copy(
            loc_hbm.at[pl.ds(0, (DEPTH - 1) * 6 * GSIZE)],
            lx_v.at[pl.ds(0, (DEPTH - 1) * 6 * GSIZE)], osem).wait()


def kernel(boxes, labels, input_size):
    del input_size
    boxes = boxes.astype(jnp.float32).reshape(-1)
    labels = labels.astype(jnp.int32)
    rec = jnp.asarray(_REC)
    loc_planes, cls, miou = _sc_encode(rec, boxes, labels)
    loc = loc_planes.reshape(4, A).T
    return loc, cls, miou

# --- scband reference (transcript-rebuilt; emitter-appended) ---
"""Pipeline reference for scband-data-encoder-63977832841493 (READ-ONLY COPY).

The authoritative reference and input builder live on the scoring server;
editing this copy changes nothing except your own understanding.
"""

import jax, jax.numpy as jnp
import numpy as np
import math

ANCHOR_AREAS = [1024.0, 4096.0, 16384.0, 65536.0, 262144.0]
ASPECT_RATIOS = [0.5, 1.0, 2.0]
SCALE_RATIOS = [1.0, 2.0 ** (1.0 / 3.0), 2.0 ** (2.0 / 3.0)]
IUO_FIT_THR = 0.5
IUO_NOFIT_THR = 0.4
INPUT_W, INPUT_H = 1024.0, 1024.0


def _get_anchor_wh():
    wh = []
    for s in ANCHOR_AREAS:
        for ar in ASPECT_RATIOS:
            h = math.sqrt(s / ar)
            w = ar * h
            for sr in SCALE_RATIOS:
                wh.append([w * sr, h * sr])
    num_fms = len(ANCHOR_AREAS)
    return np.asarray(wh, dtype=np.float32).reshape(num_fms, -1, 2)


def _get_anchor_boxes():
    anchor_wh = _get_anchor_wh()
    num_fms = len(ANCHOR_AREAS)
    num_anchors = len(ASPECT_RATIOS) * len(SCALE_RATIOS)
    boxes = []
    for i in range(num_fms):
        fm_w = int(math.ceil(INPUT_W / 2.0 ** (i + 3)))
        fm_h = int(math.ceil(INPUT_H / 2.0 ** (i + 3)))
        gx = INPUT_W / fm_w
        gy = INPUT_H / fm_h
        xs = (np.arange(fm_w, dtype=np.float32) + 0.5) * gx
        ys = (np.arange(fm_h, dtype=np.float32) + 0.5) * gy
        xv, yv = np.meshgrid(xs, ys)  # [fm_h, fm_w]
        xy = np.stack([xv, yv], axis=-1).reshape(fm_h, fm_w, 1, 2)
        xy = np.broadcast_to(xy, (fm_h, fm_w, num_anchors, 2))
        wh = np.broadcast_to(anchor_wh[i].reshape(1, 1, num_anchors, 2), (fm_h, fm_w, num_anchors, 2))
        box = np.concatenate([xy, wh], axis=3)
        boxes.append(box.reshape(-1, 4))
    return jnp.asarray(np.concatenate(boxes, axis=0).astype(np.float32))


def setup_inputs(seed: int = 0) -> dict:
    key = jax.random.key(seed)
    k1, k2, k3 = jax.random.split(key, 3)
    n_obj = 200
    xy_min = jax.random.uniform(k1, (n_obj, 2), minval=0.0, maxval=900.0)
    wh = jax.random.uniform(k2, (n_obj, 2), minval=16.0, maxval=120.0)
    boxes = jnp.concatenate([xy_min, xy_min + wh], axis=1)  # valid xyxy
    labels = jax.random.randint(k3, (n_obj,), 0, 80)
    return {"boxes": boxes, "labels": labels, "input_size": 1024}


def reference(boxes, labels, input_size):
    anchor_boxes = _get_anchor_boxes()  # [A, 4] in (cx, cy, w, h)
    # change_box_order xyxy -> xywh
    b_xy = (boxes[:, :2] + boxes[:, 2:]) / 2.0
    b_wh = boxes[:, 2:] - boxes[:, :2]
    bb = jnp.concatenate([b_xy, b_wh], axis=1)
    # box_iou in xywh order
    a_lt = anchor_boxes[:, :2] - anchor_boxes[:, 2:] / 2.0
    a_rb = anchor_boxes[:, :2] + anchor_boxes[:, 2:] / 2.0
    b_lt = bb[:, :2] - bb[:, 2:] / 2.0
    b_rb = bb[:, :2] + bb[:, 2:] / 2.0
    lt = jnp.maximum(a_lt[:, None, :], b_lt[None, :, :])
    rb = jnp.minimum(a_rb[:, None, :], b_rb[None, :, :])
    wh_i = jnp.maximum(rb - lt, 0.0)
    inter = wh_i[..., 0] * wh_i[..., 1]
    area_a = anchor_boxes[:, 2] * anchor_boxes[:, 3]
    area_b = bb[:, 2] * bb[:, 3]
    ious = inter / (area_a[:, None] + area_b[None, :] - inter)
    max_ious = ious.max(axis=1)
    max_ids = ious.argmax(axis=1)
    mb = bb[max_ids]  # gather matched GT boxes per anchor
    loc_xy = (mb[:, :2] - anchor_boxes[:, :2]) / anchor_boxes[:, 2:]
    loc_wh = jnp.log(mb[:, 2:] / anchor_boxes[:, 2:])
    loc_targets = jnp.concatenate([loc_xy, loc_wh], axis=1)
    cls_targets = 1 + labels[max_ids]
    neg = max_ious <= IUO_FIT_THR
    cls_targets = jnp.where(neg, 0, cls_targets)
    ignore = (max_ious > IUO_NOFIT_THR) & neg
    cls_targets = jnp.where(ignore, -1, cls_targets)
    return loc_targets, cls_targets, max_ious


if False:  # reference __main__ guard neutralized (emitter)
    out = reference(**setup_inputs())
    print([o.shape for o in out])

if __name__ == "__main__":
    import jax
    _d = setup_inputs()
    print(jax.jit(kernel)(*tuple(_d.values())))

</pallas_src>

<mosaic_0001>
#map = affine_map<(d0, d1) -> (0)>
module attributes {stable_mosaic.version = 14 : i64} {
  func.func @_sc_encode(%arg0: i32, %arg1: i32, %arg2: memref<1196032xf32, #tpu.memory_space<hbm>>, %arg3: memref<800xf32, #tpu.memory_space<hbm>>, %arg4: memref<200xi32, #tpu.memory_space<hbm>>, %arg5: memref<785664xf32, #tpu.memory_space<hbm>>, %arg6: memref<196416xi32, #tpu.memory_space<hbm>>, %arg7: memref<196416xf32, #tpu.memory_space<hbm>>, %arg8: memref<37376xf32, #tpu.memory_space<vmem>>, %arg9: memref<832xf32, #tpu.memory_space<vmem>>, %arg10: memref<3072xf32, #tpu.memory_space<vmem>>, %arg11: memref<256xi32, #tpu.memory_space<vmem>>, %arg12: memref<256xi32, #tpu.memory_space<vmem>>, %arg13: memref<6144xf32, #tpu.memory_space<vmem>>, %arg14: memref<6144xf32, #tpu.memory_space<vmem>>, %arg15: memref<6144xf32, #tpu.memory_space<vmem>>, %arg16: memref<6144xf32, #tpu.memory_space<vmem>>, %arg17: memref<6144xi32, #tpu.memory_space<vmem>>, %arg18: memref<6144xf32, #tpu.memory_space<vmem>>, %arg19: memref<!tpu.dma_semaphore, #tpu.memory_space<semaphore_mem>>, %arg20: memref<!tpu.dma_semaphore, #tpu.memory_space<semaphore_mem>>) attributes {dimension_semantics = [#tpu.dimension_semantics<core_parallel>, #tpu.dimension_semantics<subcore_parallel>], iteration_bounds = array<i64: 2, 16>, scalar_prefetch = 0 : i64, scratch_operands = 13 : i64, tpu.core_type = #tpu.core_type<sc_vector_subcore>, window_params = [{transform_indices = #map}, {transform_indices = #map}, {transform_indices = #map}, {transform_indices = #map}, {transform_indices = #map}, {transform_indices = #map}]} {
    %mul3A = arith.constant 2 : i32
    %mul3A_0 = arith.muli %arg1, %mul3A : i32
    %add3A = arith.addi %mul3A_0, %arg0 : i32
    %mul3A_1 = arith.constant 37376 : i32
    %mul3A_2 = arith.muli %add3A, %mul3A_1 : i32
    %dma_start3A = tpu.memref_slice %arg2[%mul3A_2] : memref<1196032xf32, #tpu.memory_space<hbm>> -> memref<37376xf32, #tpu.memory_space<hbm>>
    %dma_start3A_3 = tpu.memref_slice %arg2[%mul3A_2] : memref<1196032xf32, #tpu.memory_space<hbm>> -> memref<37376xf32, #tpu.memory_space<hbm>>
    tpu.enqueue_dma source(%dma_start3A_3 : memref<37376xf32, #tpu.memory_space<hbm>>) target(%arg8 : memref<37376xf32, #tpu.memory_space<vmem>>) target_semaphore(%arg20 : memref<!tpu.dma_semaphore, #tpu.memory_space<semaphore_mem>>)
    "tpu.region"() ({
      %run_scoped3A = tpu.sem_alloc : memref<!tpu.dma_semaphore, #tpu.memory_space<semaphore_mem>>
      %dma_start3A_2273 = arith.constant 0 : i32
      %dma_start3A_2274 = tpu.memref_slice %arg9[%dma_start3A_2273] : memref<832xf32, #tpu.memory_space<vmem>> -> memref<800xf32, #tpu.memory_space<vmem>>
      %dma_start3A_2275 = arith.constant 0 : i32
      %dma_start3A_2276 = tpu.memref_slice %arg9[%dma_start3A_2275] : memref<832xf32, #tpu.memory_space<vmem>> -> memref<800xf32, #tpu.memory_space<vmem>>
      tpu.enqueue_dma source(%arg3 : memref<800xf32, #tpu.memory_space<hbm>>) target(%dma_start3A_2276 : memref<800xf32, #tpu.memory_space<vmem>>) target_semaphore(%run_scoped3A : memref<!tpu.dma_semaphore, #tpu.memory_space<semaphore_mem>>)
      %dma_wait3A_2277 = arith.constant 0 : i32
      %dma_wait3A_2278 = tpu.memref_slice %arg9[%dma_wait3A_2277] : memref<832xf32, #tpu.memory_space<vmem>> -> memref<800xf32, #tpu.memory_space<vmem>>
      %dma_wait3A_2279 = arith.constant 0 : i32
      %dma_wait3A_2280 = tpu.memref_slice %arg9[%dma_wait3A_2279] : memref<832xf32, #tpu.memory_space<vmem>> -> memref<800xf32, #tpu.memory_space<vmem>>
      tpu.wait_dma2 semaphore(%run_scoped3A : memref<!tpu.dma_semaphore, #tpu.memory_space<semaphore_mem>>) src(%arg3 : memref<800xf32, #tpu.memory_space<hbm>>) dst(%dma_wait3A_2280 : memref<800xf32, #tpu.memory_space<vmem>>)
      tpu.yield
    }) : () -> ()
    "tpu.region"() ({
      %run_scoped3A = tpu.sem_alloc : memref<!tpu.dma_semaphore, #tpu.memory_space<semaphore_mem>>
      %dma_start3A_2273 = arith.constant 0 : i32
      %dma_start3A_2274 = tpu.memref_slice %arg11[%dma_start3A_2273] : memref<256xi32, #tpu.memory_space<vmem>> -> memref<200xi32, #tpu.memory_space<vmem>>
      %dma_start3A_2275 = arith.constant 0 : i32
      %dma_start3A_2276 = tpu.memref_slice %arg11[%dma_start3A_2275] : memref<256xi32, #tpu.memory_space<vmem>> -> memref<200xi32, #tpu.memory_space<vmem>>
      tpu.enqueue_dma source(%arg4 : memref<200xi32, #tpu.memory_space<hbm>>) target(%dma_start3A_2276 : memref<200xi32, #tpu.memory_space<vmem>>) target_semaphore(%run_scoped3A : memref<!tpu.dma_semaphore, #tpu.memory_space<semaphore_mem>>)
      %dma_wait3A_2277 = arith.constant 0 : i32
      %dma_wait3A_2278 = tpu.memref_slice %arg11[%dma_wait3A_2277] : memref<256xi32, #tpu.memory_space<vmem>> -> memref<200xi32, #tpu.memory_space<vmem>>
      %dma_wait3A_2279 = arith.constant 0 : i32
      %dma_wait3A_2280 = tpu.memref_slice %arg11[%dma_wait3A_2279] : memref<256xi32, #tpu.memory_space<vmem>> -> memref<200xi32, #tpu.memory_space<vmem>>
      tpu.wait_dma2 semaphore(%run_scoped3A : memref<!tpu.dma_semaphore, #tpu.memory_space<semaphore_mem>>) src(%arg4 : memref<200xi32, #tpu.memory_space<hbm>>) dst(%dma_wait3A_2280 : memref<200xi32, #tpu.memory_space<vmem>>)
      tpu.yield
    }) : () -> ()
    %broadcast_in_dim3A = arith.constant 0.000000e+00 : f32
    %broadcast_in_dim3A_4 = vector.broadcast %broadcast_in_dim3A : f32 to vector<16xf32>
    %broadcast_in_dim3A_5 = arith.constant 1.000000e+00 : f32
    %broadcast_in_dim3A_6 = vector.broadcast %broadcast_in_dim3A_5 : f32 to vector<16xf32>
    %broadcast_in_dim3A_7 = arith.constant 0 : i32
    %broadcast_in_dim3A_8 = vector.broadcast %broadcast_in_dim3A_7 : i32 to vector<16xi32>
    %iota3A = tpu.iota {dimensions = array<i32: 0>} : vector<16xi32>
    %add3A_9 = arith.constant 0 : i32
    %add3A_10 = vector.broadcast %add3A_9 : i32 to vector<16xi32>
    %add3A_11 = arith.addi %iota3A, %add3A_10 : vector<16xi32>
    %mul3A_12 = arith.constant 4 : i32
    %mul3A_13 = vector.broadcast %mul3A_12 : i32 to vector<16xi32>
    %mul3A_14 = arith.muli %add3A_11, %mul3A_13 : vector<16xi32>
    %gather3A = tpu.vector_load_idx %arg9[%mul3A_14] : memref<832xf32, #tpu.memory_space<vmem>>[vector<16xi32>], vector<16xf32>,
    %add3A_15 = arith.constant 1 : i32
    %add3A_16 = vector.broadcast %add3A_15 : i32 to vector<16xi32>
    %add3A_17 = arith.addi %mul3A_14, %add3A_16 : vector<16xi32>
    %gather3A_18 = tpu.vector_load_idx %arg9[%add3A_17] : memref<832xf32, #tpu.memory_space<vmem>>[vector<16xi32>], vector<16xf32>,
    %add3A_19 = arith.constant 2 : i32
    %add3A_20 = vector.broadcast %add3A_19 : i32 to vector<16xi32>
    %add3A_21 = arith.addi %mul3A_14, %add3A_20 : vector<16xi32>
    %gather3A_22 = tpu.vector_load_idx %arg9[%add3A_21] : memref<832xf32, #tpu.memory_space<vmem>>[vector<16xi32>], vector<16xf32>,
    %add3A_23 = arith.constant 3 : i32
    %add3A_24 = vector.broadcast %add3A_23 : i32 to vector<16xi32>
    %add3A_25 = arith.addi %mul3A_14, %add3A_24 : vector<16xi32>
    %gather3A_26 = tpu.vector_load_idx %arg9[%add3A_25] : memref<832xf32, #tpu.memory_space<vmem>>[vector<16xi32>], vector<16xf32>,
    %add3A_27 = arith.addf %gather3A, %gather3A_22 : vector<16xf32>
    %mul3A_28 = arith.constant 5.000000e-01 : f32
    %mul3A_29 = vector.broadcast %mul3A_28 : f32 to vector<16xf32>
    %mul3A_30 = arith.mulf %add3A_27, %mul3A_29 : vector<16xf32>
    %add3A_31 = arith.addf %gather3A_18, %gather3A_26 : vector<16xf32>
    %mul3A_32 = arith.constant 5.000000e-01 : f32
    %mul3A_33 = vector.broadcast %mul3A_32 : f32 to vector<16xf32>
    %mul3A_34 = arith.mulf %add3A_31, %mul3A_33 : vector<16xf32>
    %sub3A = arith.subf %gather3A_22, %gather3A : vector<16xf32>
    %sub3A_35 = arith.subf %gather3A_26, %gather3A_18 : vector<16xf32>
    %mul3A_36 = arith.constant 5.000000e-01 : f32
    %mul3A_37 = vector.broadcast %mul3A_36 : f32 to vector<16xf32>
    %mul3A_38 = arith.mulf %sub3A, %mul3A_37 : vector<16xf32>
    %mul3A_39 = arith.constant 5.000000e-01 : f32
    %mul3A_40 = vector.broadcast %mul3A_39 : f32 to vector<16xf32>
    %mul3A_41 = arith.mulf %sub3A_35, %mul3A_40 : vector<16xf32>
    %lt3A = arith.constant 200 : i32
    %lt3A_42 = vector.broadcast %lt3A : i32 to vector<16xi32>
    %lt3A_43 = arith.cmpi slt, %add3A_11, %lt3A_42 : vector<16xi32>
    %sub3A_44 = arith.subf %mul3A_30, %mul3A_38 : vector<16xf32>
    %jit3A = arith.constant 3.000000e+38 : f32
    %broadcast_in_dim3A_45 = vector.broadcast %jit3A : f32 to vector<16xf32>
    %select_n3A = arith.select %lt3A_43, %sub3A_44, %broadcast_in_dim3A_45 : vector<16xi1>, vector<16xf32>
    %swap3A = arith.constant 0 : index
    %swap3A_46 = tpu.vector_load %arg10[%swap3A] {strides = array<i32>} : memref<3072xf32, #tpu.memory_space<vmem>>, vector<16xf32>,
    tpu.vector_store %arg10[%swap3A], %select_n3A {strides = array<i32>} : memref<3072xf32, #tpu.memory_space<vmem>>, vector<16xf32>,
    %sub3A_47 = arith.subf %mul3A_34, %mul3A_41 : vector<16xf32>
    %jit3A_48 = arith.constant 3.000000e+38 : f32
    %broadcast_in_dim3A_49 = vector.broadcast %jit3A_48 : f32 to vector<16xf32>
    %select_n3A_50 = arith.select %lt3A_43, %sub3A_47, %broadcast_in_dim3A_49 : vector<16xi1>, vector<16xf32>
    %swap3A_51 = arith.constant 256 : index
    %swap3A_52 = tpu.vector_load %arg10[%swap3A_51] {strides = array<i32>} : memref<3072xf32, #tpu.memory_space<vmem>>, vector<16xf32>,
    tpu.vector_store %arg10[%swap3A_51], %select_n3A_50 {strides = array<i32>} : memref<3072xf32, #tpu.memory_space<vmem>>, vector<16xf32>,
    %add3A_53 = arith.addf %mul3A_30, %mul3A_38 : vector<16xf32>
    %neg3A = arith.constant 0.000000e+00 : f32
    %neg3A_54 = arith.constant 3.000000e+38 : f32
    %neg3A_55 = arith.subf %neg3A, %neg3A_54 : f32
    %broadcast_in_dim3A_56 = vector.broadcast %neg3A_55 : f32 to vector<16xf32>
    %select_n3A_57 = arith.select %lt3A_43, %add3A_53, %broadcast_in_dim3A_56 : vector<16xi1>, vector<16xf32>
    %swap3A_58 = arith.constant 512 : index
    %swap3A_59 = tpu.vector_load %arg10[%swap3A_58] {strides = array<i32>} : memref<3072xf32, #tpu.memory_space<vmem>>, vector<16xf32>,
    tpu.vector_store %arg10[%swap3A_58], %select_n3A_57 {strides = array<i32>} : memref<3072xf32, #tpu.memory_space<vmem>>, vector<16xf32>,
    %add3A_60 = arith.addf %mul3A_34, %mul3A_41 : vector<16xf32>
    %neg3A_61 = arith.constant 0.000000e+00 : f32
    %neg3A_62 = arith.constant 3.000000e+38 : f32
    %neg3A_63 = arith.subf %neg3A_61, %neg3A_62 : f32
    %broadcast_in_dim3A_64 = vector.broadcast %neg3A_63 : f32 to vector<16xf32>
    %select_n3A_65 = arith.select %lt3A_43, %add3A_60, %broadcast_in_dim3A_64 : vector<16xi1>, vector<16xf32>
    %swap3A_66 = arith.constant 768 : index
    %swap3A_67 = tpu.vector_load %arg10[%swap3A_66] {strides = array<i32>} : memref<3072xf32, #tpu.memory_space<vmem>>, vector<16xf32>,
    tpu.vector_store %arg10[%swap3A_66], %select_n3A_65 {strides = array<i32>} : memref<3072xf32, #tpu.memory_space<vmem>>, vector<16xf32>,
    %mul3A_68 = arith.mulf %sub3A, %sub3A_35 : vector<16xf32>
    %select_n3A_69 = arith.select %lt3A_43, %mul3A_68, %broadcast_in_dim3A_4 : vector<16xi1>, vector<16xf32>
    %swap3A_70 = arith.constant 1024 : index
    %swap3A_71 = tpu.vector_load %arg10[%swap3A_70] {strides = array<i32>} : memref<3072xf32, #tpu.memory_space<vmem>>, vector<16xf32>,
    tpu.vector_store %arg10[%swap3A_70], %select_n3A_69 {strides = array<i32>} : memref<3072xf32, #tpu.memory_space<vmem>>, vector<16xf32>,
    %swap3A_72 = arith.constant 1280 : index
    %swap3A_73 = tpu.vector_load %arg10[%swap3A_72] {strides = array<i32>} : memref<3072xf32, #tpu.memory_space<vmem>>, vector<16xf32>,
    tpu.vector_store %arg10[%swap3A_72], %mul3A_30 {strides = array<i32>} : memref<3072xf32, #tpu.memory_space<vmem>>, vector<16xf32>,
    %swap3A_74 = arith.constant 1536 : index
    %swap3A_75 = tpu.vector_load %arg10[%swap3A_74] {strides = array<i32>} : memref<3072xf32, #tpu.memory_space<vmem>>, vector<16xf32>,
    tpu.vector_store %arg10[%swap3A_74], %mul3A_34 {strides = array<i32>} : memref<3072xf32, #tpu.memory_space<vmem>>, vector<16xf32>,
    %swap3A_76 = arith.constant 1792 : index
    %swap3A_77 = tpu.vector_load %arg10[%swap3A_76] {strides = array<i32>} : memref<3072xf32, #tpu.memory_space<vmem>>, vector<16xf32>,
    tpu.vector_store %arg10[%swap3A_76], %sub3A {strides = array<i32>} : memref<3072xf32, #tpu.memory_space<vmem>>, vector<16xf32>,
    %swap3A_78 = arith.constant 2048 : index
    %swap3A_79 = tpu.vector_load %arg10[%swap3A_78] {strides = array<i32>} : memref<3072xf32, #tpu.memory_space<vmem>>, vector<16xf32>,
    tpu.vector_store %arg10[%swap3A_78], %sub3A_35 {strides = array<i32>} : memref<3072xf32, #tpu.memory_space<vmem>>, vector<16xf32>,
    %select_n3A_80 = arith.select %lt3A_43, %sub3A, %broadcast_in_dim3A_6 : vector<16xi1>, vector<16xf32>
    %bitcast3A = vector.bitcast %select_n3A_80 : vector<16xf32> to vector<16xi32>
    %shift_right_arithmetic3A = arith.constant 23 : i32
    %shift_right_arithmetic3A_81 = vector.broadcast %shift_right_arithmetic3A : i32 to vector<16xi32>
    %shift_right_arithmetic3A_82 = arith.shrsi %bitcast3A, %shift_right_arithmetic3A_81 : vector<16xi32>
    %sub3A_83 = arith.constant 127 : i32
    %sub3A_84 = vector.broadcast %sub3A_83 : i32 to vector<16xi32>
    %sub3A_85 = arith.subi %shift_right_arithmetic3A_82, %sub3A_84 : vector<16xi32>
    %and3A = arith.constant 8388607 : i32
    %and3A_86 = vector.broadcast %and3A : i32 to vector<16xi32>
    %and3A_87 = arith.andi %bitcast3A, %and3A_86 : vector<16xi32>
    %or3A = arith.constant 1065353216 : i32
    %or3A_88 = vector.broadcast %or3A : i32 to vector<16xi32>
    %or3A_89 = arith.ori %and3A_87, %or3A_88 : vector<16xi32>
    %bitcast3A_90 = vector.bitcast %or3A_89 : vector<16xi32> to vector<16xf32>
    %sub3A_91 = arith.constant 1.000000e+00 : f32
    %sub3A_92 = vector.broadcast %sub3A_91 : f32 to vector<16xf32>
    %sub3A_93 = arith.subf %bitcast3A_90, %sub3A_92 : vector<16xf32>
    %mul3A_94 = arith.constant -2.606630e-02 : f32
    %mul3A_95 = vector.broadcast %mul3A_94 : f32 to vector<16xf32>
    %mul3A_96 = arith.mulf %sub3A_93, %mul3A_95 : vector<16xf32>
    %add3A_97 = arith.constant 0.121914141 : f32
    %add3A_98 = vector.broadcast %add3A_97 : f32 to vector<16xf32>
    %add3A_99 = arith.addf %add3A_98, %mul3A_96 : vector<16xf32>
    %mul3A_100 = arith.mulf %sub3A_93, %add3A_99 : vector<16xf32>
    %add3A_101 = arith.constant -0.277365059 : f32
    %add3A_102 = vector.broadcast %add3A_101 : f32 to vector<16xf32>
    %add3A_103 = arith.addf %add3A_102, %mul3A_100 : vector<16xf32>
    %mul3A_104 = arith.mulf %sub3A_93, %add3A_103 : vector<16xf32>
    %add3A_105 = arith.constant 0.456894159 : f32
    %add3A_106 = vector.broadcast %add3A_105 : f32 to vector<16xf32>
    %add3A_107 = arith.addf %add3A_106, %mul3A_104 : vector<16xf32>
    %mul3A_108 = arith.mulf %sub3A_93, %add3A_107 : vector<16xf32>
    %add3A_109 = arith.constant -0.717898369 : f32
    %add3A_110 = vector.broadcast %add3A_109 : f32 to vector<16xf32>
    %add3A_111 = arith.addf %add3A_110, %mul3A_108 : vector<16xf32>
    %mul3A_112 = arith.mulf %sub3A_93, %add3A_111 : vector<16xf32>
    %add3A_113 = arith.constant 1.44251704 : f32
    %add3A_114 = vector.broadcast %add3A_113 : f32 to vector<16xf32>
    %add3A_115 = arith.addf %add3A_114, %mul3A_112 : vector<16xf32>
    %mul3A_116 = arith.mulf %sub3A_93, %add3A_115 : vector<16xf32>
    %convert_element_type3A = arith.sitofp %sub3A_85 : vector<16xi32> to vector<16xf32>
    %add3A_117 = arith.addf %convert_element_type3A, %mul3A_116 : vector<16xf32>
    %mul3A_118 = arith.constant 0.693147182 : f32
    %mul3A_119 = vector.broadcast %mul3A_118 : f32 to vector<16xf32>
    %mul3A_120 = arith.mulf %add3A_117, %mul3A_119 : vector<16xf32>
    %swap3A_121 = arith.constant 2304 : index
    %swap3A_122 = tpu.vector_load %arg10[%swap3A_121] {strides = array<i32>} : memref<3072xf32, #tpu.memory_space<vmem>>, vector<16xf32>,
    tpu.vector_store %arg10[%swap3A_121], %mul3A_120 {strides = array<i32>} : memref<3072xf32, #tpu.memory_space<vmem>>, vector<16xf32>,
    %select_n3A_123 = arith.select %lt3A_43, %sub3A_35, %broadcast_in_dim3A_6 : vector<16xi1>, vector<16xf32>
    %bitcast3A_124 = vector.bitcast %select_n3A_123 : vector<16xf32> to vector<16xi32>
    %shift_right_arithmetic3A_125 = arith.constant 23 : i32
    %shift_right_arithmetic3A_126 = vector.broadcast %shift_right_arithmetic3A_125 : i32 to vector<16xi32>
    %shift_right_arithmetic3A_127 = arith.shrsi %bitcast3A_124, %shift_right_arithmetic3A_126 : vector<16xi32>
    %sub3A_128 = arith.constant 127 : i32
    %sub3A_129 = vector.broadcast %sub3A_128 : i32 to vector<16xi32>
    %sub3A_130 = arith.subi %shift_right_arithmetic3A_127, %sub3A_129 : vector<16xi32>
    %and3A_131 = arith.constant 8388607 : i32
    %and3A_132 = vector.broadcast %and3A_131 : i32 to vector<16xi32>
    %and3A_133 = arith.andi %bitcast3A_124, %and3A_132 : vector<16xi32>
    %or3A_134 = arith.constant 1065353216 : i32
    %or3A_135 = vector.broadcast %or3A_134 : i32 to vector<16xi32>
    %or3A_136 = arith.ori %and3A_133, %or3A_135 : vector<16xi32>
    %bitcast3A_137 = vector.bitcast %or3A_136 : vector<16xi32> to vector<16xf32>
    %sub3A_138 = arith.constant 1.000000e+00 : f32
    %sub3A_139 = vector.broadcast %sub3A_138 : f32 to vector<16xf32>
    %sub3A_140 = arith.subf %bitcast3A_137, %sub3A_139 : vector<16xf32>
    %mul3A_141 = arith.constant -2.606630e-02 : f32
    %mul3A_142 = vector.broadcast %mul3A_141 : f32 to vector<16xf32>
    %mul3A_143 = arith.mulf %sub3A_140, %mul3A_142 : vector<16xf32>
    %add3A_144 = arith.constant 0.121914141 : f32
    %add3A_145 = vector.broadcast %add3A_144 : f32 to vector<16xf32>
    %add3A_146 = arith.addf %add3A_145, %mul3A_143 : vector<16xf32>
    %mul3A_147 = arith.mulf %sub3A_140, %add3A_146 : vector<16xf32>
    %add3A_148 = arith.constant -0.277365059 : f32
    %add3A_149 = vector.broadcast %add3A_148 : f32 to vector<16xf32>
    %add3A_150 = arith.addf %add3A_149, %mul3A_147 : vector<16xf32>
    %mul3A_151 = arith.mulf %sub3A_140, %add3A_150 : vector<16xf32>
    %add3A_152 = arith.constant 0.456894159 : f32
    %add3A_153 = vector.broadcast %add3A_152 : f32 to vector<16xf32>
    %add3A_154 = arith.addf %add3A_153, %mul3A_151 : vector<16xf32>
    %mul3A_155 = arith.mulf %sub3A_140, %add3A_154 : vector<16xf32>
    %add3A_156 = arith.constant -0.717898369 : f32
    %add3A_157 = vector.broadcast %add3A_156 : f32 to vector<16xf32>
    %add3A_158 = arith.addf %add3A_157, %mul3A_155 : vector<16xf32>
    %mul3A_159 = arith.mulf %sub3A_140, %add3A_158 : vector<16xf32>
    %add3A_160 = arith.constant 1.44251704 : f32
    %add3A_161 = vector.broadcast %add3A_160 : f32 to vector<16xf32>
    %add3A_162 = arith.addf %add3A_161, %mul3A_159 : vector<16xf32>
    %mul3A_163 = arith.mulf %sub3A_140, %add3A_162 : vector<16xf32>
    %convert_element_type3A_164 = arith.sitofp %sub3A_130 : vector<16xi32> to vector<16xf32>
    %add3A_165 = arith.addf %convert_element_type3A_164, %mul3A_163 : vector<16xf32>
    %mul3A_166 = arith.constant 0.693147182 : f32
    %mul3A_167 = vector.broadcast %mul3A_166 : f32 to vector<16xf32>
    %mul3A_168 = arith.mulf %add3A_165, %mul3A_167 : vector<16xf32>
    %swap3A_169 = arith.constant 2560 : index
    %swap3A_170 = tpu.vector_load %arg10[%swap3A_169] {strides = array<i32>} : memref<3072xf32, #tpu.memory_space<vmem>>, vector<16xf32>,
    tpu.vector_store %arg10[%swap3A_169], %mul3A_168 {strides = array<i32>} : memref<3072xf32, #tpu.memory_space<vmem>>, vector<16xf32>,
    %add3A_171 = arith.constant 16 : i32
    %add3A_172 = vector.broadcast %add3A_171 : i32 to vector<16xi32>
    %add3A_173 = arith.addi %iota3A, %add3A_172 : vector<16xi32>
    %mul3A_174 = arith.constant 4 : i32
    %mul3A_175 = vector.broadcast %mul3A_174 : i32 to vector<16xi32>
    %mul3A_176 = arith.muli %add3A_173, %mul3A_175 : vector<16xi32>
    %gather3A_177 = tpu.vector_load_idx %arg9[%mul3A_176] : memref<832xf32, #tpu.memory_space<vmem>>[vector<16xi32>], vector<16xf32>,
    %add3A_178 = arith.constant 1 : i32
    %add3A_179 = vector.broadcast %add3A_178 : i32 to vector<16xi32>
    %add3A_180 = arith.addi %mul3A_176, %add3A_179 : vector<16xi32>
    %gather3A_181 = tpu.vector_load_idx %arg9[%add3A_180] : memref<832xf32, #tpu.memory_space<vmem>>[vector<16xi32>], vector<16xf32>,
    %add3A_182 = arith.constant 2 : i32
    %add3A_183 = vector.broadcast %add3A_182 : i32 to vector<16xi32>
    %add3A_184 = arith.addi %mul3A_176, %add3A_183 : vector<16xi32>
    %gather3A_185 = tpu.vector_load_idx %arg9[%add3A_184] : memref<832xf32, #tpu.memory_space<vmem>>[vector<16xi32>], vector<16xf32>,
    %add3A_186 = arith.constant 3 : i32
    %add3A_187 = vector.broadcast %add3A_186 : i32 to vector<16xi32>
    %add3A_188 = arith.addi %mul3A_176, %add3A_187 : vector<16xi32>
    %gather3A_189 = tpu.vector_load_idx %arg9[%add3A_188] : memref<832xf32, #tpu.memory_space<vmem>>[vector<16xi32>], vector<16xf32>,
    %add3A_190 = arith.addf %gather3A_177, %gather3A_185 : vector<16xf32>
    %mul3A_191 = arith.constant 5.000000e-01 : f32
    %mul3A_192 = vector.broadcast %mul3A_191 : f32 to vector<16xf32>
    %mul3A_193 = arith.mulf %add3A_190, %mul3A_192 : vector<16xf32>
    %add3A_194 = arith.addf %gather3A_181, %gather3A_189 : vector<16xf32>
    %mul3A_195 = arith.constant 5.000000e-01 : f32
    %mul3A_196 = vector.broadcast %mul3A_195 : f32 to vector<16xf32>
    %mul3A_197 = arith.mulf %add3A_194, %mul3A_196 : vector<16xf32>
    %sub3A_198 = arith.subf %gather3A_185, %gather3A_177 : vector<16xf32>
    %sub3A_199 = arith.subf %gather3A_189, %gather3A_181 : vector<16xf32>
    %mul3A_200 = arith.constant 5.000000e-01 : f32
    %mul3A_201 = vector.broadcast %mul3A_200 : f32 to vector<16xf32>
    %mul3A_202 = arith.mulf %sub3A_198, %mul3A_201 : vector<16xf32>
    %mul3A_203 = arith.constant 5.000000e-01 : f32
    %mul3A_204 = vector.broadcast %mul3A_203 : f32 to vector<16xf32>
    %mul3A_205 = arith.mulf %sub3A_199, %mul3A_204 : vector<16xf32>
    %lt3A_206 = arith.constant 200 : i32
    %lt3A_207 = vector.broadcast %lt3A_206 : i32 to vector<16xi32>
    %lt3A_208 = arith.cmpi slt, %add3A_173, %lt3A_207 : vector<16xi32>
    %sub3A_209 = arith.subf %mul3A_193, %mul3A_202 : vector<16xf32>
    %jit3A_210 = arith.constant 3.000000e+38 : f32
    %broadcast_in_dim3A_211 = vector.broadcast %jit3A_210 : f32 to vector<16xf32>
    %select_n3A_212 = arith.select %lt3A_208, %sub3A_209, %broadcast_in_dim3A_211 : vector<16xi1>, vector<16xf32>
    %swap3A_213 = arith.constant 16 : index
    %swap3A_214 = tpu.vector_load %arg10[%swap3A_213] {strides = array<i32>} : memref<3072xf32, #tpu.memory_space<vmem>>, vector<16xf32>,
    tpu.vector_store %arg10[%swap3A_213], %select_n3A_212 {strides = array<i32>} : memref<3072xf32, #tpu.memory_space<vmem>>, vector<16xf32>,
    %sub3A_215 = arith.subf %mul3A_197, %mul3A_205 : vector<16xf32>
    %jit3A_216 = arith.constant 3.000000e+38 : f32
    %broadcast_in_dim3A_217 = vector.broadcast %jit3A_216 : f32 to vector<16xf32>
    %select_n3A_218 = arith.select %lt3A_208, %sub3A_215, %broadcast_in_dim3A_217 : vector<16xi1>, vector<16xf32>
    %swap3A_219 = arith.constant 272 : index
    %swap3A_220 = tpu.vector_load %arg10[%swap3A_219] {strides = array<i32>} : memref<3072xf32, #tpu.memory_space<vmem>>, vector<16xf32>,
    tpu.vector_store %arg10[%swap3A_219], %select_n3A_218 {strides = array<i32>} : memref<3072xf32, #tpu.memory_space<vmem>>, vector<16xf32>,
    %add3A_221 = arith.addf %mul3A_193, %mul3A_202 : vector<16xf32>
    %neg3A_222 = arith.constant 0.000000e+00 : f32
    %neg3A_223 = arith.constant 3.000000e+38 : f32
    %neg3A_224 = arith.subf %neg3A_222, %neg3A_223 : f32
    %broadcast_in_dim3A_225 = vector.broadcast %neg3A_224 : f32 to vector<16xf32>
    %select_n3A_226 = arith.select %lt3A_208, %add3A_221, %broadcast_in_dim3A_225 : vector<16xi1>, vector<16xf32>
    %swap3A_227 = arith.constant 528 : index
    %swap3A_228 = tpu.vector_load %arg10[%swap3A_227] {strides = array<i32>} : memref<3072xf32, #tpu.memory_space<vmem>>, vector<16xf32>,
    tpu.vector_store %arg10[%swap3A_227], %select_n3A_226 {strides = array<i32>} : memref<3072xf32, #tpu.memory_space<vmem>>, vector<16xf32>,
    %add3A_229 = arith.addf %mul3A_197, %mul3A_205 : vector<16xf32>
    %neg3A_230 = arith.constant 0.000000e+00 : f32
    %neg3A_231 = arith.constant 3.000000e+38 : f32
    %neg3A_232 = arith.subf %neg3A_230, %neg3A_231 : f32
    %broadcast_in_dim3A_233 = vector.broadcast %neg3A_232 : f32 to vector<16xf32>
    %select_n3A_234 = arith.select %lt3A_208, %add3A_229, %broadcast_in_dim3A_233 : vector<16xi1>, vector<16xf32>
    %swap3A_235 = arith.constant 784 : index
    %swap3A_236 = tpu.vector_load %arg10[%swap3A_235] {strides = array<i32>} : memref<3072xf32, #tpu.memory_space<vmem>>, vector<16xf32>,
    tpu.vector_store %arg10[%swap3A_235], %select_n3A_234 {strides = array<i32>} : memref<3072xf32, #tpu.memory_space<vmem>>, vector<16xf32>,
    %mul3A_237 = arith.mulf %sub3A_198, %sub3A_199 : vector<16xf32>
    %select_n3A_238 = arith.select %lt3A_208, %mul3A_237, %broadcast_in_dim3A_4 : vector<16xi1>, vector<16xf32>
    %swap3A_239 = arith.constant 1040 : index
    %swap3A_240 = tpu.vector_load %arg10[%swap3A_239] {strides = array<i32>} : memref<3072xf32, #tpu.memory_space<vmem>>, vector<16xf32>,
    tpu.vector_store %arg10[%swap3A_239], %select_n3A_238 {strides = array<i32>} : memref<3072xf32, #tpu.memory_space<vmem>>, vector<16xf32>,
    %swap3A_241 = arith.constant 1296 : index
    %swap3A_242 = tpu.vector_load %arg10[%swap3A_241] {strides = array<i32>} : memref<3072xf32, #tpu.memory_space<vmem>>, vector<16xf32>,
    tpu.vector_store %arg10[%swap3A_241], %mul3A_193 {strides = array<i32>} : memref<3072xf32, #tpu.memory_space<vmem>>, vector<16xf32>,
    %swap3A_243 = arith.constant 1552 : index
    %swap3A_244 = tpu.vector_load %arg10[%swap3A_243] {strides = array<i32>} : memref<3072xf32, #tpu.memory_space<vmem>>, vector<16xf32>,
    tpu.vector_store %arg10[%swap3A_243], %mul3A_197 {strides = array<i32>} : memref<3072xf32, #tpu.memory_space<vmem>>, vector<16xf32>,
    %swap3A_245 = arith.constant 1808 : index
    %swap3A_246 = tpu.vector_load %arg10[%swap3A_245] {strides = array<i32>} : memref<3072xf32, #tpu.memory_space<vmem>>, vector<16xf32>,
    tpu.vector_store %arg10[%swap3A_245], %sub3A_198 {strides = array<i32>} : memref<3072xf32, #tpu.memory_space<vmem>>, vector<16xf32>,
    %swap3A_247 = arith.constant 2064 : index
    %swap3A_248 = tpu.vector_load %arg10[%swap3A_247] {strides = array<i32>} : memref<3072xf32, #tpu.memory_space<vmem>>, vector<16xf32>,
    tpu.vector_store %arg10[%swap3A_247], %sub3A_199 {strides = array<i32>} : memref<3072xf32, #tpu.memory_space<vmem>>, vector<16xf32>,
    %select_n3A_249 = arith.select %lt3A_208, %sub3A_198, %broadcast_in_dim3A_6 : vector<16xi1>, vector<16xf32>
    %bitcast3A_250 = vector.bitcast %select_n3A_249 : vector<16xf32> to vector<16xi32>
    %shift_right_arithmetic3A_251 = arith.constant 23 : i32
    %shift_right_arithmetic3A_252 = vector.broadcast %shift_right_arithmetic3A_251 : i32 to vector<16xi32>
    %shift_right_arithmetic3A_253 = arith.shrsi %bitcast3A_250, %shift_right_arithmetic3A_252 : vector<16xi32>
    %sub3A_254 = arith.constant 127 : i32
    %sub3A_255 = vector.broadcast %sub3A_254 : i32 to vector<16xi32>
    %sub3A_256 = arith.subi %shift_right_arithmetic3A_253, %sub3A_255 : vector<16xi32>
    %and3A_257 = arith.constant 8388607 : i32
    %and3A_258 = vector.broadcast %and3A_257 : i32 to vector<16xi32>
    %and3A_259 = arith.andi %bitcast3A_250, %and3A_258 : vector<16xi32>
    %or3A_260 = arith.constant 1065353216 : i32
    %or3A_261 = vector.broadcast %or3A_260 : i32 to vector<16xi32>
    %or3A_262 = arith.ori %and3A_259, %or3A_261 : vector<16xi32>
    %bitcast3A_263 = vector.bitcast %or3A_262 : vector<16xi32> to vector<16xf32>
    %sub3A_264 = arith.constant 1.000000e+00 : f32
    %sub3A_265 = vector.broadcast %sub3A_264 : f32 to vector<16xf32>
    %sub3A_266 = arith.subf %bitcast3A_263, %sub3A_265 : vector<16xf32>
    %mul3A_267 = arith.constant -2.606630e-02 : f32
    %mul3A_268 = vector.broadcast %mul3A_267 : f32 to vector<16xf32>
    %mul3A_269 = arith.mulf %sub3A_266, %mul3A_268 : vector<16xf32>
    %add3A_270 = arith.constant 0.121914141 : f32
    %add3A_271 = vector.broadcast %add3A_270 : f32 to vector<16xf32>
    %add3A_272 = arith.addf %add3A_271, %mul3A_269 : vector<16xf32>
    %mul3A_273 = arith.mulf %sub3A_266, %add3A_272 : vector<16xf32>
    %add3A_274 = arith.constant -0.277365059 : f32
    %add3A_275 = vector.broadcast %add3A_274 : f32 to vector<16xf32>
    %add3A_276 = arith.addf %add3A_275, %mul3A_273 : vector<16xf32>
    %mul3A_277 = arith.mulf %sub3A_266, %add3A_276 : vector<16xf32>
    %add3A_278 = arith.constant 0.456894159 : f32
    %add3A_279 = vector.broadcast %add3A_278 : f32 to vector<16xf32>
    %add3A_280 = arith.addf %add3A_279, %mul3A_277 : vector<16xf32>
    %mul3A_281 = arith.mulf %sub3A_266, %add3A_280 : vector<16xf32>
    %add3A_282 = arith.constant -0.717898369 : f32
    %add3A_283 = vector.broadcast %add3A_282 : f32 to vector<16xf32>
    %add3A_284 = arith.addf %add3A_283, %mul3A_281 : vector<16xf32>
    %mul3A_285 = arith.mulf %sub3A_266, %add3A_284 : vector<16xf32>
    %add3A_286 = arith.constant 1.44251704 : f32
    %add3A_287 = vector.broadcast %add3A_286 : f32 to vector<16xf32>
    %add3A_288 = arith.addf %add3A_287, %mul3A_285 : vector<16xf32>
    %mul3A_289 = arith.mulf %sub3A_266, %add3A_288 : vector<16xf32>
    %convert_element_type3A_290 = arith.sitofp %sub3A_256 : vector<16xi32> to vector<16xf32>
    %add3A_291 = arith.addf %convert_element_type3A_290, %mul3A_289 : vector<16xf32>
    %mul3A_292 = arith.constant 0.693147182 : f32
    %mul3A_293 = vector.broadcast %mul3A_292 : f32 to vector<16xf32>
    %mul3A_294 = arith.mulf %add3A_291, %mul3A_293 : vector<16xf32>
    %swap3A_295 = arith.constant 2320 : index
    %swap3A_296 = tpu.vector_load %arg10[%swap3A_295] {strides = array<i32>} : memref<3072xf32, #tpu.memory_space<vmem>>, vector<16xf32>,
    tpu.vector_store %arg10[%swap3A_295], %mul3A_294 {strides = array<i32>} : memref<3072xf32, #tpu.memory_space<vmem>>, vector<16xf32>,
    %select_n3A_297 = arith.select %lt3A_208, %sub3A_199, %broadcast_in_dim3A_6 : vector<16xi1>, vector<16xf32>
    %bitcast3A_298 = vector.bitcast %select_n3A_297 : vector<16xf32> to vector<16xi32>
    %shift_right_arithmetic3A_299 = arith.constant 23 : i32
    %shift_right_arithmetic3A_300 = vector.broadcast %shift_right_arithmetic3A_299 : i32 to vector<16xi32>
    %shift_right_arithmetic3A_301 = arith.shrsi %bitcast3A_298, %shift_right_arithmetic3A_300 : vector<16xi32>
    %sub3A_302 = arith.constant 127 : i32
    %sub3A_303 = vector.broadcast %sub3A_302 : i32 to vector<16xi32>
    %sub3A_304 = arith.subi %shift_right_arithmetic3A_301, %sub3A_303 : vector<16xi32>
    %and3A_305 = arith.constant 8388607 : i32
    %and3A_306 = vector.broadcast %and3A_305 : i32 to vector<16xi32>
    %and3A_307 = arith.andi %bitcast3A_298, %and3A_306 : vector<16xi32>
    %or3A_308 = arith.constant 1065353216 : i32
    %or3A_309 = vector.broadcast %or3A_308 : i32 to vector<16xi32>
    %or3A_310 = arith.ori %and3A_307, %or3A_309 : vector<16xi32>
    %bitcast3A_311 = vector.bitcast %or3A_310 : vector<16xi32> to vector<16xf32>
    %sub3A_312 = arith.constant 1.000000e+00 : f32
    %sub3A_313 = vector.broadcast %sub3A_312 : f32 to vector<16xf32>
    %sub3A_314 = arith.subf %bitcast3A_311, %sub3A_313 : vector<16xf32>
    %mul3A_315 = arith.constant -2.606630e-02 : f32
    %mul3A_316 = vector.broadcast %mul3A_315 : f32 to vector<16xf32>
    %mul3A_317 = arith.mulf %sub3A_314, %mul3A_316 : vector<16xf32>
    %add3A_318 = arith.constant 0.121914141 : f32
    %add3A_319 = vector.broadcast %add3A_318 : f32 to vector<16xf32>
    %add3A_320 = arith.addf %add3A_319, %mul3A_317 : vector<16xf32>
    %mul3A_321 = arith.mulf %sub3A_314, %add3A_320 : vector<16xf32>
    %add3A_322 = arith.constant -0.277365059 : f32
    %add3A_323 = vector.broadcast %add3A_322 : f32 to vector<16xf32>
    %add3A_324 = arith.addf %add3A_323, %mul3A_321 : vector<16xf32>
    %mul3A_325 = arith.mulf %sub3A_314, %add3A_324 : vector<16xf32>
    %add3A_326 = arith.constant 0.456894159 : f32
    %add3A_327 = vector.broadcast %add3A_326 : f32 to vector<16xf32>
    %add3A_328 = arith.addf %add3A_327, %mul3A_325 : vector<16xf32>
    %mul3A_329 = arith.mulf %sub3A_314, %add3A_328 : vector<16xf32>
    %add3A_330 = arith.constant -0.717898369 : f32
    %add3A_331 = vector.broadcast %add3A_330 : f32 to vector<16xf32>
    %add3A_332 = arith.addf %add3A_331, %mul3A_329 : vector<16xf32>
    %mul3A_333 = arith.mulf %sub3A_314, %add3A_332 : vector<16xf32>
    %add3A_334 = arith.constant 1.44251704 : f32
    %add3A_335 = vector.broadcast %add3A_334 : f32 to vector<16xf32>
    %add3A_336 = arith.addf %add3A_335, %mul3A_333 : vector<16xf32>
    %mul3A_337 = arith.mulf %sub3A_314, %add3A_336 : vector<16xf32>
    %convert_element_type3A_338 = arith.sitofp %sub3A_304 : vector<16xi32> to vector<16xf32>
    %add3A_339 = arith.addf %convert_element_type3A_338, %mul3A_337 : vector<16xf32>
    %mul3A_340 = arith.constant 0.693147182 : f32
    %mul3A_341 = vector.broadcast %mul3A_340 : f32 to vector<16xf32>
    %mul3A_342 = arith.mulf %add3A_339, %mul3A_341 : vector<16xf32>
    %swap3A_343 = arith.constant 2576 : index
    %swap3A_344 = tpu.vector_load %arg10[%swap3A_343] {strides = array<i32>} : memref<3072xf32, #tpu.memory_space<vmem>>, vector<16xf32>,
    tpu.vector_store %arg10[%swap3A_343], %mul3A_342 {strides = array<i32>} : memref<3072xf32, #tpu.memory_space<vmem>>, vector<16xf32>,
    %add3A_345 = arith.constant 32 : i32
    %add3A_346 = vector.broadcast %add3A_345 : i32 to vector<16xi32>
    %add3A_347 = arith.addi %iota3A, %add3A_346 : vector<16xi32>
    %mul3A_348 = arith.constant 4 : i32
    %mul3A_349 = vector.broadcast %mul3A_348 : i32 to vector<16xi32>
    %mul3A_350 = arith.muli %add3A_347, %mul3A_349 : vector<16xi32>
    %gather3A_351 = tpu.vector_load_idx %arg9[%mul3A_350] : memref<832xf32, #tpu.memory_space<vmem>>[vector<16xi32>], vector<16xf32>,
    %add3A_352 = arith.constant 1 : i32
    %add3A_353 = vector.broadcast %add3A_352 : i32 to vector<16xi32>
    %add3A_354 = arith.addi %mul3A_350, %add3A_353 : vector<16xi32>
    %gather3A_355 = tpu.vector_load_idx %arg9[%add3A_354] : memref<832xf32, #tpu.memory_space<vmem>>[vector<16xi32>], vector<16xf32>,
    %add3A_356 = arith.constant 2 : i32
    %add3A_357 = vector.broadcast %add3A_356 : i32 to vector<16xi32>
    %add3A_358 = arith.addi %mul3A_350, %add3A_357 : vector<16xi32>
    %gather3A_359 = tpu.vector_load_idx %arg9[%add3A_358] : memref<832xf32, #tpu.memory_space<vmem>>[vector<16xi32>], vector<16xf32>,
    %add3A_360 = arith.constant 3 : i32
    %add3A_361 = vector.broadcast %add3A_360 : i32 to vector<16xi32>
    %add3A_362 = arith.addi %mul3A_350, %add3A_361 : vector<16xi32>
    %gather3A_363 = tpu.vector_load_idx %arg9[%add3A_362] : memref<832xf32, #tpu.memory_space<vmem>>[vector<16xi32>], vector<16xf32>,
    %add3A_364 = arith.addf %gather3A_351, %gather3A_359 : vector<16xf32>
    %mul3A_365 = arith.constant 5.000000e-01 : f32
    %mul3A_366 = vector.broadcast %mul3A_365 : f32 to vector<16xf32>
    %mul3A_367 = arith.mulf %add3A_364, %mul3A_366 : vector<16xf32>
    %add3A_368 = arith.addf %gather3A_355, %gather3A_363 : vector<16xf32>
    %mul3A_369 = arith.constant 5.000000e-01 : f32
    %mul3A_370 = vector.broadcast %mul3A_369 : f32 to vector<16xf32>
    %mul3A_371 = arith.mulf %add3A_368, %mul3A_370 : vector<16xf32>
    %sub3A_372 = arith.subf %gather3A_359, %gather3A_351 : vector<16xf32>
    %sub3A_373 = arith.subf %gather3A_363, %gather3A_355 : vector<16xf32>
    %mul3A_374 = arith.constant 5.000000e-01 : f32
    %mul3A_375 = vector.broadcast %mul3A_374 : f32 to vector<16xf32>
    %mul3A_376 = arith.mulf %sub3A_372, %mul3A_375 : vector<16xf32>
    %mul3A_377 = arith.constant 5.000000e-01 : f32
    %mul3A_378 = vector.broadcast %mul3A_377 : f32 to vector<16xf32>
    %mul3A_379 = arith.mulf %sub3A_373, %mul3A_378 : vector<16xf32>
    %lt3A_380 = arith.constant 200 : i32
    %lt3A_381 = vector.broadcast %lt3A_380 : i32 to vector<16xi32>
    %lt3A_382 = arith.cmpi slt, %add3A_347, %lt3A_381 : vector<16xi32>
    %sub3A_383 = arith.subf %mul3A_367, %mul3A_376 : vector<16xf32>
    %jit3A_384 = arith.constant 3.000000e+38 : f32
    %broadcast_in_dim3A_385 = vector.broadcast %jit3A_384 : f32 to vector<16xf32>
    %select_n3A_386 = arith.select %lt3A_382, %sub3A_383, %broadcast_in_dim3A_385 : vector<16xi1>, vector<16xf32>
    %swap3A_387 = arith.constant 32 : index
    %swap3A_388 = tpu.vector_load %arg10[%swap3A_387] {strides = array<i32>} : memref<3072xf32, #tpu.memory_space<vmem>>, vector<16xf32>,
    tpu.vector_store %arg10[%swap3A_387], %select_n3A_386 {strides = array<i32>} : memref<3072xf32, #tpu.memory_space<vmem>>, vector<16xf32>,
    %sub3A_389 = arith.subf %mul3A_371, %mul3A_379 : vector<16xf32>
    %jit3A_390 = arith.constant 3.000000e+38 : f32
    %broadcast_in_dim3A_391 = vector.broadcast %jit3A_390 : f32 to vector<16xf32>
    %select_n3A_392 = arith.select %lt3A_382, %sub3A_389, %broadcast_in_dim3A_391 : vector<16xi1>, vector<16xf32>
    %swap3A_393 = arith.constant 288 : index
    %swap3A_394 = tpu.vector_load %arg10[%swap3A_393] {strides = array<i32>} : memref<3072xf32, #tpu.memory_space<vmem>>, vector<16xf32>,
    tpu.vector_store %arg10[%swap3A_393], %select_n3A_392 {strides = array<i32>} : memref<3072xf32, #tpu.memory_space<vmem>>, vector<16xf32>,
    %add3A_395 = arith.addf %mul3A_367, %mul3A_376 : vector<16xf32>
    %neg3A_396 = arith.constant 0.000000e+00 : f32
    %neg3A_397 = arith.constant 3.000000e+38 : f32
    %neg3A_398 = arith.subf %neg3A_396, %neg3A_397 : f32
    %broadcast_in_dim3A_399 = vector.broadcast %neg3A_398 : f32 to vector<16xf32>
    %select_n3A_400 = arith.select %lt3A_382, %add3A_395, %broadcast_in_dim3A_399 : vector<16xi1>, vector<16xf32>
    %swap3A_401 = arith.constant 544 : index
    %swap3A_402 = tpu.vector_load %arg10[%swap3A_401] {strides = array<i32>} : memref<3072xf32, #tpu.memory_space<vmem>>, vector<16xf32>,
    tpu.vector_store %arg10[%swap3A_401], %select_n3A_400 {strides = array<i32>} : memref<3072xf32, #tpu.memory_space<vmem>>, vector<16xf32>,
    %add3A_403 = arith.addf %mul3A_371, %mul3A_379 : vector<16xf32>
    %neg3A_404 = arith.constant 0.000000e+00 : f32
    %neg3A_405 = arith.constant 3.000000e+38 : f32
    %neg3A_406 = arith.subf %neg3A_404, %neg3A_405 : f32
    %broadcast_in_dim3A_407 = vector.broadcast %neg3A_406 : f32 to vector<16xf32>
    %select_n3A_408 = arith.select %lt3A_382, %add3A_403, %broadcast_in_dim3A_407 : vector<16xi1>, vector<16xf32>
    %swap3A_409 = arith.constant 800 : index
    %swap3A_410 = tpu.vector_load %arg10[%swap3A_409] {strides = array<i32>} : memref<3072xf32, #tpu.memory_space<vmem>>, vector<16xf32>,
    tpu.vector_store %arg10[%swap3A_409], %select_n3A_408 {strides = array<i32>} : memref<3072xf32, #tpu.memory_space<vmem>>, vector<16xf32>,
    %mul3A_411 = arith.mulf %sub3A_372, %sub3A_373 : vector<16xf32>
    %select_n3A_412 = arith.select %lt3A_382, %mul3A_411, %broadcast_in_dim3A_4 : vector<16xi1>, vector<16xf32>
    %swap3A_413 = arith.constant 1056 : index
    %swap3A_414 = tpu.vector_load %arg10[%swap3A_413] {strides = array<i32>} : memref<3072xf32, #tpu.memory_space<vmem>>, vector<16xf32>,
    tpu.vector_store %arg10[%swap3A_413], %select_n3A_412 {strides = array<i32>} : memref<3072xf32, #tpu.memory_space<vmem>>, vector<16xf32>,
    %swap3A_415 = arith.constant 1312 : index
    %swap3A_416 = tpu.vector_load %arg10[%swap3A_415] {strides = array<i32>} : memref<3072xf32, #tpu.memory_space<vmem>>, vector<16xf32>,
    tpu.vector_store %arg10[%swap3A_415], %mul3A_367 {strides = array<i32>} : memref<3072xf32, #tpu.memory_space<vmem>>, vector<16xf32>,
    %swap3A_417 = arith.constant 1568 : index
    %swap3A_418 = tpu.vector_load %arg10[%swap3A_417] {strides = array<i32>} : memref<3072xf32, #tpu.memory_space<vmem>>, vector<16xf32>,
    tpu.vector_store %arg10[%swap3A_417], %mul3A_371 {strides = array<i32>} : memref<3072xf32, #tpu.memory_space<vmem>>, vector<16xf32>,
    %swap3A_419 = arith.constant 1824 : index
    %swap3A_420 = tpu.vector_load %arg10[%swap3A_419] {strides = array<i32>} : memref<3072xf32, #tpu.memory_space<vmem>>, vector<16xf32>,
    tpu.vector_store %arg10[%swap3A_419], %sub3A_372 {strides = array<i32>} : memref<3072xf32, #tpu.memory_space<vmem>>, vector<16xf32>,
    %swap3A_421 = arith.constant 2080 : index
    %swap3A_422 = tpu.vector_load %arg10[%swap3A_421] {strides = array<i32>} : memref<3072xf32, #tpu.memory_space<vmem>>, vector<16xf32>,
    tpu.vector_store %arg10[%swap3A_421], %sub3A_373 {strides = array<i32>} : memref<3072xf32, #tpu.memory_space<vmem>>, vector<16xf32>,
    %select_n3A_423 = arith.select %lt3A_382, %sub3A_372, %broadcast_in_dim3A_6 : vector<16xi1>, vector<16xf32>
    %bitcast3A_424 = vector.bitcast %select_n3A_423 : vector<16xf32> to vector<16xi32>
    %shift_right_arithmetic3A_425 = arith.constant 23 : i32
    %shift_right_arithmetic3A_426 = vector.broadcast %shift_right_arithmetic3A_425 : i32 to vector<16xi32>
    %shift_right_arithmetic3A_427 = arith.shrsi %bitcast3A_424, %shift_right_arithmetic3A_426 : vector<16xi32>
    %sub3A_428 = arith.constant 127 : i32
    %sub3A_429 = vector.broadcast %sub3A_428 : i32 to vector<16xi32>
    %sub3A_430 = arith.subi %shift_right_arithmetic3A_427, %sub3A_429 : vector<16xi32>
    %and3A_431 = arith.constant 8388607 : i32
    %and3A_432 = vector.broadcast %and3A_431 : i32 to vector<16xi32>
    %and3A_433 = arith.andi %bitcast3A_424, %and3A_432 : vector<16xi32>
    %or3A_434 = arith.constant 1065353216 : i32
    %or3A_435 = vector.broadcast %or3A_434 : i32 to vector<16xi32>
    %or3A_436 = arith.ori %and3A_433, %or3A_435 : vector<16xi32>
    %bitcast3A_437 = vector.bitcast %or3A_436 : vector<16xi32> to vector<16xf32>
    %sub3A_438 = arith.constant 1.000000e+00 : f32
    %sub3A_439 = vector.broadcast %sub3A_438 : f32 to vector<16xf32>
    %sub3A_440 = arith.subf %bitcast3A_437, %sub3A_439 : vector<16xf32>
    %mul3A_441 = arith.constant -2.606630e-02 : f32
    %mul3A_442 = vector.broadcast %mul3A_441 : f32 to vector<16xf32>
    %mul3A_443 = arith.mulf %sub3A_440, %mul3A_442 : vector<16xf32>
    %add3A_444 = arith.constant 0.121914141 : f32
    %add3A_445 = vector.broadcast %add3A_444 : f32 to vector<16xf32>
    %add3A_446 = arith.addf %add3A_445, %mul3A_443 : vector<16xf32>
    %mul3A_447 = arith.mulf %sub3A_440, %add3A_446 : vector<16xf32>
    %add3A_448 = arith.constant -0.277365059 : f32
    %add3A_449 = vector.broadcast %add3A_448 : f32 to vector<16xf32>
    %add3A_450 = arith.addf %add3A_449, %mul3A_447 : vector<16xf32>
    %mul3A_451 = arith.mulf %sub3A_440, %add3A_450 : vector<16xf32>
    %add3A_452 = arith.constant 0.456894159 : f32
    %add3A_453 = vector.broadcast %add3A_452 : f32 to vector<16xf32>
    %add3A_454 = arith.addf %add3A_453, %mul3A_451 : vector<16xf32>
    %mul3A_455 = arith.mulf %sub3A_440, %add3A_454 : vector<16xf32>
    %add3A_456 = arith.constant -0.717898369 : f32
    %add3A_457 = vector.broadcast %add3A_456 : f32 to vector<16xf32>
    %add3A_458 = arith.addf %add3A_457, %mul3A_455 : vector<16xf32>
    %mul3A_459 = arith.mulf %sub3A_440, %add3A_458 : vector<16xf32>
    %add3A_460 = arith.constant 1.44251704 : f32
    %add3A_461 = vector.broadcast %add3A_460 : f32 to vector<16xf32>
    %add3A_462 = arith.addf %add3A_461, %mul3A_459 : vector<16xf32>
    %mul3A_463 = arith.mulf %sub3A_440, %add3A_462 : vector<16xf32>
    %convert_element_type3A_464 = arith.sitofp %sub3A_430 : vector<16xi32> to vector<16xf32>
    %add3A_465 = arith.addf %convert_element_type3A_464, %mul3A_463 : vector<16xf32>
    %mul3A_466 = arith.constant 0.693147182 : f32
    %mul3A_467 = vector.broadcast %mul3A_466 : f32 to vector<16xf32>
    %mul3A_468 = arith.mulf %add3A_465, %mul3A_467 : vector<16xf32>
    %swap3A_469 = arith.constant 2336 : index
    %swap3A_470 = tpu.vector_load %arg10[%swap3A_469] {strides = array<i32>} : memref<3072xf32, #tpu.memory_space<vmem>>, vector<16xf32>,
    tpu.vector_store %arg10[%swap3A_469], %mul3A_468 {strides = array<i32>} : memref<3072xf32, #tpu.memory_space<vmem>>, vector<16xf32>,
    %select_n3A_471 = arith.select %lt3A_382, %sub3A_373, %broadcast_in_dim3A_6 : vector<16xi1>, vector<16xf32>
    %bitcast3A_472 = vector.bitcast %select_n3A_471 : vector<16xf32> to vector<16xi32>
    %shift_right_arithmetic3A_473 = arith.constant 23 : i32
    %shift_right_arithmetic3A_474 = vector.broadcast %shift_right_arithmetic3A_473 : i32 to vector<16xi32>
    %shift_right_arithmetic3A_475 = arith.shrsi %bitcast3A_472, %shift_right_arithmetic3A_474 : vector<16xi32>
    %sub3A_476 = arith.constant 127 : i32
    %sub3A_477 = vector.broadcast %sub3A_476 : i32 to vector<16xi32>
    %sub3A_478 = arith.subi %shift_right_arithmetic3A_475, %sub3A_477 : vector<16xi32>
    %and3A_479 = arith.constant 8388607 : i32
    %and3A_480 = vector.broadcast %and3A_479 : i32 to vector<16xi32>
    %and3A_481 = arith.andi %bitcast3A_472, %and3A_480 : vector<16xi32>
    %or3A_482 = arith.constant 1065353216 : i32
    %or3A_483 = vector.broadcast %or3A_482 : i32 to vector<16xi32>
    %or3A_484 = arith.ori %and3A_481, %or3A_483 : vector<16xi32>
    %bitcast3A_485 = vector.bitcast %or3A_484 : vector<16xi32> to vector<16xf32>
    %sub3A_486 = arith.constant 1.000000e+00 : f32
    %sub3A_487 = vector.broadcast %sub3A_486 : f32 to vector<16xf32>
    %sub3A_488 = arith.subf %bitcast3A_485, %sub3A_487 : vector<16xf32>
    %mul3A_489 = arith.constant -2.606630e-02 : f32
    %mul3A_490 = vector.broadcast %mul3A_489 : f32 to vector<16xf32>
    %mul3A_491 = arith.mulf %sub3A_488, %mul3A_490 : vector<16xf32>
    %add3A_492 = arith.constant 0.121914141 : f32
    %add3A_493 = vector.broadcast %add3A_492 : f32 to vector<16xf32>
    %add3A_494 = arith.addf %add3A_493, %mul3A_491 : vector<16xf32>
    %mul3A_495 = arith.mulf %sub3A_488, %add3A_494 : vector<16xf32>
    %add3A_496 = arith.constant -0.277365059 : f32
    %add3A_497 = vector.broadcast %add3A_496 : f32 to vector<16xf32>
    %add3A_498 = arith.addf %add3A_497, %mul3A_495 : vector<16xf32>
    %mul3A_499 = arith.mulf %sub3A_488, %add3A_498 : vector<16xf32>
    %add3A_500 = arith.constant 0.456894159 : f32
    %add3A_501 = vector.broadcast %add3A_500 : f32 to vector<16xf32>
    %add3A_502 = arith.addf %add3A_501, %mul3A_499 : vector<16xf32>
    %mul3A_503 = arith.mulf %sub3A_488, %add3A_502 : vector<16xf32>
    %add3A_504 = arith.constant -0.717898369 : f32
    %add3A_505 = vector.broadcast %add3A_504 : f32 to vector<16xf32>
    %add3A_506 = arith.addf %add3A_505, %mul3A_503 : vector<16xf32>
    %mul3A_507 = arith.mulf %sub3A_488, %add3A_506 : vector<16xf32>
    %add3A_508 = arith.constant 1.44251704 : f32
    %add3A_509 = vector.broadcast %add3A_508 : f32 to vector<16xf32>
    %add3A_510 = arith.addf %add3A_509, %mul3A_507 : vector<16xf32>
    %mul3A_511 = arith.mulf %sub3A_488, %add3A_510 : vector<16xf32>
    %convert_element_type3A_512 = arith.sitofp %sub3A_478 : vector<16xi32> to vector<16xf32>
    %add3A_513 = arith.addf %convert_element_type3A_512, %mul3A_511 : vector<16xf32>
    %mul3A_514 = arith.constant 0.693147182 : f32
    %mul3A_515 = vector.broadcast %mul3A_514 : f32 to vector<16xf32>
    %mul3A_516 = arith.mulf %add3A_513, %mul3A_515 : vector<16xf32>
    %swap3A_517 = arith.constant 2592 : index
    %swap3A_518 = tpu.vector_load %arg10[%swap3A_517] {strides = array<i32>} : memref<3072xf32, #tpu.memory_space<vmem>>, vector<16xf32>,
    tpu.vector_store %arg10[%swap3A_517], %mul3A_516 {strides = array<i32>} : memref<3072xf32, #tpu.memory_space<vmem>>, vector<16xf32>,
    %add3A_519 = arith.constant 48 : i32
    %add3A_520 = vector.broadcast %add3A_519 : i32 to vector<16xi32>
    %add3A_521 = arith.addi %iota3A, %add3A_520 : vector<16xi32>
    %mul3A_522 = arith.constant 4 : i32
    %mul3A_523 = vector.broadcast %mul3A_522 : i32 to vector<16xi32>
    %mul3A_524 = arith.muli %add3A_521, %mul3A_523 : vector<16xi32>
    %gather3A_525 = tpu.vector_load_idx %arg9[%mul3A_524] : memref<832xf32, #tpu.memory_space<vmem>>[vector<16xi32>], vector<16xf32>,
    %add3A_526 = arith.constant 1 : i32
    %add3A_527 = vector.broadcast %add3A_526 : i32 to vector<16xi32>
    %add3A_528 = arith.addi %mul3A_524, %add3A_527 : vector<16xi32>
    %gather3A_529 = tpu.vector_load_idx %arg9[%add3A_528] : memref<832xf32, #tpu.memory_space<vmem>>[vector<16xi32>], vector<16xf32>,
    %add3A_530 = arith.constant 2 : i32
    %add3A_531 = vector.broadcast %add3A_530 : i32 to vector<16xi32>
    %add3A_532 = arith.addi %mul3A_524, %add3A_531 : vector<16xi32>
    %gather3A_533 = tpu.vector_load_idx %arg9[%add3A_532] : memref<832xf32, #tpu.memory_space<vmem>>[vector<16xi32>], vector<16xf32>,
    %add3A_534 = arith.constant 3 : i32
    %add3A_535 = vector.broadcast %add3A_534 : i32 to vector<16xi32>
    %add3A_536 = arith.addi %mul3A_524, %add3A_535 : vector<16xi32>
    %gather3A_537 = tpu.vector_load_idx %arg9[%add3A_536] : memref<832xf32, #tpu.memory_space<vmem>>[vector<16xi32>], vector<16xf32>,
    %add3A_538 = arith.addf %gather3A_525, %gather3A_533 : vector<16xf32>
    %mul3A_539 = arith.constant 5.000000e-01 : f32
    %mul3A_540 = vector.broadcast %mul3A_539 : f32 to vector<16xf32>
    %mul3A_541 = arith.mulf %add3A_538, %mul3A_540 : vector<16xf32>
    %add3A_542 = arith.addf %gather3A_529, %gather3A_537 : vector<16xf32>
    %mul3A_543 = arith.constant 5.000000e-01 : f32
    %mul3A_544 = vector.broadcast %mul3A_543 : f32 to vector<16xf32>
    %mul3A_545 = arith.mulf %add3A_542, %mul3A_544 : vector<16xf32>
    %sub3A_546 = arith.subf %gather3A_533, %gather3A_525 : vector<16xf32>
    %sub3A_547 = arith.subf %gather3A_537, %gather3A_529 : vector<16xf32>
    %mul3A_548 = arith.constant 5.000000e-01 : f32
    %mul3A_549 = vector.broadcast %mul3A_548 : f32 to vector<16xf32>
    %mul3A_550 = arith.mulf %sub3A_546, %mul3A_549 : vector<16xf32>
    %mul3A_551 = arith.constant 5.000000e-01 : f32
    %mul3A_552 = vector.broadcast %mul3A_551 : f32 to vector<16xf32>
    %mul3A_553 = arith.mulf %sub3A_547, %mul3A_552 : vector<16xf32>
    %lt3A_554 = arith.constant 200 : i32
    %lt3A_555 = vector.broadcast %lt3A_554 : i32 to vector<16xi32>
    %lt3A_556 = arith.cmpi slt, %add3A_521, %lt3A_555 : vector<16xi32>
    %sub3A_557 = arith.subf %mul3A_541, %mul3A_550 : vector<16xf32>
    %jit3A_558 = arith.constant 3.000000e+38 : f32
    %broadcast_in_dim3A_559 = vector.broadcast %jit3A_558 : f32 to vector<16xf32>
    %select_n3A_560 = arith.select %lt3A_556, %sub3A_557, %broadcast_in_dim3A_559 : vector<16xi1>, vector<16xf32>
    %swap3A_561 = arith.constant 48 : index
    %swap3A_562 = tpu.vector_load %arg10[%swap3A_561] {strides = array<i32>} : memref<3072xf32, #tpu.memory_space<vmem>>, vector<16xf32>,
    tpu.vector_store %arg10[%swap3A_561], %select_n3A_560 {strides = array<i32>} : memref<3072xf32, #tpu.memory_space<vmem>>, vector<16xf32>,
    %sub3A_563 = arith.subf %mul3A_545, %mul3A_553 : vector<16xf32>
    %jit3A_564 = arith.constant 3.000000e+38 : f32
    %broadcast_in_dim3A_565 = vector.broadcast %jit3A_564 : f32 to vector<16xf32>
    %select_n3A_566 = arith.select %lt3A_556, %sub3A_563, %broadcast_in_dim3A_565 : vector<16xi1>, vector<16xf32>
    %swap3A_567 = arith.constant 304 : index
    %swap3A_568 = tpu.vector_load %arg10[%swap3A_567] {strides = array<i32>} : memref<3072xf32, #tpu.memory_space<vmem>>, vector<16xf32>,
    tpu.vector_store %arg10[%swap3A_567], %select_n3A_566 {strides = array<i32>} : memref<3072xf32, #tpu.memory_space<vmem>>, vector<16xf32>,
    %add3A_569 = arith.addf %mul3A_541, %mul3A_550 : vector<16xf32>
    %neg3A_570 = arith.constant 0.000000e+00 : f32
    %neg3A_571 = arith.constant 3.000000e+38 : f32
    %neg3A_572 = arith.subf %neg3A_570, %neg3A_571 : f32
    %broadcast_in_dim3A_573 = vector.broadcast %neg3A_572 : f32 to vector<16xf32>
    %select_n3A_574 = arith.select %lt3A_556, %add3A_569, %broadcast_in_dim3A_573 : vector<16xi1>, vector<16xf32>
    %swap3A_575 = arith.constant 560 : index
    %swap3A_576 = tpu.vector_load %arg10[%swap3A_575] {strides = array<i32>} : memref<3072xf32, #tpu.memory_space<vmem>>, vector<16xf32>,
    tpu.vector_store %arg10[%swap3A_575], %select_n3A_574 {strides = array<i32>} : memref<3072xf32, #tpu.memory_space<vmem>>, vector<16xf32>,
    %add3A_577 = arith.addf %mul3A_545, %mul3A_553 : vector<16xf32>
    %neg3A_578 = arith.constant 0.000000e+00 : f32
    %neg3A_579 = arith.constant 3.000000e+38 : f32
    %neg3A_580 = arith.subf %neg3A_578, %neg3A_579 : f32
    %broadcast_in_dim3A_581 = vector.broadcast %neg3A_580 : f32 to vector<16xf32>
    %select_n3A_582 = arith.select %lt3A_556, %add3A_577, %broadcast_in_dim3A_581 : vector<16xi1>, vector<16xf32>
    %swap3A_583 = arith.constant 816 : index
    %swap3A_584 = tpu.vector_load %arg10[%swap3A_583] {strides = array<i32>} : memref<3072xf32, #tpu.memory_space<vmem>>, vector<16xf32>,
    tpu.vector_store %arg10[%swap3A_583], %select_n3A_582 {strides = array<i32>} : memref<3072xf32, #tpu.memory_space<vmem>>, vector<16xf32>,
    %mul3A_585 = arith.mulf %sub3A_546, %sub3A_547 : vector<16xf32>
    %select_n3A_586 = arith.select %lt3A_556, %mul3A_585, %broadcast_in_dim3A_4 : vector<16xi1>, vector<16xf32>
    %swap3A_587 = arith.constant 1072 : index
    %swap3A_588 = tpu.vector_load %arg10[%swap3A_587] {strides = array<i32>} : memref<3072xf32, #tpu.memory_space<vmem>>, vector<16xf32>,
    tpu.vector_store %arg10[%swap3A_587], %select_n3A_586 {strides = array<i32>} : memref<3072xf32, #tpu.memory_space<vmem>>, vector<16xf32>,
    %swap3A_589 = arith.constant 1328 : index
    %swap3A_590 = tpu.vector_load %arg10[%swap3A_589] {strides = array<i32>} : memref<3072xf32, #tpu.memory_space<vmem>>, vector<16xf32>,
    tpu.vector_store %arg10[%swap3A_589], %mul3A_541 {strides = array<i32>} : memref<3072xf32, #tpu.memory_space<vmem>>, vector<16xf32>,
    %swap3A_591 = arith.constant 1584 : index
    %swap3A_592 = tpu.vector_load %arg10[%swap3A_591] {strides = array<i32>} : memref<3072xf32, #tpu.memory_space<vmem>>, vector<16xf32>,
    tpu.vector_store %arg10[%swap3A_591], %mul3A_545 {strides = array<i32>} : memref<3072xf32, #tpu.memory_space<vmem>>, vector<16xf32>,
    %swap3A_593 = arith.constant 1840 : index
    %swap3A_594 = tpu.vector_load %arg10[%swap3A_593] {strides = array<i32>} : memref<3072xf32, #tpu.memory_space<vmem>>, vector<16xf32>,
    tpu.vector_store %arg10[%swap3A_593], %sub3A_546 {strides = array<i32>} : memref<3072xf32, #tpu.memory_space<vmem>>, vector<16xf32>,
    %swap3A_595 = arith.constant 2096 : index
    %swap3A_596 = tpu.vector_load %arg10[%swap3A_595] {strides = array<i32>} : memref<3072xf32, #tpu.memory_space<vmem>>, vector<16xf32>,
    tpu.vector_store %arg10[%swap3A_595], %sub3A_547 {strides = array<i32>} : memref<3072xf32, #tpu.memory_space<vmem>>, vector<16xf32>,
    %select_n3A_597 = arith.select %lt3A_556, %sub3A_546, %broadcast_in_dim3A_6 : vector<16xi1>, vector<16xf32>
    %bitcast3A_598 = vector.bitcast %select_n3A_597 : vector<16xf32> to vector<16xi32>
    %shift_right_arithmetic3A_599 = arith.constant 23 : i32
    %shift_right_arithmetic3A_600 = vector.broadcast %shift_right_arithmetic3A_599 : i32 to vector<16xi32>
    %shift_right_arithmetic3A_601 = arith.shrsi %bitcast3A_598, %shift_right_arithmetic3A_600 : vector<16xi32>
    %sub3A_602 = arith.constant 127 : i32
    %sub3A_603 = vector.broadcast %sub3A_602 : i32 to vector<16xi32>
    %sub3A_604 = arith.subi %shift_right_arithmetic3A_601, %sub3A_603 : vector<16xi32>
    %and3A_605 = arith.constant 8388607 : i32
    %and3A_606 = vector.broadcast %and3A_605 : i32 to vector<16xi32>
    %and3A_607 = arith.andi %bitcast3A_598, %and3A_606 : vector<16xi32>
    %or3A_608 = arith.constant 1065353216 : i32
    %or3A_609 = vector.broadcast %or3A_608 : i32 to vector<16xi32>
    %or3A_610 = arith.ori %and3A_607, %or3A_609 : vector<16xi32>
    %bitcast3A_611 = vector.bitcast %or3A_610 : vector<16xi32> to vector<16xf32>
    %sub3A_612 = arith.constant 1.000000e+00 : f32
    %sub3A_613 = vector.broadcast %sub3A_612 : f32 to vector<16xf32>
    %sub3A_614 = arith.subf %bitcast3A_611, %sub3A_613 : vector<16xf32>
    %mul3A_615 = arith.constant -2.606630e-02 : f32
    %mul3A_616 = vector.broadcast %mul3A_615 : f32 to vector<16xf32>
    %mul3A_617 = arith.mulf %sub3A_614, %mul3A_616 : vector<16xf32>
    %add3A_618 = arith.constant 0.121914141 : f32
    %add3A_619 = vector.broadcast %add3A_618 : f32 to vector<16xf32>
    %add3A_620 = arith.addf %add3A_619, %mul3A_617 : vector<16xf32>
    %mul3A_621 = arith.mulf %sub3A_614, %add3A_620 : vector<16xf32>
    %add3A_622 = arith.constant -0.277365059 : f32
    %add3A_623 = vector.broadcast %add3A_622 : f32 to vector<16xf32>
    %add3A_624 = arith.addf %add3A_623, %mul3A_621 : vector<16xf32>
    %mul3A_625 = arith.mulf %sub3A_614, %add3A_624 : vector<16xf32>
    %add3A_626 = arith.constant 0.456894159 : f32
    %add3A_627 = vector.broadcast %add3A_626 : f32 to vector<16xf32>
    %add3A_628 = arith.addf %add3A_627, %mul3A_625 : vector<16xf32>
    %mul3A_629 = arith.mulf %sub3A_614, %add3A_628 : vector<16xf32>
    %add3A_630 = arith.constant -0.717898369 : f32
    %add3A_631 = vector.broadcast %add3A_630 : f32 to vector<16xf32>
    %add3A_632 = arith.addf %add3A_631, %mul3A_629 : vector<16xf32>
    %mul3A_633 = arith.mulf %sub3A_614, %add3A_632 : vector<16xf32>
    %add3A_634 = arith.constant 1.44251704 : f32
    %add3A_635 = vector.broadcast %add3A_634 : f32 to vector<16xf32>
    %add3A_636 = arith.addf %add3A_635, %mul3A_633 : vector<16xf32>
    %mul3A_637 = arith.mulf %sub3A_614, %add3A_636 : vector<16xf32>
    %convert_element_type3A_638 = arith.sitofp %sub3A_604 : vector<16xi32> to vector<16xf32>
    %add3A_639 = arith.addf %convert_element_type3A_638, %mul3A_637 : vector<16xf32>
    %mul3A_640 = arith.constant 0.693147182 : f32
    %mul3A_641 = vector.broadcast %mul3A_640 : f32 to vector<16xf32>
    %mul3A_642 = arith.mulf %add3A_639, %mul3A_641 : vector<16xf32>
    %swap3A_643 = arith.constant 2352 : index
    %swap3A_644 = tpu.vector_load %arg10[%swap3A_643] {strides = array<i32>} : memref<3072xf32, #tpu.memory_space<vmem>>, vector<16xf32>,
    tpu.vector_store %arg10[%swap3A_643], %mul3A_642 {strides = array<i32>} : memref<3072xf32, #tpu.memory_space<vmem>>, vector<16xf32>,
    %select_n3A_645 = arith.select %lt3A_556, %sub3A_547, %broadcast_in_dim3A_6 : vector<16xi1>, vector<16xf32>
    %bitcast3A_646 = vector.bitcast %select_n3A_645 : vector<16xf32> to vector<16xi32>
    %shift_right_arithmetic3A_647 = arith.constant 23 : i32
    %shift_right_arithmetic3A_648 = vector.broadcast %shift_right_arithmetic3A_647 : i32 to vector<16xi32>
    %shift_right_arithmetic3A_649 = arith.shrsi %bitcast3A_646, %shift_right_arithmetic3A_648 : vector<16xi32>
    %sub3A_650 = arith.constant 127 : i32
    %sub3A_651 = vector.broadcast %sub3A_650 : i32 to vector<16xi32>
    %sub3A_652 = arith.subi %shift_right_arithmetic3A_649, %sub3A_651 : vector<16xi32>
    %and3A_653 = arith.constant 8388607 : i32
    %and3A_654 = vector.broadcast %and3A_653 : i32 to vector<16xi32>
    %and3A_655 = arith.andi %bitcast3A_646, %and3A_654 : vector<16xi32>
    %or3A_656 = arith.constant 1065353216 : i32
    %or3A_657 = vector.broadcast %or3A_656 : i32 to vector<16xi32>
    %or3A_658 = arith.ori %and3A_655, %or3A_657 : vector<16xi32>
    %bitcast3A_659 = vector.bitcast %or3A_658 : vector<16xi32> to vector<16xf32>
    %sub3A_660 = arith.constant 1.000000e+00 : f32
    %sub3A_661 = vector.broadcast %sub3A_660 : f32 to vector<16xf32>
    %sub3A_662 = arith.subf %bitcast3A_659, %sub3A_661 : vector<16xf32>
    %mul3A_663 = arith.constant -2.606630e-02 : f32
    %mul3A_664 = vector.broadcast %mul3A_663 : f32 to vector<16xf32>
    %mul3A_665 = arith.mulf %sub3A_662, %mul3A_664 : vector<16xf32>
    %add3A_666 = arith.constant 0.121914141 : f32
    %add3A_667 = vector.broadcast %add3A_666 : f32 to vector<16xf32>
    %add3A_668 = arith.addf %add3A_667, %mul3A_665 : vector<16xf32>
    %mul3A_669 = arith.mulf %sub3A_662, %add3A_668 : vector<16xf32>
    %add3A_670 = arith.constant -0.277365059 : f32
    %add3A_671 = vector.broadcast %add3A_670 : f32 to vector<16xf32>
    %add3A_672 = arith.addf %add3A_671, %mul3A_669 : vector<16xf32>
    %mul3A_673 = arith.mulf %sub3A_662, %add3A_672 : vector<16xf32>
    %add3A_674 = arith.constant 0.456894159 : f32
    %add3A_675 = vector.broadcast %add3A_674 : f32 to vector<16xf32>
    %add3A_676 = arith.addf %add3A_675, %mul3A_673 : vector<16xf32>
    %mul3A_677 = arith.mulf %sub3A_662, %add3A_676 : vector<16xf32>
    %add3A_678 = arith.constant -0.717898369 : f32
    %add3A_679 = vector.broadcast %add3A_678 : f32 to vector<16xf32>
    %add3A_680 = arith.addf %add3A_679, %mul3A_677 : vector<16xf32>
    %mul3A_681 = arith.mulf %sub3A_662, %add3A_680 : vector<16xf32>
    %add3A_682 = arith.constant 1.44251704 : f32
    %add3A_683 = vector.broadcast %add3A_682 : f32 to vector<16xf32>
    %add3A_684 = arith.addf %add3A_683, %mul3A_681 : vector<16xf32>
    %mul3A_685 = arith.mulf %sub3A_662, %add3A_684 : vector<16xf32>
    %convert_element_type3A_686 = arith.sitofp %sub3A_652 : vector<16xi32> to vector<16xf32>
    %add3A_687 = arith.addf %convert_element_type3A_686, %mul3A_685 : vector<16xf32>
    %mul3A_688 = arith.constant 0.693147182 : f32
    %mul3A_689 = vector.broadcast %mul3A_688 : f32 to vector<16xf32>
    %mul3A_690 = arith.mulf %add3A_687, %mul3A_689 : vector<16xf32>
    %swap3A_691 = arith.constant 2608 : index
    %swap3A_692 = tpu.vector_load %arg10[%swap3A_691] {strides = array<i32>} : memref<3072xf32, #tpu.memory_space<vmem>>, vector<16xf32>,
    tpu.vector_store %arg10[%swap3A_691], %mul3A_690 {strides = array<i32>} : memref<3072xf32, #tpu.memory_space<vmem>>, vector<16xf32>,
    %add3A_693 = arith.constant 64 : i32
    %add3A_694 = vector.broadcast %add3A_693 : i32 to vector<16xi32>
    %add3A_695 = arith.addi %iota3A, %add3A_694 : vector<16xi32>
    %mul3A_696 = arith.constant 4 : i32
    %mul3A_697 = vector.broadcast %mul3A_696 : i32 to vector<16xi32>
    %mul3A_698 = arith.muli %add3A_695, %mul3A_697 : vector<16xi32>
    %gather3A_699 = tpu.vector_load_idx %arg9[%mul3A_698] : memref<832xf32, #tpu.memory_space<vmem>>[vector<16xi32>], vector<16xf32>,
    %add3A_700 = arith.constant 1 : i32
    %add3A_701 = vector.broadcast %add3A_700 : i32 to vector<16xi32>
    %add3A_702 = arith.addi %mul3A_698, %add3A_701 : vector<16xi32>
    %gather3A_703 = tpu.vector_load_idx %arg9[%add3A_702] : memref<832xf32, #tpu.memory_space<vmem>>[vector<16xi32>], vector<16xf32>,
    %add3A_704 = arith.constant 2 : i32
    %add3A_705 = vector.broadcast %add3A_704 : i32 to vector<16xi32>
    %add3A_706 = arith.addi %mul3A_698, %add3A_705 : vector<16xi32>
    %gather3A_707 = tpu.vector_load_idx %arg9[%add3A_706] : memref<832xf32, #tpu.memory_space<vmem>>[vector<16xi32>], vector<16xf32>,
    %add3A_708 = arith.constant 3 : i32
    %add3A_709 = vector.broadcast %add3A_708 : i32 to vector<16xi32>
    %add3A_710 = arith.addi %mul3A_698, %add3A_709 : vector<16xi32>
    %gather3A_711 = tpu.vector_load_idx %arg9[%add3A_710] : memref<832xf32, #tpu.memory_space<vmem>>[vector<16xi32>], vector<16xf32>,
    %add3A_712 = arith.addf %gather3A_699, %gather3A_707 : vector<16xf32>
    %mul3A_713 = arith.constant 5.000000e-01 : f32
    %mul3A_714 = vector.broadcast %mul3A_713 : f32 to vector<16xf32>
    %mul3A_715 = arith.mulf %add3A_712, %mul3A_714 : vector<16xf32>
    %add3A_716 = arith.addf %gather3A_703, %gather3A_711 : vector<16xf32>
    %mul3A_717 = arith.constant 5.000000e-01 : f32
    %mul3A_718 = vector.broadcast %mul3A_717 : f32 to vector<16xf32>
    %mul3A_719 = arith.mulf %add3A_716, %mul3A_718 : vector<16xf32>
    %sub3A_720 = arith.subf %gather3A_707, %gather3A_699 : vector<16xf32>
    %sub3A_721 = arith.subf %gather3A_711, %gather3A_703 : vector<16xf32>
    %mul3A_722 = arith.constant 5.000000e-01 : f32
    %mul3A_723 = vector.broadcast %mul3A_722 : f32 to vector<16xf32>
    %mul3A_724 = arith.mulf %sub3A_720, %mul3A_723 : vector<16xf32>
    %mul3A_725 = arith.constant 5.000000e-01 : f32
    %mul3A_726 = vector.broadcast %mul3A_725 : f32 to vector<16xf32>
    %mul3A_727 = arith.mulf %sub3A_721, %mul3A_726 : vector<16xf32>
    %lt3A_728 = arith.constant 200 : i32
    %lt3A_729 = vector.broadcast %lt3A_728 : i32 to vector<16xi32>
    %lt3A_730 = arith.cmpi slt, %add3A_695, %lt3A_729 : vector<16xi32>
    %sub3A_731 = arith.subf %mul3A_715, %mul3A_724 : vector<16xf32>
    %jit3A_732 = arith.constant 3.000000e+38 : f32
    %broadcast_in_dim3A_733 = vector.broadcast %jit3A_732 : f32 to vector<16xf32>
    %select_n3A_734 = arith.select %lt3A_730, %sub3A_731, %broadcast_in_dim3A_733 : vector<16xi1>, vector<16xf32>
    %swap3A_735 = arith.constant 64 : index
    %swap3A_736 = tpu.vector_load %arg10[%swap3A_735] {strides = array<i32>} : memref<3072xf32, #tpu.memory_space<vmem>>, vector<16xf32>,
    tpu.vector_store %arg10[%swap3A_735], %select_n3A_734 {strides = array<i32>} : memref<3072xf32, #tpu.memory_space<vmem>>, vector<16xf32>,
    %sub3A_737 = arith.subf %mul3A_719, %mul3A_727 : vector<16xf32>
    %jit3A_738 = arith.constant 3.000000e+38 : f32
    %broadcast_in_dim3A_739 = vector.broadcast %jit3A_738 : f32 to vector<16xf32>
    %select_n3A_740 = arith.select %lt3A_730, %sub3A_737, %broadcast_in_dim3A_739 : vector<16xi1>, vector<16xf32>
    %swap3A_741 = arith.constant 320 : index
    %swap3A_742 = tpu.vector_load %arg10[%swap3A_741] {strides = array<i32>} : memref<3072xf32, #tpu.memory_space<vmem>>, vector<16xf32>,
    tpu.vector_store %arg10[%swap3A_741], %select_n3A_740 {strides = array<i32>} : memref<3072xf32, #tpu.memory_space<vmem>>, vector<16xf32>,
    %add3A_743 = arith.addf %mul3A_715, %mul3A_724 : vector<16xf32>
    %neg3A_744 = arith.constant 0.000000e+00 : f32
    %neg3A_745 = arith.constant 3.000000e+38 : f32
    %neg3A_746 = arith.subf %neg3A_744, %neg3A_745 : f32
    %broadcast_in_dim3A_747 = vector.broadcast %neg3A_746 : f32 to vector<16xf32>
    %select_n3A_748 = arith.select %lt3A_730, %add3A_743, %broadcast_in_dim3A_747 : vector<16xi1>, vector<16xf32>
    %swap3A_749 = arith.constant 576 : index
    %swap3A_750 = tpu.vector_load %arg10[%swap3A_749] {strides = array<i32>} : memref<3072xf32, #tpu.memory_space<vmem>>, vector<16xf32>,
    tpu.vector_store %arg10[%swap3A_749], %select_n3A_748 {strides = array<i32>} : memref<3072xf32, #tpu.memory_space<vmem>>, vector<16xf32>,
    %add3A_751 = arith.addf %mul3A_719, %mul3A_727 : vector<16xf32>
    %neg3A_752 = arith.constant 0.000000e+00 : f32
    %neg3A_753 = arith.constant 3.000000e+38 : f32
    %neg3A_754 = arith.subf %neg3A_752, %neg3A_753 : f32
    %broadcast_in_dim3A_755 = vector.broadcast %neg3A_754 : f32 to vector<16xf32>
    %select_n3A_756 = arith.select %lt3A_730, %add3A_751, %broadcast_in_dim3A_755 : vector<16xi1>, vector<16xf32>
    %swap3A_757 = arith.constant 832 : index
    %swap3A_758 = tpu.vector_load %arg10[%swap3A_757] {strides = array<i32>} : memref<3072xf32, #tpu.memory_space<vmem>>, vector<16xf32>,
    tpu.vector_store %arg10[%swap3A_757], %select_n3A_756 {strides = array<i32>} : memref<3072xf32, #tpu.memory_space<vmem>>, vector<16xf32>,
    %mul3A_759 = arith.mulf %sub3A_720, %sub3A_721 : vector<16xf32>
    %select_n3A_760 = arith.select %lt3A_730, %mul3A_759, %broadcast_in_dim3A_4 : vector<16xi1>, vector<16xf32>
    %swap3A_761 = arith.constant 1088 : index
    %swap3A_762 = tpu.vector_load %arg10[%swap3A_761] {strides = array<i32>} : memref<3072xf32, #tpu.memory_space<vmem>>, vector<16xf32>,
    tpu.vector_store %arg10[%swap3A_761], %select_n3A_760 {strides = array<i32>} : memref<3072xf32, #tpu.memory_space<vmem>>, vector<16xf32>,
    %swap3A_763 = arith.constant 1344 : index
    %swap3A_764 = tpu.vector_load %arg10[%swap3A_763] {strides = array<i32>} : memref<3072xf32, #tpu.memory_space<vmem>>, vector<16xf32>,
    tpu.vector_store %arg10[%swap3A_763], %mul3A_715 {strides = array<i32>} : memref<3072xf32, #tpu.memory_space<vmem>>, vector<16xf32>,
    %swap3A_765 = arith.constant 1600 : index
    %swap3A_766 = tpu.vector_load %arg10[%swap3A_765] {strides = array<i32>} : memref<3072xf32, #tpu.memory_space<vmem>>, vector<16xf32>,
    tpu.vector_store %arg10[%swap3A_765], %mul3A_719 {strides = array<i32>} : memref<3072xf32, #tpu.memory_space<vmem>>, vector<16xf32>,
    %swap3A_767 = arith.constant 1856 : index
    %swap3A_768 = tpu.vector_load %arg10[%swap3A_767] {strides = array<i32>} : memref<3072xf32, #tpu.memory_space<vmem>>, vector<16xf32>,
    tpu.vector_store %arg10[%swap3A_767], %sub3A_720 {strides = array<i32>} : memref<3072xf32, #tpu.memory_space<vmem>>, vector<16xf32>,
    %swap3A_769 = arith.constant 2112 : index
    %swap3A_770 = tpu.vector_load %arg10[%swap3A_769] {strides = array<i32>} : memref<3072xf32, #tpu.memory_space<vmem>>, vector<16xf32>,
    tpu.vector_store %arg10[%swap3A_769], %sub3A_721 {strides = array<i32>} : memref<3072xf32, #tpu.memory_space<vmem>>, vector<16xf32>,
    %select_n3A_771 = arith.select %lt3A_730, %sub3A_720, %broadcast_in_dim3A_6 : vector<16xi1>, vector<16xf32>
    %bitcast3A_772 = vector.bitcast %select_n3A_771 : vector<16xf32> to vector<16xi32>
    %shift_right_arithmetic3A_773 = arith.constant 23 : i32
    %shift_right_arithmetic3A_774 = vector.broadcast %shift_right_arithmetic3A_773 : i32 to vector<16xi32>
    %shift_right_arithmetic3A_775 = arith.shrsi %bitcast3A_772, %shift_right_arithmetic3A_774 : vector<16xi32>
    %sub3A_776 = arith.constant 127 : i32
    %sub3A_777 = vector.broadcast %sub3A_776 : i32 to vector<16xi32>
    %sub3A_778 = arith.subi %shift_right_arithmetic3A_775, %sub3A_777 : vector<16xi32>
    %and3A_779 = arith.constant 8388607 : i32
    %and3A_780 = vector.broadcast %and3A_779 : i32 to vector<16xi32>
    %and3A_781 = arith.andi %bitcast3A_772, %and3A_780 : vector<16xi32>
    %or3A_782 = arith.constant 1065353216 : i32
    %or3A_783 = vector.broadcast %or3A_782 : i32 to vector<16xi32>
    %or3A_784 = arith.ori %and3A_781, %or3A_783 : vector<16xi32>
    %bitcast3A_785 = vector.bitcast %or3A_784 : vector<16xi32> to vector<16xf32>
    %sub3A_786 = arith.constant 1.000000e+00 : f32
    %sub3A_787 = vector.broadcast %sub3A_786 : f32 to vector<16xf32>
    %sub3A_788 = arith.subf %bitcast3A_785, %sub3A_787 : vector<16xf32>
    %mul3A_789 = arith.constant -2.606630e-02 : f32
    %mul3A_790 = vector.broadcast %mul3A_789 : f32 to vector<16xf32>
    %mul3A_791 = arith.mulf %sub3A_788, %mul3A_790 : vector<16xf32>
    %add3A_792 = arith.constant 0.121914141 : f32
    %add3A_793 = vector.broadcast %add3A_792 : f32 to vector<16xf32>
    %add3A_794 = arith.addf %add3A_793, %mul3A_791 : vector<16xf32>
    %mul3A_795 = arith.mulf %sub3A_788, %add3A_794 : vector<16xf32>
    %add3A_796 = arith.constant -0.277365059 : f32
    %add3A_797 = vector.broadcast %add3A_796 : f32 to vector<16xf32>
    %add3A_798 = arith.addf %add3A_797, %mul3A_795 : vector<16xf32>
    %mul3A_799 = arith.mulf %sub3A_788, %add3A_798 : vector<16xf32>
    %add3A_800 = arith.constant 0.456894159 : f32
    %add3A_801 = vector.broadcast %add3A_800 : f32 to vector<16xf32>
    %add3A_802 = arith.addf %add3A_801, %mul3A_799 : vector<16xf32>
    %mul3A_803 = arith.mulf %sub3A_788, %add3A_802 : vector<16xf32>
    %add3A_804 = arith.constant -0.717898369 : f32
    %add3A_805 = vector.broadcast %add3A_804 : f32 to vector<16xf32>
    %add3A_806 = arith.addf %add3A_805, %mul3A_803 : vector<16xf32>
    %mul3A_807 = arith.mulf %sub3A_788, %add3A_806 : vector<16xf32>
    %add3A_808 = arith.constant 1.44251704 : f32
    %add3A_809 = vector.broadcast %add3A_808 : f32 to vector<16xf32>
    %add3A_810 = arith.addf %add3A_809, %mul3A_807 : vector<16xf32>
    %mul3A_811 = arith.mulf %sub3A_788, %add3A_810 : vector<16xf32>
    %convert_element_type3A_812 = arith.sitofp %sub3A_778 : vector<16xi32> to vector<16xf32>
    %add3A_813 = arith.addf %convert_element_type3A_812, %mul3A_811 : vector<16xf32>
    %mul3A_814 = arith.constant 0.693147182 : f32
    %mul3A_815 = vector.broadcast %mul3A_814 : f32 to vector<16xf32>
    %mul3A_816 = arith.mulf %add3A_813, %mul3A_815 : vector<16xf32>
    %swap3A_817 = arith.constant 2368 : index
    %swap3A_818 = tpu.vector_load %arg10[%swap3A_817] {strides = array<i32>} : memref<3072xf32, #tpu.memory_space<vmem>>, vector<16xf32>,
    tpu.vector_store %arg10[%swap3A_817], %mul3A_816 {strides = array<i32>} : memref<3072xf32, #tpu.memory_space<vmem>>, vector<16xf32>,
    %select_n3A_819 = arith.select %lt3A_730, %sub3A_721, %broadcast_in_dim3A_6 : vector<16xi1>, vector<16xf32>
    %bitcast3A_820 = vector.bitcast %select_n3A_819 : vector<16xf32> to vector<16xi32>
    %shift_right_arithmetic3A_821 = arith.constant 23 : i32
    %shift_right_arithmetic3A_822 = vector.broadcast %shift_right_arithmetic3A_821 : i32 to vector<16xi32>
    %shift_right_arithmetic3A_823 = arith.shrsi %bitcast3A_820, %shift_right_arithmetic3A_822 : vector<16xi32>
    %sub3A_824 = arith.constant 127 : i32
    %sub3A_825 = vector.broadcast %sub3A_824 : i32 to vector<16xi32>
    %sub3A_826 = arith.subi %shift_right_arithmetic3A_823, %sub3A_825 : vector<16xi32>
    %and3A_827 = arith.constant 8388607 : i32
    %and3A_828 = vector.broadcast %and3A_827 : i32 to vector<16xi32>
    %and3A_829 = arith.andi %bitcast3A_820, %and3A_828 : vector<16xi32>
    %or3A_830 = arith.constant 1065353216 : i32
    %or3A_831 = vector.broadcast %or3A_830 : i32 to vector<16xi32>
    %or3A_832 = arith.ori %and3A_829, %or3A_831 : vector<16xi32>
    %bitcast3A_833 = vector.bitcast %or3A_832 : vector<16xi32> to vector<16xf32>
    %sub3A_834 = arith.constant 1.000000e+00 : f32
    %sub3A_835 = vector.broadcast %sub3A_834 : f32 to vector<16xf32>
    %sub3A_836 = arith.subf %bitcast3A_833, %sub3A_835 : vector<16xf32>
    %mul3A_837 = arith.constant -2.606630e-02 : f32
    %mul3A_838 = vector.broadcast %mul3A_837 : f32 to vector<16xf32>
    %mul3A_839 = arith.mulf %sub3A_836, %mul3A_838 : vector<16xf32>
    %add3A_840 = arith.constant 0.121914141 : f32
    %add3A_841 = vector.broadcast %add3A_840 : f32 to vector<16xf32>
    %add3A_842 = arith.addf %add3A_841, %mul3A_839 : vector<16xf32>
    %mul3A_843 = arith.mulf %sub3A_836, %add3A_842 : vector<16xf32>
    %add3A_844 = arith.constant -0.277365059 : f32
    %add3A_845 = vector.broadcast %add3A_844 : f32 to vector<16xf32>
    %add3A_846 = arith.addf %add3A_845, %mul3A_843 : vector<16xf32>
    %mul3A_847 = arith.mulf %sub3A_836, %add3A_846 : vector<16xf32>
    %add3A_848 = arith.constant 0.456894159 : f32
    %add3A_849 = vector.broadcast %add3A_848 : f32 to vector<16xf32>
    %add3A_850 = arith.addf %add3A_849, %mul3A_847 : vector<16xf32>
    %mul3A_851 = arith.mulf %sub3A_836, %add3A_850 : vector<16xf32>
    %add3A_852 = arith.constant -0.717898369 : f32
    %add3A_853 = vector.broadcast %add3A_852 : f32 to vector<16xf32>
    %add3A_854 = arith.addf %add3A_853, %mul3A_851 : vector<16xf32>
    %mul3A_855 = arith.mulf %sub3A_836, %add3A_854 : vector<16xf32>
    %add3A_856 = arith.constant 1.44251704 : f32
    %add3A_857 = vector.broadcast %add3A_856 : f32 to vector<16xf32>
    %add3A_858 = arith.addf %add3A_857, %mul3A_855 : vector<16xf32>
    %mul3A_859 = arith.mulf %sub3A_836, %add3A_858 : vector<16xf32>
    %convert_element_type3A_860 = arith.sitofp %sub3A_826 : vector<16xi32> to vector<16xf32>
    %add3A_861 = arith.addf %convert_element_type3A_860, %mul3A_859 : vector<16xf32>
    %mul3A_862 = arith.constant 0.693147182 : f32
    %mul3A_863 = vector.broadcast %mul3A_862 : f32 to vector<16xf32>
    %mul3A_864 = arith.mulf %add3A_861, %mul3A_863 : vector<16xf32>
    %swap3A_865 = arith.constant 2624 : index
    %swap3A_866 = tpu.vector_load %arg10[%swap3A_865] {strides = array<i32>} : memref<3072xf32, #tpu.memory_space<vmem>>, vector<16xf32>,
    tpu.vector_store %arg10[%swap3A_865], %mul3A_864 {strides = array<i32>} : memref<3072xf32, #tpu.memory_space<vmem>>, vector<16xf32>,
    %add3A_867 = arith.constant 80 : i32
    %add3A_868 = vector.broadcast %add3A_867 : i32 to vector<16xi32>
    %add3A_869 = arith.addi %iota3A, %add3A_868 : vector<16xi32>
    %mul3A_870 = arith.constant 4 : i32
    %mul3A_871 = vector.broadcast %mul3A_870 : i32 to vector<16xi32>
    %mul3A_872 = arith.muli %add3A_869, %mul3A_871 : vector<16xi32>
    %gather3A_873 = tpu.vector_load_idx %arg9[%mul3A_872] : memref<832xf32, #tpu.memory_space<vmem>>[vector<16xi32>], vector<16xf32>,
    %add3A_874 = arith.constant 1 : i32
    %add3A_875 = vector.broadcast %add3A_874 : i32 to vector<16xi32>
    %add3A_876 = arith.addi %mul3A_872, %add3A_875 : vector<16xi32>
    %gather3A_877 = tpu.vector_load_idx %arg9[%add3A_876] : memref<832xf32, #tpu.memory_space<vmem>>[vector<16xi32>], vector<16xf32>,
    %add3A_878 = arith.constant 2 : i32
    %add3A_879 = vector.broadcast %add3A_878 : i32 to vector<16xi32>
    %add3A_880 = arith.addi %mul3A_872, %add3A_879 : vector<16xi32>
    %gather3A_881 = tpu.vector_load_idx %arg9[%add3A_880] : memref<832xf32, #tpu.memory_space<vmem>>[vector<16xi32>], vector<16xf32>,
    %add3A_882 = arith.constant 3 : i32
    %add3A_883 = vector.broadcast %add3A_882 : i32 to vector<16xi32>
    %add3A_884 = arith.addi %mul3A_872, %add3A_883 : vector<16xi32>
    %gather3A_885 = tpu.vector_load_idx %arg9[%add3A_884] : memref<832xf32, #tpu.memory_space<vmem>>[vector<16xi32>], vector<16xf32>,
    %add3A_886 = arith.addf %gather3A_873, %gather3A_881 : vector<16xf32>
    %mul3A_887 = arith.constant 5.000000e-01 : f32
    %mul3A_888 = vector.broadcast %mul3A_887 : f32 to vector<16xf32>
    %mul3A_889 = arith.mulf %add3A_886, %mul3A_888 : vector<16xf32>
    %add3A_890 = arith.addf %gather3A_877, %gather3A_885 : vector<16xf32>
    %mul3A_891 = arith.constant 5.000000e-01 : f32
    %mul3A_892 = vector.broadcast %mul3A_891 : f32 to vector<16xf32>
    %mul3A_893 = arith.mulf %add3A_890, %mul3A_892 : vector<16xf32>
    %sub3A_894 = arith.subf %gather3A_881, %gather3A_873 : vector<16xf32>
    %sub3A_895 = arith.subf %gather3A_885, %gather3A_877 : vector<16xf32>
    %mul3A_896 = arith.constant 5.000000e-01 : f32
    %mul3A_897 = vector.broadcast %mul3A_896 : f32 to vector<16xf32>
    %mul3A_898 = arith.mulf %sub3A_894, %mul3A_897 : vector<16xf32>
    %mul3A_899 = arith.constant 5.000000e-01 : f32
    %mul3A_900 = vector.broadcast %mul3A_899 : f32 to vector<16xf32>
    %mul3A_901 = arith.mulf %sub3A_895, %mul3A_900 : vector<16xf32>
    %lt3A_902 = arith.constant 200 : i32
    %lt3A_903 = vector.broadcast %lt3A_902 : i32 to vector<16xi32>
    %lt3A_904 = arith.cmpi slt, %add3A_869, %lt3A_903 : vector<16xi32>
    %sub3A_905 = arith.subf %mul3A_889, %mul3A_898 : vector<16xf32>
    %jit3A_906 = arith.constant 3.000000e+38 : f32
    %broadcast_in_dim3A_907 = vector.broadcast %jit3A_906 : f32 to vector<16xf32>
    %select_n3A_908 = arith.select %lt3A_904, %sub3A_905, %broadcast_in_dim3A_907 : vector<16xi1>, vector<16xf32>
    %swap3A_909 = arith.constant 80 : index
    %swap3A_910 = tpu.vector_load %arg10[%swap3A_909] {strides = array<i32>} : memref<3072xf32, #tpu.memory_space<vmem>>, vector<16xf32>,
    tpu.vector_store %arg10[%swap3A_909], %select_n3A_908 {strides = array<i32>} : memref<3072xf32, #tpu.memory_space<vmem>>, vector<16xf32>,
    %sub3A_911 = arith.subf %mul3A_893, %mul3A_901 : vector<16xf32>
    %jit3A_912 = arith.constant 3.000000e+38 : f32
    %broadcast_in_dim3A_913 = vector.broadcast %jit3A_912 : f32 to vector<16xf32>
    %select_n3A_914 = arith.select %lt3A_904, %sub3A_911, %broadcast_in_dim3A_913 : vector<16xi1>, vector<16xf32>
    %swap3A_915 = arith.constant 336 : index
    %swap3A_916 = tpu.vector_load %arg10[%swap3A_915] {strides = array<i32>} : memref<3072xf32, #tpu.memory_space<vmem>>, vector<16xf32>,
    tpu.vector_store %arg10[%swap3A_915], %select_n3A_914 {strides = array<i32>} : memref<3072xf32, #tpu.memory_space<vmem>>, vector<16xf32>,
    %add3A_917 = arith.addf %mul3A_889, %mul3A_898 : vector<16xf32>
    %neg3A_918 = arith.constant 0.000000e+00 : f32
    %neg3A_919 = arith.constant 3.000000e+38 : f32
    %neg3A_920 = arith.subf %neg3A_918, %neg3A_919 : f32
    %broadcast_in_dim3A_921 = vector.broadcast %neg3A_920 : f32 to vector<16xf32>
    %select_n3A_922 = arith.select %lt3A_904, %add3A_917, %broadcast_in_dim3A_921 : vector<16xi1>, vector<16xf32>
    %swap3A_923 = arith.constant 592 : index
    %swap3A_924 = tpu.vector_load %arg10[%swap3A_923] {strides = array<i32>} : memref<3072xf32, #tpu.memory_space<vmem>>, vector<16xf32>,
    tpu.vector_store %arg10[%swap3A_923], %select_n3A_922 {strides = array<i32>} : memref<3072xf32, #tpu.memory_space<vmem>>, vector<16xf32>,
    %add3A_925 = arith.addf %mul3A_893, %mul3A_901 : vector<16xf32>
    %neg3A_926 = arith.constant 0.000000e+00 : f32
    %neg3A_927 = arith.constant 3.000000e+38 : f32
    %neg3A_928 = arith.subf %neg3A_926, %neg3A_927 : f32
    %broadcast_in_dim3A_929 = vector.broadcast %neg3A_928 : f32 to vector<16xf32>
    %select_n3A_930 = arith.select %lt3A_904, %add3A_925, %broadcast_in_dim3A_929 : vector<16xi1>, vector<16xf32>
    %swap3A_931 = arith.constant 848 : index
    %swap3A_932 = tpu.vector_load %arg10[%swap3A_931] {strides = array<i32>} : memref<3072xf32, #tpu.memory_space<vmem>>, vector<16xf32>,
    tpu.vector_store %arg10[%swap3A_931], %select_n3A_930 {strides = array<i32>} : memref<3072xf32, #tpu.memory_space<vmem>>, vector<16xf32>,
    %mul3A_933 = arith.mulf %sub3A_894, %sub3A_895 : vector<16xf32>
    %select_n3A_934 = arith.select %lt3A_904, %mul3A_933, %broadcast_in_dim3A_4 : vector<16xi1>, vector<16xf32>
    %swap3A_935 = arith.constant 1104 : index
    %swap3A_936 = tpu.vector_load %arg10[%swap3A_935] {strides = array<i32>} : memref<3072xf32, #tpu.memory_space<vmem>>, vector<16xf32>,
    tpu.vector_store %arg10[%swap3A_935], %select_n3A_934 {strides = array<i32>} : memref<3072xf32, #tpu.memory_space<vmem>>, vector<16xf32>,
    %swap3A_937 = arith.constant 1360 : index
    %swap3A_938 = tpu.vector_load %arg10[%swap3A_937] {strides = array<i32>} : memref<3072xf32, #tpu.memory_space<vmem>>, vector<16xf32>,
    tpu.vector_store %arg10[%swap3A_937], %mul3A_889 {strides = array<i32>} : memref<3072xf32, #tpu.memory_space<vmem>>, vector<16xf32>,
    %swap3A_939 = arith.constant 1616 : index
    %swap3A_940 = tpu.vector_load %arg10[%swap3A_939] {strides = array<i32>} : memref<3072xf32, #tpu.memory_space<vmem>>, vector<16xf32>,
    tpu.vector_store %arg10[%swap3A_939], %mul3A_893 {strides = array<i32>} : memref<3072xf32, #tpu.memory_space<vmem>>, vector<16xf32>,
    %swap3A_941 = arith.constant 1872 : index
    %swap3A_942 = tpu.vector_load %arg10[%swap3A_941] {strides = array<i32>} : memref<3072xf32, #tpu.memory_space<vmem>>, vector<16xf32>,
    tpu.vector_store %arg10[%swap3A_941], %sub3A_894 {strides = array<i32>} : memref<3072xf32, #tpu.memory_space<vmem>>, vector<16xf32>,
    %swap3A_943 = arith.constant 2128 : index
    %swap3A_944 = tpu.vector_load %arg10[%swap3A_943] {strides = array<i32>} : memref<3072xf32, #tpu.memory_space<vmem>>, vector<16xf32>,
    tpu.vector_store %arg10[%swap3A_943], %sub3A_895 {strides = array<i32>} : memref<3072xf32, #tpu.memory_space<vmem>>, vector<16xf32>,
    %select_n3A_945 = arith.select %lt3A_904, %sub3A_894, %broadcast_in_dim3A_6 : vector<16xi1>, vector<16xf32>
    %bitcast3A_946 = vector.bitcast %select_n3A_945 : vector<16xf32> to vector<16xi32>
    %shift_right_arithmetic3A_947 = arith.constant 23 : i32
    %shift_right_arithmetic3A_948 = vector.broadcast %shift_right_arithmetic3A_947 : i32 to vector<16xi32>
    %shift_right_arithmetic3A_949 = arith.shrsi %bitcast3A_946, %shift_right_arithmetic3A_948 : vector<16xi32>
    %sub3A_950 = arith.constant 127 : i32
    %sub3A_951 = vector.broadcast %sub3A_950 : i32 to vector<16xi32>
    %sub3A_952 = arith.subi %shift_right_arithmetic3A_949, %sub3A_951 : vector<16xi32>
    %and3A_953 = arith.constant 8388607 : i32
    %and3A_954 = vector.broadcast %and3A_953 : i32 to vector<16xi32>
    %and3A_955 = arith.andi %bitcast3A_946, %and3A_954 : vector<16xi32>
    %or3A_956 = arith.constant 1065353216 : i32
    %or3A_957 = vector.broadcast %or3A_956 : i32 to vector<16xi32>
    %or3A_958 = arith.ori %and3A_955, %or3A_957 : vector<16xi32>
    %bitcast3A_959 = vector.bitcast %or3A_958 : vector<16xi32> to vector<16xf32>
    %sub3A_960 = arith.constant 1.000000e+00 : f32
    %sub3A_961 = vector.broadcast %sub3A_960 : f32 to vector<16xf32>
    %sub3A_962 = arith.subf %bitcast3A_959, %sub3A_961 : vector<16xf32>
    %mul3A_963 = arith.constant -2.606630e-02 : f32
    %mul3A_964 = vector.broadcast %mul3A_963 : f32 to vector<16xf32>
    %mul3A_965 = arith.mulf %sub3A_962, %mul3A_964 : vector<16xf32>
    %add3A_966 = arith.constant 0.121914141 : f32
    %add3A_967 = vector.broadcast %add3A_966 : f32 to vector<16xf32>
    %add3A_968 = arith.addf %add3A_967, %mul3A_965 : vector<16xf32>
    %mul3A_969 = arith.mulf %sub3A_962, %add3A_968 : vector<16xf32>
    %add3A_970 = arith.constant -0.277365059 : f32
    %add3A_971 = vector.broadcast %add3A_970 : f32 to vector<16xf32>
    %add3A_972 = arith.addf %add3A_971, %mul3A_969 : vector<16xf32>
    %mul3A_973 = arith.mulf %sub3A_962, %add3A_972 : vector<16xf32>
    %add3A_974 = arith.constant 0.456894159 : f32
    %add3A_975 = vector.broadcast %add3A_974 : f32 to vector<16xf32>
    %add3A_976 = arith.addf %add3A_975, %mul3A_973 : vector<16xf32>
    %mul3A_977 = arith.mulf %sub3A_962, %add3A_976 : vector<16xf32>
    %add3A_978 = arith.constant -0.717898369 : f32
    %add3A_979 = vector.broadcast %add3A_978 : f32 to vector<16xf32>
    %add3A_980 = arith.addf %add3A_979, %mul3A_977 : vector<16xf32>
    %mul3A_981 = arith.mulf %sub3A_962, %add3A_980 : vector<16xf32>
    %add3A_982 = arith.constant 1.44251704 : f32
    %add3A_983 = vector.broadcast %add3A_982 : f32 to vector<16xf32>
    %add3A_984 = arith.addf %add3A_983, %mul3A_981 : vector<16xf32>
    %mul3A_985 = arith.mulf %sub3A_962, %add3A_984 : vector<16xf32>
    %convert_element_type3A_986 = arith.sitofp %sub3A_952 : vector<16xi32> to vector<16xf32>
    %add3A_987 = arith.addf %convert_element_type3A_986, %mul3A_985 : vector<16xf32>
    %mul3A_988 = arith.constant 0.693147182 : f32
    %mul3A_989 = vector.broadcast %mul3A_988 : f32 to vector<16xf32>
    %mul3A_990 = arith.mulf %add3A_987, %mul3A_989 : vector<16xf32>
    %swap3A_991 = arith.constant 2384 : index
    %swap3A_992 = tpu.vector_load %arg10[%swap3A_991] {strides = array<i32>} : memref<3072xf32, #tpu.memory_space<vmem>>, vector<16xf32>,
    tpu.vector_store %arg10[%swap3A_991], %mul3A_990 {strides = array<i32>} : memref<3072xf32, #tpu.memory_space<vmem>>, vector<16xf32>,
    %select_n3A_993 = arith.select %lt3A_904, %sub3A_895, %broadcast_in_dim3A_6 : vector<16xi1>, vector<16xf32>
    %bitcast3A_994 = vector.bitcast %select_n3A_993 : vector<16xf32> to vector<16xi32>
    %shift_right_arithmetic3A_995 = arith.constant 23 : i32
    %shift_right_arithmetic3A_996 = vector.broadcast %shift_right_arithmetic3A_995 : i32 to vector<16xi32>
    %shift_right_arithmetic3A_997 = arith.shrsi %bitcast3A_994, %shift_right_arithmetic3A_996 : vector<16xi32>
    %sub3A_998 = arith.constant 127 : i32
    %sub3A_999 = vector.broadcast %sub3A_998 : i32 to vector<16xi32>
    %sub3A_1000 = arith.subi %shift_right_arithmetic3A_997, %sub3A_999 : vector<16xi32>
    %and3A_1001 = arith.constant 8388607 : i32
    %and3A_1002 = vector.broadcast %and3A_1001 : i32 to vector<16xi32>
    %and3A_1003 = arith.andi %bitcast3A_994, %and3A_1002 : vector<16xi32>
    %or3A_1004 = arith.constant 1065353216 : i32
    %or3A_1005 = vector.broadcast %or3A_1004 : i32 to vector<16xi32>
    %or3A_1006 = arith.ori %and3A_1003, %or3A_1005 : vector<16xi32>
    %bitcast3A_1007 = vector.bitcast %or3A_1006 : vector<16xi32> to vector<16xf32>
    %sub3A_1008 = arith.constant 1.000000e+00 : f32
    %sub3A_1009 = vector.broadcast %sub3A_1008 : f32 to vector<16xf32>
    %sub3A_1010 = arith.subf %bitcast3A_1007, %sub3A_1009 : vector<16xf32>
    %mul3A_1011 = arith.constant -2.606630e-02 : f32
    %mul3A_1012 = vector.broadcast %mul3A_1011 : f32 to vector<16xf32>
    %mul3A_1013 = arith.mulf %sub3A_1010, %mul3A_1012 : vector<16xf32>
    %add3A_1014 = arith.constant 0.121914141 : f32
    %add3A_1015 = vector.broadcast %add3A_1014 : f32 to vector<16xf32>
    %add3A_1016 = arith.addf %add3A_1015, %mul3A_1013 : vector<16xf32>
    %mul3A_1017 = arith.mulf %sub3A_1010, %add3A_1016 : vector<16xf32>
    %add3A_1018 = arith.constant -0.277365059 : f32
    %add3A_1019 = vector.broadcast %add3A_1018 : f32 to vector<16xf32>
    %add3A_1020 = arith.addf %add3A_1019, %mul3A_1017 : vector<16xf32>
    %mul3A_1021 = arith.mulf %sub3A_1010, %add3A_1020 : vector<16xf32>
    %add3A_1022 = arith.constant 0.456894159 : f32
    %add3A_1023 = vector.broadcast %add3A_1022 : f32 to vector<16xf32>
    %add3A_1024 = arith.addf %add3A_1023, %mul3A_1021 : vector<16xf32>
    %mul3A_1025 = arith.mulf %sub3A_1010, %add3A_1024 : vector<16xf32>
    %add3A_1026 = arith.constant -0.717898369 : f32
    %add3A_1027 = vector.broadcast %add3A_1026 : f32 to vector<16xf32>
    %add3A_1028 = arith.addf %add3A_1027, %mul3A_1025 : vector<16xf32>
    %mul3A_1029 = arith.mulf %sub3A_1010, %add3A_1028 : vector<16xf32>
    %add3A_1030 = arith.constant 1.44251704 : f32
    %add3A_1031 = vector.broadcast %add3A_1030 : f32 to vector<16xf32>
    %add3A_1032 = arith.addf %add3A_1031, %mul3A_1029 : vector<16xf32>
    %mul3A_1033 = arith.mulf %sub3A_1010, %add3A_1032 : vector<16xf32>
    %convert_element_type3A_1034 = arith.sitofp %sub3A_1000 : vector<16xi32> to vector<16xf32>
    %add3A_1035 = arith.addf %convert_element_type3A_1034, %mul3A_1033 : vector<16xf32>
    %mul3A_1036 = arith.constant 0.693147182 : f32
    %mul3A_1037 = vector.broadcast %mul3A_1036 : f32 to vector<16xf32>
    %mul3A_1038 = arith.mulf %add3A_1035, %mul3A_1037 : vector<16xf32>
    %swap3A_1039 = arith.constant 2640 : index
    %swap3A_1040 = tpu.vector_load %arg10[%swap3A_1039] {strides = array<i32>} : memref<3072xf32, #tpu.memory_space<vmem>>, vector<16xf32>,
    tpu.vector_store %arg10[%swap3A_1039], %mul3A_1038 {strides = array<i32>} : memref<3072xf32, #tpu.memory_space<vmem>>, vector<16xf32>,
    %add3A_1041 = arith.constant 96 : i32
    %add3A_1042 = vector.broadcast %add3A_1041 : i32 to vector<16xi32>
    %add3A_1043 = arith.addi %iota3A, %add3A_1042 : vector<16xi32>
    %mul3A_1044 = arith.constant 4 : i32
    %mul3A_1045 = vector.broadcast %mul3A_1044 : i32 to vector<16xi32>
    %mul3A_1046 = arith.muli %add3A_1043, %mul3A_1045 : vector<16xi32>
    %gather3A_1047 = tpu.vector_load_idx %arg9[%mul3A_1046] : memref<832xf32, #tpu.memory_space<vmem>>[vector<16xi32>], vector<16xf32>,
    %add3A_1048 = arith.constant 1 : i32
    %add3A_1049 = vector.broadcast %add3A_1048 : i32 to vector<16xi32>
    %add3A_1050 = arith.addi %mul3A_1046, %add3A_1049 : vector<16xi32>
    %gather3A_1051 = tpu.vector_load_idx %arg9[%add3A_1050] : memref<832xf32, #tpu.memory_space<vmem>>[vector<16xi32>], vector<16xf32>,
    %add3A_1052 = arith.constant 2 : i32
    %add3A_1053 = vector.broadcast %add3A_1052 : i32 to vector<16xi32>
    %add3A_1054 = arith.addi %mul3A_1046, %add3A_1053 : vector<16xi32>
    %gather3A_1055 = tpu.vector_load_idx %arg9[%add3A_1054] : memref<832xf32, #tpu.memory_space<vmem>>[vector<16xi32>], vector<16xf32>,
    %add3A_1056 = arith.constant 3 : i32
    %add3A_1057 = vector.broadcast %add3A_1056 : i32 to vector<16xi32>
    %add3A_1058 = arith.addi %mul3A_1046, %add3A_1057 : vector<16xi32>
    %gather3A_1059 = tpu.vector_load_idx %arg9[%add3A_1058] : memref<832xf32, #tpu.memory_space<vmem>>[vector<16xi32>], vector<16xf32>,
    %add3A_1060 = arith.addf %gather3A_1047, %gather3A_1055 : vector<16xf32>
    %mul3A_1061 = arith.constant 5.000000e-01 : f32
    %mul3A_1062 = vector.broadcast %mul3A_1061 : f32 to vector<16xf32>
    %mul3A_1063 = arith.mulf %add3A_1060, %mul3A_1062 : vector<16xf32>
    %add3A_1064 = arith.addf %gather3A_1051, %gather3A_1059 : vector<16xf32>
    %mul3A_1065 = arith.constant 5.000000e-01 : f32
    %mul3A_1066 = vector.broadcast %mul3A_1065 : f32 to vector<16xf32>
    %mul3A_1067 = arith.mulf %add3A_1064, %mul3A_1066 : vector<16xf32>
    %sub3A_1068 = arith.subf %gather3A_1055, %gather3A_1047 : vector<16xf32>
    %sub3A_1069 = arith.subf %gather3A_1059, %gather3A_1051 : vector<16xf32>
    %mul3A_1070 = arith.constant 5.000000e-01 : f32
    %mul3A_1071 = vector.broadcast %mul3A_1070 : f32 to vector<16xf32>
    %mul3A_1072 = arith.mulf %sub3A_1068, %mul3A_1071 : vector<16xf32>
    %mul3A_1073 = arith.constant 5.000000e-01 : f32
    %mul3A_1074 = vector.broadcast %mul3A_1073 : f32 to vector<16xf32>
    %mul3A_1075 = arith.mulf %sub3A_1069, %mul3A_1074 : vector<16xf32>
    %lt3A_1076 = arith.constant 200 : i32
    %lt3A_1077 = vector.broadcast %lt3A_1076 : i32 to vector<16xi32>
    %lt3A_1078 = arith.cmpi slt, %add3A_1043, %lt3A_1077 : vector<16xi32>
    %sub3A_1079 = arith.subf %mul3A_1063, %mul3A_1072 : vector<16xf32>
    %jit3A_1080 = arith.constant 3.000000e+38 : f32
    %broadcast_in_dim3A_1081 = vector.broadcast %jit3A_1080 : f32 to vector<16xf32>
    %select_n3A_1082 = arith.select %lt3A_1078, %sub3A_1079, %broadcast_in_dim3A_1081 : vector<16xi1>, vector<16xf32>
    %swap3A_1083 = arith.constant 96 : index
    %swap3A_1084 = tpu.vector_load %arg10[%swap3A_1083] {strides = array<i32>} : memref<3072xf32, #tpu.memory_space<vmem>>, vector<16xf32>,
    tpu.vector_store %arg10[%swap3A_1083], %select_n3A_1082 {strides = array<i32>} : memref<3072xf32, #tpu.memory_space<vmem>>, vector<16xf32>,
    %sub3A_1085 = arith.subf %mul3A_1067, %mul3A_1075 : vector<16xf32>
    %jit3A_1086 = arith.constant 3.000000e+38 : f32
    %broadcast_in_dim3A_1087 = vector.broadcast %jit3A_1086 : f32 to vector<16xf32>
    %select_n3A_1088 = arith.select %lt3A_1078, %sub3A_1085, %broadcast_in_dim3A_1087 : vector<16xi1>, vector<16xf32>
    %swap3A_1089 = arith.constant 352 : index
    %swap3A_1090 = tpu.vector_load %arg10[%swap3A_1089] {strides = array<i32>} : memref<3072xf32, #tpu.memory_space<vmem>>, vector<16xf32>,
    tpu.vector_store %arg10[%swap3A_1089], %select_n3A_1088 {strides = array<i32>} : memref<3072xf32, #tpu.memory_space<vmem>>, vector<16xf32>,
    %add3A_1091 = arith.addf %mul3A_1063, %mul3A_1072 : vector<16xf32>
    %neg3A_1092 = arith.constant 0.000000e+00 : f32
    %neg3A_1093 = arith.constant 3.000000e+38 : f32
    %neg3A_1094 = arith.subf %neg3A_1092, %neg3A_1093 : f32
    %broadcast_in_dim3A_1095 = vector.broadcast %neg3A_1094 : f32 to vector<16xf32>
    %select_n3A_1096 = arith.select %lt3A_1078, %add3A_1091, %broadcast_in_dim3A_1095 : vector<16xi1>, vector<16xf32>
    %swap3A_1097 = arith.constant 608 : index
    %swap3A_1098 = tpu.vector_load %arg10[%swap3A_1097] {strides = array<i32>} : memref<3072xf32, #tpu.memory_space<vmem>>, vector<16xf32>,
    tpu.vector_store %arg10[%swap3A_1097], %select_n3A_1096 {strides = array<i32>} : memref<3072xf32, #tpu.memory_space<vmem>>, vector<16xf32>,
    %add3A_1099 = arith.addf %mul3A_1067, %mul3A_1075 : vector<16xf32>
    %neg3A_1100 = arith.constant 0.000000e+00 : f32
    %neg3A_1101 = arith.constant 3.000000e+38 : f32
    %neg3A_1102 = arith.subf %neg3A_1100, %neg3A_1101 : f32
    %broadcast_in_dim3A_1103 = vector.broadcast %neg3A_1102 : f32 to vector<16xf32>
    %select_n3A_1104 = arith.select %lt3A_1078, %add3A_1099, %broadcast_in_dim3A_1103 : vector<16xi1>, vector<16xf32>
    %swap3A_1105 = arith.constant 864 : index
    %swap3A_1106 = tpu.vector_load %arg10[%swap3A_1105] {strides = array<i32>} : memref<3072xf32, #tpu.memory_space<vmem>>, vector<16xf32>,
    tpu.vector_store %arg10[%swap3A_1105], %select_n3A_1104 {strides = array<i32>} : memref<3072xf32, #tpu.memory_space<vmem>>, vector<16xf32>,
    %mul3A_1107 = arith.mulf %sub3A_1068, %sub3A_1069 : vector<16xf32>
    %select_n3A_1108 = arith.select %lt3A_1078, %mul3A_1107, %broadcast_in_dim3A_4 : vector<16xi1>, vector<16xf32>
    %swap3A_1109 = arith.constant 1120 : index
    %swap3A_1110 = tpu.vector_load %arg10[%swap3A_1109] {strides = array<i32>} : memref<3072xf32, #tpu.memory_space<vmem>>, vector<16xf32>,
    tpu.vector_store %arg10[%swap3A_1109], %select_n3A_1108 {strides = array<i32>} : memref<3072xf32, #tpu.memory_space<vmem>>, vector<16xf32>,
    %swap3A_1111 = arith.constant 1376 : index
    %swap3A_1112 = tpu.vector_load %arg10[%swap3A_1111] {strides = array<i32>} : memref<3072xf32, #tpu.memory_space<vmem>>, vector<16xf32>,
    tpu.vector_store %arg10[%swap3A_1111], %mul3A_1063 {strides = array<i32>} : memref<3072xf32, #tpu.memory_space<vmem>>, vector<16xf32>,
    %swap3A_1113 = arith.constant 1632 : index
    %swap3A_1114 = tpu.vector_load %arg10[%swap3A_1113] {strides = array<i32>} : memref<3072xf32, #tpu.memory_space<vmem>>, vector<16xf32>,
    tpu.vector_store %arg10[%swap3A_1113], %mul3A_1067 {strides = array<i32>} : memref<3072xf32, #tpu.memory_space<vmem>>, vector<16xf32>,
    %swap3A_1115 = arith.constant 1888 : index
    %swap3A_1116 = tpu.vector_load %arg10[%swap3A_1115] {strides = array<i32>} : memref<3072xf32, #tpu.memory_space<vmem>>, vector<16xf32>,
    tpu.vector_store %arg10[%swap3A_1115], %sub3A_1068 {strides = array<i32>} : memref<3072xf32, #tpu.memory_space<vmem>>, vector<16xf32>,
    %swap3A_1117 = arith.constant 2144 : index
    %swap3A_1118 = tpu.vector_load %arg10[%swap3A_1117] {strides = array<i32>} : memref<3072xf32, #tpu.memory_space<vmem>>, vector<16xf32>,
    tpu.vector_store %arg10[%swap3A_1117], %sub3A_1069 {strides = array<i32>} : memref<3072xf32, #tpu.memory_space<vmem>>, vector<16xf32>,
    %select_n3A_1119 = arith.select %lt3A_1078, %sub3A_1068, %broadcast_in_dim3A_6 : vector<16xi1>, vector<16xf32>
    %bitcast3A_1120 = vector.bitcast %select_n3A_1119 : vector<16xf32> to vector<16xi32>
    %shift_right_arithmetic3A_1121 = arith.constant 23 : i32
    %shift_right_arithmetic3A_1122 = vector.broadcast %shift_right_arithmetic3A_1121 : i32 to vector<16xi32>
    %shift_right_arithmetic3A_1123 = arith.shrsi %bitcast3A_1120, %shift_right_arithmetic3A_1122 : vector<16xi32>
    %sub3A_1124 = arith.constant 127 : i32
    %sub3A_1125 = vector.broadcast %sub3A_1124 : i32 to vector<16xi32>
    %sub3A_1126 = arith.subi %shift_right_arithmetic3A_1123, %sub3A_1125 : vector<16xi32>
    %and3A_1127 = arith.constant 8388607 : i32
    %and3A_1128 = vector.broadcast %and3A_1127 : i32 to vector<16xi32>
    %and3A_1129 = arith.andi %bitcast3A_1120, %and3A_1128 : vector<16xi32>
    %or3A_1130 = arith.constant 1065353216 : i32
    %or3A_1131 = vector.broadcast %or3A_1130 : i32 to vector<16xi32>
    %or3A_1132 = arith.ori %and3A_1129, %or3A_1131 : vector<16xi32>
    %bitcast3A_1133 = vector.bitcast %or3A_1132 : vector<16xi32> to vector<16xf32>
    %sub3A_1134 = arith.constant 1.000000e+00 : f32
    %sub3A_1135 = vector.broadcast %sub3A_1134 : f32 to vector<16xf32>
    %sub3A_1136 = arith.subf %bitcast3A_1133, %sub3A_1135 : vector<16xf32>
    %mul3A_1137 = arith.constant -2.606630e-02 : f32
    %mul3A_1138 = vector.broadcast %mul3A_1137 : f32 to vector<16xf32>
    %mul3A_1139 = arith.mulf %sub3A_1136, %mul3A_1138 : vector<16xf32>
    %add3A_1140 = arith.constant 0.121914141 : f32
    %add3A_1141 = vector.broadcast %add3A_1140 : f32 to vector<16xf32>
    %add3A_1142 = arith.addf %add3A_1141, %mul3A_1139 : vector<16xf32>
    %mul3A_1143 = arith.mulf %sub3A_1136, %add3A_1142 : vector<16xf32>
    %add3A_1144 = arith.constant -0.277365059 : f32
    %add3A_1145 = vector.broadcast %add3A_1144 : f32 to vector<16xf32>
    %add3A_1146 = arith.addf %add3A_1145, %mul3A_1143 : vector<16xf32>
    %mul3A_1147 = arith.mulf %sub3A_1136, %add3A_1146 : vector<16xf32>
    %add3A_1148 = arith.constant 0.456894159 : f32
    %add3A_1149 = vector.broadcast %add3A_1148 : f32 to vector<16xf32>
    %add3A_1150 = arith.addf %add3A_1149, %mul3A_1147 : vector<16xf32>
    %mul3A_1151 = arith.mulf %sub3A_1136, %add3A_1150 : vector<16xf32>
    %add3A_1152 = arith.constant -0.717898369 : f32
    %add3A_1153 = vector.broadcast %add3A_1152 : f32 to vector<16xf32>
    %add3A_1154 = arith.addf %add3A_1153, %mul3A_1151 : vector<16xf32>
    %mul3A_1155 = arith.mulf %sub3A_1136, %add3A_1154 : vector<16xf32>
    %add3A_1156 = arith.constant 1.44251704 : f32
    %add3A_1157 = vector.broadcast %add3A_1156 : f32 to vector<16xf32>
    %add3A_1158 = arith.addf %add3A_1157, %mul3A_1155 : vector<16xf32>
    %mul3A_1159 = arith.mulf %sub3A_1136, %add3A_1158 : vector<16xf32>
    %convert_element_type3A_1160 = arith.sitofp %sub3A_1126 : vector<16xi32> to vector<16xf32>
    %add3A_1161 = arith.addf %convert_element_type3A_1160, %mul3A_1159 : vector<16xf32>
    %mul3A_1162 = arith.constant 0.693147182 : f32
    %mul3A_1163 = vector.broadcast %mul3A_1162 : f32 to vector<16xf32>
    %mul3A_1164 = arith.mulf %add3A_1161, %mul3A_1163 : vector<16xf32>
    %swap3A_1165 = arith.constant 2400 : index
    %swap3A_1166 = tpu.vector_load %arg10[%swap3A_1165] {strides = array<i32>} : memref<3072xf32, #tpu.memory_space<vmem>>, vector<16xf32>,
    tpu.vector_store %arg10[%swap3A_1165], %mul3A_1164 {strides = array<i32>} : memref<3072xf32, #tpu.memory_space<vmem>>, vector<16xf32>,
    %select_n3A_1167 = arith.select %lt3A_1078, %sub3A_1069, %broadcast_in_dim3A_6 : vector<16xi1>, vector<16xf32>
    %bitcast3A_1168 = vector.bitcast %select_n3A_1167 : vector<16xf32> to vector<16xi32>
    %shift_right_arithmetic3A_1169 = arith.constant 23 : i32
    %shift_right_arithmetic3A_1170 = vector.broadcast %shift_right_arithmetic3A_1169 : i32 to vector<16xi32>
    %shift_right_arithmetic3A_1171 = arith.shrsi %bitcast3A_1168, %shift_right_arithmetic3A_1170 : vector<16xi32>
    %sub3A_1172 = arith.constant 127 : i32
    %sub3A_1173 = vector.broadcast %sub3A_1172 : i32 to vector<16xi32>
    %sub3A_1174 = arith.subi %shift_right_arithmetic3A_1171, %sub3A_1173 : vector<16xi32>
    %and3A_1175 = arith.constant 8388607 : i32
    %and3A_1176 = vector.broadcast %and3A_1175 : i32 to vector<16xi32>
    %and3A_1177 = arith.andi %bitcast3A_1168, %and3A_1176 : vector<16xi32>
    %or3A_1178 = arith.constant 1065353216 : i32
    %or3A_1179 = vector.broadcast %or3A_1178 : i32 to vector<16xi32>
    %or3A_1180 = arith.ori %and3A_1177, %or3A_1179 : vector<16xi32>
    %bitcast3A_1181 = vector.bitcast %or3A_1180 : vector<16xi32> to vector<16xf32>
    %sub3A_1182 = arith.constant 1.000000e+00 : f32
    %sub3A_1183 = vector.broadcast %sub3A_1182 : f32 to vector<16xf32>
    %sub3A_1184 = arith.subf %bitcast3A_1181, %sub3A_1183 : vector<16xf32>
    %mul3A_1185 = arith.constant -2.606630e-02 : f32
    %mul3A_1186 = vector.broadcast %mul3A_1185 : f32 to vector<16xf32>
    %mul3A_1187 = arith.mulf %sub3A_1184, %mul3A_1186 : vector<16xf32>
    %add3A_1188 = arith.constant 0.121914141 : f32
    %add3A_1189 = vector.broadcast %add3A_1188 : f32 to vector<16xf32>
    %add3A_1190 = arith.addf %add3A_1189, %mul3A_1187 : vector<16xf32>
    %mul3A_1191 = arith.mulf %sub3A_1184, %add3A_1190 : vector<16xf32>
    %add3A_1192 = arith.constant -0.277365059 : f32
    %add3A_1193 = vector.broadcast %add3A_1192 : f32 to vector<16xf32>
    %add3A_1194 = arith.addf %add3A_1193, %mul3A_1191 : vector<16xf32>
    %mul3A_1195 = arith.mulf %sub3A_1184, %add3A_1194 : vector<16xf32>
    %add3A_1196 = arith.constant 0.456894159 : f32
    %add3A_1197 = vector.broadcast %add3A_1196 : f32 to vector<16xf32>
    %add3A_1198 = arith.addf %add3A_1197, %mul3A_1195 : vector<16xf32>
    %mul3A_1199 = arith.mulf %sub3A_1184, %add3A_1198 : vector<16xf32>
    %add3A_1200 = arith.constant -0.717898369 : f32
    %add3A_1201 = vector.broadcast %add3A_1200 : f32 to vector<16xf32>
    %add3A_1202 = arith.addf %add3A_1201, %mul3A_1199 : vector<16xf32>
    %mul3A_1203 = arith.mulf %sub3A_1184, %add3A_1202 : vector<16xf32>
    %add3A_1204 = arith.constant 1.44251704 : f32
    %add3A_1205 = vector.broadcast %add3A_1204 : f32 to vector<16xf32>
    %add3A_1206 = arith.addf %add3A_1205, %mul3A_1203 : vector<16xf32>
    %mul3A_1207 = arith.mulf %sub3A_1184, %add3A_1206 : vector<16xf32>
    %convert_element_type3A_1208 = arith.sitofp %sub3A_1174 : vector<16xi32> to vector<16xf32>
    %add3A_1209 = arith.addf %convert_element_type3A_1208, %mul3A_1207 : vector<16xf32>
    %mul3A_1210 = arith.constant 0.693147182 : f32
    %mul3A_1211 = vector.broadcast %mul3A_1210 : f32 to vector<16xf32>
    %mul3A_1212 = arith.mulf %add3A_1209, %mul3A_1211 : vector<16xf32>
    %swap3A_1213 = arith.constant 2656 : index
    %swap3A_1214 = tpu.vector_load %arg10[%swap3A_1213] {strides = array<i32>} : memref<3072xf32, #tpu.memory_space<vmem>>, vector<16xf32>,
    tpu.vector_store %arg10[%swap3A_1213], %mul3A_1212 {strides = array<i32>} : memref<3072xf32, #tpu.memory_space<vmem>>, vector<16xf32>,
    %add3A_1215 = arith.constant 112 : i32
    %add3A_1216 = vector.broadcast %add3A_1215 : i32 to vector<16xi32>
    %add3A_1217 = arith.addi %iota3A, %add3A_1216 : vector<16xi32>
    %mul3A_1218 = arith.constant 4 : i32
    %mul3A_1219 = vector.broadcast %mul3A_1218 : i32 to vector<16xi32>
    %mul3A_1220 = arith.muli %add3A_1217, %mul3A_1219 : vector<16xi32>
    %gather3A_1221 = tpu.vector_load_idx %arg9[%mul3A_1220] : memref<832xf32, #tpu.memory_space<vmem>>[vector<16xi32>], vector<16xf32>,
    %add3A_1222 = arith.constant 1 : i32
    %add3A_1223 = vector.broadcast %add3A_1222 : i32 to vector<16xi32>
    %add3A_1224 = arith.addi %mul3A_1220, %add3A_1223 : vector<16xi32>
    %gather3A_1225 = tpu.vector_load_idx %arg9[%add3A_1224] : memref<832xf32, #tpu.memory_space<vmem>>[vector<16xi32>], vector<16xf32>,
    %add3A_1226 = arith.constant 2 : i32
    %add3A_1227 = vector.broadcast %add3A_1226 : i32 to vector<16xi32>
    %add3A_1228 = arith.addi %mul3A_1220, %add3A_1227 : vector<16xi32>
    %gather3A_1229 = tpu.vector_load_idx %arg9[%add3A_1228] : memref<832xf32, #tpu.memory_space<vmem>>[vector<16xi32>], vector<16xf32>,
    %add3A_1230 = arith.constant 3 : i32
    %add3A_1231 = vector.broadcast %add3A_1230 : i32 to vector<16xi32>
    %add3A_1232 = arith.addi %mul3A_1220, %add3A_1231 : vector<16xi32>
    %gather3A_1233 = tpu.vector_load_idx %arg9[%add3A_1232] : memref<832xf32, #tpu.memory_space<vmem>>[vector<16xi32>], vector<16xf32>,
    %add3A_1234 = arith.addf %gather3A_1221, %gather3A_1229 : vector<16xf32>
    %mul3A_1235 = arith.constant 5.000000e-01 : f32
    %mul3A_1236 = vector.broadcast %mul3A_1235 : f32 to vector<16xf32>
    %mul3A_1237 = arith.mulf %add3A_1234, %mul3A_1236 : vector<16xf32>
    %add3A_1238 = arith.addf %gather3A_1225, %gather3A_1233 : vector<16xf32>
    %mul3A_1239 = arith.constant 5.000000e-01 : f32
    %mul3A_1240 = vector.broadcast %mul3A_1239 : f32 to vector<16xf32>
    %mul3A_1241 = arith.mulf %add3A_1238, %mul3A_1240 : vector<16xf32>
    %sub3A_1242 = arith.subf %gather3A_1229, %gather3A_1221 : vector<16xf32>
    %sub3A_1243 = arith.subf %gather3A_1233, %gather3A_1225 : vector<16xf32>
    %mul3A_1244 = arith.constant 5.000000e-01 : f32
    %mul3A_1245 = vector.broadcast %mul3A_1244 : f32 to vector<16xf32>
    %mul3A_1246 = arith.mulf %sub3A_1242, %mul3A_1245 : vector<16xf32>
    %mul3A_1247 = arith.constant 5.000000e-01 : f32
    %mul3A_1248 = vector.broadcast %mul3A_1247 : f32 to vector<16xf32>
    %mul3A_1249 = arith.mulf %sub3A_1243, %mul3A_1248 : vector<16xf32>
    %lt3A_1250 = arith.constant 200 : i32
    %lt3A_1251 = vector.broadcast %lt3A_1250 : i32 to vector<16xi32>
    %lt3A_1252 = arith.cmpi slt, %add3A_1217, %lt3A_1251 : vector<16xi32>
    %sub3A_1253 = arith.subf %mul3A_1237, %mul3A_1246 : vector<16xf32>
    %jit3A_1254 = arith.constant 3.000000e+38 : f32
    %broadcast_in_dim3A_1255 = vector.broadcast %jit3A_1254 : f32 to vector<16xf32>
    %select_n3A_1256 = arith.select %lt3A_1252, %sub3A_1253, %broadcast_in_dim3A_1255 : vector<16xi1>, vector<16xf32>
    %swap3A_1257 = arith.constant 112 : index
    %swap3A_1258 = tpu.vector_load %arg10[%swap3A_1257] {strides = array<i32>} : memref<3072xf32, #tpu.memory_space<vmem>>, vector<16xf32>,
    tpu.vector_store %arg10[%swap3A_1257], %select_n3A_1256 {strides = array<i32>} : memref<3072xf32, #tpu.memory_space<vmem>>, vector<16xf32>,
    %sub3A_1259 = arith.subf %mul3A_1241, %mul3A_1249 : vector<16xf32>
    %jit3A_1260 = arith.constant 3.000000e+38 : f32
    %broadcast_in_dim3A_1261 = vector.broadcast %jit3A_1260 : f32 to vector<16xf32>
    %select_n3A_1262 = arith.select %lt3A_1252, %sub3A_1259, %broadcast_in_dim3A_1261 : vector<16xi1>, vector<16xf32>
    %swap3A_1263 = arith.constant 368 : index
    %swap3A_1264 = tpu.vector_load %arg10[%swap3A_1263] {strides = array<i32>} : memref<3072xf32, #tpu.memory_space<vmem>>, vector<16xf32>,
    tpu.vector_store %arg10[%swap3A_1263], %select_n3A_1262 {strides = array<i32>} : memref<3072xf32, #tpu.memory_space<vmem>>, vector<16xf32>,
    %add3A_1265 = arith.addf %mul3A_1237, %mul3A_1246 : vector<16xf32>
    %neg3A_1266 = arith.constant 0.000000e+00 : f32
    %neg3A_1267 = arith.constant 3.000000e+38 : f32
    %neg3A_1268 = arith.subf %neg3A_1266, %neg3A_1267 : f32
    %broadcast_in_dim3A_1269 = vector.broadcast %neg3A_1268 : f32 to vector<16xf32>
    %select_n3A_1270 = arith.select %lt3A_1252, %add3A_1265, %broadcast_in_dim3A_1269 : vector<16xi1>, vector<16xf32>
    %swap3A_1271 = arith.constant 624 : index
    %swap3A_1272 = tpu.vector_load %arg10[%swap3A_1271] {strides = array<i32>} : memref<3072xf32, #tpu.memory_space<vmem>>, vector<16xf32>,
    tpu.vector_store %arg10[%swap3A_1271], %select_n3A_1270 {strides = array<i32>} : memref<3072xf32, #tpu.memory_space<vmem>>, vector<16xf32>,
    %add3A_1273 = arith.addf %mul3A_1241, %mul3A_1249 : vector<16xf32>
    %neg3A_1274 = arith.constant 0.000000e+00 : f32
    %neg3A_1275 = arith.constant 3.000000e+38 : f32
    %neg3A_1276 = arith.subf %neg3A_1274, %neg3A_1275 : f32
    %broadcast_in_dim3A_1277 = vector.broadcast %neg3A_1276 : f32 to vector<16xf32>
    %select_n3A_1278 = arith.select %lt3A_1252, %add3A_1273, %broadcast_in_dim3A_1277 : vector<16xi1>, vector<16xf32>
    %swap3A_1279 = arith.constant 880 : index
    %swap3A_1280 = tpu.vector_load %arg10[%swap3A_1279] {strides = array<i32>} : memref<3072xf32, #tpu.memory_space<vmem>>, vector<16xf32>,
    tpu.vector_store %arg10[%swap3A_1279], %select_n3A_1278 {strides = array<i32>} : memref<3072xf32, #tpu.memory_space<vmem>>, vector<16xf32>,
    %mul3A_1281 = arith.mulf %sub3A_1242, %sub3A_1243 : vector<16xf32>
    %select_n3A_1282 = arith.select %lt3A_1252, %mul3A_1281, %broadcast_in_dim3A_4 : vector<16xi1>, vector<16xf32>
    %swap3A_1283 = arith.constant 1136 : index
    %swap3A_1284 = tpu.vector_load %arg10[%swap3A_1283] {strides = array<i32>} : memref<3072xf32, #tpu.memory_space<vmem>>, vector<16xf32>,
    tpu.vector_store %arg10[%swap3A_1283], %select_n3A_1282 {strides = array<i32>} : memref<3072xf32, #tpu.memory_space<vmem>>, vector<16xf32>,
    %swap3A_1285 = arith.constant 1392 : index
    %swap3A_1286 = tpu.vector_load %arg10[%swap3A_1285] {strides = array<i32>} : memref<3072xf32, #tpu.memory_space<vmem>>, vector<16xf32>,
    tpu.vector_store %arg10[%swap3A_1285], %mul3A_1237 {strides = array<i32>} : memref<3072xf32, #tpu.memory_space<vmem>>, vector<16xf32>,
    %swap3A_1287 = arith.constant 1648 : index
    %swap3A_1288 = tpu.vector_load %arg10[%swap3A_1287] {strides = array<i32>} : memref<3072xf32, #tpu.memory_space<vmem>>, vector<16xf32>,
    tpu.vector_store %arg10[%swap3A_1287], %mul3A_1241 {strides = array<i32>} : memref<3072xf32, #tpu.memory_space<vmem>>, vector<16xf32>,
    %swap3A_1289 = arith.constant 1904 : index
    %swap3A_1290 = tpu.vector_load %arg10[%swap3A_1289] {strides = array<i32>} : memref<3072xf32, #tpu.memory_space<vmem>>, vector<16xf32>,
    tpu.vector_store %arg10[%swap3A_1289], %sub3A_1242 {strides = array<i32>} : memref<3072xf32, #tpu.memory_space<vmem>>, vector<16xf32>,
    %swap3A_1291 = arith.constant 2160 : index
    %swap3A_1292 = tpu.vector_load %arg10[%swap3A_1291] {strides = array<i32>} : memref<3072xf32, #tpu.memory_space<vmem>>, vector<16xf32>,
    tpu.vector_store %arg10[%swap3A_1291], %sub3A_1243 {strides = array<i32>} : memref<3072xf32, #tpu.memory_space<vmem>>, vector<16xf32>,
    %select_n3A_1293 = arith.select %lt3A_1252, %sub3A_1242, %broadcast_in_dim3A_6 : vector<16xi1>, vector<16xf32>
    %bitcast3A_1294 = vector.bitcast %select_n3A_1293 : vector<16xf32> to vector<16xi32>
    %shift_right_arithmetic3A_1295 = arith.constant 23 : i32
    %shift_right_arithmetic3A_1296 = vector.broadcast %shift_right_arithmetic3A_1295 : i32 to vector<16xi32>
    %shift_right_arithmetic3A_1297 = arith.shrsi %bitcast3A_1294, %shift_right_arithmetic3A_1296 : vector<16xi32>
    %sub3A_1298 = arith.constant 127 : i32
    %sub3A_1299 = vector.broadcast %sub3A_1298 : i32 to vector<16xi32>
    %sub3A_1300 = arith.subi %shift_right_arithmetic3A_1297, %sub3A_1299 : vector<16xi32>
    %and3A_1301 = arith.constant 8388607 : i32
    %and3A_1302 = vector.broadcast %and3A_1301 : i32 to vector<16xi32>
    %and3A_1303 = arith.andi %bitcast3A_1294, %and3A_1302 : vector<16xi32>
    %or3A_1304 = arith.constant 1065353216 : i32
    %or3A_1305 = vector.broadcast %or3A_1304 : i32 to vector<16xi32>
    %or3A_1306 = arith.ori %and3A_1303, %or3A_1305 : vector<16xi32>
    %bitcast3A_1307 = vector.bitcast %or3A_1306 : vector<16xi32> to vector<16xf32>
    %sub3A_1308 = arith.constant 1.000000e+00 : f32
    %sub3A_1309 = vector.broadcast %sub3A_1308 : f32 to vector<16xf32>
    %sub3A_1310 = arith.subf %bitcast3A_1307, %sub3A_1309 : vector<16xf32>
    %mul3A_1311 = arith.constant -2.606630e-02 : f32
    %mul3A_1312 = vector.broadcast %mul3A_1311 : f32 to vector<16xf32>
    %mul3A_1313 = arith.mulf %sub3A_1310, %mul3A_1312 : vector<16xf32>
    %add3A_1314 = arith.constant 0.121914141 : f32
    %add3A_1315 = vector.broadcast %add3A_1314 : f32 to vector<16xf32>
    %add3A_1316 = arith.addf %add3A_1315, %mul3A_1313 : vector<16xf32>
    %mul3A_1317 = arith.mulf %sub3A_1310, %add3A_1316 : vector<16xf32>
    %add3A_1318 = arith.constant -0.277365059 : f32
    %add3A_1319 = vector.broadcast %add3A_1318 : f32 to vector<16xf32>
    %add3A_1320 = arith.addf %add3A_1319, %mul3A_1317 : vector<16xf32>
    %mul3A_1321 = arith.mulf %sub3A_1310, %add3A_1320 : vector<16xf32>
    %add3A_1322 = arith.constant 0.456894159 : f32
    %add3A_1323 = vector.broadcast %add3A_1322 : f32 to vector<16xf32>
    %add3A_1324 = arith.addf %add3A_1323, %mul3A_1321 : vector<16xf32>
    %mul3A_1325 = arith.mulf %sub3A_1310, %add3A_1324 : vector<16xf32>
    %add3A_1326 = arith.constant -0.717898369 : f32
    %add3A_1327 = vector.broadcast %add3A_1326 : f32 to vector<16xf32>
    %add3A_1328 = arith.addf %add3A_1327, %mul3A_1325 : vector<16xf32>
    %mul3A_1329 = arith.mulf %sub3A_1310, %add3A_1328 : vector<16xf32>
    %add3A_1330 = arith.constant 1.44251704 : f32
    %add3A_1331 = vector.broadcast %add3A_1330 : f32 to vector<16xf32>
    %add3A_1332 = arith.addf %add3A_1331, %mul3A_1329 : vector<16xf32>
    %mul3A_1333 = arith.mulf %sub3A_1310, %add3A_1332 : vector<16xf32>
    %convert_element_type3A_1334 = arith.sitofp %sub3A_1300 : vector<16xi32> to vector<16xf32>
    %add3A_1335 = arith.addf %convert_element_type3A_1334, %mul3A_1333 : vector<16xf32>
    %mul3A_1336 = arith.constant 0.693147182 : f32
    %mul3A_1337 = vector.broadcast %mul3A_1336 : f32 to vector<16xf32>
    %mul3A_1338 = arith.mulf %add3A_1335, %mul3A_1337 : vector<16xf32>
    %swap3A_1339 = arith.constant 2416 : index
    %swap3A_1340 = tpu.vector_load %arg10[%swap3A_1339] {strides = array<i32>} : memref<3072xf32, #tpu.memory_space<vmem>>, vector<16xf32>,
    tpu.vector_store %arg10[%swap3A_1339], %mul3A_1338 {strides = array<i32>} : memref<3072xf32, #tpu.memory_space<vmem>>, vector<16xf32>,
    %select_n3A_1341 = arith.select %lt3A_1252, %sub3A_1243, %broadcast_in_dim3A_6 : vector<16xi1>, vector<16xf32>
    %bitcast3A_1342 = vector.bitcast %select_n3A_1341 : vector<16xf32> to vector<16xi32>
    %shift_right_arithmetic3A_1343 = arith.constant 23 : i32
    %shift_right_arithmetic3A_1344 = vector.broadcast %shift_right_arithmetic3A_1343 : i32 to vector<16xi32>
    %shift_right_arithmetic3A_1345 = arith.shrsi %bitcast3A_1342, %shift_right_arithmetic3A_1344 : vector<16xi32>
    %sub3A_1346 = arith.constant 127 : i32
    %sub3A_1347 = vector.broadcast %sub3A_1346 : i32 to vector<16xi32>
    %sub3A_1348 = arith.subi %shift_right_arithmetic3A_1345, %sub3A_1347 : vector<16xi32>
    %and3A_1349 = arith.constant 8388607 : i32
    %and3A_1350 = vector.broadcast %and3A_1349 : i32 to vector<16xi32>
    %and3A_1351 = arith.andi %bitcast3A_1342, %and3A_1350 : vector<16xi32>
    %or3A_1352 = arith.constant 1065353216 : i32
    %or3A_1353 = vector.broadcast %or3A_1352 : i32 to vector<16xi32>
    %or3A_1354 = arith.ori %and3A_1351, %or3A_1353 : vector<16xi32>
    %bitcast3A_1355 = vector.bitcast %or3A_1354 : vector<16xi32> to vector<16xf32>
    %sub3A_1356 = arith.constant 1.000000e+00 : f32
    %sub3A_1357 = vector.broadcast %sub3A_1356 : f32 to vector<16xf32>
    %sub3A_1358 = arith.subf %bitcast3A_1355, %sub3A_1357 : vector<16xf32>
    %mul3A_1359 = arith.constant -2.606630e-02 : f32
    %mul3A_1360 = vector.broadcast %mul3A_1359 : f32 to vector<16xf32>
    %mul3A_1361 = arith.mulf %sub3A_1358, %mul3A_1360 : vector<16xf32>
    %add3A_1362 = arith.constant 0.121914141 : f32
    %add3A_1363 = vector.broadcast %add3A_1362 : f32 to vector<16xf32>
    %add3A_1364 = arith.addf %add3A_1363, %mul3A_1361 : vector<16xf32>
    %mul3A_1365 = arith.mulf %sub3A_1358, %add3A_1364 : vector<16xf32>
    %add3A_1366 = arith.constant -0.277365059 : f32
    %add3A_1367 = vector.broadcast %add3A_1366 : f32 to vector<16xf32>
    %add3A_1368 = arith.addf %add3A_1367, %mul3A_1365 : vector<16xf32>
    %mul3A_1369 = arith.mulf %sub3A_1358, %add3A_1368 : vector<16xf32>
    %add3A_1370 = arith.constant 0.456894159 : f32
    %add3A_1371 = vector.broadcast %add3A_1370 : f32 to vector<16xf32>
    %add3A_1372 = arith.addf %add3A_1371, %mul3A_1369 : vector<16xf32>
    %mul3A_1373 = arith.mulf %sub3A_1358, %add3A_1372 : vector<16xf32>
    %add3A_1374 = arith.constant -0.717898369 : f32
    %add3A_1375 = vector.broadcast %add3A_1374 : f32 to vector<16xf32>
    %add3A_1376 = arith.addf %add3A_1375, %mul3A_1373 : vector<16xf32>
    %mul3A_1377 = arith.mulf %sub3A_1358, %add3A_1376 : vector<16xf32>
    %add3A_1378 = arith.constant 1.44251704 : f32
    %add3A_1379 = vector.broadcast %add3A_1378 : f32 to vector<16xf32>
    %add3A_1380 = arith.addf %add3A_1379, %mul3A_1377 : vector<16xf32>
    %mul3A_1381 = arith.mulf %sub3A_1358, %add3A_1380 : vector<16xf32>
    %convert_element_type3A_1382 = arith.sitofp %sub3A_1348 : vector<16xi32> to vector<16xf32>
    %add3A_1383 = arith.addf %convert_element_type3A_1382, %mul3A_1381 : vector<16xf32>
    %mul3A_1384 = arith.constant 0.693147182 : f32
    %mul3A_1385 = vector.broadcast %mul3A_1384 : f32 to vector<16xf32>
    %mul3A_1386 = arith.mulf %add3A_1383, %mul3A_1385 : vector<16xf32>
    %swap3A_1387 = arith.constant 2672 : index
    %swap3A_1388 = tpu.vector_load %arg10[%swap3A_1387] {strides = array<i32>} : memref<3072xf32, #tpu.memory_space<vmem>>, vector<16xf32>,
    tpu.vector_store %arg10[%swap3A_1387], %mul3A_1386 {strides = array<i32>} : memref<3072xf32, #tpu.memory_space<vmem>>, vector<16xf32>,
    %add3A_1389 = arith.constant 128 : i32
    %add3A_1390 = vector.broadcast %add3A_1389 : i32 to vector<16xi32>
    %add3A_1391 = arith.addi %iota3A, %add3A_1390 : vector<16xi32>
    %mul3A_1392 = arith.constant 4 : i32
    %mul3A_1393 = vector.broadcast %mul3A_1392 : i32 to vector<16xi32>
    %mul3A_1394 = arith.muli %add3A_1391, %mul3A_1393 : vector<16xi32>
    %gather3A_1395 = tpu.vector_load_idx %arg9[%mul3A_1394] : memref<832xf32, #tpu.memory_space<vmem>>[vector<16xi32>], vector<16xf32>,
    %add3A_1396 = arith.constant 1 : i32
    %add3A_1397 = vector.broadcast %add3A_1396 : i32 to vector<16xi32>
    %add3A_1398 = arith.addi %mul3A_1394, %add3A_1397 : vector<16xi32>
    %gather3A_1399 = tpu.vector_load_idx %arg9[%add3A_1398] : memref<832xf32, #tpu.memory_space<vmem>>[vector<16xi32>], vector<16xf32>,
    %add3A_1400 = arith.constant 2 : i32
    %add3A_1401 = vector.broadcast %add3A_1400 : i32 to vector<16xi32>
    %add3A_1402 = arith.addi %mul3A_1394, %add3A_1401 : vector<16xi32>
    %gather3A_1403 = tpu.vector_load_idx %arg9[%add3A_1402] : memref<832xf32, #tpu.memory_space<vmem>>[vector<16xi32>], vector<16xf32>,
    %add3A_1404 = arith.constant 3 : i32
    %add3A_1405 = vector.broadcast %add3A_1404 : i32 to vector<16xi32>
    %add3A_1406 = arith.addi %mul3A_1394, %add3A_1405 : vector<16xi32>
    %gather3A_1407 = tpu.vector_load_idx %arg9[%add3A_1406] : memref<832xf32, #tpu.memory_space<vmem>>[vector<16xi32>], vector<16xf32>,
    %add3A_1408 = arith.addf %gather3A_1395, %gather3A_1403 : vector<16xf32>
    %mul3A_1409 = arith.constant 5.000000e-01 : f32
    %mul3A_1410 = vector.broadcast %mul3A_1409 : f32 to vector<16xf32>
    %mul3A_1411 = arith.mulf %add3A_1408, %mul3A_1410 : vector<16xf32>
    %add3A_1412 = arith.addf %gather3A_1399, %gather3A_1407 : vector<16xf32>
    %mul3A_1413 = arith.constant 5.000000e-01 : f32
    %mul3A_1414 = vector.broadcast %mul3A_1413 : f32 to vector<16xf32>
    %mul3A_1415 = arith.mulf %add3A_1412, %mul3A_1414 : vector<16xf32>
    %sub3A_1416 = arith.subf %gather3A_1403, %gather3A_1395 : vector<16xf32>
    %sub3A_1417 = arith.subf %gather3A_1407, %gather3A_1399 : vector<16xf32>
    %mul3A_1418 = arith.constant 5.000000e-01 : f32
    %mul3A_1419 = vector.broadcast %mul3A_1418 : f32 to vector<16xf32>
    %mul3A_1420 = arith.mulf %sub3A_1416, %mul3A_1419 : vector<16xf32>
    %mul3A_1421 = arith.constant 5.000000e-01 : f32
    %mul3A_1422 = vector.broadcast %mul3A_1421 : f32 to vector<16xf32>
    %mul3A_1423 = arith.mulf %sub3A_1417, %mul3A_1422 : vector<16xf32>
    %lt3A_1424 = arith.constant 200 : i32
    %lt3A_1425 = vector.broadcast %lt3A_1424 : i32 to vector<16xi32>
    %lt3A_1426 = arith.cmpi slt, %add3A_1391, %lt3A_1425 : vector<16xi32>
    %sub3A_1427 = arith.subf %mul3A_1411, %mul3A_1420 : vector<16xf32>
    %jit3A_1428 = arith.constant 3.000000e+38 : f32
    %broadcast_in_dim3A_1429 = vector.broadcast %jit3A_1428 : f32 to vector<16xf32>
    %select_n3A_1430 = arith.select %lt3A_1426, %sub3A_1427, %broadcast_in_dim3A_1429 : vector<16xi1>, vector<16xf32>
    %swap3A_1431 = arith.constant 128 : index
    %swap3A_1432 = tpu.vector_load %arg10[%swap3A_1431] {strides = array<i32>} : memref<3072xf32, #tpu.memory_space<vmem>>, vector<16xf32>,
    tpu.vector_store %arg10[%swap3A_1431], %select_n3A_1430 {strides = array<i32>} : memref<3072xf32, #tpu.memory_space<vmem>>, vector<16xf32>,
    %sub3A_1433 = arith.subf %mul3A_1415, %mul3A_1423 : vector<16xf32>
    %jit3A_1434 = arith.constant 3.000000e+38 : f32
    %broadcast_in_dim3A_1435 = vector.broadcast %jit3A_1434 : f32 to vector<16xf32>
    %select_n3A_1436 = arith.select %lt3A_1426, %sub3A_1433, %broadcast_in_dim3A_1435 : vector<16xi1>, vector<16xf32>
    %swap3A_1437 = arith.constant 384 : index
    %swap3A_1438 = tpu.vector_load %arg10[%swap3A_1437] {strides = array<i32>} : memref<3072xf32, #tpu.memory_space<vmem>>, vector<16xf32>,
    tpu.vector_store %arg10[%swap3A_1437], %select_n3A_1436 {strides = array<i32>} : memref<3072xf32, #tpu.memory_space<vmem>>, vector<16xf32>,
    %add3A_1439 = arith.addf %mul3A_1411, %mul3A_1420 : vector<16xf32>
    %neg3A_1440 = arith.constant 0.000000e+00 : f32
    %neg3A_1441 = arith.constant 3.000000e+38 : f32
    %neg3A_1442 = arith.subf %neg3A_1440, %neg3A_1441 : f32
    %broadcast_in_dim3A_1443 = vector.broadcast %neg3A_1442 : f32 to vector<16xf32>
    %select_n3A_1444 = arith.select %lt3A_1426, %add3A_1439, %broadcast_in_dim3A_1443 : vector<16xi1>, vector<16xf32>
    %swap3A_1445 = arith.constant 640 : index
    %swap3A_1446 = tpu.vector_load %arg10[%swap3A_1445] {strides = array<i32>} : memref<3072xf32, #tpu.memory_space<vmem>>, vector<16xf32>,
    tpu.vector_store %arg10[%swap3A_1445], %select_n3A_1444 {strides = array<i32>} : memref<3072xf32, #tpu.memory_space<vmem>>, vector<16xf32>,
    %add3A_1447 = arith.addf %mul3A_1415, %mul3A_1423 : vector<16xf32>
    %neg3A_1448 = arith.constant 0.000000e+00 : f32
    %neg3A_1449 = arith.constant 3.000000e+38 : f32
    %neg3A_1450 = arith.subf %neg3A_1448, %neg3A_1449 : f32
    %broadcast_in_dim3A_1451 = vector.broadcast %neg3A_1450 : f32 to vector<16xf32>
    %select_n3A_1452 = arith.select %lt3A_1426, %add3A_1447, %broadcast_in_dim3A_1451 : vector<16xi1>, vector<16xf32>
    %swap3A_1453 = arith.constant 896 : index
    %swap3A_1454 = tpu.vector_load %arg10[%swap3A_1453] {strides = array<i32>} : memref<3072xf32, #tpu.memory_space<vmem>>, vector<16xf32>,
    tpu.vector_store %arg10[%swap3A_1453], %select_n3A_1452 {strides = array<i32>} : memref<3072xf32, #tpu.memory_space<vmem>>, vector<16xf32>,
    %mul3A_1455 = arith.mulf %sub3A_1416, %sub3A_1417 : vector<16xf32>
    %select_n3A_1456 = arith.select %lt3A_1426, %mul3A_1455, %broadcast_in_dim3A_4 : vector<16xi1>, vector<16xf32>
    %swap3A_1457 = arith.constant 1152 : index
    %swap3A_1458 = tpu.vector_load %arg10[%swap3A_1457] {strides = array<i32>} : memref<3072xf32, #tpu.memory_space<vmem>>, vector<16xf32>,
    tpu.vector_store %arg10[%swap3A_1457], %select_n3A_1456 {strides = array<i32>} : memref<3072xf32, #tpu.memory_space<vmem>>, vector<16xf32>,
    %swap3A_1459 = arith.constant 1408 : index
    %swap3A_1460 = tpu.vector_load %arg10[%swap3A_1459] {strides = array<i32>} : memref<3072xf32, #tpu.memory_space<vmem>>, vector<16xf32>,
    tpu.vector_store %arg10[%swap3A_1459], %mul3A_1411 {strides = array<i32>} : memref<3072xf32, #tpu.memory_space<vmem>>, vector<16xf32>,
    %swap3A_1461 = arith.constant 1664 : index
    %swap3A_1462 = tpu.vector_load %arg10[%swap3A_1461] {strides = array<i32>} : memref<3072xf32, #tpu.memory_space<vmem>>, vector<16xf32>,
    tpu.vector_store %arg10[%swap3A_1461], %mul3A_1415 {strides = array<i32>} : memref<3072xf32, #tpu.memory_space<vmem>>, vector<16xf32>,
    %swap3A_1463 = arith.constant 1920 : index
    %swap3A_1464 = tpu.vector_load %arg10[%swap3A_1463] {strides = array<i32>} : memref<3072xf32, #tpu.memory_space<vmem>>, vector<16xf32>,
    tpu.vector_store %arg10[%swap3A_1463], %sub3A_1416 {strides = array<i32>} : memref<3072xf32, #tpu.memory_space<vmem>>, vector<16xf32>,
    %swap3A_1465 = arith.constant 2176 : index
    %swap3A_1466 = tpu.vector_load %arg10[%swap3A_1465] {strides = array<i32>} : memref<3072xf32, #tpu.memory_space<vmem>>, vector<16xf32>,
    tpu.vector_store %arg10[%swap3A_1465], %sub3A_1417 {strides = array<i32>} : memref<3072xf32, #tpu.memory_space<vmem>>, vector<16xf32>,
    %select_n3A_1467 = arith.select %lt3A_1426, %sub3A_1416, %broadcast_in_dim3A_6 : vector<16xi1>, vector<16xf32>
    %bitcast3A_1468 = vector.bitcast %select_n3A_1467 : vector<16xf32> to vector<16xi32>
    %shift_right_arithmetic3A_1469 = arith.constant 23 : i32
    %shift_right_arithmetic3A_1470 = vector.broadcast %shift_right_arithmetic3A_1469 : i32 to vector<16xi32>
    %shift_right_arithmetic3A_1471 = arith.shrsi %bitcast3A_1468, %shift_right_arithmetic3A_1470 : vector<16xi32>
    %sub3A_1472 = arith.constant 127 : i32
    %sub3A_1473 = vector.broadcast %sub3A_1472 : i32 to vector<16xi32>
    %sub3A_1474 = arith.subi %shift_right_arithmetic3A_1471, %sub3A_1473 : vector<16xi32>
    %and3A_1475 = arith.constant 8388607 : i32
    %and3A_1476 = vector.broadcast %and3A_1475 : i32 to vector<16xi32>
    %and3A_1477 = arith.andi %bitcast3A_1468, %and3A_1476 : vector<16xi32>
    %or3A_1478 = arith.constant 1065353216 : i32
    %or3A_1479 = vector.broadcast %or3A_1478 : i32 to vector<16xi32>
    %or3A_1480 = arith.ori %and3A_1477, %or3A_1479 : vector<16xi32>
    %bitcast3A_1481 = vector.bitcast %or3A_1480 : vector<16xi32> to vector<16xf32>
    %sub3A_1482 = arith.constant 1.000000e+00 : f32
    %sub3A_1483 = vector.broadcast %sub3A_1482 : f32 to vector<16xf32>
    %sub3A_1484 = arith.subf %bitcast3A_1481, %sub3A_1483 : vector<16xf32>
    %mul3A_1485 = arith.constant -2.606630e-02 : f32
    %mul3A_1486 = vector.broadcast %mul3A_1485 : f32 to vector<16xf32>
    %mul3A_1487 = arith.mulf %sub3A_1484, %mul3A_1486 : vector<16xf32>
    %add3A_1488 = arith.constant 0.121914141 : f32
    %add3A_1489 = vector.broadcast %add3A_1488 : f32 to vector<16xf32>
    %add3A_1490 = arith.addf %add3A_1489, %mul3A_1487 : vector<16xf32>
    %mul3A_1491 = arith.mulf %sub3A_1484, %add3A_1490 : vector<16xf32>
    %add3A_1492 = arith.constant -0.277365059 : f32
    %add3A_1493 = vector.broadcast %add3A_1492 : f32 to vector<16xf32>
    %add3A_1494 = arith.addf %add3A_1493, %mul3A_1491 : vector<16xf32>
    %mul3A_1495 = arith.mulf %sub3A_1484, %add3A_1494 : vector<16xf32>
    %add3A_1496 = arith.constant 0.456894159 : f32
    %add3A_1497 = vector.broadcast %add3A_1496 : f32 to vector<16xf32>
    %add3A_1498 = arith.addf %add3A_1497, %mul3A_1495 : vector<16xf32>
    %mul3A_1499 = arith.mulf %sub3A_1484, %add3A_1498 : vector<16xf32>
    %add3A_1500 = arith.constant -0.717898369 : f32
    %add3A_1501 = vector.broadcast %add3A_1500 : f32 to vector<16xf32>
    %add3A_1502 = arith.addf %add3A_1501, %mul3A_1499 : vector<16xf32>
    %mul3A_1503 = arith.mulf %sub3A_1484, %add3A_1502 : vector<16xf32>
    %add3A_1504 = arith.constant 1.44251704 : f32
    %add3A_1505 = vector.broadcast %add3A_1504 : f32 to vector<16xf32>
    %add3A_1506 = arith.addf %add3A_1505, %mul3A_1503 : vector<16xf32>
    %mul3A_1507 = arith.mulf %sub3A_1484, %add3A_1506 : vector<16xf32>
    %convert_element_type3A_1508 = arith.sitofp %sub3A_1474 : vector<16xi32> to vector<16xf32>
    %add3A_1509 = arith.addf %convert_element_type3A_1508, %mul3A_1507 : vector<16xf32>
    %mul3A_1510 = arith.constant 0.693147182 : f32
    %mul3A_1511 = vector.broadcast %mul3A_1510 : f32 to vector<16xf32>
    %mul3A_1512 = arith.mulf %add3A_1509, %mul3A_1511 : vector<16xf32>
    %swap3A_1513 = arith.constant 2432 : index
    %swap3A_1514 = tpu.vector_load %arg10[%swap3A_1513] {strides = array<i32>} : memref<3072xf32, #tpu.memory_space<vmem>>, vector<16xf32>,
    tpu.vector_store %arg10[%swap3A_1513], %mul3A_1512 {strides = array<i32>} : memref<3072xf32, #tpu.memory_space<vmem>>, vector<16xf32>,
    %select_n3A_1515 = arith.select %lt3A_1426, %sub3A_1417, %broadcast_in_dim3A_6 : vector<16xi1>, vector<16xf32>
    %bitcast3A_1516 = vector.bitcast %select_n3A_1515 : vector<16xf32> to vector<16xi32>
    %shift_right_arithmetic3A_1517 = arith.constant 23 : i32
    %shift_right_arithmetic3A_1518 = vector.broadcast %shift_right_arithmetic3A_1517 : i32 to vector<16xi32>
    %shift_right_arithmetic3A_1519 = arith.shrsi %bitcast3A_1516, %shift_right_arithmetic3A_1518 : vector<16xi32>
    %sub3A_1520 = arith.constant 127 : i32
    %sub3A_1521 = vector.broadcast %sub3A_1520 : i32 to vector<16xi32>
    %sub3A_1522 = arith.subi %shift_right_arithmetic3A_1519, %sub3A_1521 : vector<16xi32>
    %and3A_1523 = arith.constant 8388607 : i32
    %and3A_1524 = vector.broadcast %and3A_1523 : i32 to vector<16xi32>
    %and3A_1525 = arith.andi %bitcast3A_1516, %and3A_1524 : vector<16xi32>
    %or3A_1526 = arith.constant 1065353216 : i32
    %or3A_1527 = vector.broadcast %or3A_1526 : i32 to vector<16xi32>
    %or3A_1528 = arith.ori %and3A_1525, %or3A_1527 : vector<16xi32>
    %bitcast3A_1529 = vector.bitcast %or3A_1528 : vector<16xi32> to vector<16xf32>
    %sub3A_1530 = arith.constant 1.000000e+00 : f32
    %sub3A_1531 = vector.broadcast %sub3A_1530 : f32 to vector<16xf32>
    %sub3A_1532 = arith.subf %bitcast3A_1529, %sub3A_1531 : vector<16xf32>
    %mul3A_1533 = arith.constant -2.606630e-02 : f32
    %mul3A_1534 = vector.broadcast %mul3A_1533 : f32 to vector<16xf32>
    %mul3A_1535 = arith.mulf %sub3A_1532, %mul3A_1534 : vector<16xf32>
    %add3A_1536 = arith.constant 0.121914141 : f32
    %add3A_1537 = vector.broadcast %add3A_1536 : f32 to vector<16xf32>
    %add3A_1538 = arith.addf %add3A_1537, %mul3A_1535 : vector<16xf32>
    %mul3A_1539 = arith.mulf %sub3A_1532, %add3A_1538 : vector<16xf32>
    %add3A_1540 = arith.constant -0.277365059 : f32
    %add3A_1541 = vector.broadcast %add3A_1540 : f32 to vector<16xf32>
    %add3A_1542 = arith.addf %add3A_1541, %mul3A_1539 : vector<16xf32>
    %mul3A_1543 = arith.mulf %sub3A_1532, %add3A_1542 : vector<16xf32>
    %add3A_1544 = arith.constant 0.456894159 : f32
    %add3A_1545 = vector.broadcast %add3A_1544 : f32 to vector<16xf32>
    %add3A_1546 = arith.addf %add3A_1545, %mul3A_1543 : vector<16xf32>
    %mul3A_1547 = arith.mulf %sub3A_1532, %add3A_1546 : vector<16xf32>
    %add3A_1548 = arith.constant -0.717898369 : f32
    %add3A_1549 = vector.broadcast %add3A_1548 : f32 to vector<16xf32>
    %add3A_1550 = arith.addf %add3A_1549, %mul3A_1547 : vector<16xf32>
    %mul3A_1551 = arith.mulf %sub3A_1532, %add3A_1550 : vector<16xf32>
    %add3A_1552 = arith.constant 1.44251704 : f32
    %add3A_1553 = vector.broadcast %add3A_1552 : f32 to vector<16xf32>
    %add3A_1554 = arith.addf %add3A_1553, %mul3A_1551 : vector<16xf32>
    %mul3A_1555 = arith.mulf %sub3A_1532, %add3A_1554 : vector<16xf32>
    %convert_element_type3A_1556 = arith.sitofp %sub3A_1522 : vector<16xi32> to vector<16xf32>
    %add3A_1557 = arith.addf %convert_element_type3A_1556, %mul3A_1555 : vector<16xf32>
    %mul3A_1558 = arith.constant 0.693147182 : f32
    %mul3A_1559 = vector.broadcast %mul3A_1558 : f32 to vector<16xf32>
    %mul3A_1560 = arith.mulf %add3A_1557, %mul3A_1559 : vector<16xf32>
    %swap3A_1561 = arith.constant 2688 : index
    %swap3A_1562 = tpu.vector_load %arg10[%swap3A_1561] {strides = array<i32>} : memref<3072xf32, #tpu.memory_space<vmem>>, vector<16xf32>,
    tpu.vector_store %arg10[%swap3A_1561], %mul3A_1560 {strides = array<i32>} : memref<3072xf32, #tpu.memory_space<vmem>>, vector<16xf32>,
    %add3A_1563 = arith.constant 144 : i32
    %add3A_1564 = vector.broadcast %add3A_1563 : i32 to vector<16xi32>
    %add3A_1565 = arith.addi %iota3A, %add3A_1564 : vector<16xi32>
    %mul3A_1566 = arith.constant 4 : i32
    %mul3A_1567 = vector.broadcast %mul3A_1566 : i32 to vector<16xi32>
    %mul3A_1568 = arith.muli %add3A_1565, %mul3A_1567 : vector<16xi32>
    %gather3A_1569 = tpu.vector_load_idx %arg9[%mul3A_1568] : memref<832xf32, #tpu.memory_space<vmem>>[vector<16xi32>], vector<16xf32>,
    %add3A_1570 = arith.constant 1 : i32
    %add3A_1571 = vector.broadcast %add3A_1570 : i32 to vector<16xi32>
    %add3A_1572 = arith.addi %mul3A_1568, %add3A_1571 : vector<16xi32>
    %gather3A_1573 = tpu.vector_load_idx %arg9[%add3A_1572] : memref<832xf32, #tpu.memory_space<vmem>>[vector<16xi32>], vector<16xf32>,
    %add3A_1574 = arith.constant 2 : i32
    %add3A_1575 = vector.broadcast %add3A_1574 : i32 to vector<16xi32>
    %add3A_1576 = arith.addi %mul3A_1568, %add3A_1575 : vector<16xi32>
    %gather3A_1577 = tpu.vector_load_idx %arg9[%add3A_1576] : memref<832xf32, #tpu.memory_space<vmem>>[vector<16xi32>], vector<16xf32>,
    %add3A_1578 = arith.constant 3 : i32
    %add3A_1579 = vector.broadcast %add3A_1578 : i32 to vector<16xi32>
    %add3A_1580 = arith.addi %mul3A_1568, %add3A_1579 : vector<16xi32>
    %gather3A_1581 = tpu.vector_load_idx %arg9[%add3A_1580] : memref<832xf32, #tpu.memory_space<vmem>>[vector<16xi32>], vector<16xf32>,
    %add3A_1582 = arith.addf %gather3A_1569, %gather3A_1577 : vector<16xf32>
    %mul3A_1583 = arith.constant 5.000000e-01 : f32
    %mul3A_1584 = vector.broadcast %mul3A_1583 : f32 to vector<16xf32>
    %mul3A_1585 = arith.mulf %add3A_1582, %mul3A_1584 : vector<16xf32>
    %add3A_1586 = arith.addf %gather3A_1573, %gather3A_1581 : vector<16xf32>
    %mul3A_1587 = arith.constant 5.000000e-01 : f32
    %mul3A_1588 = vector.broadcast %mul3A_1587 : f32 to vector<16xf32>
    %mul3A_1589 = arith.mulf %add3A_1586, %mul3A_1588 : vector<16xf32>
    %sub3A_1590 = arith.subf %gather3A_1577, %gather3A_1569 : vector<16xf32>
    %sub3A_1591 = arith.subf %gather3A_1581, %gather3A_1573 : vector<16xf32>
    %mul3A_1592 = arith.constant 5.000000e-01 : f32
    %mul3A_1593 = vector.broadcast %mul3A_1592 : f32 to vector<16xf32>
    %mul3A_1594 = arith.mulf %sub3A_1590, %mul3A_1593 : vector<16xf32>
    %mul3A_1595 = arith.constant 5.000000e-01 : f32
    %mul3A_1596 = vector.broadcast %mul3A_1595 : f32 to vector<16xf32>
    %mul3A_1597 = arith.mulf %sub3A_1591, %mul3A_1596 : vector<16xf32>
    %lt3A_1598 = arith.constant 200 : i32
    %lt3A_1599 = vector.broadcast %lt3A_1598 : i32 to vector<16xi32>
    %lt3A_1600 = arith.cmpi slt, %add3A_1565, %lt3A_1599 : vector<16xi32>
    %sub3A_1601 = arith.subf %mul3A_1585, %mul3A_1594 : vector<16xf32>
    %jit3A_1602 = arith.constant 3.000000e+38 : f32
    %broadcast_in_dim3A_1603 = vector.broadcast %jit3A_1602 : f32 to vector<16xf32>
    %select_n3A_1604 = arith.select %lt3A_1600, %sub3A_1601, %broadcast_in_dim3A_1603 : vector<16xi1>, vector<16xf32>
    %swap3A_1605 = arith.constant 144 : index
    %swap3A_1606 = tpu.vector_load %arg10[%swap3A_1605] {strides = array<i32>} : memref<3072xf32, #tpu.memory_space<vmem>>, vector<16xf32>,
    tpu.vector_store %arg10[%swap3A_1605], %select_n3A_1604 {strides = array<i32>} : memref<3072xf32, #tpu.memory_space<vmem>>, vector<16xf32>,
    %sub3A_1607 = arith.subf %mul3A_1589, %mul3A_1597 : vector<16xf32>
    %jit3A_1608 = arith.constant 3.000000e+38 : f32
    %broadcast_in_dim3A_1609 = vector.broadcast %jit3A_1608 : f32 to vector<16xf32>
    %select_n3A_1610 = arith.select %lt3A_1600, %sub3A_1607, %broadcast_in_dim3A_1609 : vector<16xi1>, vector<16xf32>
    %swap3A_1611 = arith.constant 400 : index
    %swap3A_1612 = tpu.vector_load %arg10[%swap3A_1611] {strides = array<i32>} : memref<3072xf32, #tpu.memory_space<vmem>>, vector<16xf32>,
    tpu.vector_store %arg10[%swap3A_1611], %select_n3A_1610 {strides = array<i32>} : memref<3072xf32, #tpu.memory_space<vmem>>, vector<16xf32>,
    %add3A_1613 = arith.addf %mul3A_1585, %mul3A_1594 : vector<16xf32>
    %neg3A_1614 = arith.constant 0.000000e+00 : f32
    %neg3A_1615 = arith.constant 3.000000e+38 : f32
    %neg3A_1616 = arith.subf %neg3A_1614, %neg3A_1615 : f32
    %broadcast_in_dim3A_1617 = vector.broadcast %neg3A_1616 : f32 to vector<16xf32>
    %select_n3A_1618 = arith.select %lt3A_1600, %add3A_1613, %broadcast_in_dim3A_1617 : vector<16xi1>, vector<16xf32>
    %swap3A_1619 = arith.constant 656 : index
    %swap3A_1620 = tpu.vector_load %arg10[%swap3A_1619] {strides = array<i32>} : memref<3072xf32, #tpu.memory_space<vmem>>, vector<16xf32>,
    tpu.vector_store %arg10[%swap3A_1619], %select_n3A_1618 {strides = array<i32>} : memref<3072xf32, #tpu.memory_space<vmem>>, vector<16xf32>,
    %add3A_1621 = arith.addf %mul3A_1589, %mul3A_1597 : vector<16xf32>
    %neg3A_1622 = arith.constant 0.000000e+00 : f32
    %neg3A_1623 = arith.constant 3.000000e+38 : f32
    %neg3A_1624 = arith.subf %neg3A_1622, %neg3A_1623 : f32
    %broadcast_in_dim3A_1625 = vector.broadcast %neg3A_1624 : f32 to vector<16xf32>
    %select_n3A_1626 = arith.select %lt3A_1600, %add3A_1621, %broadcast_in_dim3A_1625 : vector<16xi1>, vector<16xf32>
    %swap3A_1627 = arith.constant 912 : index
    %swap3A_1628 = tpu.vector_load %arg10[%swap3A_1627] {strides = array<i32>} : memref<3072xf32, #tpu.memory_space<vmem>>, vector<16xf32>,
    tpu.vector_store %arg10[%swap3A_1627], %select_n3A_1626 {strides = array<i32>} : memref<3072xf32, #tpu.memory_space<vmem>>, vector<16xf32>,
    %mul3A_1629 = arith.mulf %sub3A_1590, %sub3A_1591 : vector<16xf32>
    %select_n3A_1630 = arith.select %lt3A_1600, %mul3A_1629, %broadcast_in_dim3A_4 : vector<16xi1>, vector<16xf32>
    %swap3A_1631 = arith.constant 1168 : index
    %swap3A_1632 = tpu.vector_load %arg10[%swap3A_1631] {strides = array<i32>} : memref<3072xf32, #tpu.memory_space<vmem>>, vector<16xf32>,
    tpu.vector_store %arg10[%swap3A_1631], %select_n3A_1630 {strides = array<i32>} : memref<3072xf32, #tpu.memory_space<vmem>>, vector<16xf32>,
    %swap3A_1633 = arith.constant 1424 : index
    %swap3A_1634 = tpu.vector_load %arg10[%swap3A_1633] {strides = array<i32>} : memref<3072xf32, #tpu.memory_space<vmem>>, vector<16xf32>,
    tpu.vector_store %arg10[%swap3A_1633], %mul3A_1585 {strides = array<i32>} : memref<3072xf32, #tpu.memory_space<vmem>>, vector<16xf32>,
    %swap3A_1635 = arith.constant 1680 : index
    %swap3A_1636 = tpu.vector_load %arg10[%swap3A_1635] {strides = array<i32>} : memref<3072xf32, #tpu.memory_space<vmem>>, vector<16xf32>,
    tpu.vector_store %arg10[%swap3A_1635], %mul3A_1589 {strides = array<i32>} : memref<3072xf32, #tpu.memory_space<vmem>>, vector<16xf32>,
    %swap3A_1637 = arith.constant 1936 : index
    %swap3A_1638 = tpu.vector_load %arg10[%swap3A_1637] {strides = array<i32>} : memref<3072xf32, #tpu.memory_space<vmem>>, vector<16xf32>,
    tpu.vector_store %arg10[%swap3A_1637], %sub3A_1590 {strides = array<i32>} : memref<3072xf32, #tpu.memory_space<vmem>>, vector<16xf32>,
    %swap3A_1639 = arith.constant 2192 : index
    %swap3A_1640 = tpu.vector_load %arg10[%swap3A_1639] {strides = array<i32>} : memref<3072xf32, #tpu.memory_space<vmem>>, vector<16xf32>,
    tpu.vector_store %arg10[%swap3A_1639], %sub3A_1591 {strides = array<i32>} : memref<3072xf32, #tpu.memory_space<vmem>>, vector<16xf32>,
    %select_n3A_1641 = arith.select %lt3A_1600, %sub3A_1590, %broadcast_in_dim3A_6 : vector<16xi1>, vector<16xf32>
    %bitcast3A_1642 = vector.bitcast %select_n3A_1641 : vector<16xf32> to vector<16xi32>
    %shift_right_arithmetic3A_1643 = arith.constant 23 : i32
    %shift_right_arithmetic3A_1644 = vector.broadcast %shift_right_arithmetic3A_1643 : i32 to vector<16xi32>
    %shift_right_arithmetic3A_1645 = arith.shrsi %bitcast3A_1642, %shift_right_arithmetic3A_1644 : vector<16xi32>
    %sub3A_1646 = arith.constant 127 : i32
    %sub3A_1647 = vector.broadcast %sub3A_1646 : i32 to vector<16xi32>
    %sub3A_1648 = arith.subi %shift_right_arithmetic3A_1645, %sub3A_1647 : vector<16xi32>
    %and3A_1649 = arith.constant 8388607 : i32
    %and3A_1650 = vector.broadcast %and3A_1649 : i32 to vector<16xi32>
    %and3A_1651 = arith.andi %bitcast3A_1642, %and3A_1650 : vector<16xi32>
    %or3A_1652 = arith.constant 1065353216 : i32
    %or3A_1653 = vector.broadcast %or3A_1652 : i32 to vector<16xi32>
    %or3A_1654 = arith.ori %and3A_1651, %or3A_1653 : vector<16xi32>
    %bitcast3A_1655 = vector.bitcast %or3A_1654 : vector<16xi32> to vector<16xf32>
    %sub3A_1656 = arith.constant 1.000000e+00 : f32
    %sub3A_1657 = vector.broadcast %sub3A_1656 : f32 to vector<16xf32>
    %sub3A_1658 = arith.subf %bitcast3A_1655, %sub3A_1657 : vector<16xf32>
    %mul3A_1659 = arith.constant -2.606630e-02 : f32
    %mul3A_1660 = vector.broadcast %mul3A_1659 : f32 to vector<16xf32>
    %mul3A_1661 = arith.mulf %sub3A_1658, %mul3A_1660 : vector<16xf32>
    %add3A_1662 = arith.constant 0.121914141 : f32
    %add3A_1663 = vector.broadcast %add3A_1662 : f32 to vector<16xf32>
    %add3A_1664 = arith.addf %add3A_1663, %mul3A_1661 : vector<16xf32>
    %mul3A_1665 = arith.mulf %sub3A_1658, %add3A_1664 : vector<16xf32>
    %add3A_1666 = arith.constant -0.277365059 : f32
    %add3A_1667 = vector.broadcast %add3A_1666 : f32 to vector<16xf32>
    %add3A_1668 = arith.addf %add3A_1667, %mul3A_1665 : vector<16xf32>
    %mul3A_1669 = arith.mulf %sub3A_1658, %add3A_1668 : vector<16xf32>
    %add3A_1670 = arith.constant 0.456894159 : f32
    %add3A_1671 = vector.broadcast %add3A_1670 : f32 to vector<16xf32>
    %add3A_1672 = arith.addf %add3A_1671, %mul3A_1669 : vector<16xf32>
    %mul3A_1673 = arith.mulf %sub3A_1658, %add3A_1672 : vector<16xf32>
    %add3A_1674 = arith.constant -0.717898369 : f32
    %add3A_1675 = vector.broadcast %add3A_1674 : f32 to vector<16xf32>
    %add3A_1676 = arith.addf %add3A_1675, %mul3A_1673 : vector<16xf32>
    %mul3A_1677 = arith.mulf %sub3A_1658, %add3A_1676 : vector<16xf32>
    %add3A_1678 = arith.constant 1.44251704 : f32
    %add3A_1679 = vector.broadcast %add3A_1678 : f32 to vector<16xf32>
    %add3A_1680 = arith.addf %add3A_1679, %mul3A_1677 : vector<16xf32>
    %mul3A_1681 = arith.mulf %sub3A_1658, %add3A_1680 : vector<16xf32>
    %convert_element_type3A_1682 = arith.sitofp %sub3A_1648 : vector<16xi32> to vector<16xf32>
    %add3A_1683 = arith.addf %convert_element_type3A_1682, %mul3A_1681 : vector<16xf32>
    %mul3A_1684 = arith.constant 0.693147182 : f32
    %mul3A_1685 = vector.broadcast %mul3A_1684 : f32 to vector<16xf32>
    %mul3A_1686 = arith.mulf %add3A_1683, %mul3A_1685 : vector<16xf32>
    %swap3A_1687 = arith.constant 2448 : index
    %swap3A_1688 = tpu.vector_load %arg10[%swap3A_1687] {strides = array<i32>} : memref<3072xf32, #tpu.memory_space<vmem>>, vector<16xf32>,
    tpu.vector_store %arg10[%swap3A_1687], %mul3A_1686 {strides = array<i32>} : memref<3072xf32, #tpu.memory_space<vmem>>, vector<16xf32>,
    %select_n3A_1689 = arith.select %lt3A_1600, %sub3A_1591, %broadcast_in_dim3A_6 : vector<16xi1>, vector<16xf32>
    %bitcast3A_1690 = vector.bitcast %select_n3A_1689 : vector<16xf32> to vector<16xi32>
    %shift_right_arithmetic3A_1691 = arith.constant 23 : i32
    %shift_right_arithmetic3A_1692 = vector.broadcast %shift_right_arithmetic3A_1691 : i32 to vector<16xi32>
    %shift_right_arithmetic3A_1693 = arith.shrsi %bitcast3A_1690, %shift_right_arithmetic3A_1692 : vector<16xi32>
    %sub3A_1694 = arith.constant 127 : i32
    %sub3A_1695 = vector.broadcast %sub3A_1694 : i32 to vector<16xi32>
    %sub3A_1696 = arith.subi %shift_right_arithmetic3A_1693, %sub3A_1695 : vector<16xi32>
    %and3A_1697 = arith.constant 8388607 : i32
    %and3A_1698 = vector.broadcast %and3A_1697 : i32 to vector<16xi32>
    %and3A_1699 = arith.andi %bitcast3A_1690, %and3A_1698 : vector<16xi32>
    %or3A_1700 = arith.constant 1065353216 : i32
    %or3A_1701 = vector.broadcast %or3A_1700 : i32 to vector<16xi32>
    %or3A_1702 = arith.ori %and3A_1699, %or3A_1701 : vector<16xi32>
    %bitcast3A_1703 = vector.bitcast %or3A_1702 : vector<16xi32> to vector<16xf32>
    %sub3A_1704 = arith.constant 1.000000e+00 : f32
    %sub3A_1705 = vector.broadcast %sub3A_1704 : f32 to vector<16xf32>
    %sub3A_1706 = arith.subf %bitcast3A_1703, %sub3A_1705 : vector<16xf32>
    %mul3A_1707 = arith.constant -2.606630e-02 : f32
    %mul3A_1708 = vector.broadcast %mul3A_1707 : f32 to vector<16xf32>
    %mul3A_1709 = arith.mulf %sub3A_1706, %mul3A_1708 : vector<16xf32>
    %add3A_1710 = arith.constant 0.121914141 : f32
    %add3A_1711 = vector.broadcast %add3A_1710 : f32 to vector<16xf32>
    %add3A_1712 = arith.addf %add3A_1711, %mul3A_1709 : vector<16xf32>
    %mul3A_1713 = arith.mulf %sub3A_1706, %add3A_1712 : vector<16xf32>
    %add3A_1714 = arith.constant -0.277365059 : f32
    %add3A_1715 = vector.broadcast %add3A_1714 : f32 to vector<16xf32>
    %add3A_1716 = arith.addf %add3A_1715, %mul3A_1713 : vector<16xf32>
    %mul3A_1717 = arith.mulf %sub3A_1706, %add3A_1716 : vector<16xf32>
    %add3A_1718 = arith.constant 0.456894159 : f32
    %add3A_1719 = vector.broadcast %add3A_1718 : f32 to vector<16xf32>
    %add3A_1720 = arith.addf %add3A_1719, %mul3A_1717 : vector<16xf32>
    %mul3A_1721 = arith.mulf %sub3A_1706, %add3A_1720 : vector<16xf32>
    %add3A_1722 = arith.constant -0.717898369 : f32
    %add3A_1723 = vector.broadcast %add3A_1722 : f32 to vector<16xf32>
    %add3A_1724 = arith.addf %add3A_1723, %mul3A_1721 : vector<16xf32>
    %mul3A_1725 = arith.mulf %sub3A_1706, %add3A_1724 : vector<16xf32>
    %add3A_1726 = arith.constant 1.44251704 : f32
    %add3A_1727 = vector.broadcast %add3A_1726 : f32 to vector<16xf32>
    %add3A_1728 = arith.addf %add3A_1727, %mul3A_1725 : vector<16xf32>
    %mul3A_1729 = arith.mulf %sub3A_1706, %add3A_1728 : vector<16xf32>
    %convert_element_type3A_1730 = arith.sitofp %sub3A_1696 : vector<16xi32> to vector<16xf32>
    %add3A_1731 = arith.addf %convert_element_type3A_1730, %mul3A_1729 : vector<16xf32>
    %mul3A_1732 = arith.constant 0.693147182 : f32
    %mul3A_1733 = vector.broadcast %mul3A_1732 : f32 to vector<16xf32>
    %mul3A_1734 = arith.mulf %add3A_1731, %mul3A_1733 : vector<16xf32>
    %swap3A_1735 = arith.constant 2704 : index
    %swap3A_1736 = tpu.vector_load %arg10[%swap3A_1735] {strides = array<i32>} : memref<3072xf32, #tpu.memory_space<vmem>>, vector<16xf32>,
    tpu.vector_store %arg10[%swap3A_1735], %mul3A_1734 {strides = array<i32>} : memref<3072xf32, #tpu.memory_space<vmem>>, vector<16xf32>,
    %add3A_1737 = arith.constant 160 : i32
    %add3A_1738 = vector.broadcast %add3A_1737 : i32 to vector<16xi32>
    %add3A_1739 = arith.addi %iota3A, %add3A_1738 : vector<16xi32>
    %mul3A_1740 = arith.constant 4 : i32
    %mul3A_1741 = vector.broadcast %mul3A_1740 : i32 to vector<16xi32>
    %mul3A_1742 = arith.muli %add3A_1739, %mul3A_1741 : vector<16xi32>
    %gather3A_1743 = tpu.vector_load_idx %arg9[%mul3A_1742] : memref<832xf32, #tpu.memory_space<vmem>>[vector<16xi32>], vector<16xf32>,
    %add3A_1744 = arith.constant 1 : i32
    %add3A_1745 = vector.broadcast %add3A_1744 : i32 to vector<16xi32>
    %add3A_1746 = arith.addi %mul3A_1742, %add3A_1745 : vector<16xi32>
    %gather3A_1747 = tpu.vector_load_idx %arg9[%add3A_1746] : memref<832xf32, #tpu.memory_space<vmem>>[vector<16xi32>], vector<16xf32>,
    %add3A_1748 = arith.constant 2 : i32
    %add3A_1749 = vector.broadcast %add3A_1748 : i32 to vector<16xi32>
    %add3A_1750 = arith.addi %mul3A_1742, %add3A_1749 : vector<16xi32>
    %gather3A_1751 = tpu.vector_load_idx %arg9[%add3A_1750] : memref<832xf32, #tpu.memory_space<vmem>>[vector<16xi32>], vector<16xf32>,
    %add3A_1752 = arith.constant 3 : i32
    %add3A_1753 = vector.broadcast %add3A_1752 : i32 to vector<16xi32>
    %add3A_1754 = arith.addi %mul3A_1742, %add3A_1753 : vector<16xi32>
    %gather3A_1755 = tpu.vector_load_idx %arg9[%add3A_1754] : memref<832xf32, #tpu.memory_space<vmem>>[vector<16xi32>], vector<16xf32>,
    %add3A_1756 = arith.addf %gather3A_1743, %gather3A_1751 : vector<16xf32>
    %mul3A_1757 = arith.constant 5.000000e-01 : f32
    %mul3A_1758 = vector.broadcast %mul3A_1757 : f32 to vector<16xf32>
    %mul3A_1759 = arith.mulf %add3A_1756, %mul3A_1758 : vector<16xf32>
    %add3A_1760 = arith.addf %gather3A_1747, %gather3A_1755 : vector<16xf32>
    %mul3A_1761 = arith.constant 5.000000e-01 : f32
    %mul3A_1762 = vector.broadcast %mul3A_1761 : f32 to vector<16xf32>
    %mul3A_1763 = arith.mulf %add3A_1760, %mul3A_1762 : vector<16xf32>
    %sub3A_1764 = arith.subf %gather3A_1751, %gather3A_1743 : vector<16xf32>
    %sub3A_1765 = arith.subf %gather3A_1755, %gather3A_1747 : vector<16xf32>
    %mul3A_1766 = arith.constant 5.000000e-01 : f32
    %mul3A_1767 = vector.broadcast %mul3A_1766 : f32 to vector<16xf32>
    %mul3A_1768 = arith.mulf %sub3A_1764, %mul3A_1767 : vector<16xf32>
    %mul3A_1769 = arith.constant 5.000000e-01 : f32
    %mul3A_1770 = vector.broadcast %mul3A_1769 : f32 to vector<16xf32>
    %mul3A_1771 = arith.mulf %sub3A_1765, %mul3A_1770 : vector<16xf32>
    %lt3A_1772 = arith.constant 200 : i32
    %lt3A_1773 = vector.broadcast %lt3A_1772 : i32 to vector<16xi32>
    %lt3A_1774 = arith.cmpi slt, %add3A_1739, %lt3A_1773 : vector<16xi32>
    %sub3A_1775 = arith.subf %mul3A_1759, %mul3A_1768 : vector<16xf32>
    %jit3A_1776 = arith.constant 3.000000e+38 : f32
    %broadcast_in_dim3A_1777 = vector.broadcast %jit3A_1776 : f32 to vector<16xf32>
    %select_n3A_1778 = arith.select %lt3A_1774, %sub3A_1775, %broadcast_in_dim3A_1777 : vector<16xi1>, vector<16xf32>
    %swap3A_1779 = arith.constant 160 : index
    %swap3A_1780 = tpu.vector_load %arg10[%swap3A_1779] {strides = array<i32>} : memref<3072xf32, #tpu.memory_space<vmem>>, vector<16xf32>,
    tpu.vector_store %arg10[%swap3A_1779], %select_n3A_1778 {strides = array<i32>} : memref<3072xf32, #tpu.memory_space<vmem>>, vector<16xf32>,
    %sub3A_1781 = arith.subf %mul3A_1763, %mul3A_1771 : vector<16xf32>
    %jit3A_1782 = arith.constant 3.000000e+38 : f32
    %broadcast_in_dim3A_1783 = vector.broadcast %jit3A_1782 : f32 to vector<16xf32>
    %select_n3A_1784 = arith.select %lt3A_1774, %sub3A_1781, %broadcast_in_dim3A_1783 : vector<16xi1>, vector<16xf32>
    %swap3A_1785 = arith.constant 416 : index
    %swap3A_1786 = tpu.vector_load %arg10[%swap3A_1785] {strides = array<i32>} : memref<3072xf32, #tpu.memory_space<vmem>>, vector<16xf32>,
    tpu.vector_store %arg10[%swap3A_1785], %select_n3A_1784 {strides = array<i32>} : memref<3072xf32, #tpu.memory_space<vmem>>, vector<16xf32>,
    %add3A_1787 = arith.addf %mul3A_1759, %mul3A_1768 : vector<16xf32>
    %neg3A_1788 = arith.constant 0.000000e+00 : f32
    %neg3A_1789 = arith.constant 3.000000e+38 : f32
    %neg3A_1790 = arith.subf %neg3A_1788, %neg3A_1789 : f32
    %broadcast_in_dim3A_1791 = vector.broadcast %neg3A_1790 : f32 to vector<16xf32>
    %select_n3A_1792 = arith.select %lt3A_1774, %add3A_1787, %broadcast_in_dim3A_1791 : vector<16xi1>, vector<16xf32>
    %swap3A_1793 = arith.constant 672 : index
    %swap3A_1794 = tpu.vector_load %arg10[%swap3A_1793] {strides = array<i32>} : memref<3072xf32, #tpu.memory_space<vmem>>, vector<16xf32>,
    tpu.vector_store %arg10[%swap3A_1793], %select_n3A_1792 {strides = array<i32>} : memref<3072xf32, #tpu.memory_space<vmem>>, vector<16xf32>,
    %add3A_1795 = arith.addf %mul3A_1763, %mul3A_1771 : vector<16xf32>
    %neg3A_1796 = arith.constant 0.000000e+00 : f32
    %neg3A_1797 = arith.constant 3.000000e+38 : f32
    %neg3A_1798 = arith.subf %neg3A_1796, %neg3A_1797 : f32
    %broadcast_in_dim3A_1799 = vector.broadcast %neg3A_1798 : f32 to vector<16xf32>
    %select_n3A_1800 = arith.select %lt3A_1774, %add3A_1795, %broadcast_in_dim3A_1799 : vector<16xi1>, vector<16xf32>
    %swap3A_1801 = arith.constant 928 : index
    %swap3A_1802 = tpu.vector_load %arg10[%swap3A_1801] {strides = array<i32>} : memref<3072xf32, #tpu.memory_space<vmem>>, vector<16xf32>,
    tpu.vector_store %arg10[%swap3A_1801], %select_n3A_1800 {strides = array<i32>} : memref<3072xf32, #tpu.memory_space<vmem>>, vector<16xf32>,
    %mul3A_1803 = arith.mulf %sub3A_1764, %sub3A_1765 : vector<16xf32>
    %select_n3A_1804 = arith.select %lt3A_1774, %mul3A_1803, %broadcast_in_dim3A_4 : vector<16xi1>, vector<16xf32>
    %swap3A_1805 = arith.constant 1184 : index
    %swap3A_1806 = tpu.vector_load %arg10[%swap3A_1805] {strides = array<i32>} : memref<3072xf32, #tpu.memory_space<vmem>>, vector<16xf32>,
    tpu.vector_store %arg10[%swap3A_1805], %select_n3A_1804 {strides = array<i32>} : memref<3072xf32, #tpu.memory_space<vmem>>, vector<16xf32>,
    %swap3A_1807 = arith.constant 1440 : index
    %swap3A_1808 = tpu.vector_load %arg10[%swap3A_1807] {strides = array<i32>} : memref<3072xf32, #tpu.memory_space<vmem>>, vector<16xf32>,
    tpu.vector_store %arg10[%swap3A_1807], %mul3A_1759 {strides = array<i32>} : memref<3072xf32, #tpu.memory_space<vmem>>, vector<16xf32>,
    %swap3A_1809 = arith.constant 1696 : index
    %swap3A_1810 = tpu.vector_load %arg10[%swap3A_1809] {strides = array<i32>} : memref<3072xf32, #tpu.memory_space<vmem>>, vector<16xf32>,
    tpu.vector_store %arg10[%swap3A_1809], %mul3A_1763 {strides = array<i32>} : memref<3072xf32, #tpu.memory_space<vmem>>, vector<16xf32>,
    %swap3A_1811 = arith.constant 1952 : index
    %swap3A_1812 = tpu.vector_load %arg10[%swap3A_1811] {strides = array<i32>} : memref<3072xf32, #tpu.memory_space<vmem>>, vector<16xf32>,
    tpu.vector_store %arg10[%swap3A_1811], %sub3A_1764 {strides = array<i32>} : memref<3072xf32, #tpu.memory_space<vmem>>, vector<16xf32>,
    %swap3A_1813 = arith.constant 2208 : index
    %swap3A_1814 = tpu.vector_load %arg10[%swap3A_1813] {strides = array<i32>} : memref<3072xf32, #tpu.memory_space<vmem>>, vector<16xf32>,
    tpu.vector_store %arg10[%swap3A_1813], %sub3A_1765 {strides = array<i32>} : memref<3072xf32, #tpu.memory_space<vmem>>, vector<16xf32>,
    %select_n3A_1815 = arith.select %lt3A_1774, %sub3A_1764, %broadcast_in_dim3A_6 : vector<16xi1>, vector<16xf32>
    %bitcast3A_1816 = vector.bitcast %select_n3A_1815 : vector<16xf32> to vector<16xi32>
    %shift_right_arithmetic3A_1817 = arith.constant 23 : i32
    %shift_right_arithmetic3A_1818 = vector.broadcast %shift_right_arithmetic3A_1817 : i32 to vector<16xi32>
    %shift_right_arithmetic3A_1819 = arith.shrsi %bitcast3A_1816, %shift_right_arithmetic3A_1818 : vector<16xi32>
    %sub3A_1820 = arith.constant 127 : i32
    %sub3A_1821 = vector.broadcast %sub3A_1820 : i32 to vector<16xi32>
    %sub3A_1822 = arith.subi %shift_right_arithmetic3A_1819, %sub3A_1821 : vector<16xi32>
    %and3A_1823 = arith.constant 8388607 : i32
    %and3A_1824 = vector.broadcast %and3A_1823 : i32 to vector<16xi32>
    %and3A_1825 = arith.andi %bitcast3A_1816, %and3A_1824 : vector<16xi32>
    %or3A_1826 = arith.constant 1065353216 : i32
    %or3A_1827 = vector.broadcast %or3A_1826 : i32 to vector<16xi32>
    %or3A_1828 = arith.ori %and3A_1825, %or3A_1827 : vector<16xi32>
    %bitcast3A_1829 = vector.bitcast %or3A_1828 : vector<16xi32> to vector<16xf32>
    %sub3A_1830 = arith.constant 1.000000e+00 : f32
    %sub3A_1831 = vector.broadcast %sub3A_1830 : f32 to vector<16xf32>
    %sub3A_1832 = arith.subf %bitcast3A_1829, %sub3A_1831 : vector<16xf32>
    %mul3A_1833 = arith.constant -2.606630e-02 : f32
    %mul3A_1834 = vector.broadcast %mul3A_1833 : f32 to vector<16xf32>
    %mul3A_1835 = arith.mulf %sub3A_1832, %mul3A_1834 : vector<16xf32>
    %add3A_1836 = arith.constant 0.121914141 : f32
    %add3A_1837 = vector.broadcast %add3A_1836 : f32 to vector<16xf32>
    %add3A_1838 = arith.addf %add3A_1837, %mul3A_1835 : vector<16xf32>
    %mul3A_1839 = arith.mulf %sub3A_1832, %add3A_1838 : vector<16xf32>
    %add3A_1840 = arith.constant -0.277365059 : f32
    %add3A_1841 = vector.broadcast %add3A_1840 : f32 to vector<16xf32>
    %add3A_1842 = arith.addf %add3A_1841, %mul3A_1839 : vector<16xf32>
    %mul3A_1843 = arith.mulf %sub3A_1832, %add3A_1842 : vector<16xf32>
    %add3A_1844 = arith.constant 0.456894159 : f32
    %add3A_1845 = vector.broadcast %add3A_1844 : f32 to vector<16xf32>
    %add3A_1846 = arith.addf %add3A_1845, %mul3A_1843 : vector<16xf32>
    %mul3A_1847 = arith.mulf %sub3A_1832, %add3A_1846 : vector<16xf32>
    %add3A_1848 = arith.constant -0.717898369 : f32
    %add3A_1849 = vector.broadcast %add3A_1848 : f32 to vector<16xf32>
    %add3A_1850 = arith.addf %add3A_1849, %mul3A_1847 : vector<16xf32>
    %mul3A_1851 = arith.mulf %sub3A_1832, %add3A_1850 : vector<16xf32>
    %add3A_1852 = arith.constant 1.44251704 : f32
    %add3A_1853 = vector.broadcast %add3A_1852 : f32 to vector<16xf32>
    %add3A_1854 = arith.addf %add3A_1853, %mul3A_1851 : vector<16xf32>
    %mul3A_1855 = arith.mulf %sub3A_1832, %add3A_1854 : vector<16xf32>
    %convert_element_type3A_1856 = arith.sitofp %sub3A_1822 : vector<16xi32> to vector<16xf32>
    %add3A_1857 = arith.addf %convert_element_type3A_1856, %mul3A_1855 : vector<16xf32>
    %mul3A_1858 = arith.constant 0.693147182 : f32
    %mul3A_1859 = vector.broadcast %mul3A_1858 : f32 to vector<16xf32>
    %mul3A_1860 = arith.mulf %add3A_1857, %mul3A_1859 : vector<16xf32>
    %swap3A_1861 = arith.constant 2464 : index
    %swap3A_1862 = tpu.vector_load %arg10[%swap3A_1861] {strides = array<i32>} : memref<3072xf32, #tpu.memory_space<vmem>>, vector<16xf32>,
    tpu.vector_store %arg10[%swap3A_1861], %mul3A_1860 {strides = array<i32>} : memref<3072xf32, #tpu.memory_space<vmem>>, vector<16xf32>,
    %select_n3A_1863 = arith.select %lt3A_1774, %sub3A_1765, %broadcast_in_dim3A_6 : vector<16xi1>, vector<16xf32>
    %bitcast3A_1864 = vector.bitcast %select_n3A_1863 : vector<16xf32> to vector<16xi32>
    %shift_right_arithmetic3A_1865 = arith.constant 23 : i32
    %shift_right_arithmetic3A_1866 = vector.broadcast %shift_right_arithmetic3A_1865 : i32 to vector<16xi32>
    %shift_right_arithmetic3A_1867 = arith.shrsi %bitcast3A_1864, %shift_right_arithmetic3A_1866 : vector<16xi32>
    %sub3A_1868 = arith.constant 127 : i32
    %sub3A_1869 = vector.broadcast %sub3A_1868 : i32 to vector<16xi32>
    %sub3A_1870 = arith.subi %shift_right_arithmetic3A_1867, %sub3A_1869 : vector<16xi32>
    %and3A_1871 = arith.constant 8388607 : i32
    %and3A_1872 = vector.broadcast %and3A_1871 : i32 to vector<16xi32>
    %and3A_1873 = arith.andi %bitcast3A_1864, %and3A_1872 : vector<16xi32>
    %or3A_1874 = arith.constant 1065353216 : i32
    %or3A_1875 = vector.broadcast %or3A_1874 : i32 to vector<16xi32>
    %or3A_1876 = arith.ori %and3A_1873, %or3A_1875 : vector<16xi32>
    %bitcast3A_1877 = vector.bitcast %or3A_1876 : vector<16xi32> to vector<16xf32>
    %sub3A_1878 = arith.constant 1.000000e+00 : f32
    %sub3A_1879 = vector.broadcast %sub3A_1878 : f32 to vector<16xf32>
    %sub3A_1880 = arith.subf %bitcast3A_1877, %sub3A_1879 : vector<16xf32>
    %mul3A_1881 = arith.constant -2.606630e-02 : f32
    %mul3A_1882 = vector.broadcast %mul3A_1881 : f32 to vector<16xf32>
    %mul3A_1883 = arith.mulf %sub3A_1880, %mul3A_1882 : vector<16xf32>
    %add3A_1884 = arith.constant 0.121914141 : f32
    %add3A_1885 = vector.broadcast %add3A_1884 : f32 to vector<16xf32>
    %add3A_1886 = arith.addf %add3A_1885, %mul3A_1883 : vector<16xf32>
    %mul3A_1887 = arith.mulf %sub3A_1880, %add3A_1886 : vector<16xf32>
    %add3A_1888 = arith.constant -0.277365059 : f32
    %add3A_1889 = vector.broadcast %add3A_1888 : f32 to vector<16xf32>
    %add3A_1890 = arith.addf %add3A_1889, %mul3A_1887 : vector<16xf32>
    %mul3A_1891 = arith.mulf %sub3A_1880, %add3A_1890 : vector<16xf32>
    %add3A_1892 = arith.constant 0.456894159 : f32
    %add3A_1893 = vector.broadcast %add3A_1892 : f32 to vector<16xf32>
    %add3A_1894 = arith.addf %add3A_1893, %mul3A_1891 : vector<16xf32>
    %mul3A_1895 = arith.mulf %sub3A_1880, %add3A_1894 : vector<16xf32>
    %add3A_1896 = arith.constant -0.717898369 : f32
    %add3A_1897 = vector.broadcast %add3A_1896 : f32 to vector<16xf32>
    %add3A_1898 = arith.addf %add3A_1897, %mul3A_1895 : vector<16xf32>
    %mul3A_1899 = arith.mulf %sub3A_1880, %add3A_1898 : vector<16xf32>
    %add3A_1900 = arith.constant 1.44251704 : f32
    %add3A_1901 = vector.broadcast %add3A_1900 : f32 to vector<16xf32>
    %add3A_1902 = arith.addf %add3A_1901, %mul3A_1899 : vector<16xf32>
    %mul3A_1903 = arith.mulf %sub3A_1880, %add3A_1902 : vector<16xf32>
    %convert_element_type3A_1904 = arith.sitofp %sub3A_1870 : vector<16xi32> to vector<16xf32>
    %add3A_1905 = arith.addf %convert_element_type3A_1904, %mul3A_1903 : vector<16xf32>
    %mul3A_1906 = arith.constant 0.693147182 : f32
    %mul3A_1907 = vector.broadcast %mul3A_1906 : f32 to vector<16xf32>
    %mul3A_1908 = arith.mulf %add3A_1905, %mul3A_1907 : vector<16xf32>
    %swap3A_1909 = arith.constant 2720 : index
    %swap3A_1910 = tpu.vector_load %arg10[%swap3A_1909] {strides = array<i32>} : memref<3072xf32, #tpu.memory_space<vmem>>, vector<16xf32>,
    tpu.vector_store %arg10[%swap3A_1909], %mul3A_1908 {strides = array<i32>} : memref<3072xf32, #tpu.memory_space<vmem>>, vector<16xf32>,
    %add3A_1911 = arith.constant 176 : i32
    %add3A_1912 = vector.broadcast %add3A_1911 : i32 to vector<16xi32>
    %add3A_1913 = arith.addi %iota3A, %add3A_1912 : vector<16xi32>
    %mul3A_1914 = arith.constant 4 : i32
    %mul3A_1915 = vector.broadcast %mul3A_1914 : i32 to vector<16xi32>
    %mul3A_1916 = arith.muli %add3A_1913, %mul3A_1915 : vector<16xi32>
    %gather3A_1917 = tpu.vector_load_idx %arg9[%mul3A_1916] : memref<832xf32, #tpu.memory_space<vmem>>[vector<16xi32>], vector<16xf32>,
    %add3A_1918 = arith.constant 1 : i32
    %add3A_1919 = vector.broadcast %add3A_1918 : i32 to vector<16xi32>
    %add3A_1920 = arith.addi %mul3A_1916, %add3A_1919 : vector<16xi32>
    %gather3A_1921 = tpu.vector_load_idx %arg9[%add3A_1920] : memref<832xf32, #tpu.memory_space<vmem>>[vector<16xi32>], vector<16xf32>,
    %add3A_1922 = arith.constant 2 : i32
    %add3A_1923 = vector.broadcast %add3A_1922 : i32 to vector<16xi32>
    %add3A_1924 = arith.addi %mul3A_1916, %add3A_1923 : vector<16xi32>
    %gather3A_1925 = tpu.vector_load_idx %arg9[%add3A_1924] : memref<832xf32, #tpu.memory_space<vmem>>[vector<16xi32>], vector<16xf32>,
    %add3A_1926 = arith.constant 3 : i32
    %add3A_1927 = vector.broadcast %add3A_1926 : i32 to vector<16xi32>
    %add3A_1928 = arith.addi %mul3A_1916, %add3A_1927 : vector<16xi32>
    %gather3A_1929 = tpu.vector_load_idx %arg9[%add3A_1928] : memref<832xf32, #tpu.memory_space<vmem>>[vector<16xi32>], vector<16xf32>,
    %add3A_1930 = arith.addf %gather3A_1917, %gather3A_1925 : vector<16xf32>
    %mul3A_1931 = arith.constant 5.000000e-01 : f32
    %mul3A_1932 = vector.broadcast %mul3A_1931 : f32 to vector<16xf32>
    %mul3A_1933 = arith.mulf %add3A_1930, %mul3A_1932 : vector<16xf32>
    %add3A_1934 = arith.addf %gather3A_1921, %gather3A_1929 : vector<16xf32>
    %mul3A_1935 = arith.constant 5.000000e-01 : f32
    %mul3A_1936 = vector.broadcast %mul3A_1935 : f32 to vector<16xf32>
    %mul3A_1937 = arith.mulf %add3A_1934, %mul3A_1936 : vector<16xf32>
    %sub3A_1938 = arith.subf %gather3A_1925, %gather3A_1917 : vector<16xf32>
    %sub3A_1939 = arith.subf %gather3A_1929, %gather3A_1921 : vector<16xf32>
    %mul3A_1940 = arith.constant 5.000000e-01 : f32
    %mul3A_1941 = vector.broadcast %mul3A_1940 : f32 to vector<16xf32>
    %mul3A_1942 = arith.mulf %sub3A_1938, %mul3A_1941 : vector<16xf32>
    %mul3A_1943 = arith.constant 5.000000e-01 : f32
    %mul3A_1944 = vector.broadcast %mul3A_1943 : f32 to vector<16xf32>
    %mul3A_1945 = arith.mulf %sub3A_1939, %mul3A_1944 : vector<16xf32>
    %lt3A_1946 = arith.constant 200 : i32
    %lt3A_1947 = vector.broadcast %lt3A_1946 : i32 to vector<16xi32>
    %lt3A_1948 = arith.cmpi slt, %add3A_1913, %lt3A_1947 : vector<16xi32>
    %sub3A_1949 = arith.subf %mul3A_1933, %mul3A_1942 : vector<16xf32>
    %jit3A_1950 = arith.constant 3.000000e+38 : f32
    %broadcast_in_dim3A_1951 = vector.broadcast %jit3A_1950 : f32 to vector<16xf32>
    %select_n3A_1952 = arith.select %lt3A_1948, %sub3A_1949, %broadcast_in_dim3A_1951 : vector<16xi1>, vector<16xf32>
    %swap3A_1953 = arith.constant 176 : index
    %swap3A_1954 = tpu.vector_load %arg10[%swap3A_1953] {strides = array<i32>} : memref<3072xf32, #tpu.memory_space<vmem>>, vector<16xf32>,
    tpu.vector_store %arg10[%swap3A_1953], %select_n3A_1952 {strides = array<i32>} : memref<3072xf32, #tpu.memory_space<vmem>>, vector<16xf32>,
    %sub3A_1955 = arith.subf %mul3A_1937, %mul3A_1945 : vector<16xf32>
    %jit3A_1956 = arith.constant 3.000000e+38 : f32
    %broadcast_in_dim3A_1957 = vector.broadcast %jit3A_1956 : f32 to vector<16xf32>
    %select_n3A_1958 = arith.select %lt3A_1948, %sub3A_1955, %broadcast_in_dim3A_1957 : vector<16xi1>, vector<16xf32>
    %swap3A_1959 = arith.constant 432 : index
    %swap3A_1960 = tpu.vector_load %arg10[%swap3A_1959] {strides = array<i32>} : memref<3072xf32, #tpu.memory_space<vmem>>, vector<16xf32>,
    tpu.vector_store %arg10[%swap3A_1959], %select_n3A_1958 {strides = array<i32>} : memref<3072xf32, #tpu.memory_space<vmem>>, vector<16xf32>,
    %add3A_1961 = arith.addf %mul3A_1933, %mul3A_1942 : vector<16xf32>
    %neg3A_1962 = arith.constant 0.000000e+00 : f32
    %neg3A_1963 = arith.constant 3.000000e+38 : f32
    %neg3A_1964 = arith.subf %neg3A_1962, %neg3A_1963 : f32
    %broadcast_in_dim3A_1965 = vector.broadcast %neg3A_1964 : f32 to vector<16xf32>
    %select_n3A_1966 = arith.select %lt3A_1948, %add3A_1961, %broadcast_in_dim3A_1965 : vector<16xi1>, vector<16xf32>
    %swap3A_1967 = arith.constant 688 : index
    %swap3A_1968 = tpu.vector_load %arg10[%swap3A_1967] {strides = array<i32>} : memref<3072xf32, #tpu.memory_space<vmem>>, vector<16xf32>,
    tpu.vector_store %arg10[%swap3A_1967], %select_n3A_1966 {strides = array<i32>} : memref<3072xf32, #tpu.memory_space<vmem>>, vector<16xf32>,
    %add3A_1969 = arith.addf %mul3A_1937, %mul3A_1945 : vector<16xf32>
    %neg3A_1970 = arith.constant 0.000000e+00 : f32
    %neg3A_1971 = arith.constant 3.000000e+38 : f32
    %neg3A_1972 = arith.subf %neg3A_1970, %neg3A_1971 : f32
    %broadcast_in_dim3A_1973 = vector.broadcast %neg3A_1972 : f32 to vector<16xf32>
    %select_n3A_1974 = arith.select %lt3A_1948, %add3A_1969, %broadcast_in_dim3A_1973 : vector<16xi1>, vector<16xf32>
    %swap3A_1975 = arith.constant 944 : index
    %swap3A_1976 = tpu.vector_load %arg10[%swap3A_1975] {strides = array<i32>} : memref<3072xf32, #tpu.memory_space<vmem>>, vector<16xf32>,
    tpu.vector_store %arg10[%swap3A_1975], %select_n3A_1974 {strides = array<i32>} : memref<3072xf32, #tpu.memory_space<vmem>>, vector<16xf32>,
    %mul3A_1977 = arith.mulf %sub3A_1938, %sub3A_1939 : vector<16xf32>
    %select_n3A_1978 = arith.select %lt3A_1948, %mul3A_1977, %broadcast_in_dim3A_4 : vector<16xi1>, vector<16xf32>
    %swap3A_1979 = arith.constant 1200 : index
    %swap3A_1980 = tpu.vector_load %arg10[%swap3A_1979] {strides = array<i32>} : memref<3072xf32, #tpu.memory_space<vmem>>, vector<16xf32>,
    tpu.vector_store %arg10[%swap3A_1979], %select_n3A_1978 {strides = array<i32>} : memref<3072xf32, #tpu.memory_space<vmem>>, vector<16xf32>,
    %swap3A_1981 = arith.constant 1456 : index
    %swap3A_1982 = tpu.vector_load %arg10[%swap3A_1981] {strides = array<i32>} : memref<3072xf32, #tpu.memory_space<vmem>>, vector<16xf32>,
    tpu.vector_store %arg10[%swap3A_1981], %mul3A_1933 {strides = array<i32>} : memref<3072xf32, #tpu.memory_space<vmem>>, vector<16xf32>,
    %swap3A_1983 = arith.constant 1712 : index
    %swap3A_1984 = tpu.vector_load %arg10[%swap3A_1983] {strides = array<i32>} : memref<3072xf32, #tpu.memory_space<vmem>>, vector<16xf32>,
    tpu.vector_store %arg10[%swap3A_1983], %mul3A_1937 {strides = array<i32>} : memref<3072xf32, #tpu.memory_space<vmem>>, vector<16xf32>,
    %swap3A_1985 = arith.constant 1968 : index
    %swap3A_1986 = tpu.vector_load %arg10[%swap3A_1985] {strides = array<i32>} : memref<3072xf32, #tpu.memory_space<vmem>>, vector<16xf32>,
    tpu.vector_store %arg10[%swap3A_1985], %sub3A_1938 {strides = array<i32>} : memref<3072xf32, #tpu.memory_space<vmem>>, vector<16xf32>,
    %swap3A_1987 = arith.constant 2224 : index
    %swap3A_1988 = tpu.vector_load %arg10[%swap3A_1987] {strides = array<i32>} : memref<3072xf32, #tpu.memory_space<vmem>>, vector<16xf32>,
    tpu.vector_store %arg10[%swap3A_1987], %sub3A_1939 {strides = array<i32>} : memref<3072xf32, #tpu.memory_space<vmem>>, vector<16xf32>,
    %select_n3A_1989 = arith.select %lt3A_1948, %sub3A_1938, %broadcast_in_dim3A_6 : vector<16xi1>, vector<16xf32>
    %bitcast3A_1990 = vector.bitcast %select_n3A_1989 : vector<16xf32> to vector<16xi32>
    %shift_right_arithmetic3A_1991 = arith.constant 23 : i32
    %shift_right_arithmetic3A_1992 = vector.broadcast %shift_right_arithmetic3A_1991 : i32 to vector<16xi32>
    %shift_right_arithmetic3A_1993 = arith.shrsi %bitcast3A_1990, %shift_right_arithmetic3A_1992 : vector<16xi32>
    %sub3A_1994 = arith.constant 127 : i32
    %sub3A_1995 = vector.broadcast %sub3A_1994 : i32 to vector<16xi32>
    %sub3A_1996 = arith.subi %shift_right_arithmetic3A_1993, %sub3A_1995 : vector<16xi32>
    %and3A_1997 = arith.constant 8388607 : i32
    %and3A_1998 = vector.broadcast %and3A_1997 : i32 to vector<16xi32>
    %and3A_1999 = arith.andi %bitcast3A_1990, %and3A_1998 : vector<16xi32>
    %or3A_2000 = arith.constant 1065353216 : i32
    %or3A_2001 = vector.broadcast %or3A_2000 : i32 to vector<16xi32>
    %or3A_2002 = arith.ori %and3A_1999, %or3A_2001 : vector<16xi32>
    %bitcast3A_2003 = vector.bitcast %or3A_2002 : vector<16xi32> to vector<16xf32>
    %sub3A_2004 = arith.constant 1.000000e+00 : f32
    %sub3A_2005 = vector.broadcast %sub3A_2004 : f32 to vector<16xf32>
    %sub3A_2006 = arith.subf %bitcast3A_2003, %sub3A_2005 : vector<16xf32>
    %mul3A_2007 = arith.constant -2.606630e-02 : f32
    %mul3A_2008 = vector.broadcast %mul3A_2007 : f32 to vector<16xf32>
    %mul3A_2009 = arith.mulf %sub3A_2006, %mul3A_2008 : vector<16xf32>
    %add3A_2010 = arith.constant 0.121914141 : f32
    %add3A_2011 = vector.broadcast %add3A_2010 : f32 to vector<16xf32>
    %add3A_2012 = arith.addf %add3A_2011, %mul3A_2009 : vector<16xf32>
    %mul3A_2013 = arith.mulf %sub3A_2006, %add3A_2012 : vector<16xf32>
    %add3A_2014 = arith.constant -0.277365059 : f32
    %add3A_2015 = vector.broadcast %add3A_2014 : f32 to vector<16xf32>
    %add3A_2016 = arith.addf %add3A_2015, %mul3A_2013 : vector<16xf32>
    %mul3A_2017 = arith.mulf %sub3A_2006, %add3A_2016 : vector<16xf32>
    %add3A_2018 = arith.constant 0.456894159 : f32
    %add3A_2019 = vector.broadcast %add3A_2018 : f32 to vector<16xf32>
    %add3A_2020 = arith.addf %add3A_2019, %mul3A_2017 : vector<16xf32>
    %mul3A_2021 = arith.mulf %sub3A_2006, %add3A_2020 : vector<16xf32>
    %add3A_2022 = arith.constant -0.717898369 : f32
    %add3A_2023 = vector.broadcast %add3A_2022 : f32 to vector<16xf32>
    %add3A_2024 = arith.addf %add3A_2023, %mul3A_2021 : vector<16xf32>
    %mul3A_2025 = arith.mulf %sub3A_2006, %add3A_2024 : vector<16xf32>
    %add3A_2026 = arith.constant 1.44251704 : f32
    %add3A_2027 = vector.broadcast %add3A_2026 : f32 to vector<16xf32>
    %add3A_2028 = arith.addf %add3A_2027, %mul3A_2025 : vector<16xf32>
    %mul3A_2029 = arith.mulf %sub3A_2006, %add3A_2028 : vector<16xf32>
    %convert_element_type3A_2030 = arith.sitofp %sub3A_1996 : vector<16xi32> to vector<16xf32>
    %add3A_2031 = arith.addf %convert_element_type3A_2030, %mul3A_2029 : vector<16xf32>
    %mul3A_2032 = arith.constant 0.693147182 : f32
    %mul3A_2033 = vector.broadcast %mul3A_2032 : f32 to vector<16xf32>
    %mul3A_2034 = arith.mulf %add3A_2031, %mul3A_2033 : vector<16xf32>
    %swap3A_2035 = arith.constant 2480 : index
    %swap3A_2036 = tpu.vector_load %arg10[%swap3A_2035] {strides = array<i32>} : memref<3072xf32, #tpu.memory_space<vmem>>, vector<16xf32>,
    tpu.vector_store %arg10[%swap3A_2035], %mul3A_2034 {strides = array<i32>} : memref<3072xf32, #tpu.memory_space<vmem>>, vector<16xf32>,
    %select_n3A_2037 = arith.select %lt3A_1948, %sub3A_1939, %broadcast_in_dim3A_6 : vector<16xi1>, vector<16xf32>
    %bitcast3A_2038 = vector.bitcast %select_n3A_2037 : vector<16xf32> to vector<16xi32>
    %shift_right_arithmetic3A_2039 = arith.constant 23 : i32
    %shift_right_arithmetic3A_2040 = vector.broadcast %shift_right_arithmetic3A_2039 : i32 to vector<16xi32>
    %shift_right_arithmetic3A_2041 = arith.shrsi %bitcast3A_2038, %shift_right_arithmetic3A_2040 : vector<16xi32>
    %sub3A_2042 = arith.constant 127 : i32
    %sub3A_2043 = vector.broadcast %sub3A_2042 : i32 to vector<16xi32>
    %sub3A_2044 = arith.subi %shift_right_arithmetic3A_2041, %sub3A_2043 : vector<16xi32>
    %and3A_2045 = arith.constant 8388607 : i32
    %and3A_2046 = vector.broadcast %and3A_2045 : i32 to vector<16xi32>
    %and3A_2047 = arith.andi %bitcast3A_2038, %and3A_2046 : vector<16xi32>
    %or3A_2048 = arith.constant 1065353216 : i32
    %or3A_2049 = vector.broadcast %or3A_2048 : i32 to vector<16xi32>
    %or3A_2050 = arith.ori %and3A_2047, %or3A_2049 : vector<16xi32>
    %bitcast3A_2051 = vector.bitcast %or3A_2050 : vector<16xi32> to vector<16xf32>
    %sub3A_2052 = arith.constant 1.000000e+00 : f32
    %sub3A_2053 = vector.broadcast %sub3A_2052 : f32 to vector<16xf32>
    %sub3A_2054 = arith.subf %bitcast3A_2051, %sub3A_2053 : vector<16xf32>
    %mul3A_2055 = arith.constant -2.606630e-02 : f32
    %mul3A_2056 = vector.broadcast %mul3A_2055 : f32 to vector<16xf32>
    %mul3A_2057 = arith.mulf %sub3A_2054, %mul3A_2056 : vector<16xf32>
    %add3A_2058 = arith.constant 0.121914141 : f32
    %add3A_2059 = vector.broadcast %add3A_2058 : f32 to vector<16xf32>
    %add3A_2060 = arith.addf %add3A_2059, %mul3A_2057 : vector<16xf32>
    %mul3A_2061 = arith.mulf %sub3A_2054, %add3A_2060 : vector<16xf32>
    %add3A_2062 = arith.constant -0.277365059 : f32
    %add3A_2063 = vector.broadcast %add3A_2062 : f32 to vector<16xf32>
    %add3A_2064 = arith.addf %add3A_2063, %mul3A_2061 : vector<16xf32>
    %mul3A_2065 = arith.mulf %sub3A_2054, %add3A_2064 : vector<16xf32>
    %add3A_2066 = arith.constant 0.456894159 : f32
    %add3A_2067 = vector.broadcast %add3A_2066 : f32 to vector<16xf32>
    %add3A_2068 = arith.addf %add3A_2067, %mul3A_2065 : vector<16xf32>
    %mul3A_2069 = arith.mulf %sub3A_2054, %add3A_2068 : vector<16xf32>
    %add3A_2070 = arith.constant -0.717898369 : f32
    %add3A_2071 = vector.broadcast %add3A_2070 : f32 to vector<16xf32>
    %add3A_2072 = arith.addf %add3A_2071, %mul3A_2069 : vector<16xf32>
    %mul3A_2073 = arith.mulf %sub3A_2054, %add3A_2072 : vector<16xf32>
    %add3A_2074 = arith.constant 1.44251704 : f32
    %add3A_2075 = vector.broadcast %add3A_2074 : f32 to vector<16xf32>
    %add3A_2076 = arith.addf %add3A_2075, %mul3A_2073 : vector<16xf32>
    %mul3A_2077 = arith.mulf %sub3A_2054, %add3A_2076 : vector<16xf32>
    %convert_element_type3A_2078 = arith.sitofp %sub3A_2044 : vector<16xi32> to vector<16xf32>
    %add3A_2079 = arith.addf %convert_element_type3A_2078, %mul3A_2077 : vector<16xf32>
    %mul3A_2080 = arith.constant 0.693147182 : f32
    %mul3A_2081 = vector.broadcast %mul3A_2080 : f32 to vector<16xf32>
    %mul3A_2082 = arith.mulf %add3A_2079, %mul3A_2081 : vector<16xf32>
    %swap3A_2083 = arith.constant 2736 : index
    %swap3A_2084 = tpu.vector_load %arg10[%swap3A_2083] {strides = array<i32>} : memref<3072xf32, #tpu.memory_space<vmem>>, vector<16xf32>,
    tpu.vector_store %arg10[%swap3A_2083], %mul3A_2082 {strides = array<i32>} : memref<3072xf32, #tpu.memory_space<vmem>>, vector<16xf32>,
    %add3A_2085 = arith.constant 192 : i32
    %add3A_2086 = vector.broadcast %add3A_2085 : i32 to vector<16xi32>
    %add3A_2087 = arith.addi %iota3A, %add3A_2086 : vector<16xi32>
    %mul3A_2088 = arith.constant 4 : i32
    %mul3A_2089 = vector.broadcast %mul3A_2088 : i32 to vector<16xi32>
    %mul3A_2090 = arith.muli %add3A_2087, %mul3A_2089 : vector<16xi32>
    %gather3A_2091 = tpu.vector_load_idx %arg9[%mul3A_2090] : memref<832xf32, #tpu.memory_space<vmem>>[vector<16xi32>], vector<16xf32>,
    %add3A_2092 = arith.constant 1 : i32
    %add3A_2093 = vector.broadcast %add3A_2092 : i32 to vector<16xi32>
    %add3A_2094 = arith.addi %mul3A_2090, %add3A_2093 : vector<16xi32>
    %gather3A_2095 = tpu.vector_load_idx %arg9[%add3A_2094] : memref<832xf32, #tpu.memory_space<vmem>>[vector<16xi32>], vector<16xf32>,
    %add3A_2096 = arith.constant 2 : i32
    %add3A_2097 = vector.broadcast %add3A_2096 : i32 to vector<16xi32>
    %add3A_2098 = arith.addi %mul3A_2090, %add3A_2097 : vector<16xi32>
    %gather3A_2099 = tpu.vector_load_idx %arg9[%add3A_2098] : memref<832xf32, #tpu.memory_space<vmem>>[vector<16xi32>], vector<16xf32>,
    %add3A_2100 = arith.constant 3 : i32
    %add3A_2101 = vector.broadcast %add3A_2100 : i32 to vector<16xi32>
    %add3A_2102 = arith.addi %mul3A_2090, %add3A_2101 : vector<16xi32>
    %gather3A_2103 = tpu.vector_load_idx %arg9[%add3A_2102] : memref<832xf32, #tpu.memory_space<vmem>>[vector<16xi32>], vector<16xf32>,
    %add3A_2104 = arith.addf %gather3A_2091, %gather3A_2099 : vector<16xf32>
    %mul3A_2105 = arith.constant 5.000000e-01 : f32
    %mul3A_2106 = vector.broadcast %mul3A_2105 : f32 to vector<16xf32>
    %mul3A_2107 = arith.mulf %add3A_2104, %mul3A_2106 : vector<16xf32>
    %add3A_2108 = arith.addf %gather3A_2095, %gather3A_2103 : vector<16xf32>
    %mul3A_2109 = arith.constant 5.000000e-01 : f32
    %mul3A_2110 = vector.broadcast %mul3A_2109 : f32 to vector<16xf32>
    %mul3A_2111 = arith.mulf %add3A_2108, %mul3A_2110 : vector<16xf32>
    %sub3A_2112 = arith.subf %gather3A_2099, %gather3A_2091 : vector<16xf32>
    %sub3A_2113 = arith.subf %gather3A_2103, %gather3A_2095 : vector<16xf32>
    %mul3A_2114 = arith.constant 5.000000e-01 : f32
    %mul3A_2115 = vector.broadcast %mul3A_2114 : f32 to vector<16xf32>
    %mul3A_2116 = arith.mulf %sub3A_2112, %mul3A_2115 : vector<16xf32>
    %mul3A_2117 = arith.constant 5.000000e-01 : f32
    %mul3A_2118 = vector.broadcast %mul3A_2117 : f32 to vector<16xf32>
    %mul3A_2119 = arith.mulf %sub3A_2113, %mul3A_2118 : vector<16xf32>
    %lt3A_2120 = arith.constant 200 : i32
    %lt3A_2121 = vector.broadcast %lt3A_2120 : i32 to vector<16xi32>
    %lt3A_2122 = arith.cmpi slt, %add3A_2087, %lt3A_2121 : vector<16xi32>
    %sub3A_2123 = arith.subf %mul3A_2107, %mul3A_2116 : vector<16xf32>
    %jit3A_2124 = arith.constant 3.000000e+38 : f32
    %broadcast_in_dim3A_2125 = vector.broadcast %jit3A_2124 : f32 to vector<16xf32>
    %select_n3A_2126 = arith.select %lt3A_2122, %sub3A_2123, %broadcast_in_dim3A_2125 : vector<16xi1>, vector<16xf32>
    %swap3A_2127 = arith.constant 192 : index
    %swap3A_2128 = tpu.vector_load %arg10[%swap3A_2127] {strides = array<i32>} : memref<3072xf32, #tpu.memory_space<vmem>>, vector<16xf32>,
    tpu.vector_store %arg10[%swap3A_2127], %select_n3A_2126 {strides = array<i32>} : memref<3072xf32, #tpu.memory_space<vmem>>, vector<16xf32>,
    %sub3A_2129 = arith.subf %mul3A_2111, %mul3A_2119 : vector<16xf32>
    %jit3A_2130 = arith.constant 3.000000e+38 : f32
    %broadcast_in_dim3A_2131 = vector.broadcast %jit3A_2130 : f32 to vector<16xf32>
    %select_n3A_2132 = arith.select %lt3A_2122, %sub3A_2129, %broadcast_in_dim3A_2131 : vector<16xi1>, vector<16xf32>
    %swap3A_2133 = arith.constant 448 : index
    %swap3A_2134 = tpu.vector_load %arg10[%swap3A_2133] {strides = array<i32>} : memref<3072xf32, #tpu.memory_space<vmem>>, vector<16xf32>,
    tpu.vector_store %arg10[%swap3A_2133], %select_n3A_2132 {strides = array<i32>} : memref<3072xf32, #tpu.memory_space<vmem>>, vector<16xf32>,
    %add3A_2135 = arith.addf %mul3A_2107, %mul3A_2116 : vector<16xf32>
    %neg3A_2136 = arith.constant 0.000000e+00 : f32
    %neg3A_2137 = arith.constant 3.000000e+38 : f32
    %neg3A_2138 = arith.subf %neg3A_2136, %neg3A_2137 : f32
    %broadcast_in_dim3A_2139 = vector.broadcast %neg3A_2138 : f32 to vector<16xf32>
    %select_n3A_2140 = arith.select %lt3A_2122, %add3A_2135, %broadcast_in_dim3A_2139 : vector<16xi1>, vector<16xf32>
    %swap3A_2141 = arith.constant 704 : index
    %swap3A_2142 = tpu.vector_load %arg10[%swap3A_2141] {strides = array<i32>} : memref<3072xf32, #tpu.memory_space<vmem>>, vector<16xf32>,
    tpu.vector_store %arg10[%swap3A_2141], %select_n3A_2140 {strides = array<i32>} : memref<3072xf32, #tpu.memory_space<vmem>>, vector<16xf32>,
    %add3A_2143 = arith.addf %mul3A_2111, %mul3A_2119 : vector<16xf32>
    %neg3A_2144 = arith.constant 0.000000e+00 : f32
    %neg3A_2145 = arith.constant 3.000000e+38 : f32
    %neg3A_2146 = arith.subf %neg3A_2144, %neg3A_2145 : f32
    %broadcast_in_dim3A_2147 = vector.broadcast %neg3A_2146 : f32 to vector<16xf32>
    %select_n3A_2148 = arith.select %lt3A_2122, %add3A_2143, %broadcast_in_dim3A_2147 : vector<16xi1>, vector<16xf32>
    %swap3A_2149 = arith.constant 960 : index
    %swap3A_2150 = tpu.vector_load %arg10[%swap3A_2149] {strides = array<i32>} : memref<3072xf32, #tpu.memory_space<vmem>>, vector<16xf32>,
    tpu.vector_store %arg10[%swap3A_2149], %select_n3A_2148 {strides = array<i32>} : memref<3072xf32, #tpu.memory_space<vmem>>, vector<16xf32>,
    %mul3A_2151 = arith.mulf %sub3A_2112, %sub3A_2113 : vector<16xf32>
    %select_n3A_2152 = arith.select %lt3A_2122, %mul3A_2151, %broadcast_in_dim3A_4 : vector<16xi1>, vector<16xf32>
    %swap3A_2153 = arith.constant 1216 : index
    %swap3A_2154 = tpu.vector_load %arg10[%swap3A_2153] {strides = array<i32>} : memref<3072xf32, #tpu.memory_space<vmem>>, vector<16xf32>,
    tpu.vector_store %arg10[%swap3A_2153], %select_n3A_2152 {strides = array<i32>} : memref<3072xf32, #tpu.memory_space<vmem>>, vector<16xf32>,
    %swap3A_2155 = arith.constant 1472 : index
    %swap3A_2156 = tpu.vector_load %arg10[%swap3A_2155] {strides = array<i32>} : memref<3072xf32, #tpu.memory_space<vmem>>, vector<16xf32>,
    tpu.vector_store %arg10[%swap3A_2155], %mul3A_2107 {strides = array<i32>} : memref<3072xf32, #tpu.memory_space<vmem>>, vector<16xf32>,
    %swap3A_2157 = arith.constant 1728 : index
    %swap3A_2158 = tpu.vector_load %arg10[%swap3A_2157] {strides = array<i32>} : memref<3072xf32, #tpu.memory_space<vmem>>, vector<16xf32>,
    tpu.vector_store %arg10[%swap3A_2157], %mul3A_2111 {strides = array<i32>} : memref<3072xf32, #tpu.memory_space<vmem>>, vector<16xf32>,
    %swap3A_2159 = arith.constant 1984 : index
    %swap3A_2160 = tpu.vector_load %arg10[%swap3A_2159] {strides = array<i32>} : memref<3072xf32, #tpu.memory_space<vmem>>, vector<16xf32>,
    tpu.vector_store %arg10[%swap3A_2159], %sub3A_2112 {strides = array<i32>} : memref<3072xf32, #tpu.memory_space<vmem>>, vector<16xf32>,
    %swap3A_2161 = arith.constant 2240 : index
    %swap3A_2162 = tpu.vector_load %arg10[%swap3A_2161] {strides = array<i32>} : memref<3072xf32, #tpu.memory_space<vmem>>, vector<16xf32>,
    tpu.vector_store %arg10[%swap3A_2161], %sub3A_2113 {strides = array<i32>} : memref<3072xf32, #tpu.memory_space<vmem>>, vector<16xf32>,
    %select_n3A_2163 = arith.select %lt3A_2122, %sub3A_2112, %broadcast_in_dim3A_6 : vector<16xi1>, vector<16xf32>
    %bitcast3A_2164 = vector.bitcast %select_n3A_2163 : vector<16xf32> to vector<16xi32>
    %shift_right_arithmetic3A_2165 = arith.constant 23 : i32
    %shift_right_arithmetic3A_2166 = vector.broadcast %shift_right_arithmetic3A_2165 : i32 to vector<16xi32>
    %shift_right_arithmetic3A_2167 = arith.shrsi %bitcast3A_2164, %shift_right_arithmetic3A_2166 : vector<16xi32>
    %sub3A_2168 = arith.constant 127 : i32
    %sub3A_2169 = vector.broadcast %sub3A_2168 : i32 to vector<16xi32>
    %sub3A_2170 = arith.subi %shift_right_arithmetic3A_2167, %sub3A_2169 : vector<16xi32>
    %and3A_2171 = arith.constant 8388607 : i32
    %and3A_2172 = vector.broadcast %and3A_2171 : i32 to vector<16xi32>
    %and3A_2173 = arith.andi %bitcast3A_2164, %and3A_2172 : vector<16xi32>
    %or3A_2174 = arith.constant 1065353216 : i32
    %or3A_2175 = vector.broadcast %or3A_2174 : i32 to vector<16xi32>
    %or3A_2176 = arith.ori %and3A_2173, %or3A_2175 : vector<16xi32>
    %bitcast3A_2177 = vector.bitcast %or3A_2176 : vector<16xi32> to vector<16xf32>
    %sub3A_2178 = arith.constant 1.000000e+00 : f32
    %sub3A_2179 = vector.broadcast %sub3A_2178 : f32 to vector<16xf32>
    %sub3A_2180 = arith.subf %bitcast3A_2177, %sub3A_2179 : vector<16xf32>
    %mul3A_2181 = arith.constant -2.606630e-02 : f32
    %mul3A_2182 = vector.broadcast %mul3A_2181 : f32 to vector<16xf32>
    %mul3A_2183 = arith.mulf %sub3A_2180, %mul3A_2182 : vector<16xf32>
    %add3A_2184 = arith.constant 0.121914141 : f32
    %add3A_2185 = vector.broadcast %add3A_2184 : f32 to vector<16xf32>
    %add3A_2186 = arith.addf %add3A_2185, %mul3A_2183 : vector<16xf32>
    %mul3A_2187 = arith.mulf %sub3A_2180, %add3A_2186 : vector<16xf32>
    %add3A_2188 = arith.constant -0.277365059 : f32
    %add3A_2189 = vector.broadcast %add3A_2188 : f32 to vector<16xf32>
    %add3A_2190 = arith.addf %add3A_2189, %mul3A_2187 : vector<16xf32>
    %mul3A_2191 = arith.mulf %sub3A_2180, %add3A_2190 : vector<16xf32>
    %add3A_2192 = arith.constant 0.456894159 : f32
    %add3A_2193 = vector.broadcast %add3A_2192 : f32 to vector<16xf32>
    %add3A_2194 = arith.addf %add3A_2193, %mul3A_2191 : vector<16xf32>
    %mul3A_2195 = arith.mulf %sub3A_2180, %add3A_2194 : vector<16xf32>
    %add3A_2196 = arith.constant -0.717898369 : f32
    %add3A_2197 = vector.broadcast %add3A_2196 : f32 to vector<16xf32>
    %add3A_2198 = arith.addf %add3A_2197, %mul3A_2195 : vector<16xf32>
    %mul3A_2199 = arith.mulf %sub3A_2180, %add3A_2198 : vector<16xf32>
    %add3A_2200 = arith.constant 1.44251704 : f32
    %add3A_2201 = vector.broadcast %add3A_2200 : f32 to vector<16xf32>
    %add3A_2202 = arith.addf %add3A_2201, %mul3A_2199 : vector<16xf32>
    %mul3A_2203 = arith.mulf %sub3A_2180, %add3A_2202 : vector<16xf32>
    %convert_element_type3A_2204 = arith.sitofp %sub3A_2170 : vector<16xi32> to vector<16xf32>
    %add3A_2205 = arith.addf %convert_element_type3A_2204, %mul3A_2203 : vector<16xf32>
    %mul3A_2206 = arith.constant 0.693147182 : f32
    %mul3A_2207 = vector.broadcast %mul3A_2206 : f32 to vector<16xf32>
    %mul3A_2208 = arith.mulf %add3A_2205, %mul3A_2207 : vector<16xf32>
    %swap3A_2209 = arith.constant 2496 : index
    %swap3A_2210 = tpu.vector_load %arg10[%swap3A_2209] {strides = array<i32>} : memref<3072xf32, #tpu.memory_space<vmem>>, vector<16xf32>,
    tpu.vector_store %arg10[%swap3A_2209], %mul3A_2208 {strides = array<i32>} : memref<3072xf32, #tpu.memory_space<vmem>>, vector<16xf32>,
    %select_n3A_2211 = arith.select %lt3A_2122, %sub3A_2113, %broadcast_in_dim3A_6 : vector<16xi1>, vector<16xf32>
    %bitcast3A_2212 = vector.bitcast %select_n3A_2211 : vector<16xf32> to vector<16xi32>
    %shift_right_arithmetic3A_2213 = arith.constant 23 : i32
    %shift_right_arithmetic3A_2214 = vector.broadcast %shift_right_arithmetic3A_2213 : i32 to vector<16xi32>
    %shift_right_arithmetic3A_2215 = arith.shrsi %bitcast3A_2212, %shift_right_arithmetic3A_2214 : vector<16xi32>
    %sub3A_2216 = arith.constant 127 : i32
    %sub3A_2217 = vector.broadcast %sub3A_2216 : i32 to vector<16xi32>
    %sub3A_2218 = arith.subi %shift_right_arithmetic3A_2215, %sub3A_2217 : vector<16xi32>
    %and3A_2219 = arith.constant 8388607 : i32
    %and3A_2220 = vector.broadcast %and3A_2219 : i32 to vector<16xi32>
    %and3A_2221 = arith.andi %bitcast3A_2212, %and3A_2220 : vector<16xi32>
    %or3A_2222 = arith.constant 1065353216 : i32
    %or3A_2223 = vector.broadcast %or3A_2222 : i32 to vector<16xi32>
    %or3A_2224 = arith.ori %and3A_2221, %or3A_2223 : vector<16xi32>
    %bitcast3A_2225 = vector.bitcast %or3A_2224 : vector<16xi32> to vector<16xf32>
    %sub3A_2226 = arith.constant 1.000000e+00 : f32
    %sub3A_2227 = vector.broadcast %sub3A_2226 : f32 to vector<16xf32>
    %sub3A_2228 = arith.subf %bitcast3A_2225, %sub3A_2227 : vector<16xf32>
    %mul3A_2229 = arith.constant -2.606630e-02 : f32
    %mul3A_2230 = vector.broadcast %mul3A_2229 : f32 to vector<16xf32>
    %mul3A_2231 = arith.mulf %sub3A_2228, %mul3A_2230 : vector<16xf32>
    %add3A_2232 = arith.constant 0.121914141 : f32
    %add3A_2233 = vector.broadcast %add3A_2232 : f32 to vector<16xf32>
    %add3A_2234 = arith.addf %add3A_2233, %mul3A_2231 : vector<16xf32>
    %mul3A_2235 = arith.mulf %sub3A_2228, %add3A_2234 : vector<16xf32>
    %add3A_2236 = arith.constant -0.277365059 : f32
    %add3A_2237 = vector.broadcast %add3A_2236 : f32 to vector<16xf32>
    %add3A_2238 = arith.addf %add3A_2237, %mul3A_2235 : vector<16xf32>
    %mul3A_2239 = arith.mulf %sub3A_2228, %add3A_2238 : vector<16xf32>
    %add3A_2240 = arith.constant 0.456894159 : f32
    %add3A_2241 = vector.broadcast %add3A_2240 : f32 to vector<16xf32>
    %add3A_2242 = arith.addf %add3A_2241, %mul3A_2239 : vector<16xf32>
    %mul3A_2243 = arith.mulf %sub3A_2228, %add3A_2242 : vector<16xf32>
    %add3A_2244 = arith.constant -0.717898369 : f32
    %add3A_2245 = vector.broadcast %add3A_2244 : f32 to vector<16xf32>
    %add3A_2246 = arith.addf %add3A_2245, %mul3A_2243 : vector<16xf32>
    %mul3A_2247 = arith.mulf %sub3A_2228, %add3A_2246 : vector<16xf32>
    %add3A_2248 = arith.constant 1.44251704 : f32
    %add3A_2249 = vector.broadcast %add3A_2248 : f32 to vector<16xf32>
    %add3A_2250 = arith.addf %add3A_2249, %mul3A_2247 : vector<16xf32>
    %mul3A_2251 = arith.mulf %sub3A_2228, %add3A_2250 : vector<16xf32>
    %convert_element_type3A_2252 = arith.sitofp %sub3A_2218 : vector<16xi32> to vector<16xf32>
    %add3A_2253 = arith.addf %convert_element_type3A_2252, %mul3A_2251 : vector<16xf32>
    %mul3A_2254 = arith.constant 0.693147182 : f32
    %mul3A_2255 = vector.broadcast %mul3A_2254 : f32 to vector<16xf32>
    %mul3A_2256 = arith.mulf %add3A_2253, %mul3A_2255 : vector<16xf32>
    %swap3A_2257 = arith.constant 2752 : index
    %swap3A_2258 = tpu.vector_load %arg10[%swap3A_2257] {strides = array<i32>} : memref<3072xf32, #tpu.memory_space<vmem>>, vector<16xf32>,
    tpu.vector_store %arg10[%swap3A_2257], %mul3A_2256 {strides = array<i32>} : memref<3072xf32, #tpu.memory_space<vmem>>, vector<16xf32>,
    %dma_wait3A = tpu.memref_slice %arg2[%mul3A_2] : memref<1196032xf32, #tpu.memory_space<hbm>> -> memref<37376xf32, #tpu.memory_space<hbm>>
    %dma_wait3A_2259 = tpu.memref_slice %arg2[%mul3A_2] : memref<1196032xf32, #tpu.memory_space<hbm>> -> memref<37376xf32, #tpu.memory_space<hbm>>
    tpu.wait_dma2 semaphore(%arg20 : memref<!tpu.dma_semaphore, #tpu.memory_space<semaphore_mem>>) src(%dma_wait3A_2259 : memref<37376xf32, #tpu.memory_space<hbm>>) dst(%arg8 : memref<37376xf32, #tpu.memory_space<vmem>>)
    %scan3A = arith.constant 0 : i32
    %scan3A_2260 = arith.constant 0 : i32
    %scan3A_2261 = arith.constant 64 : i32
    %scan3A_2262 = arith.addi %scan3A_2260, %scan3A_2261 : i32
    %scan3A_2263 = arith.constant 1 : i32
    scf.for %scan3A_2273 = %scan3A_2260 to %scan3A_2262 step %scan3A_2263  : i32 {
      %mul3A_2274 = arith.constant 584 : i32
      %mul3A_2275 = arith.muli %scan3A_2273, %mul3A_2274 : i32
      %mul3A_2276 = arith.constant 32 : i32
      %mul3A_2277 = arith.muli %scan3A_2273, %mul3A_2276 : i32
      %add3A_2278 = arith.addi %mul3A_2277, %add3A : i32
      %broadcast_in_dim3A_2279 = vector.broadcast %mul3A_2275 : i32 to vector<16xi32>
      %gather3A_2280 = tpu.vector_load_idx %arg8[%broadcast_in_dim3A_2279] : memref<37376xf32, #tpu.memory_space<vmem>>[vector<16xi32>], vector<16xf32>,
      %add3A_2281 = arith.constant 1 : i32
      %add3A_2282 = vector.broadcast %add3A_2281 : i32 to vector<16xi32>
      %add3A_2283 = arith.addi %broadcast_in_dim3A_2279, %add3A_2282 : vector<16xi32>
      %gather3A_2284 = tpu.vector_load_idx %arg8[%add3A_2283] : memref<37376xf32, #tpu.memory_space<vmem>>[vector<16xi32>], vector<16xf32>,
      %add3A_2285 = arith.constant 2 : i32
      %add3A_2286 = vector.broadcast %add3A_2285 : i32 to vector<16xi32>
      %add3A_2287 = arith.addi %broadcast_in_dim3A_2279, %add3A_2286 : vector<16xi32>
      %gather3A_2288 = tpu.vector_load_idx %arg8[%add3A_2287] : memref<37376xf32, #tpu.memory_space<vmem>>[vector<16xi32>], vector<16xf32>,
      %add3A_2289 = arith.constant 3 : i32
      %add3A_2290 = vector.broadcast %add3A_2289 : i32 to vector<16xi32>
      %add3A_2291 = arith.addi %broadcast_in_dim3A_2279, %add3A_2290 : vector<16xi32>
      %gather3A_2292 = tpu.vector_load_idx %arg8[%add3A_2291] : memref<37376xf32, #tpu.memory_space<vmem>>[vector<16xi32>], vector<16xf32>,
      %get3A = arith.constant 0 : index
      %get3A_2293 = tpu.vector_load %arg10[%get3A] {strides = array<i32>} : memref<3072xf32, #tpu.memory_space<vmem>>, vector<16xf32>,
      %get3A_2294 = arith.constant 256 : index
      %get3A_2295 = tpu.vector_load %arg10[%get3A_2294] {strides = array<i32>} : memref<3072xf32, #tpu.memory_space<vmem>>, vector<16xf32>,
      %get3A_2296 = arith.constant 512 : index
      %get3A_2297 = tpu.vector_load %arg10[%get3A_2296] {strides = array<i32>} : memref<3072xf32, #tpu.memory_space<vmem>>, vector<16xf32>,
      %get3A_2298 = arith.constant 768 : index
      %get3A_2299 = tpu.vector_load %arg10[%get3A_2298] {strides = array<i32>} : memref<3072xf32, #tpu.memory_space<vmem>>, vector<16xf32>,
      %gt3A = arith.cmpf ogt, %get3A_2297, %gather3A_2280 : vector<16xf32>
      %lt3A_2300 = arith.cmpf olt, %get3A_2293, %gather3A_2284 : vector<16xf32>
      %and3A_2301 = arith.andi %gt3A, %lt3A_2300 : vector<16xi1>
      %gt3A_2302 = arith.cmpf ogt, %get3A_2299, %gather3A_2288 : vector<16xf32>
      %and3A_2303 = arith.andi %and3A_2301, %gt3A_2302 : vector<16xi1>
      %lt3A_2304 = arith.cmpf olt, %get3A_2295, %gather3A_2292 : vector<16xf32>
      %and3A_2305 = arith.andi %and3A_2303, %lt3A_2304 : vector<16xi1>
      %convert_element_type3A_2306 = arith.extui %and3A_2305 : vector<16xi1> to vector<16xi32>
      %broadcast_in_dim3A_2307 = arith.constant true
      %broadcast_in_dim3A_2308 = vector.broadcast %broadcast_in_dim3A_2307 : i1 to vector<16xi1>
      %masked_cumsum3A = tpu.scan <sum>, %convert_element_type3A_2306 masked %broadcast_in_dim3A_2308 : vector<16xi32>, vector<16xi1> -> vector<16xi32>
      %add3A_2309 = arith.addi %broadcast_in_dim3A_8, %masked_cumsum3A : vector<16xi32>
      %sub3A_2310 = arith.constant 1 : i32
      %sub3A_2311 = vector.broadcast %sub3A_2310 : i32 to vector<16xi32>
      %sub3A_2312 = arith.subi %add3A_2309, %sub3A_2311 : vector<16xi32>
      %add3A_2313 = arith.constant 0 : i32
      %add3A_2314 = vector.broadcast %add3A_2313 : i32 to vector<16xi32>
      %add3A_2315 = arith.addi %iota3A, %add3A_2314 : vector<16xi32>
      tpu.vector_store_idx %arg12[%sub3A_2312], %add3A_2315 masked %and3A_2305 : memref<256xi32, #tpu.memory_space<vmem>>[vector<16xi32>], vector<16xi32>, vector<16xi1>
      %all_reduce_population_count3A = tpu.all_reduce %and3A_2305 {dim = 0 : i64, kind = #tpu.reduction_kind<sum>} : vector<16xi1> -> vector<16xi32>
      %add3A_2316 = arith.addi %broadcast_in_dim3A_8, %all_reduce_population_count3A : vector<16xi32>
      %get3A_2317 = arith.constant 16 : index
      %get3A_2318 = tpu.vector_load %arg10[%get3A_2317] {strides = array<i32>} : memref<3072xf32, #tpu.memory_space<vmem>>, vector<16xf32>,
      %get3A_2319 = arith.constant 272 : index
      %get3A_2320 = tpu.vector_load %arg10[%get3A_2319] {strides = array<i32>} : memref<3072xf32, #tpu.memory_space<vmem>>, vector<16xf32>,
      %get3A_2321 = arith.constant 528 : index
      %get3A_2322 = tpu.vector_load %arg10[%get3A_2321] {strides = array<i32>} : memref<3072xf32, #tpu.memory_space<vmem>>, vector<16xf32>,
      %get3A_2323 = arith.constant 784 : index
      %get3A_2324 = tpu.vector_load %arg10[%get3A_2323] {strides = array<i32>} : memref<3072xf32, #tpu.memory_space<vmem>>, vector<16xf32>,
      %gt3A_2325 = arith.cmpf ogt, %get3A_2322, %gather3A_2280 : vector<16xf32>
      %lt3A_2326 = arith.cmpf olt, %get3A_2318, %gather3A_2284 : vector<16xf32>
      %and3A_2327 = arith.andi %gt3A_2325, %lt3A_2326 : vector<16xi1>
      %gt3A_2328 = arith.cmpf ogt, %get3A_2324, %gather3A_2288 : vector<16xf32>
      %and3A_2329 = arith.andi %and3A_2327, %gt3A_2328 : vector<16xi1>
      %lt3A_2330 = arith.cmpf olt, %get3A_2320, %gather3A_2292 : vector<16xf32>
      %and3A_2331 = arith.andi %and3A_2329, %lt3A_2330 : vector<16xi1>
      %convert_element_type3A_2332 = arith.extui %and3A_2331 : vector<16xi1> to vector<16xi32>
      %broadcast_in_dim3A_2333 = arith.constant true
      %broadcast_in_dim3A_2334 = vector.broadcast %broadcast_in_dim3A_2333 : i1 to vector<16xi1>
      %masked_cumsum3A_2335 = tpu.scan <sum>, %convert_element_type3A_2332 masked %broadcast_in_dim3A_2334 : vector<16xi32>, vector<16xi1> -> vector<16xi32>
      %add3A_2336 = arith.addi %add3A_2316, %masked_cumsum3A_2335 : vector<16xi32>
      %sub3A_2337 = arith.constant 1 : i32
      %sub3A_2338 = vector.broadcast %sub3A_2337 : i32 to vector<16xi32>
      %sub3A_2339 = arith.subi %add3A_2336, %sub3A_2338 : vector<16xi32>
      %add3A_2340 = arith.constant 16 : i32
      %add3A_2341 = vector.broadcast %add3A_2340 : i32 to vector<16xi32>
      %add3A_2342 = arith.addi %iota3A, %add3A_2341 : vector<16xi32>
      tpu.vector_store_idx %arg12[%sub3A_2339], %add3A_2342 masked %and3A_2331 : memref<256xi32, #tpu.memory_space<vmem>>[vector<16xi32>], vector<16xi32>, vector<16xi1>
      %all_reduce_population_count3A_2343 = tpu.all_reduce %and3A_2331 {dim = 0 : i64, kind = #tpu.reduction_kind<sum>} : vector<16xi1> -> vector<16xi32>
      %add3A_2344 = arith.addi %add3A_2316, %all_reduce_population_count3A_2343 : vector<16xi32>
      %get3A_2345 = arith.constant 32 : index
      %get3A_2346 = tpu.vector_load %arg10[%get3A_2345] {strides = array<i32>} : memref<3072xf32, #tpu.memory_space<vmem>>, vector<16xf32>,
      %get3A_2347 = arith.constant 288 : index
      %get3A_2348 = tpu.vector_load %arg10[%get3A_2347] {strides = array<i32>} : memref<3072xf32, #tpu.memory_space<vmem>>, vector<16xf32>,
      %get3A_2349 = arith.constant 544 : index
      %get3A_2350 = tpu.vector_load %arg10[%get3A_2349] {strides = array<i32>} : memref<3072xf32, #tpu.memory_space<vmem>>, vector<16xf32>,
      %get3A_2351 = arith.constant 800 : index
      %get3A_2352 = tpu.vector_load %arg10[%get3A_2351] {strides = array<i32>} : memref<3072xf32, #tpu.memory_space<vmem>>, vector<16xf32>,
      %gt3A_2353 = arith.cmpf ogt, %get3A_2350, %gather3A_2280 : vector<16xf32>
      %lt3A_2354 = arith.cmpf olt, %get3A_2346, %gather3A_2284 : vector<16xf32>
      %and3A_2355 = arith.andi %gt3A_2353, %lt3A_2354 : vector<16xi1>
      %gt3A_2356 = arith.cmpf ogt, %get3A_2352, %gather3A_2288 : vector<16xf32>
      %and3A_2357 = arith.andi %and3A_2355, %gt3A_2356 : vector<16xi1>
      %lt3A_2358 = arith.cmpf olt, %get3A_2348, %gather3A_2292 : vector<16xf32>
      %and3A_2359 = arith.andi %and3A_2357, %lt3A_2358 : vector<16xi1>
      %convert_element_type3A_2360 = arith.extui %and3A_2359 : vector<16xi1> to vector<16xi32>
      %broadcast_in_dim3A_2361 = arith.constant true
      %broadcast_in_dim3A_2362 = vector.broadcast %broadcast_in_dim3A_2361 : i1 to vector<16xi1>
      %masked_cumsum3A_2363 = tpu.scan <sum>, %convert_element_type3A_2360 masked %broadcast_in_dim3A_2362 : vector<16xi32>, vector<16xi1> -> vector<16xi32>
      %add3A_2364 = arith.addi %add3A_2344, %masked_cumsum3A_2363 : vector<16xi32>
      %sub3A_2365 = arith.constant 1 : i32
      %sub3A_2366 = vector.broadcast %sub3A_2365 : i32 to vector<16xi32>
      %sub3A_2367 = arith.subi %add3A_2364, %sub3A_2366 : vector<16xi32>
      %add3A_2368 = arith.constant 32 : i32
      %add3A_2369 = vector.broadcast %add3A_2368 : i32 to vector<16xi32>
      %add3A_2370 = arith.addi %iota3A, %add3A_2369 : vector<16xi32>
      tpu.vector_store_idx %arg12[%sub3A_2367], %add3A_2370 masked %and3A_2359 : memref<256xi32, #tpu.memory_space<vmem>>[vector<16xi32>], vector<16xi32>, vector<16xi1>
      %all_reduce_population_count3A_2371 = tpu.all_reduce %and3A_2359 {dim = 0 : i64, kind = #tpu.reduction_kind<sum>} : vector<16xi1> -> vector<16xi32>
      %add3A_2372 = arith.addi %add3A_2344, %all_reduce_population_count3A_2371 : vector<16xi32>
      %get3A_2373 = arith.constant 48 : index
      %get3A_2374 = tpu.vector_load %arg10[%get3A_2373] {strides = array<i32>} : memref<3072xf32, #tpu.memory_space<vmem>>, vector<16xf32>,
      %get3A_2375 = arith.constant 304 : index
      %get3A_2376 = tpu.vector_load %arg10[%get3A_2375] {strides = array<i32>} : memref<3072xf32, #tpu.memory_space<vmem>>, vector<16xf32>,
      %get3A_2377 = arith.constant 560 : index
      %get3A_2378 = tpu.vector_load %arg10[%get3A_2377] {strides = array<i32>} : memref<3072xf32, #tpu.memory_space<vmem>>, vector<16xf32>,
      %get3A_2379 = arith.constant 816 : index
      %get3A_2380 = tpu.vector_load %arg10[%get3A_2379] {strides = array<i32>} : memref<3072xf32, #tpu.memory_space<vmem>>, vector<16xf32>,
      %gt3A_2381 = arith.cmpf ogt, %get3A_2378, %gather3A_2280 : vector<16xf32>
      %lt3A_2382 = arith.cmpf olt, %get3A_2374, %gather3A_2284 : vector<16xf32>
      %and3A_2383 = arith.andi %gt3A_2381, %lt3A_2382 : vector<16xi1>
      %gt3A_2384 = arith.cmpf ogt, %get3A_2380, %gather3A_2288 : vector<16xf32>
      %and3A_2385 = arith.andi %and3A_2383, %gt3A_2384 : vector<16xi1>
      %lt3A_2386 = arith.cmpf olt, %get3A_2376, %gather3A_2292 : vector<16xf32>
      %and3A_2387 = arith.andi %and3A_2385, %lt3A_2386 : vector<16xi1>
      %convert_element_type3A_2388 = arith.extui %and3A_2387 : vector<16xi1> to vector<16xi32>
      %broadcast_in_dim3A_2389 = arith.constant true
      %broadcast_in_dim3A_2390 = vector.broadcast %broadcast_in_dim3A_2389 : i1 to vector<16xi1>
      %masked_cumsum3A_2391 = tpu.scan <sum>, %convert_element_type3A_2388 masked %broadcast_in_dim3A_2390 : vector<16xi32>, vector<16xi1> -> vector<16xi32>
      %add3A_2392 = arith.addi %add3A_2372, %masked_cumsum3A_2391 : vector<16xi32>
      %sub3A_2393 = arith.constant 1 : i32
      %sub3A_2394 = vector.broadcast %sub3A_2393 : i32 to vector<16xi32>
      %sub3A_2395 = arith.subi %add3A_2392, %sub3A_2394 : vector<16xi32>
      %add3A_2396 = arith.constant 48 : i32
      %add3A_2397 = vector.broadcast %add3A_2396 : i32 to vector<16xi32>
      %add3A_2398 = arith.addi %iota3A, %add3A_2397 : vector<16xi32>
      tpu.vector_store_idx %arg12[%sub3A_2395], %add3A_2398 masked %and3A_2387 : memref<256xi32, #tpu.memory_space<vmem>>[vector<16xi32>], vector<16xi32>, vector<16xi1>
      %all_reduce_population_count3A_2399 = tpu.all_reduce %and3A_2387 {dim = 0 : i64, kind = #tpu.reduction_kind<sum>} : vector<16xi1> -> vector<16xi32>
      %add3A_2400 = arith.addi %add3A_2372, %all_reduce_population_count3A_2399 : vector<16xi32>
      %get3A_2401 = arith.constant 64 : index
      %get3A_2402 = tpu.vector_load %arg10[%get3A_2401] {strides = array<i32>} : memref<3072xf32, #tpu.memory_space<vmem>>, vector<16xf32>,
      %get3A_2403 = arith.constant 320 : index
      %get3A_2404 = tpu.vector_load %arg10[%get3A_2403] {strides = array<i32>} : memref<3072xf32, #tpu.memory_space<vmem>>, vector<16xf32>,
      %get3A_2405 = arith.constant 576 : index
      %get3A_2406 = tpu.vector_load %arg10[%get3A_2405] {strides = array<i32>} : memref<3072xf32, #tpu.memory_space<vmem>>, vector<16xf32>,
      %get3A_2407 = arith.constant 832 : index
      %get3A_2408 = tpu.vector_load %arg10[%get3A_2407] {strides = array<i32>} : memref<3072xf32, #tpu.memory_space<vmem>>, vector<16xf32>,
      %gt3A_2409 = arith.cmpf ogt, %get3A_2406, %gather3A_2280 : vector<16xf32>
      %lt3A_2410 = arith.cmpf olt, %get3A_2402, %gather3A_2284 : vector<16xf32>
      %and3A_2411 = arith.andi %gt3A_2409, %lt3A_2410 : vector<16xi1>
      %gt3A_2412 = arith.cmpf ogt, %get3A_2408, %gather3A_2288 : vector<16xf32>
      %and3A_2413 = arith.andi %and3A_2411, %gt3A_2412 : vector<16xi1>
      %lt3A_2414 = arith.cmpf olt, %get3A_2404, %gather3A_2292 : vector<16xf32>
      %and3A_2415 = arith.andi %and3A_2413, %lt3A_2414 : vector<16xi1>
      %convert_element_type3A_2416 = arith.extui %and3A_2415 : vector<16xi1> to vector<16xi32>
      %broadcast_in_dim3A_2417 = arith.constant true
      %broadcast_in_dim3A_2418 = vector.broadcast %broadcast_in_dim3A_2417 : i1 to vector<16xi1>
      %masked_cumsum3A_2419 = tpu.scan <sum>, %convert_element_type3A_2416 masked %broadcast_in_dim3A_2418 : vector<16xi32>, vector<16xi1> -> vector<16xi32>
      %add3A_2420 = arith.addi %add3A_2400, %masked_cumsum3A_2419 : vector<16xi32>
      %sub3A_2421 = arith.constant 1 : i32
      %sub3A_2422 = vector.broadcast %sub3A_2421 : i32 to vector<16xi32>
      %sub3A_2423 = arith.subi %add3A_2420, %sub3A_2422 : vector<16xi32>
      %add3A_2424 = arith.constant 64 : i32
      %add3A_2425 = vector.broadcast %add3A_2424 : i32 to vector<16xi32>
      %add3A_2426 = arith.addi %iota3A, %add3A_2425 : vector<16xi32>
      tpu.vector_store_idx %arg12[%sub3A_2423], %add3A_2426 masked %and3A_2415 : memref<256xi32, #tpu.memory_space<vmem>>[vector<16xi32>], vector<16xi32>, vector<16xi1>
      %all_reduce_population_count3A_2427 = tpu.all_reduce %and3A_2415 {dim = 0 : i64, kind = #tpu.reduction_kind<sum>} : vector<16xi1> -> vector<16xi32>
      %add3A_2428 = arith.addi %add3A_2400, %all_reduce_population_count3A_2427 : vector<16xi32>
      %get3A_2429 = arith.constant 80 : index
      %get3A_2430 = tpu.vector_load %arg10[%get3A_2429] {strides = array<i32>} : memref<3072xf32, #tpu.memory_space<vmem>>, vector<16xf32>,
      %get3A_2431 = arith.constant 336 : index
      %get3A_2432 = tpu.vector_load %arg10[%get3A_2431] {strides = array<i32>} : memref<3072xf32, #tpu.memory_space<vmem>>, vector<16xf32>,
      %get3A_2433 = arith.constant 592 : index
      %get3A_2434 = tpu.vector_load %arg10[%get3A_2433] {strides = array<i32>} : memref<3072xf32, #tpu.memory_space<vmem>>, vector<16xf32>,
      %get3A_2435 = arith.constant 848 : index
      %get3A_2436 = tpu.vector_load %arg10[%get3A_2435] {strides = array<i32>} : memref<3072xf32, #tpu.memory_space<vmem>>, vector<16xf32>,
      %gt3A_2437 = arith.cmpf ogt, %get3A_2434, %gather3A_2280 : vector<16xf32>
      %lt3A_2438 = arith.cmpf olt, %get3A_2430, %gather3A_2284 : vector<16xf32>
      %and3A_2439 = arith.andi %gt3A_2437, %lt3A_2438 : vector<16xi1>
      %gt3A_2440 = arith.cmpf ogt, %get3A_2436, %gather3A_2288 : vector<16xf32>
      %and3A_2441 = arith.andi %and3A_2439, %gt3A_2440 : vector<16xi1>
      %lt3A_2442 = arith.cmpf olt, %get3A_2432, %gather3A_2292 : vector<16xf32>
      %and3A_2443 = arith.andi %and3A_2441, %lt3A_2442 : vector<16xi1>
      %convert_element_type3A_2444 = arith.extui %and3A_2443 : vector<16xi1> to vector<16xi32>
      %broadcast_in_dim3A_2445 = arith.constant true
      %broadcast_in_dim3A_2446 = vector.broadcast %broadcast_in_dim3A_2445 : i1 to vector<16xi1>
      %masked_cumsum3A_2447 = tpu.scan <sum>, %convert_element_type3A_2444 masked %broadcast_in_dim3A_2446 : vector<16xi32>, vector<16xi1> -> vector<16xi32>
      %add3A_2448 = arith.addi %add3A_2428, %masked_cumsum3A_2447 : vector<16xi32>
      %sub3A_2449 = arith.constant 1 : i32
      %sub3A_2450 = vector.broadcast %sub3A_2449 : i32 to vector<16xi32>
      %sub3A_2451 = arith.subi %add3A_2448, %sub3A_2450 : vector<16xi32>
      %add3A_2452 = arith.constant 80 : i32
      %add3A_2453 = vector.broadcast %add3A_2452 : i32 to vector<16xi32>
      %add3A_2454 = arith.addi %iota3A, %add3A_2453 : vector<16xi32>
      tpu.vector_store_idx %arg12[%sub3A_2451], %add3A_2454 masked %and3A_2443 : memref<256xi32, #tpu.memory_space<vmem>>[vector<16xi32>], vector<16xi32>, vector<16xi1>
      %all_reduce_population_count3A_2455 = tpu.all_reduce %and3A_2443 {dim = 0 : i64, kind = #tpu.reduction_kind<sum>} : vector<16xi1> -> vector<16xi32>
      %add3A_2456 = arith.addi %add3A_2428, %all_reduce_population_count3A_2455 : vector<16xi32>
      %get3A_2457 = arith.constant 96 : index
      %get3A_2458 = tpu.vector_load %arg10[%get3A_2457] {strides = array<i32>} : memref<3072xf32, #tpu.memory_space<vmem>>, vector<16xf32>,
      %get3A_2459 = arith.constant 352 : index
      %get3A_2460 = tpu.vector_load %arg10[%get3A_2459] {strides = array<i32>} : memref<3072xf32, #tpu.memory_space<vmem>>, vector<16xf32>,
      %get3A_2461 = arith.constant 608 : index
      %get3A_2462 = tpu.vector_load %arg10[%get3A_2461] {strides = array<i32>} : memref<3072xf32, #tpu.memory_space<vmem>>, vector<16xf32>,
      %get3A_2463 = arith.constant 864 : index
      %get3A_2464 = tpu.vector_load %arg10[%get3A_2463] {strides = array<i32>} : memref<3072xf32, #tpu.memory_space<vmem>>, vector<16xf32>,
      %gt3A_2465 = arith.cmpf ogt, %get3A_2462, %gather3A_2280 : vector<16xf32>
      %lt3A_2466 = arith.cmpf olt, %get3A_2458, %gather3A_2284 : vector<16xf32>
      %and3A_2467 = arith.andi %gt3A_2465, %lt3A_2466 : vector<16xi1>
      %gt3A_2468 = arith.cmpf ogt, %get3A_2464, %gather3A_2288 : vector<16xf32>
      %and3A_2469 = arith.andi %and3A_2467, %gt3A_2468 : vector<16xi1>
      %lt3A_2470 = arith.cmpf olt, %get3A_2460, %gather3A_2292 : vector<16xf32>
      %and3A_2471 = arith.andi %and3A_2469, %lt3A_2470 : vector<16xi1>
      %convert_element_type3A_2472 = arith.extui %and3A_2471 : vector<16xi1> to vector<16xi32>
      %broadcast_in_dim3A_2473 = arith.constant true
      %broadcast_in_dim3A_2474 = vector.broadcast %broadcast_in_dim3A_2473 : i1 to vector<16xi1>
      %masked_cumsum3A_2475 = tpu.scan <sum>, %convert_element_type3A_2472 masked %broadcast_in_dim3A_2474 : vector<16xi32>, vector<16xi1> -> vector<16xi32>
      %add3A_2476 = arith.addi %add3A_2456, %masked_cumsum3A_2475 : vector<16xi32>
      %sub3A_2477 = arith.constant 1 : i32
      %sub3A_2478 = vector.broadcast %sub3A_2477 : i32 to vector<16xi32>
      %sub3A_2479 = arith.subi %add3A_2476, %sub3A_2478 : vector<16xi32>
      %add3A_2480 = arith.constant 96 : i32
      %add3A_2481 = vector.broadcast %add3A_2480 : i32 to vector<16xi32>
      %add3A_2482 = arith.addi %iota3A, %add3A_2481 : vector<16xi32>
      tpu.vector_store_idx %arg12[%sub3A_2479], %add3A_2482 masked %and3A_2471 : memref<256xi32, #tpu.memory_space<vmem>>[vector<16xi32>], vector<16xi32>, vector<16xi1>
      %all_reduce_population_count3A_2483 = tpu.all_reduce %and3A_2471 {dim = 0 : i64, kind = #tpu.reduction_kind<sum>} : vector<16xi1> -> vector<16xi32>
      %add3A_2484 = arith.addi %add3A_2456, %all_reduce_population_count3A_2483 : vector<16xi32>
      %get3A_2485 = arith.constant 112 : index
      %get3A_2486 = tpu.vector_load %arg10[%get3A_2485] {strides = array<i32>} : memref<3072xf32, #tpu.memory_space<vmem>>, vector<16xf32>,
      %get3A_2487 = arith.constant 368 : index
      %get3A_2488 = tpu.vector_load %arg10[%get3A_2487] {strides = array<i32>} : memref<3072xf32, #tpu.memory_space<vmem>>, vector<16xf32>,
      %get3A_2489 = arith.constant 624 : index
      %get3A_2490 = tpu.vector_load %arg10[%get3A_2489] {strides = array<i32>} : memref<3072xf32, #tpu.memory_space<vmem>>, vector<16xf32>,
      %get3A_2491 = arith.constant 880 : index
      %get3A_2492 = tpu.vector_load %arg10[%get3A_2491] {strides = array<i32>} : memref<3072xf32, #tpu.memory_space<vmem>>, vector<16xf32>,
      %gt3A_2493 = arith.cmpf ogt, %get3A_2490, %gather3A_2280 : vector<16xf32>
      %lt3A_2494 = arith.cmpf olt, %get3A_2486, %gather3A_2284 : vector<16xf32>
      %and3A_2495 = arith.andi %gt3A_2493, %lt3A_2494 : vector<16xi1>
      %gt3A_2496 = arith.cmpf ogt, %get3A_2492, %gather3A_2288 : vector<16xf32>
      %and3A_2497 = arith.andi %and3A_2495, %gt3A_2496 : vector<16xi1>
      %lt3A_2498 = arith.cmpf olt, %get3A_2488, %gather3A_2292 : vector<16xf32>
      %and3A_2499 = arith.andi %and3A_2497, %lt3A_2498 : vector<16xi1>
      %convert_element_type3A_2500 = arith.extui %and3A_2499 : vector<16xi1> to vector<16xi32>
      %broadcast_in_dim3A_2501 = arith.constant true
      %broadcast_in_dim3A_2502 = vector.broadcast %broadcast_in_dim3A_2501 : i1 to vector<16xi1>
      %masked_cumsum3A_2503 = tpu.scan <sum>, %convert_element_type3A_2500 masked %broadcast_in_dim3A_2502 : vector<16xi32>, vector<16xi1> -> vector<16xi32>
      %add3A_2504 = arith.addi %add3A_2484, %masked_cumsum3A_2503 : vector<16xi32>
      %sub3A_2505 = arith.constant 1 : i32
      %sub3A_2506 = vector.broadcast %sub3A_2505 : i32 to vector<16xi32>
      %sub3A_2507 = arith.subi %add3A_2504, %sub3A_2506 : vector<16xi32>
      %add3A_2508 = arith.constant 112 : i32
      %add3A_2509 = vector.broadcast %add3A_2508 : i32 to vector<16xi32>
      %add3A_2510 = arith.addi %iota3A, %add3A_2509 : vector<16xi32>
      tpu.vector_store_idx %arg12[%sub3A_2507], %add3A_2510 masked %and3A_2499 : memref<256xi32, #tpu.memory_space<vmem>>[vector<16xi32>], vector<16xi32>, vector<16xi1>
      %all_reduce_population_count3A_2511 = tpu.all_reduce %and3A_2499 {dim = 0 : i64, kind = #tpu.reduction_kind<sum>} : vector<16xi1> -> vector<16xi32>
      %add3A_2512 = arith.addi %add3A_2484, %all_reduce_population_count3A_2511 : vector<16xi32>
      %get3A_2513 = arith.constant 128 : index
      %get3A_2514 = tpu.vector_load %arg10[%get3A_2513] {strides = array<i32>} : memref<3072xf32, #tpu.memory_space<vmem>>, vector<16xf32>,
      %get3A_2515 = arith.constant 384 : index
      %get3A_2516 = tpu.vector_load %arg10[%get3A_2515] {strides = array<i32>} : memref<3072xf32, #tpu.memory_space<vmem>>, vector<16xf32>,
      %get3A_2517 = arith.constant 640 : index
      %get3A_2518 = tpu.vector_load %arg10[%get3A_2517] {strides = array<i32>} : memref<3072xf32, #tpu.memory_space<vmem>>, vector<16xf32>,
      %get3A_2519 = arith.constant 896 : index
      %get3A_2520 = tpu.vector_load %arg10[%get3A_2519] {strides = array<i32>} : memref<3072xf32, #tpu.memory_space<vmem>>, vector<16xf32>,
      %gt3A_2521 = arith.cmpf ogt, %get3A_2518, %gather3A_2280 : vector<16xf32>
      %lt3A_2522 = arith.cmpf olt, %get3A_2514, %gather3A_2284 : vector<16xf32>
      %and3A_2523 = arith.andi %gt3A_2521, %lt3A_2522 : vector<16xi1>
      %gt3A_2524 = arith.cmpf ogt, %get3A_2520, %gather3A_2288 : vector<16xf32>
      %and3A_2525 = arith.andi %and3A_2523, %gt3A_2524 : vector<16xi1>
      %lt3A_2526 = arith.cmpf olt, %get3A_2516, %gather3A_2292 : vector<16xf32>
      %and3A_2527 = arith.andi %and3A_2525, %lt3A_2526 : vector<16xi1>
      %convert_element_type3A_2528 = arith.extui %and3A_2527 : vector<16xi1> to vector<16xi32>
      %broadcast_in_dim3A_2529 = arith.constant true
      %broadcast_in_dim3A_2530 = vector.broadcast %broadcast_in_dim3A_2529 : i1 to vector<16xi1>
      %masked_cumsum3A_2531 = tpu.scan <sum>, %convert_element_type3A_2528 masked %broadcast_in_dim3A_2530 : vector<16xi32>, vector<16xi1> -> vector<16xi32>
      %add3A_2532 = arith.addi %add3A_2512, %masked_cumsum3A_2531 : vector<16xi32>
      %sub3A_2533 = arith.constant 1 : i32
      %sub3A_2534 = vector.broadcast %sub3A_2533 : i32 to vector<16xi32>
      %sub3A_2535 = arith.subi %add3A_2532, %sub3A_2534 : vector<16xi32>
      %add3A_2536 = arith.constant 128 : i32
      %add3A_2537 = vector.broadcast %add3A_2536 : i32 to vector<16xi32>
      %add3A_2538 = arith.addi %iota3A, %add3A_2537 : vector<16xi32>
      tpu.vector_store_idx %arg12[%sub3A_2535], %add3A_2538 masked %and3A_2527 : memref<256xi32, #tpu.memory_space<vmem>>[vector<16xi32>], vector<16xi32>, vector<16xi1>
      %all_reduce_population_count3A_2539 = tpu.all_reduce %and3A_2527 {dim = 0 : i64, kind = #tpu.reduction_kind<sum>} : vector<16xi1> -> vector<16xi32>
      %add3A_2540 = arith.addi %add3A_2512, %all_reduce_population_count3A_2539 : vector<16xi32>
      %get3A_2541 = arith.constant 144 : index
      %get3A_2542 = tpu.vector_load %arg10[%get3A_2541] {strides = array<i32>} : memref<3072xf32, #tpu.memory_space<vmem>>, vector<16xf32>,
      %get3A_2543 = arith.constant 400 : index
      %get3A_2544 = tpu.vector_load %arg10[%get3A_2543] {strides = array<i32>} : memref<3072xf32, #tpu.memory_space<vmem>>, vector<16xf32>,
      %get3A_2545 = arith.constant 656 : index
      %get3A_2546 = tpu.vector_load %arg10[%get3A_2545] {strides = array<i32>} : memref<3072xf32, #tpu.memory_space<vmem>>, vector<16xf32>,
      %get3A_2547 = arith.constant 912 : index
      %get3A_2548 = tpu.vector_load %arg10[%get3A_2547] {strides = array<i32>} : memref<3072xf32, #tpu.memory_space<vmem>>, vector<16xf32>,
      %gt3A_2549 = arith.cmpf ogt, %get3A_2546, %gather3A_2280 : vector<16xf32>
      %lt3A_2550 = arith.cmpf olt, %get3A_2542, %gather3A_2284 : vector<16xf32>
      %and3A_2551 = arith.andi %gt3A_2549, %lt3A_2550 : vector<16xi1>
      %gt3A_2552 = arith.cmpf ogt, %get3A_2548, %gather3A_2288 : vector<16xf32>
      %and3A_2553 = arith.andi %and3A_2551, %gt3A_2552 : vector<16xi1>
      %lt3A_2554 = arith.cmpf olt, %get3A_2544, %gather3A_2292 : vector<16xf32>
      %and3A_2555 = arith.andi %and3A_2553, %lt3A_2554 : vector<16xi1>
      %convert_element_type3A_2556 = arith.extui %and3A_2555 : vector<16xi1> to vector<16xi32>
      %broadcast_in_dim3A_2557 = arith.constant true
      %broadcast_in_dim3A_2558 = vector.broadcast %broadcast_in_dim3A_2557 : i1 to vector<16xi1>
      %masked_cumsum3A_2559 = tpu.scan <sum>, %convert_element_type3A_2556 masked %broadcast_in_dim3A_2558 : vector<16xi32>, vector<16xi1> -> vector<16xi32>
      %add3A_2560 = arith.addi %add3A_2540, %masked_cumsum3A_2559 : vector<16xi32>
      %sub3A_2561 = arith.constant 1 : i32
      %sub3A_2562 = vector.broadcast %sub3A_2561 : i32 to vector<16xi32>
      %sub3A_2563 = arith.subi %add3A_2560, %sub3A_2562 : vector<16xi32>
      %add3A_2564 = arith.constant 144 : i32
      %add3A_2565 = vector.broadcast %add3A_2564 : i32 to vector<16xi32>
      %add3A_2566 = arith.addi %iota3A, %add3A_2565 : vector<16xi32>
      tpu.vector_store_idx %arg12[%sub3A_2563], %add3A_2566 masked %and3A_2555 : memref<256xi32, #tpu.memory_space<vmem>>[vector<16xi32>], vector<16xi32>, vector<16xi1>
      %all_reduce_population_count3A_2567 = tpu.all_reduce %and3A_2555 {dim = 0 : i64, kind = #tpu.reduction_kind<sum>} : vector<16xi1> -> vector<16xi32>
      %add3A_2568 = arith.addi %add3A_2540, %all_reduce_population_count3A_2567 : vector<16xi32>
      %get3A_2569 = arith.constant 160 : index
      %get3A_2570 = tpu.vector_load %arg10[%get3A_2569] {strides = array<i32>} : memref<3072xf32, #tpu.memory_space<vmem>>, vector<16xf32>,
      %get3A_2571 = arith.constant 416 : index
      %get3A_2572 = tpu.vector_load %arg10[%get3A_2571] {strides = array<i32>} : memref<3072xf32, #tpu.memory_space<vmem>>, vector<16xf32>,
      %get3A_2573 = arith.constant 672 : index
      %get3A_2574 = tpu.vector_load %arg10[%get3A_2573] {strides = array<i32>} : memref<3072xf32, #tpu.memory_space<vmem>>, vector<16xf32>,
      %get3A_2575 = arith.constant 928 : index
      %get3A_2576 = tpu.vector_load %arg10[%get3A_2575] {strides = array<i32>} : memref<3072xf32, #tpu.memory_space<vmem>>, vector<16xf32>,
      %gt3A_2577 = arith.cmpf ogt, %get3A_2574, %gather3A_2280 : vector<16xf32>
      %lt3A_2578 = arith.cmpf olt, %get3A_2570, %gather3A_2284 : vector<16xf32>
      %and3A_2579 = arith.andi %gt3A_2577, %lt3A_2578 : vector<16xi1>
      %gt3A_2580 = arith.cmpf ogt, %get3A_2576, %gather3A_2288 : vector<16xf32>
      %and3A_2581 = arith.andi %and3A_2579, %gt3A_2580 : vector<16xi1>
      %lt3A_2582 = arith.cmpf olt, %get3A_2572, %gather3A_2292 : vector<16xf32>
      %and3A_2583 = arith.andi %and3A_2581, %lt3A_2582 : vector<16xi1>
      %convert_element_type3A_2584 = arith.extui %and3A_2583 : vector<16xi1> to vector<16xi32>
      %broadcast_in_dim3A_2585 = arith.constant true
      %broadcast_in_dim3A_2586 = vector.broadcast %broadcast_in_dim3A_2585 : i1 to vector<16xi1>
      %masked_cumsum3A_2587 = tpu.scan <sum>, %convert_element_type3A_2584 masked %broadcast_in_dim3A_2586 : vector<16xi32>, vector<16xi1> -> vector<16xi32>
      %add3A_2588 = arith.addi %add3A_2568, %masked_cumsum3A_2587 : vector<16xi32>
      %sub3A_2589 = arith.constant 1 : i32
      %sub3A_2590 = vector.broadcast %sub3A_2589 : i32 to vector<16xi32>
      %sub3A_2591 = arith.subi %add3A_2588, %sub3A_2590 : vector<16xi32>
      %add3A_2592 = arith.constant 160 : i32
      %add3A_2593 = vector.broadcast %add3A_2592 : i32 to vector<16xi32>
      %add3A_2594 = arith.addi %iota3A, %add3A_2593 : vector<16xi32>
      tpu.vector_store_idx %arg12[%sub3A_2591], %add3A_2594 masked %and3A_2583 : memref<256xi32, #tpu.memory_space<vmem>>[vector<16xi32>], vector<16xi32>, vector<16xi1>
      %all_reduce_population_count3A_2595 = tpu.all_reduce %and3A_2583 {dim = 0 : i64, kind = #tpu.reduction_kind<sum>} : vector<16xi1> -> vector<16xi32>
      %add3A_2596 = arith.addi %add3A_2568, %all_reduce_population_count3A_2595 : vector<16xi32>
      %get3A_2597 = arith.constant 176 : index
      %get3A_2598 = tpu.vector_load %arg10[%get3A_2597] {strides = array<i32>} : memref<3072xf32, #tpu.memory_space<vmem>>, vector<16xf32>,
      %get3A_2599 = arith.constant 432 : index
      %get3A_2600 = tpu.vector_load %arg10[%get3A_2599] {strides = array<i32>} : memref<3072xf32, #tpu.memory_space<vmem>>, vector<16xf32>,
      %get3A_2601 = arith.constant 688 : index
      %get3A_2602 = tpu.vector_load %arg10[%get3A_2601] {strides = array<i32>} : memref<3072xf32, #tpu.memory_space<vmem>>, vector<16xf32>,
      %get3A_2603 = arith.constant 944 : index
      %get3A_2604 = tpu.vector_load %arg10[%get3A_2603] {strides = array<i32>} : memref<3072xf32, #tpu.memory_space<vmem>>, vector<16xf32>,
      %gt3A_2605 = arith.cmpf ogt, %get3A_2602, %gather3A_2280 : vector<16xf32>
      %lt3A_2606 = arith.cmpf olt, %get3A_2598, %gather3A_2284 : vector<16xf32>
      %and3A_2607 = arith.andi %gt3A_2605, %lt3A_2606 : vector<16xi1>
      %gt3A_2608 = arith.cmpf ogt, %get3A_2604, %gather3A_2288 : vector<16xf32>
      %and3A_2609 = arith.andi %and3A_2607, %gt3A_2608 : vector<16xi1>
      %lt3A_2610 = arith.cmpf olt, %get3A_2600, %gather3A_2292 : vector<16xf32>
      %and3A_2611 = arith.andi %and3A_2609, %lt3A_2610 : vector<16xi1>
      %convert_element_type3A_2612 = arith.extui %and3A_2611 : vector<16xi1> to vector<16xi32>
      %broadcast_in_dim3A_2613 = arith.constant true
      %broadcast_in_dim3A_2614 = vector.broadcast %broadcast_in_dim3A_2613 : i1 to vector<16xi1>
      %masked_cumsum3A_2615 = tpu.scan <sum>, %convert_element_type3A_2612 masked %broadcast_in_dim3A_2614 : vector<16xi32>, vector<16xi1> -> vector<16xi32>
      %add3A_2616 = arith.addi %add3A_2596, %masked_cumsum3A_2615 : vector<16xi32>
      %sub3A_2617 = arith.constant 1 : i32
      %sub3A_2618 = vector.broadcast %sub3A_2617 : i32 to vector<16xi32>
      %sub3A_2619 = arith.subi %add3A_2616, %sub3A_2618 : vector<16xi32>
      %add3A_2620 = arith.constant 176 : i32
      %add3A_2621 = vector.broadcast %add3A_2620 : i32 to vector<16xi32>
      %add3A_2622 = arith.addi %iota3A, %add3A_2621 : vector<16xi32>
      tpu.vector_store_idx %arg12[%sub3A_2619], %add3A_2622 masked %and3A_2611 : memref<256xi32, #tpu.memory_space<vmem>>[vector<16xi32>], vector<16xi32>, vector<16xi1>
      %all_reduce_population_count3A_2623 = tpu.all_reduce %and3A_2611 {dim = 0 : i64, kind = #tpu.reduction_kind<sum>} : vector<16xi1> -> vector<16xi32>
      %add3A_2624 = arith.addi %add3A_2596, %all_reduce_population_count3A_2623 : vector<16xi32>
      %get3A_2625 = arith.constant 192 : index
      %get3A_2626 = tpu.vector_load %arg10[%get3A_2625] {strides = array<i32>} : memref<3072xf32, #tpu.memory_space<vmem>>, vector<16xf32>,
      %get3A_2627 = arith.constant 448 : index
      %get3A_2628 = tpu.vector_load %arg10[%get3A_2627] {strides = array<i32>} : memref<3072xf32, #tpu.memory_space<vmem>>, vector<16xf32>,
      %get3A_2629 = arith.constant 704 : index
      %get3A_2630 = tpu.vector_load %arg10[%get3A_2629] {strides = array<i32>} : memref<3072xf32, #tpu.memory_space<vmem>>, vector<16xf32>,
      %get3A_2631 = arith.constant 960 : index
      %get3A_2632 = tpu.vector_load %arg10[%get3A_2631] {strides = array<i32>} : memref<3072xf32, #tpu.memory_space<vmem>>, vector<16xf32>,
      %gt3A_2633 = arith.cmpf ogt, %get3A_2630, %gather3A_2280 : vector<16xf32>
      %lt3A_2634 = arith.cmpf olt, %get3A_2626, %gather3A_2284 : vector<16xf32>
      %and3A_2635 = arith.andi %gt3A_2633, %lt3A_2634 : vector<16xi1>
      %gt3A_2636 = arith.cmpf ogt, %get3A_2632, %gather3A_2288 : vector<16xf32>
      %and3A_2637 = arith.andi %and3A_2635, %gt3A_2636 : vector<16xi1>
      %lt3A_2638 = arith.cmpf olt, %get3A_2628, %gather3A_2292 : vector<16xf32>
      %and3A_2639 = arith.andi %and3A_2637, %lt3A_2638 : vector<16xi1>
      %convert_element_type3A_2640 = arith.extui %and3A_2639 : vector<16xi1> to vector<16xi32>
      %broadcast_in_dim3A_2641 = arith.constant true
      %broadcast_in_dim3A_2642 = vector.broadcast %broadcast_in_dim3A_2641 : i1 to vector<16xi1>
      %masked_cumsum3A_2643 = tpu.scan <sum>, %convert_element_type3A_2640 masked %broadcast_in_dim3A_2642 : vector<16xi32>, vector<16xi1> -> vector<16xi32>
      %add3A_2644 = arith.addi %add3A_2624, %masked_cumsum3A_2643 : vector<16xi32>
      %sub3A_2645 = arith.constant 1 : i32
      %sub3A_2646 = vector.broadcast %sub3A_2645 : i32 to vector<16xi32>
      %sub3A_2647 = arith.subi %add3A_2644, %sub3A_2646 : vector<16xi32>
      %add3A_2648 = arith.constant 192 : i32
      %add3A_2649 = vector.broadcast %add3A_2648 : i32 to vector<16xi32>
      %add3A_2650 = arith.addi %iota3A, %add3A_2649 : vector<16xi32>
      tpu.vector_store_idx %arg12[%sub3A_2647], %add3A_2650 masked %and3A_2639 : memref<256xi32, #tpu.memory_space<vmem>>[vector<16xi32>], vector<16xi32>, vector<16xi1>
      %all_reduce_population_count3A_2651 = tpu.all_reduce %and3A_2639 {dim = 0 : i64, kind = #tpu.reduction_kind<sum>} : vector<16xi1> -> vector<16xi32>
      %add3A_2652 = arith.addi %add3A_2624, %all_reduce_population_count3A_2651 : vector<16xi32>
      %reduce_max3A = arith.constant true
      %reduce_max3A_2653 = vector.broadcast %reduce_max3A : i1 to vector<16xi1>
      %reduce_max3A_2654 = arith.constant -2147483648 : i32
      %reduce_max3A_2655 = vector.broadcast %reduce_max3A_2654 : i32 to vector<16xi32>
      %reduce_max3A_2656 = arith.xori %add3A_2652, %reduce_max3A_2655 : vector<16xi32>
      %reduce_max3A_2657 = tpu.scan <max>, %reduce_max3A_2656 masked %reduce_max3A_2653 : vector<16xi32>, vector<16xi1> -> vector<16xi32>
      %reduce_max3A_2658 = arith.xori %reduce_max3A_2657, %reduce_max3A_2655 : vector<16xi32>
      %reduce_max3A_2659 = vector.extract %reduce_max3A_2658[15] : i32 from vector<16xi32>
      %add3A_2660 = arith.constant 8 : i32
      %add3A_2661 = arith.addi %mul3A_2275, %add3A_2660 : i32
      %add3A_2662 = arith.constant 0 : i32
      %add3A_2663 = arith.addi %add3A_2661, %add3A_2662 : i32
      %get3A_2664 = arith.index_cast %add3A_2663 : i32 to index
      %get3A_2665 = tpu.vector_load %arg8[%get3A_2664] {strides = array<i32>} : memref<37376xf32, #tpu.memory_space<vmem>>, vector<16xf32>,
      %add3A_2666 = arith.constant 96 : i32
      %add3A_2667 = arith.addi %add3A_2661, %add3A_2666 : i32
      %add3A_2668 = arith.constant 0 : i32
      %add3A_2669 = arith.addi %add3A_2667, %add3A_2668 : i32
      %get3A_2670 = arith.index_cast %add3A_2669 : i32 to index
      %get3A_2671 = tpu.vector_load %arg8[%get3A_2670] {strides = array<i32>} : memref<37376xf32, #tpu.memory_space<vmem>>, vector<16xf32>,
      %add3A_2672 = arith.constant 192 : i32
      %add3A_2673 = arith.addi %add3A_2661, %add3A_2672 : i32
      %add3A_2674 = arith.constant 0 : i32
      %add3A_2675 = arith.addi %add3A_2673, %add3A_2674 : i32
      %get3A_2676 = arith.index_cast %add3A_2675 : i32 to index
      %get3A_2677 = tpu.vector_load %arg8[%get3A_2676] {strides = array<i32>} : memref<37376xf32, #tpu.memory_space<vmem>>, vector<16xf32>,
      %add3A_2678 = arith.constant 288 : i32
      %add3A_2679 = arith.addi %add3A_2661, %add3A_2678 : i32
      %add3A_2680 = arith.constant 0 : i32
      %add3A_2681 = arith.addi %add3A_2679, %add3A_2680 : i32
      %get3A_2682 = arith.index_cast %add3A_2681 : i32 to index
      %get3A_2683 = tpu.vector_load %arg8[%get3A_2682] {strides = array<i32>} : memref<37376xf32, #tpu.memory_space<vmem>>, vector<16xf32>,
      %mul3A_2684 = arith.constant 5.000000e-01 : f32
      %mul3A_2685 = vector.broadcast %mul3A_2684 : f32 to vector<16xf32>
      %mul3A_2686 = arith.mulf %get3A_2677, %mul3A_2685 : vector<16xf32>
      %mul3A_2687 = arith.constant 5.000000e-01 : f32
      %mul3A_2688 = vector.broadcast %mul3A_2687 : f32 to vector<16xf32>
      %mul3A_2689 = arith.mulf %get3A_2683, %mul3A_2688 : vector<16xf32>
      %sub3A_2690 = arith.subf %get3A_2665, %mul3A_2686 : vector<16xf32>
      %add3A_2691 = arith.addf %get3A_2665, %mul3A_2686 : vector<16xf32>
      %sub3A_2692 = arith.subf %get3A_2671, %mul3A_2689 : vector<16xf32>
      %add3A_2693 = arith.addf %get3A_2671, %mul3A_2689 : vector<16xf32>
      %mul3A_2694 = arith.mulf %get3A_2677, %get3A_2683 : vector<16xf32>
      %add3A_2695 = arith.constant 16 : i32
      %add3A_2696 = arith.addi %add3A_2661, %add3A_2695 : i32
      %get3A_2697 = arith.index_cast %add3A_2696 : i32 to index
      %get3A_2698 = tpu.vector_load %arg8[%get3A_2697] {strides = array<i32>} : memref<37376xf32, #tpu.memory_space<vmem>>, vector<16xf32>,
      %add3A_2699 = arith.constant 96 : i32
      %add3A_2700 = arith.addi %add3A_2661, %add3A_2699 : i32
      %add3A_2701 = arith.constant 16 : i32
      %add3A_2702 = arith.addi %add3A_2700, %add3A_2701 : i32
      %get3A_2703 = arith.index_cast %add3A_2702 : i32 to index
      %get3A_2704 = tpu.vector_load %arg8[%get3A_2703] {strides = array<i32>} : memref<37376xf32, #tpu.memory_space<vmem>>, vector<16xf32>,
      %add3A_2705 = arith.constant 192 : i32
      %add3A_2706 = arith.addi %add3A_2661, %add3A_2705 : i32
      %add3A_2707 = arith.constant 16 : i32
      %add3A_2708 = arith.addi %add3A_2706, %add3A_2707 : i32
      %get3A_2709 = arith.index_cast %add3A_2708 : i32 to index
      %get3A_2710 = tpu.vector_load %arg8[%get3A_2709] {strides = array<i32>} : memref<37376xf32, #tpu.memory_space<vmem>>, vector<16xf32>,
      %add3A_2711 = arith.constant 288 : i32
      %add3A_2712 = arith.addi %add3A_2661, %add3A_2711 : i32
      %add3A_2713 = arith.constant 16 : i32
      %add3A_2714 = arith.addi %add3A_2712, %add3A_2713 : i32
      %get3A_2715 = arith.index_cast %add3A_2714 : i32 to index
      %get3A_2716 = tpu.vector_load %arg8[%get3A_2715] {strides = array<i32>} : memref<37376xf32, #tpu.memory_space<vmem>>, vector<16xf32>,
      %mul3A_2717 = arith.constant 5.000000e-01 : f32
      %mul3A_2718 = vector.broadcast %mul3A_2717 : f32 to vector<16xf32>
      %mul3A_2719 = arith.mulf %get3A_2710, %mul3A_2718 : vector<16xf32>
      %mul3A_2720 = arith.constant 5.000000e-01 : f32
      %mul3A_2721 = vector.broadcast %mul3A_2720 : f32 to vector<16xf32>
      %mul3A_2722 = arith.mulf %get3A_2716, %mul3A_2721 : vector<16xf32>
      %sub3A_2723 = arith.subf %get3A_2698, %mul3A_2719 : vector<16xf32>
      %add3A_2724 = arith.addf %get3A_2698, %mul3A_2719 : vector<16xf32>
      %sub3A_2725 = arith.subf %get3A_2704, %mul3A_2722 : vector<16xf32>
      %add3A_2726 = arith.addf %get3A_2704, %mul3A_2722 : vector<16xf32>
      %mul3A_2727 = arith.mulf %get3A_2710, %get3A_2716 : vector<16xf32>
      %add3A_2728 = arith.constant 32 : i32
      %add3A_2729 = arith.addi %add3A_2661, %add3A_2728 : i32
      %get3A_2730 = arith.index_cast %add3A_2729 : i32 to index
      %get3A_2731 = tpu.vector_load %arg8[%get3A_2730] {strides = array<i32>} : memref<37376xf32, #tpu.memory_space<vmem>>, vector<16xf32>,
      %add3A_2732 = arith.constant 96 : i32
      %add3A_2733 = arith.addi %add3A_2661, %add3A_2732 : i32
      %add3A_2734 = arith.constant 32 : i32
      %add3A_2735 = arith.addi %add3A_2733, %add3A_2734 : i32
      %get3A_2736 = arith.index_cast %add3A_2735 : i32 to index
      %get3A_2737 = tpu.vector_load %arg8[%get3A_2736] {strides = array<i32>} : memref<37376xf32, #tpu.memory_space<vmem>>, vector<16xf32>,
      %add3A_2738 = arith.constant 192 : i32
      %add3A_2739 = arith.addi %add3A_2661, %add3A_2738 : i32
      %add3A_2740 = arith.constant 32 : i32
      %add3A_2741 = arith.addi %add3A_2739, %add3A_2740 : i32
      %get3A_2742 = arith.index_cast %add3A_2741 : i32 to index
      %get3A_2743 = tpu.vector_load %arg8[%get3A_2742] {strides = array<i32>} : memref<37376xf32, #tpu.memory_space<vmem>>, vector<16xf32>,
      %add3A_2744 = arith.constant 288 : i32
      %add3A_2745 = arith.addi %add3A_2661, %add3A_2744 : i32
      %add3A_2746 = arith.constant 32 : i32
      %add3A_2747 = arith.addi %add3A_2745, %add3A_2746 : i32
      %get3A_2748 = arith.index_cast %add3A_2747 : i32 to index
      %get3A_2749 = tpu.vector_load %arg8[%get3A_2748] {strides = array<i32>} : memref<37376xf32, #tpu.memory_space<vmem>>, vector<16xf32>,
      %mul3A_2750 = arith.constant 5.000000e-01 : f32
      %mul3A_2751 = vector.broadcast %mul3A_2750 : f32 to vector<16xf32>
      %mul3A_2752 = arith.mulf %get3A_2743, %mul3A_2751 : vector<16xf32>
      %mul3A_2753 = arith.constant 5.000000e-01 : f32
      %mul3A_2754 = vector.broadcast %mul3A_2753 : f32 to vector<16xf32>
      %mul3A_2755 = arith.mulf %get3A_2749, %mul3A_2754 : vector<16xf32>
      %sub3A_2756 = arith.subf %get3A_2731, %mul3A_2752 : vector<16xf32>
      %add3A_2757 = arith.addf %get3A_2731, %mul3A_2752 : vector<16xf32>
      %sub3A_2758 = arith.subf %get3A_2737, %mul3A_2755 : vector<16xf32>
      %add3A_2759 = arith.addf %get3A_2737, %mul3A_2755 : vector<16xf32>
      %mul3A_2760 = arith.mulf %get3A_2743, %get3A_2749 : vector<16xf32>
      %add3A_2761 = arith.constant 48 : i32
      %add3A_2762 = arith.addi %add3A_2661, %add3A_2761 : i32
      %get3A_2763 = arith.index_cast %add3A_2762 : i32 to index
      %get3A_2764 = tpu.vector_load %arg8[%get3A_2763] {strides = array<i32>} : memref<37376xf32, #tpu.memory_space<vmem>>, vector<16xf32>,
      %add3A_2765 = arith.constant 96 : i32
      %add3A_2766 = arith.addi %add3A_2661, %add3A_2765 : i32
      %add3A_2767 = arith.constant 48 : i32
      %add3A_2768 = arith.addi %add3A_2766, %add3A_2767 : i32
      %get3A_2769 = arith.index_cast %add3A_2768 : i32 to index
      %get3A_2770 = tpu.vector_load %arg8[%get3A_2769] {strides = array<i32>} : memref<37376xf32, #tpu.memory_space<vmem>>, vector<16xf32>,
      %add3A_2771 = arith.constant 192 : i32
      %add3A_2772 = arith.addi %add3A_2661, %add3A_2771 : i32
      %add3A_2773 = arith.constant 48 : i32
      %add3A_2774 = arith.addi %add3A_2772, %add3A_2773 : i32
      %get3A_2775 = arith.index_cast %add3A_2774 : i32 to index
      %get3A_2776 = tpu.vector_load %arg8[%get3A_2775] {strides = array<i32>} : memref<37376xf32, #tpu.memory_space<vmem>>, vector<16xf32>,
      %add3A_2777 = arith.constant 288 : i32
      %add3A_2778 = arith.addi %add3A_2661, %add3A_2777 : i32
      %add3A_2779 = arith.constant 48 : i32
      %add3A_2780 = arith.addi %add3A_2778, %add3A_2779 : i32
      %get3A_2781 = arith.index_cast %add3A_2780 : i32 to index
      %get3A_2782 = tpu.vector_load %arg8[%get3A_2781] {strides = array<i32>} : memref<37376xf32, #tpu.memory_space<vmem>>, vector<16xf32>,
      %mul3A_2783 = arith.constant 5.000000e-01 : f32
      %mul3A_2784 = vector.broadcast %mul3A_2783 : f32 to vector<16xf32>
      %mul3A_2785 = arith.mulf %get3A_2776, %mul3A_2784 : vector<16xf32>
      %mul3A_2786 = arith.constant 5.000000e-01 : f32
      %mul3A_2787 = vector.broadcast %mul3A_2786 : f32 to vector<16xf32>
      %mul3A_2788 = arith.mulf %get3A_2782, %mul3A_2787 : vector<16xf32>
      %sub3A_2789 = arith.subf %get3A_2764, %mul3A_2785 : vector<16xf32>
      %add3A_2790 = arith.addf %get3A_2764, %mul3A_2785 : vector<16xf32>
      %sub3A_2791 = arith.subf %get3A_2770, %mul3A_2788 : vector<16xf32>
      %add3A_2792 = arith.addf %get3A_2770, %mul3A_2788 : vector<16xf32>
      %mul3A_2793 = arith.mulf %get3A_2776, %get3A_2782 : vector<16xf32>
      %add3A_2794 = arith.constant 64 : i32
      %add3A_2795 = arith.addi %add3A_2661, %add3A_2794 : i32
      %get3A_2796 = arith.index_cast %add3A_2795 : i32 to index
      %get3A_2797 = tpu.vector_load %arg8[%get3A_2796] {strides = array<i32>} : memref<37376xf32, #tpu.memory_space<vmem>>, vector<16xf32>,
      %add3A_2798 = arith.constant 96 : i32
      %add3A_2799 = arith.addi %add3A_2661, %add3A_2798 : i32
      %add3A_2800 = arith.constant 64 : i32
      %add3A_2801 = arith.addi %add3A_2799, %add3A_2800 : i32
      %get3A_2802 = arith.index_cast %add3A_2801 : i32 to index
      %get3A_2803 = tpu.vector_load %arg8[%get3A_2802] {strides = array<i32>} : memref<37376xf32, #tpu.memory_space<vmem>>, vector<16xf32>,
      %add3A_2804 = arith.constant 192 : i32
      %add3A_2805 = arith.addi %add3A_2661, %add3A_2804 : i32
      %add3A_2806 = arith.constant 64 : i32
      %add3A_2807 = arith.addi %add3A_2805, %add3A_2806 : i32
      %get3A_2808 = arith.index_cast %add3A_2807 : i32 to index
      %get3A_2809 = tpu.vector_load %arg8[%get3A_2808] {strides = array<i32>} : memref<37376xf32, #tpu.memory_space<vmem>>, vector<16xf32>,
      %add3A_2810 = arith.constant 288 : i32
      %add3A_2811 = arith.addi %add3A_2661, %add3A_2810 : i32
      %add3A_2812 = arith.constant 64 : i32
      %add3A_2813 = arith.addi %add3A_2811, %add3A_2812 : i32
      %get3A_2814 = arith.index_cast %add3A_2813 : i32 to index
      %get3A_2815 = tpu.vector_load %arg8[%get3A_2814] {strides = array<i32>} : memref<37376xf32, #tpu.memory_space<vmem>>, vector<16xf32>,
      %mul3A_2816 = arith.constant 5.000000e-01 : f32
      %mul3A_2817 = vector.broadcast %mul3A_2816 : f32 to vector<16xf32>
      %mul3A_2818 = arith.mulf %get3A_2809, %mul3A_2817 : vector<16xf32>
      %mul3A_2819 = arith.constant 5.000000e-01 : f32
      %mul3A_2820 = vector.broadcast %mul3A_2819 : f32 to vector<16xf32>
      %mul3A_2821 = arith.mulf %get3A_2815, %mul3A_2820 : vector<16xf32>
      %sub3A_2822 = arith.subf %get3A_2797, %mul3A_2818 : vector<16xf32>
      %add3A_2823 = arith.addf %get3A_2797, %mul3A_2818 : vector<16xf32>
      %sub3A_2824 = arith.subf %get3A_2803, %mul3A_2821 : vector<16xf32>
      %add3A_2825 = arith.addf %get3A_2803, %mul3A_2821 : vector<16xf32>
      %mul3A_2826 = arith.mulf %get3A_2809, %get3A_2815 : vector<16xf32>
      %add3A_2827 = arith.constant 80 : i32
      %add3A_2828 = arith.addi %add3A_2661, %add3A_2827 : i32
      %get3A_2829 = arith.index_cast %add3A_2828 : i32 to index
      %get3A_2830 = tpu.vector_load %arg8[%get3A_2829] {strides = array<i32>} : memref<37376xf32, #tpu.memory_space<vmem>>, vector<16xf32>,
      %add3A_2831 = arith.constant 96 : i32
      %add3A_2832 = arith.addi %add3A_2661, %add3A_2831 : i32
      %add3A_2833 = arith.constant 80 : i32
      %add3A_2834 = arith.addi %add3A_2832, %add3A_2833 : i32
      %get3A_2835 = arith.index_cast %add3A_2834 : i32 to index
      %get3A_2836 = tpu.vector_load %arg8[%get3A_2835] {strides = array<i32>} : memref<37376xf32, #tpu.memory_space<vmem>>, vector<16xf32>,
      %add3A_2837 = arith.constant 192 : i32
      %add3A_2838 = arith.addi %add3A_2661, %add3A_2837 : i32
      %add3A_2839 = arith.constant 80 : i32
      %add3A_2840 = arith.addi %add3A_2838, %add3A_2839 : i32
      %get3A_2841 = arith.index_cast %add3A_2840 : i32 to index
      %get3A_2842 = tpu.vector_load %arg8[%get3A_2841] {strides = array<i32>} : memref<37376xf32, #tpu.memory_space<vmem>>, vector<16xf32>,
      %add3A_2843 = arith.constant 288 : i32
      %add3A_2844 = arith.addi %add3A_2661, %add3A_2843 : i32
      %add3A_2845 = arith.constant 80 : i32
      %add3A_2846 = arith.addi %add3A_2844, %add3A_2845 : i32
      %get3A_2847 = arith.index_cast %add3A_2846 : i32 to index
      %get3A_2848 = tpu.vector_load %arg8[%get3A_2847] {strides = array<i32>} : memref<37376xf32, #tpu.memory_space<vmem>>, vector<16xf32>,
      %mul3A_2849 = arith.constant 5.000000e-01 : f32
      %mul3A_2850 = vector.broadcast %mul3A_2849 : f32 to vector<16xf32>
      %mul3A_2851 = arith.mulf %get3A_2842, %mul3A_2850 : vector<16xf32>
      %mul3A_2852 = arith.constant 5.000000e-01 : f32
      %mul3A_2853 = vector.broadcast %mul3A_2852 : f32 to vector<16xf32>
      %mul3A_2854 = arith.mulf %get3A_2848, %mul3A_2853 : vector<16xf32>
      %sub3A_2855 = arith.subf %get3A_2830, %mul3A_2851 : vector<16xf32>
      %add3A_2856 = arith.addf %get3A_2830, %mul3A_2851 : vector<16xf32>
      %sub3A_2857 = arith.subf %get3A_2836, %mul3A_2854 : vector<16xf32>
      %add3A_2858 = arith.addf %get3A_2836, %mul3A_2854 : vector<16xf32>
      %mul3A_2859 = arith.mulf %get3A_2842, %get3A_2848 : vector<16xf32>
      %while3A = arith.constant 0 : i32
      %while3A_2860 = arith.subi %reduce_max3A_2659, %while3A : i32
      %while3A_2861 = arith.addi %while3A, %while3A_2860 : i32
      %while3A_2862 = arith.constant 1 : i32
      %while3A_2863 = arith.divsi %while3A_2860, %while3A_2862 : i32
      %while3A_2864 = arith.muli %while3A_2863, %while3A_2862 : i32
      %while3A_2865 = arith.addi %while3A, %while3A_2864 : i32
      %while3A_2866 = arith.constant 1 : i32
      %while3A_2867:9 = scf.for %while3A_3328 = %while3A to %while3A_2865 step %while3A_2866 iter_args(%while3A_3329 = %broadcast_in_dim3A_4, %while3A_3330 = %broadcast_in_dim3A_4, %while3A_3331 = %broadcast_in_dim3A_4, %while3A_3332 = %broadcast_in_dim3A_6, %while3A_3333 = %broadcast_in_dim3A_6, %while3A_3334 = %broadcast_in_dim3A_6, %while3A_3335 = %broadcast_in_dim3A_8, %while3A_3336 = %broadcast_in_dim3A_8, %while3A_3337 = %broadcast_in_dim3A_8) -> (vector<16xf32>, vector<16xf32>, vector<16xf32>, vector<16xf32>, vector<16xf32>, vector<16xf32>, vector<16xi32>, vector<16xi32>, vector<16xi32>)  : i32 {
        %broadcast_in_dim3A_3338 = vector.broadcast %while3A_3328 : i32 to vector<16xi32>
        %gather3A_3339 = tpu.vector_load_idx %arg12[%broadcast_in_dim3A_3338] : memref<256xi32, #tpu.memory_space<vmem>>[vector<16xi32>], vector<16xi32>,
        %gather3A_3340 = tpu.vector_load_idx %arg10[%gather3A_3339] : memref<3072xf32, #tpu.memory_space<vmem>>[vector<16xi32>], vector<16xf32>,
        %add3A_3341 = arith.constant 256 : i32
        %add3A_3342 = vector.broadcast %add3A_3341 : i32 to vector<16xi32>
        %add3A_3343 = arith.addi %gather3A_3339, %add3A_3342 : vector<16xi32>
        %gather3A_3344 = tpu.vector_load_idx %arg10[%add3A_3343] : memref<3072xf32, #tpu.memory_space<vmem>>[vector<16xi32>], vector<16xf32>,
        %add3A_3345 = arith.constant 512 : i32
        %add3A_3346 = vector.broadcast %add3A_3345 : i32 to vector<16xi32>
        %add3A_3347 = arith.addi %gather3A_3339, %add3A_3346 : vector<16xi32>
        %gather3A_3348 = tpu.vector_load_idx %arg10[%add3A_3347] : memref<3072xf32, #tpu.memory_space<vmem>>[vector<16xi32>], vector<16xf32>,
        %add3A_3349 = arith.constant 768 : i32
        %add3A_3350 = vector.broadcast %add3A_3349 : i32 to vector<16xi32>
        %add3A_3351 = arith.addi %gather3A_3339, %add3A_3350 : vector<16xi32>
        %gather3A_3352 = tpu.vector_load_idx %arg10[%add3A_3351] : memref<3072xf32, #tpu.memory_space<vmem>>[vector<16xi32>], vector<16xf32>,
        %add3A_3353 = arith.constant 1024 : i32
        %add3A_3354 = vector.broadcast %add3A_3353 : i32 to vector<16xi32>
        %add3A_3355 = arith.addi %gather3A_3339, %add3A_3354 : vector<16xi32>
        %gather3A_3356 = tpu.vector_load_idx %arg10[%add3A_3355] : memref<3072xf32, #tpu.memory_space<vmem>>[vector<16xi32>], vector<16xf32>,
        %max3A = arith.maximumf %sub3A_2690, %gather3A_3340 : vector<16xf32>
        %max3A_3357 = arith.maximumf %sub3A_2692, %gather3A_3344 : vector<16xf32>
        %min3A = arith.minimumf %add3A_2691, %gather3A_3348 : vector<16xf32>
        %min3A_3358 = arith.minimumf %add3A_2693, %gather3A_3352 : vector<16xf32>
        %sub3A_3359 = arith.subf %min3A, %max3A : vector<16xf32>
        %max3A_3360 = arith.maximumf %sub3A_3359, %broadcast_in_dim3A_4 : vector<16xf32>
        %sub3A_3361 = arith.subf %min3A_3358, %max3A_3357 : vector<16xf32>
        %max3A_3362 = arith.maximumf %sub3A_3361, %broadcast_in_dim3A_4 : vector<16xf32>
        %mul3A_3363 = arith.mulf %max3A_3360, %max3A_3362 : vector<16xf32>
        %add3A_3364 = arith.addf %mul3A_2694, %gather3A_3356 : vector<16xf32>
        %mul3A_3365 = arith.mulf %mul3A_3363, %while3A_3332 : vector<16xf32>
        %mul3A_3366 = arith.mulf %while3A_3329, %add3A_3364 : vector<16xf32>
        %gt3A_3367 = arith.cmpf ogt, %mul3A_3365, %mul3A_3366 : vector<16xf32>
        %select_n3A_3368 = arith.select %gt3A_3367, %mul3A_3363, %while3A_3329 : vector<16xi1>, vector<16xf32>
        %select_n3A_3369 = arith.select %gt3A_3367, %add3A_3364, %while3A_3332 : vector<16xi1>, vector<16xf32>
        %select_n3A_3370 = arith.select %gt3A_3367, %gather3A_3339, %while3A_3335 : vector<16xi1>, vector<16xi32>
        %max3A_3371 = arith.maximumf %sub3A_2723, %gather3A_3340 : vector<16xf32>
        %max3A_3372 = arith.maximumf %sub3A_2725, %gather3A_3344 : vector<16xf32>
        %min3A_3373 = arith.minimumf %add3A_2724, %gather3A_3348 : vector<16xf32>
        %min3A_3374 = arith.minimumf %add3A_2726, %gather3A_3352 : vector<16xf32>
        %sub3A_3375 = arith.subf %min3A_3373, %max3A_3371 : vector<16xf32>
        %max3A_3376 = arith.maximumf %sub3A_3375, %broadcast_in_dim3A_4 : vector<16xf32>
        %sub3A_3377 = arith.subf %min3A_3374, %max3A_3372 : vector<16xf32>
        %max3A_3378 = arith.maximumf %sub3A_3377, %broadcast_in_dim3A_4 : vector<16xf32>
        %mul3A_3379 = arith.mulf %max3A_3376, %max3A_3378 : vector<16xf32>
        %add3A_3380 = arith.addf %mul3A_2727, %gather3A_3356 : vector<16xf32>
        %mul3A_3381 = arith.mulf %mul3A_3379, %while3A_3333 : vector<16xf32>
        %mul3A_3382 = arith.mulf %while3A_3330, %add3A_3380 : vector<16xf32>
        %gt3A_3383 = arith.cmpf ogt, %mul3A_3381, %mul3A_3382 : vector<16xf32>
        %select_n3A_3384 = arith.select %gt3A_3383, %mul3A_3379, %while3A_3330 : vector<16xi1>, vector<16xf32>
        %select_n3A_3385 = arith.select %gt3A_3383, %add3A_3380, %while3A_3333 : vector<16xi1>, vector<16xf32>
        %select_n3A_3386 = arith.select %gt3A_3383, %gather3A_3339, %while3A_3336 : vector<16xi1>, vector<16xi32>
        %max3A_3387 = arith.maximumf %sub3A_2756, %gather3A_3340 : vector<16xf32>
        %max3A_3388 = arith.maximumf %sub3A_2758, %gather3A_3344 : vector<16xf32>
        %min3A_3389 = arith.minimumf %add3A_2757, %gather3A_3348 : vector<16xf32>
        %min3A_3390 = arith.minimumf %add3A_2759, %gather3A_3352 : vector<16xf32>
        %sub3A_3391 = arith.subf %min3A_3389, %max3A_3387 : vector<16xf32>
        %max3A_3392 = arith.maximumf %sub3A_3391, %broadcast_in_dim3A_4 : vector<16xf32>
        %sub3A_3393 = arith.subf %min3A_3390, %max3A_3388 : vector<16xf32>
        %max3A_3394 = arith.maximumf %sub3A_3393, %broadcast_in_dim3A_4 : vector<16xf32>
        %mul3A_3395 = arith.mulf %max3A_3392, %max3A_3394 : vector<16xf32>
        %add3A_3396 = arith.addf %mul3A_2760, %gather3A_3356 : vector<16xf32>
        %mul3A_3397 = arith.mulf %mul3A_3395, %while3A_3334 : vector<16xf32>
        %mul3A_3398 = arith.mulf %while3A_3331, %add3A_3396 : vector<16xf32>
        %gt3A_3399 = arith.cmpf ogt, %mul3A_3397, %mul3A_3398 : vector<16xf32>
        %select_n3A_3400 = arith.select %gt3A_3399, %mul3A_3395, %while3A_3331 : vector<16xi1>, vector<16xf32>
        %select_n3A_3401 = arith.select %gt3A_3399, %add3A_3396, %while3A_3334 : vector<16xi1>, vector<16xf32>
        %select_n3A_3402 = arith.select %gt3A_3399, %gather3A_3339, %while3A_3337 : vector<16xi1>, vector<16xi32>
        scf.yield %select_n3A_3368, %select_n3A_3384, %select_n3A_3400, %select_n3A_3369, %select_n3A_3385, %select_n3A_3401, %select_n3A_3370, %select_n3A_3386, %select_n3A_3402 : vector<16xf32>, vector<16xf32>, vector<16xf32>, vector<16xf32>, vector<16xf32>, vector<16xf32>, vector<16xi32>, vector<16xi32>, vector<16xi32>
      }
      %while3A_2868 = arith.constant 1 : i32
      %while3A_2869:9 = scf.for %while3A_3328 = %while3A_2865 to %while3A_2861 step %while3A_2868 iter_args(%while3A_3329 = %while3A_2867#0, %while3A_3330 = %while3A_2867#1, %while3A_3331 = %while3A_2867#2, %while3A_3332 = %while3A_2867#3, %while3A_3333 = %while3A_2867#4, %while3A_3334 = %while3A_2867#5, %while3A_3335 = %while3A_2867#6, %while3A_3336 = %while3A_2867#7, %while3A_3337 = %while3A_2867#8) -> (vector<16xf32>, vector<16xf32>, vector<16xf32>, vector<16xf32>, vector<16xf32>, vector<16xf32>, vector<16xi32>, vector<16xi32>, vector<16xi32>)  : i32 {
        %broadcast_in_dim3A_3338 = vector.broadcast %while3A_3328 : i32 to vector<16xi32>
        %gather3A_3339 = tpu.vector_load_idx %arg12[%broadcast_in_dim3A_3338] : memref<256xi32, #tpu.memory_space<vmem>>[vector<16xi32>], vector<16xi32>,
        %gather3A_3340 = tpu.vector_load_idx %arg10[%gather3A_3339] : memref<3072xf32, #tpu.memory_space<vmem>>[vector<16xi32>], vector<16xf32>,
        %add3A_3341 = arith.constant 256 : i32
        %add3A_3342 = vector.broadcast %add3A_3341 : i32 to vector<16xi32>
        %add3A_3343 = arith.addi %gather3A_3339, %add3A_3342 : vector<16xi32>
        %gather3A_3344 = tpu.vector_load_idx %arg10[%add3A_3343] : memref<3072xf32, #tpu.memory_space<vmem>>[vector<16xi32>], vector<16xf32>,
        %add3A_3345 = arith.constant 512 : i32
        %add3A_3346 = vector.broadcast %add3A_3345 : i32 to vector<16xi32>
        %add3A_3347 = arith.addi %gather3A_3339, %add3A_3346 : vector<16xi32>
        %gather3A_3348 = tpu.vector_load_idx %arg10[%add3A_3347] : memref<3072xf32, #tpu.memory_space<vmem>>[vector<16xi32>], vector<16xf32>,
        %add3A_3349 = arith.constant 768 : i32
        %add3A_3350 = vector.broadcast %add3A_3349 : i32 to vector<16xi32>
        %add3A_3351 = arith.addi %gather3A_3339, %add3A_3350 : vector<16xi32>
        %gather3A_3352 = tpu.vector_load_idx %arg10[%add3A_3351] : memref<3072xf32, #tpu.memory_space<vmem>>[vector<16xi32>], vector<16xf32>,
        %add3A_3353 = arith.constant 1024 : i32
        %add3A_3354 = vector.broadcast %add3A_3353 : i32 to vector<16xi32>
        %add3A_3355 = arith.addi %gather3A_3339, %add3A_3354 : vector<16xi32>
        %gather3A_3356 = tpu.vector_load_idx %arg10[%add3A_3355] : memref<3072xf32, #tpu.memory_space<vmem>>[vector<16xi32>], vector<16xf32>,
        %max3A = arith.maximumf %sub3A_2690, %gather3A_3340 : vector<16xf32>
        %max3A_3357 = arith.maximumf %sub3A_2692, %gather3A_3344 : vector<16xf32>
        %min3A = arith.minimumf %add3A_2691, %gather3A_3348 : vector<16xf32>
        %min3A_3358 = arith.minimumf %add3A_2693, %gather3A_3352 : vector<16xf32>
        %sub3A_3359 = arith.subf %min3A, %max3A : vector<16xf32>
        %max3A_3360 = arith.maximumf %sub3A_3359, %broadcast_in_dim3A_4 : vector<16xf32>
        %sub3A_3361 = arith.subf %min3A_3358, %max3A_3357 : vector<16xf32>
        %max3A_3362 = arith.maximumf %sub3A_3361, %broadcast_in_dim3A_4 : vector<16xf32>
        %mul3A_3363 = arith.mulf %max3A_3360, %max3A_3362 : vector<16xf32>
        %add3A_3364 = arith.addf %mul3A_2694, %gather3A_3356 : vector<16xf32>
        %mul3A_3365 = arith.mulf %mul3A_3363, %while3A_3332 : vector<16xf32>
        %mul3A_3366 = arith.mulf %while3A_3329, %add3A_3364 : vector<16xf32>
        %gt3A_3367 = arith.cmpf ogt, %mul3A_3365, %mul3A_3366 : vector<16xf32>
        %select_n3A_3368 = arith.select %gt3A_3367, %mul3A_3363, %while3A_3329 : vector<16xi1>, vector<16xf32>
        %select_n3A_3369 = arith.select %gt3A_3367, %add3A_3364, %while3A_3332 : vector<16xi1>, vector<16xf32>
        %select_n3A_3370 = arith.select %gt3A_3367, %gather3A_3339, %while3A_3335 : vector<16xi1>, vector<16xi32>
        %max3A_3371 = arith.maximumf %sub3A_2723, %gather3A_3340 : vector<16xf32>
        %max3A_3372 = arith.maximumf %sub3A_2725, %gather3A_3344 : vector<16xf32>
        %min3A_3373 = arith.minimumf %add3A_2724, %gather3A_3348 : vector<16xf32>
        %min3A_3374 = arith.minimumf %add3A_2726, %gather3A_3352 : vector<16xf32>
        %sub3A_3375 = arith.subf %min3A_3373, %max3A_3371 : vector<16xf32>
        %max3A_3376 = arith.maximumf %sub3A_3375, %broadcast_in_dim3A_4 : vector<16xf32>
        %sub3A_3377 = arith.subf %min3A_3374, %max3A_3372 : vector<16xf32>
        %max3A_3378 = arith.maximumf %sub3A_3377, %broadcast_in_dim3A_4 : vector<16xf32>
        %mul3A_3379 = arith.mulf %max3A_3376, %max3A_3378 : vector<16xf32>
        %add3A_3380 = arith.addf %mul3A_2727, %gather3A_3356 : vector<16xf32>
        %mul3A_3381 = arith.mulf %mul3A_3379, %while3A_3333 : vector<16xf32>
        %mul3A_3382 = arith.mulf %while3A_3330, %add3A_3380 : vector<16xf32>
        %gt3A_3383 = arith.cmpf ogt, %mul3A_3381, %mul3A_3382 : vector<16xf32>
        %select_n3A_3384 = arith.select %gt3A_3383, %mul3A_3379, %while3A_3330 : vector<16xi1>, vector<16xf32>
        %select_n3A_3385 = arith.select %gt3A_3383, %add3A_3380, %while3A_3333 : vector<16xi1>, vector<16xf32>
        %select_n3A_3386 = arith.select %gt3A_3383, %gather3A_3339, %while3A_3336 : vector<16xi1>, vector<16xi32>
        %max3A_3387 = arith.maximumf %sub3A_2756, %gather3A_3340 : vector<16xf32>
        %max3A_3388 = arith.maximumf %sub3A_2758, %gather3A_3344 : vector<16xf32>
        %min3A_3389 = arith.minimumf %add3A_2757, %gather3A_3348 : vector<16xf32>
        %min3A_3390 = arith.minimumf %add3A_2759, %gather3A_3352 : vector<16xf32>
        %sub3A_3391 = arith.subf %min3A_3389, %max3A_3387 : vector<16xf32>
        %max3A_3392 = arith.maximumf %sub3A_3391, %broadcast_in_dim3A_4 : vector<16xf32>
        %sub3A_3393 = arith.subf %min3A_3390, %max3A_3388 : vector<16xf32>
        %max3A_3394 = arith.maximumf %sub3A_3393, %broadcast_in_dim3A_4 : vector<16xf32>
        %mul3A_3395 = arith.mulf %max3A_3392, %max3A_3394 : vector<16xf32>
        %add3A_3396 = arith.addf %mul3A_2760, %gather3A_3356 : vector<16xf32>
        %mul3A_3397 = arith.mulf %mul3A_3395, %while3A_3334 : vector<16xf32>
        %mul3A_3398 = arith.mulf %while3A_3331, %add3A_3396 : vector<16xf32>
        %gt3A_3399 = arith.cmpf ogt, %mul3A_3397, %mul3A_3398 : vector<16xf32>
        %select_n3A_3400 = arith.select %gt3A_3399, %mul3A_3395, %while3A_3331 : vector<16xi1>, vector<16xf32>
        %select_n3A_3401 = arith.select %gt3A_3399, %add3A_3396, %while3A_3334 : vector<16xi1>, vector<16xf32>
        %select_n3A_3402 = arith.select %gt3A_3399, %gather3A_3339, %while3A_3337 : vector<16xi1>, vector<16xi32>
        scf.yield %select_n3A_3368, %select_n3A_3384, %select_n3A_3400, %select_n3A_3369, %select_n3A_3385, %select_n3A_3401, %select_n3A_3370, %select_n3A_3386, %select_n3A_3402 : vector<16xf32>, vector<16xf32>, vector<16xf32>, vector<16xf32>, vector<16xf32>, vector<16xf32>, vector<16xi32>, vector<16xi32>, vector<16xi32>
      }
      %while3A_2870 = arith.constant 0 : i32
      %while3A_2871 = arith.subi %reduce_max3A_2659, %while3A_2870 : i32
      %while3A_2872 = arith.addi %while3A_2870, %while3A_2871 : i32
      %while3A_2873 = arith.constant 1 : i32
      %while3A_2874 = arith.divsi %while3A_2871, %while3A_2873 : i32
      %while3A_2875 = arith.muli %while3A_2874, %while3A_2873 : i32
      %while3A_2876 = arith.addi %while3A_2870, %while3A_2875 : i32
      %while3A_2877 = arith.constant 1 : i32
      %while3A_2878:9 = scf.for %while3A_3328 = %while3A_2870 to %while3A_2876 step %while3A_2877 iter_args(%while3A_3329 = %broadcast_in_dim3A_4, %while3A_3330 = %broadcast_in_dim3A_4, %while3A_3331 = %broadcast_in_dim3A_4, %while3A_3332 = %broadcast_in_dim3A_6, %while3A_3333 = %broadcast_in_dim3A_6, %while3A_3334 = %broadcast_in_dim3A_6, %while3A_3335 = %broadcast_in_dim3A_8, %while3A_3336 = %broadcast_in_dim3A_8, %while3A_3337 = %broadcast_in_dim3A_8) -> (vector<16xf32>, vector<16xf32>, vector<16xf32>, vector<16xf32>, vector<16xf32>, vector<16xf32>, vector<16xi32>, vector<16xi32>, vector<16xi32>)  : i32 {
        %broadcast_in_dim3A_3338 = vector.broadcast %while3A_3328 : i32 to vector<16xi32>
        %gather3A_3339 = tpu.vector_load_idx %arg12[%broadcast_in_dim3A_3338] : memref<256xi32, #tpu.memory_space<vmem>>[vector<16xi32>], vector<16xi32>,
        %gather3A_3340 = tpu.vector_load_idx %arg10[%gather3A_3339] : memref<3072xf32, #tpu.memory_space<vmem>>[vector<16xi32>], vector<16xf32>,
        %add3A_3341 = arith.constant 256 : i32
        %add3A_3342 = vector.broadcast %add3A_3341 : i32 to vector<16xi32>
        %add3A_3343 = arith.addi %gather3A_3339, %add3A_3342 : vector<16xi32>
        %gather3A_3344 = tpu.vector_load_idx %arg10[%add3A_3343] : memref<3072xf32, #tpu.memory_space<vmem>>[vector<16xi32>], vector<16xf32>,
        %add3A_3345 = arith.constant 512 : i32
        %add3A_3346 = vector.broadcast %add3A_3345 : i32 to vector<16xi32>
        %add3A_3347 = arith.addi %gather3A_3339, %add3A_3346 : vector<16xi32>
        %gather3A_3348 = tpu.vector_load_idx %arg10[%add3A_3347] : memref<3072xf32, #tpu.memory_space<vmem>>[vector<16xi32>], vector<16xf32>,
        %add3A_3349 = arith.constant 768 : i32
        %add3A_3350 = vector.broadcast %add3A_3349 : i32 to vector<16xi32>
        %add3A_3351 = arith.addi %gather3A_3339, %add3A_3350 : vector<16xi32>
        %gather3A_3352 = tpu.vector_load_idx %arg10[%add3A_3351] : memref<3072xf32, #tpu.memory_space<vmem>>[vector<16xi32>], vector<16xf32>,
        %add3A_3353 = arith.constant 1024 : i32
        %add3A_3354 = vector.broadcast %add3A_3353 : i32 to vector<16xi32>
        %add3A_3355 = arith.addi %gather3A_3339, %add3A_3354 : vector<16xi32>
        %gather3A_3356 = tpu.vector_load_idx %arg10[%add3A_3355] : memref<3072xf32, #tpu.memory_space<vmem>>[vector<16xi32>], vector<16xf32>,
        %max3A = arith.maximumf %sub3A_2789, %gather3A_3340 : vector<16xf32>
        %max3A_3357 = arith.maximumf %sub3A_2791, %gather3A_3344 : vector<16xf32>
        %min3A = arith.minimumf %add3A_2790, %gather3A_3348 : vector<16xf32>
        %min3A_3358 = arith.minimumf %add3A_2792, %gather3A_3352 : vector<16xf32>
        %sub3A_3359 = arith.subf %min3A, %max3A : vector<16xf32>
        %max3A_3360 = arith.maximumf %sub3A_3359, %broadcast_in_dim3A_4 : vector<16xf32>
        %sub3A_3361 = arith.subf %min3A_3358, %max3A_3357 : vector<16xf32>
        %max3A_3362 = arith.maximumf %sub3A_3361, %broadcast_in_dim3A_4 : vector<16xf32>
        %mul3A_3363 = arith.mulf %max3A_3360, %max3A_3362 : vector<16xf32>
        %add3A_3364 = arith.addf %mul3A_2793, %gather3A_3356 : vector<16xf32>
        %mul3A_3365 = arith.mulf %mul3A_3363, %while3A_3332 : vector<16xf32>
        %mul3A_3366 = arith.mulf %while3A_3329, %add3A_3364 : vector<16xf32>
        %gt3A_3367 = arith.cmpf ogt, %mul3A_3365, %mul3A_3366 : vector<16xf32>
        %select_n3A_3368 = arith.select %gt3A_3367, %mul3A_3363, %while3A_3329 : vector<16xi1>, vector<16xf32>
        %select_n3A_3369 = arith.select %gt3A_3367, %add3A_3364, %while3A_3332 : vector<16xi1>, vector<16xf32>
        %select_n3A_3370 = arith.select %gt3A_3367, %gather3A_3339, %while3A_3335 : vector<16xi1>, vector<16xi32>
        %max3A_3371 = arith.maximumf %sub3A_2822, %gather3A_3340 : vector<16xf32>
        %max3A_3372 = arith.maximumf %sub3A_2824, %gather3A_3344 : vector<16xf32>
        %min3A_3373 = arith.minimumf %add3A_2823, %gather3A_3348 : vector<16xf32>
        %min3A_3374 = arith.minimumf %add3A_2825, %gather3A_3352 : vector<16xf32>
        %sub3A_3375 = arith.subf %min3A_3373, %max3A_3371 : vector<16xf32>
        %max3A_3376 = arith.maximumf %sub3A_3375, %broadcast_in_dim3A_4 : vector<16xf32>
        %sub3A_3377 = arith.subf %min3A_3374, %max3A_3372 : vector<16xf32>
        %max3A_3378 = arith.maximumf %sub3A_3377, %broadcast_in_dim3A_4 : vector<16xf32>
        %mul3A_3379 = arith.mulf %max3A_3376, %max3A_3378 : vector<16xf32>
        %add3A_3380 = arith.addf %mul3A_2826, %gather3A_3356 : vector<16xf32>
        %mul3A_3381 = arith.mulf %mul3A_3379, %while3A_3333 : vector<16xf32>
        %mul3A_3382 = arith.mulf %while3A_3330, %add3A_3380 : vector<16xf32>
        %gt3A_3383 = arith.cmpf ogt, %mul3A_3381, %mul3A_3382 : vector<16xf32>
        %select_n3A_3384 = arith.select %gt3A_3383, %mul3A_3379, %while3A_3330 : vector<16xi1>, vector<16xf32>
        %select_n3A_3385 = arith.select %gt3A_3383, %add3A_3380, %while3A_3333 : vector<16xi1>, vector<16xf32>
        %select_n3A_3386 = arith.select %gt3A_3383, %gather3A_3339, %while3A_3336 : vector<16xi1>, vector<16xi32>
        %max3A_3387 = arith.maximumf %sub3A_2855, %gather3A_3340 : vector<16xf32>
        %max3A_3388 = arith.maximumf %sub3A_2857, %gather3A_3344 : vector<16xf32>
        %min3A_3389 = arith.minimumf %add3A_2856, %gather3A_3348 : vector<16xf32>
        %min3A_3390 = arith.minimumf %add3A_2858, %gather3A_3352 : vector<16xf32>
        %sub3A_3391 = arith.subf %min3A_3389, %max3A_3387 : vector<16xf32>
        %max3A_3392 = arith.maximumf %sub3A_3391, %broadcast_in_dim3A_4 : vector<16xf32>
        %sub3A_3393 = arith.subf %min3A_3390, %max3A_3388 : vector<16xf32>
        %max3A_3394 = arith.maximumf %sub3A_3393, %broadcast_in_dim3A_4 : vector<16xf32>
        %mul3A_3395 = arith.mulf %max3A_3392, %max3A_3394 : vector<16xf32>
        %add3A_3396 = arith.addf %mul3A_2859, %gather3A_3356 : vector<16xf32>
        %mul3A_3397 = arith.mulf %mul3A_3395, %while3A_3334 : vector<16xf32>
        %mul3A_3398 = arith.mulf %while3A_3331, %add3A_3396 : vector<16xf32>
        %gt3A_3399 = arith.cmpf ogt, %mul3A_3397, %mul3A_3398 : vector<16xf32>
        %select_n3A_3400 = arith.select %gt3A_3399, %mul3A_3395, %while3A_3331 : vector<16xi1>, vector<16xf32>
        %select_n3A_3401 = arith.select %gt3A_3399, %add3A_3396, %while3A_3334 : vector<16xi1>, vector<16xf32>
        %select_n3A_3402 = arith.select %gt3A_3399, %gather3A_3339, %while3A_3337 : vector<16xi1>, vector<16xi32>
        scf.yield %select_n3A_3368, %select_n3A_3384, %select_n3A_3400, %select_n3A_3369, %select_n3A_3385, %select_n3A_3401, %select_n3A_3370, %select_n3A_3386, %select_n3A_3402 : vector<16xf32>, vector<16xf32>, vector<16xf32>, vector<16xf32>, vector<16xf32>, vector<16xf32>, vector<16xi32>, vector<16xi32>, vector<16xi32>
      }
      %while3A_2879 = arith.constant 1 : i32
      %while3A_2880:9 = scf.for %while3A_3328 = %while3A_2876 to %while3A_2872 step %while3A_2879 iter_args(%while3A_3329 = %while3A_2878#0, %while3A_3330 = %while3A_2878#1, %while3A_3331 = %while3A_2878#2, %while3A_3332 = %while3A_2878#3, %while3A_3333 = %while3A_2878#4, %while3A_3334 = %while3A_2878#5, %while3A_3335 = %while3A_2878#6, %while3A_3336 = %while3A_2878#7, %while3A_3337 = %while3A_2878#8) -> (vector<16xf32>, vector<16xf32>, vector<16xf32>, vector<16xf32>, vector<16xf32>, vector<16xf32>, vector<16xi32>, vector<16xi32>, vector<16xi32>)  : i32 {
        %broadcast_in_dim3A_3338 = vector.broadcast %while3A_3328 : i32 to vector<16xi32>
        %gather3A_3339 = tpu.vector_load_idx %arg12[%broadcast_in_dim3A_3338] : memref<256xi32, #tpu.memory_space<vmem>>[vector<16xi32>], vector<16xi32>,
        %gather3A_3340 = tpu.vector_load_idx %arg10[%gather3A_3339] : memref<3072xf32, #tpu.memory_space<vmem>>[vector<16xi32>], vector<16xf32>,
        %add3A_3341 = arith.constant 256 : i32
        %add3A_3342 = vector.broadcast %add3A_3341 : i32 to vector<16xi32>
        %add3A_3343 = arith.addi %gather3A_3339, %add3A_3342 : vector<16xi32>
        %gather3A_3344 = tpu.vector_load_idx %arg10[%add3A_3343] : memref<3072xf32, #tpu.memory_space<vmem>>[vector<16xi32>], vector<16xf32>,
        %add3A_3345 = arith.constant 512 : i32
        %add3A_3346 = vector.broadcast %add3A_3345 : i32 to vector<16xi32>
        %add3A_3347 = arith.addi %gather3A_3339, %add3A_3346 : vector<16xi32>
        %gather3A_3348 = tpu.vector_load_idx %arg10[%add3A_3347] : memref<3072xf32, #tpu.memory_space<vmem>>[vector<16xi32>], vector<16xf32>,
        %add3A_3349 = arith.constant 768 : i32
        %add3A_3350 = vector.broadcast %add3A_3349 : i32 to vector<16xi32>
        %add3A_3351 = arith.addi %gather3A_3339, %add3A_3350 : vector<16xi32>
        %gather3A_3352 = tpu.vector_load_idx %arg10[%add3A_3351] : memref<3072xf32, #tpu.memory_space<vmem>>[vector<16xi32>], vector<16xf32>,
        %add3A_3353 = arith.constant 1024 : i32
        %add3A_3354 = vector.broadcast %add3A_3353 : i32 to vector<16xi32>
        %add3A_3355 = arith.addi %gather3A_3339, %add3A_3354 : vector<16xi32>
        %gather3A_3356 = tpu.vector_load_idx %arg10[%add3A_3355] : memref<3072xf32, #tpu.memory_space<vmem>>[vector<16xi32>], vector<16xf32>,
        %max3A = arith.maximumf %sub3A_2789, %gather3A_3340 : vector<16xf32>
        %max3A_3357 = arith.maximumf %sub3A_2791, %gather3A_3344 : vector<16xf32>
        %min3A = arith.minimumf %add3A_2790, %gather3A_3348 : vector<16xf32>
        %min3A_3358 = arith.minimumf %add3A_2792, %gather3A_3352 : vector<16xf32>
        %sub3A_3359 = arith.subf %min3A, %max3A : vector<16xf32>
        %max3A_3360 = arith.maximumf %sub3A_3359, %broadcast_in_dim3A_4 : vector<16xf32>
        %sub3A_3361 = arith.subf %min3A_3358, %max3A_3357 : vector<16xf32>
        %max3A_3362 = arith.maximumf %sub3A_3361, %broadcast_in_dim3A_4 : vector<16xf32>
        %mul3A_3363 = arith.mulf %max3A_3360, %max3A_3362 : vector<16xf32>
        %add3A_3364 = arith.addf %mul3A_2793, %gather3A_3356 : vector<16xf32>
        %mul3A_3365 = arith.mulf %mul3A_3363, %while3A_3332 : vector<16xf32>
        %mul3A_3366 = arith.mulf %while3A_3329, %add3A_3364 : vector<16xf32>
        %gt3A_3367 = arith.cmpf ogt, %mul3A_3365, %mul3A_3366 : vector<16xf32>
        %select_n3A_3368 = arith.select %gt3A_3367, %mul3A_3363, %while3A_3329 : vector<16xi1>, vector<16xf32>
        %select_n3A_3369 = arith.select %gt3A_3367, %add3A_3364, %while3A_3332 : vector<16xi1>, vector<16xf32>
        %select_n3A_3370 = arith.select %gt3A_3367, %gather3A_3339, %while3A_3335 : vector<16xi1>, vector<16xi32>
        %max3A_3371 = arith.maximumf %sub3A_2822, %gather3A_3340 : vector<16xf32>
        %max3A_3372 = arith.maximumf %sub3A_2824, %gather3A_3344 : vector<16xf32>
        %min3A_3373 = arith.minimumf %add3A_2823, %gather3A_3348 : vector<16xf32>
        %min3A_3374 = arith.minimumf %add3A_2825, %gather3A_3352 : vector<16xf32>
        %sub3A_3375 = arith.subf %min3A_3373, %max3A_3371 : vector<16xf32>
        %max3A_3376 = arith.maximumf %sub3A_3375, %broadcast_in_dim3A_4 : vector<16xf32>
        %sub3A_3377 = arith.subf %min3A_3374, %max3A_3372 : vector<16xf32>
        %max3A_3378 = arith.maximumf %sub3A_3377, %broadcast_in_dim3A_4 : vector<16xf32>
        %mul3A_3379 = arith.mulf %max3A_3376, %max3A_3378 : vector<16xf32>
        %add3A_3380 = arith.addf %mul3A_2826, %gather3A_3356 : vector<16xf32>
        %mul3A_3381 = arith.mulf %mul3A_3379, %while3A_3333 : vector<16xf32>
        %mul3A_3382 = arith.mulf %while3A_3330, %add3A_3380 : vector<16xf32>
        %gt3A_3383 = arith.cmpf ogt, %mul3A_3381, %mul3A_3382 : vector<16xf32>
        %select_n3A_3384 = arith.select %gt3A_3383, %mul3A_3379, %while3A_3330 : vector<16xi1>, vector<16xf32>
        %select_n3A_3385 = arith.select %gt3A_3383, %add3A_3380, %while3A_3333 : vector<16xi1>, vector<16xf32>
        %select_n3A_3386 = arith.select %gt3A_3383, %gather3A_3339, %while3A_3336 : vector<16xi1>, vector<16xi32>
        %max3A_3387 = arith.maximumf %sub3A_2855, %gather3A_3340 : vector<16xf32>
        %max3A_3388 = arith.maximumf %sub3A_2857, %gather3A_3344 : vector<16xf32>
        %min3A_3389 = arith.minimumf %add3A_2856, %gather3A_3348 : vector<16xf32>
        %min3A_3390 = arith.minimumf %add3A_2858, %gather3A_3352 : vector<16xf32>
        %sub3A_3391 = arith.subf %min3A_3389, %max3A_3387 : vector<16xf32>
        %max3A_3392 = arith.maximumf %sub3A_3391, %broadcast_in_dim3A_4 : vector<16xf32>
        %sub3A_3393 = arith.subf %min3A_3390, %max3A_3388 : vector<16xf32>
        %max3A_3394 = arith.maximumf %sub3A_3393, %broadcast_in_dim3A_4 : vector<16xf32>
        %mul3A_3395 = arith.mulf %max3A_3392, %max3A_3394 : vector<16xf32>
        %add3A_3396 = arith.addf %mul3A_2859, %gather3A_3356 : vector<16xf32>
        %mul3A_3397 = arith.mulf %mul3A_3395, %while3A_3334 : vector<16xf32>
        %mul3A_3398 = arith.mulf %while3A_3331, %add3A_3396 : vector<16xf32>
        %gt3A_3399 = arith.cmpf ogt, %mul3A_3397, %mul3A_3398 : vector<16xf32>
        %select_n3A_3400 = arith.select %gt3A_3399, %mul3A_3395, %while3A_3331 : vector<16xi1>, vector<16xf32>
        %select_n3A_3401 = arith.select %gt3A_3399, %add3A_3396, %while3A_3334 : vector<16xi1>, vector<16xf32>
        %select_n3A_3402 = arith.select %gt3A_3399, %gather3A_3339, %while3A_3337 : vector<16xi1>, vector<16xi32>
        scf.yield %select_n3A_3368, %select_n3A_3384, %select_n3A_3400, %select_n3A_3369, %select_n3A_3385, %select_n3A_3401, %select_n3A_3370, %select_n3A_3386, %select_n3A_3402 : vector<16xf32>, vector<16xf32>, vector<16xf32>, vector<16xf32>, vector<16xf32>, vector<16xf32>, vector<16xi32>, vector<16xi32>, vector<16xi32>
      }
      %mul3A_2881 = arith.constant 96 : i32
      %mul3A_2882 = arith.muli %scan3A_2273, %mul3A_2881 : i32
      %add3A_2883 = arith.constant 0 : i32
      %add3A_2884 = arith.addi %mul3A_2882, %add3A_2883 : i32
      %add3A_2885 = arith.constant 1280 : i32
      %add3A_2886 = vector.broadcast %add3A_2885 : i32 to vector<16xi32>
      %add3A_2887 = arith.addi %while3A_2869#6, %add3A_2886 : vector<16xi32>
      %gather3A_2888 = tpu.vector_load_idx %arg10[%add3A_2887] : memref<3072xf32, #tpu.memory_space<vmem>>[vector<16xi32>], vector<16xf32>,
      %add3A_2889 = arith.constant 1536 : i32
      %add3A_2890 = vector.broadcast %add3A_2889 : i32 to vector<16xi32>
      %add3A_2891 = arith.addi %while3A_2869#6, %add3A_2890 : vector<16xi32>
      %gather3A_2892 = tpu.vector_load_idx %arg10[%add3A_2891] : memref<3072xf32, #tpu.memory_space<vmem>>[vector<16xi32>], vector<16xf32>,
      %add3A_2893 = arith.constant 2304 : i32
      %add3A_2894 = vector.broadcast %add3A_2893 : i32 to vector<16xi32>
      %add3A_2895 = arith.addi %while3A_2869#6, %add3A_2894 : vector<16xi32>
      %gather3A_2896 = tpu.vector_load_idx %arg10[%add3A_2895] : memref<3072xf32, #tpu.memory_space<vmem>>[vector<16xi32>], vector<16xf32>,
      %add3A_2897 = arith.constant 2560 : i32
      %add3A_2898 = vector.broadcast %add3A_2897 : i32 to vector<16xi32>
      %add3A_2899 = arith.addi %while3A_2869#6, %add3A_2898 : vector<16xi32>
      %gather3A_2900 = tpu.vector_load_idx %arg10[%add3A_2899] : memref<3072xf32, #tpu.memory_space<vmem>>[vector<16xi32>], vector<16xf32>,
      %add3A_2901 = arith.constant 1024 : i32
      %add3A_2902 = vector.broadcast %add3A_2901 : i32 to vector<16xi32>
      %add3A_2903 = arith.addi %while3A_2869#6, %add3A_2902 : vector<16xi32>
      %gather3A_2904 = tpu.vector_load_idx %arg10[%add3A_2903] : memref<3072xf32, #tpu.memory_space<vmem>>[vector<16xi32>], vector<16xf32>,
      %gather3A_2905 = tpu.vector_load_idx %arg11[%while3A_2869#6] : memref<256xi32, #tpu.memory_space<vmem>>[vector<16xi32>], vector<16xi32>,
      %sub3A_2906 = arith.subf %gather3A_2888, %get3A_2665 : vector<16xf32>
      %div3A = arith.divf %sub3A_2906, %get3A_2677 : vector<16xf32>
      %sub3A_2907 = arith.subf %gather3A_2892, %get3A_2671 : vector<16xf32>
      %div3A_2908 = arith.divf %sub3A_2907, %get3A_2683 : vector<16xf32>
      %add3A_2909 = arith.constant 384 : i32
      %add3A_2910 = arith.addi %add3A_2661, %add3A_2909 : i32
      %add3A_2911 = arith.constant 0 : i32
      %add3A_2912 = arith.addi %add3A_2910, %add3A_2911 : i32
      %get3A_2913 = arith.index_cast %add3A_2912 : i32 to index
      %get3A_2914 = tpu.vector_load %arg8[%get3A_2913] {strides = array<i32>} : memref<37376xf32, #tpu.memory_space<vmem>>, vector<16xf32>,
      %sub3A_2915 = arith.subf %gather3A_2896, %get3A_2914 : vector<16xf32>
      %add3A_2916 = arith.constant 480 : i32
      %add3A_2917 = arith.addi %add3A_2661, %add3A_2916 : i32
      %add3A_2918 = arith.constant 0 : i32
      %add3A_2919 = arith.addi %add3A_2917, %add3A_2918 : i32
      %get3A_2920 = arith.index_cast %add3A_2919 : i32 to index
      %get3A_2921 = tpu.vector_load %arg8[%get3A_2920] {strides = array<i32>} : memref<37376xf32, #tpu.memory_space<vmem>>, vector<16xf32>,
      %sub3A_2922 = arith.subf %gather3A_2900, %get3A_2921 : vector<16xf32>
      %add3A_2923 = arith.addf %mul3A_2694, %gather3A_2904 : vector<16xf32>
      %sub3A_2924 = arith.subf %add3A_2923, %while3A_2869#0 : vector<16xf32>
      %div3A_2925 = arith.divf %while3A_2869#0, %sub3A_2924 : vector<16xf32>
      %gt3A_2926 = arith.constant 5.000000e-01 : f32
      %gt3A_2927 = vector.broadcast %gt3A_2926 : f32 to vector<16xf32>
      %gt3A_2928 = arith.cmpf ogt, %div3A_2925, %gt3A_2927 : vector<16xf32>
      %add3A_2929 = arith.constant 1 : i32
      %add3A_2930 = vector.broadcast %add3A_2929 : i32 to vector<16xi32>
      %add3A_2931 = arith.addi %gather3A_2905, %add3A_2930 : vector<16xi32>
      %gt3A_2932 = arith.constant 4.000000e-01 : f32
      %gt3A_2933 = vector.broadcast %gt3A_2932 : f32 to vector<16xf32>
      %gt3A_2934 = arith.cmpf ogt, %div3A_2925, %gt3A_2933 : vector<16xf32>
      %jit3A_2935 = arith.constant -1 : i32
      %jit3A_2936 = arith.constant 0 : i32
      %broadcast_in_dim3A_2937 = vector.broadcast %jit3A_2935 : i32 to vector<16xi32>
      %broadcast_in_dim3A_2938 = vector.broadcast %jit3A_2936 : i32 to vector<16xi32>
      %select_n3A_2939 = arith.select %gt3A_2934, %broadcast_in_dim3A_2937, %broadcast_in_dim3A_2938 : vector<16xi1>, vector<16xi32>
      %select_n3A_2940 = arith.select %gt3A_2928, %add3A_2931, %select_n3A_2939 : vector<16xi1>, vector<16xi32>
      %swap3A_2941 = arith.index_cast %add3A_2884 : i32 to index
      %swap3A_2942 = tpu.vector_load %arg13[%swap3A_2941] {strides = array<i32>} : memref<6144xf32, #tpu.memory_space<vmem>>, vector<16xf32>,
      tpu.vector_store %arg13[%swap3A_2941], %div3A {strides = array<i32>} : memref<6144xf32, #tpu.memory_space<vmem>>, vector<16xf32>,
      %swap3A_2943 = arith.index_cast %add3A_2884 : i32 to index
      %swap3A_2944 = tpu.vector_load %arg14[%swap3A_2943] {strides = array<i32>} : memref<6144xf32, #tpu.memory_space<vmem>>, vector<16xf32>,
      tpu.vector_store %arg14[%swap3A_2943], %div3A_2908 {strides = array<i32>} : memref<6144xf32, #tpu.memory_space<vmem>>, vector<16xf32>,
      %swap3A_2945 = arith.index_cast %add3A_2884 : i32 to index
      %swap3A_2946 = tpu.vector_load %arg15[%swap3A_2945] {strides = array<i32>} : memref<6144xf32, #tpu.memory_space<vmem>>, vector<16xf32>,
      tpu.vector_store %arg15[%swap3A_2945], %sub3A_2915 {strides = array<i32>} : memref<6144xf32, #tpu.memory_space<vmem>>, vector<16xf32>,
      %swap3A_2947 = arith.index_cast %add3A_2884 : i32 to index
      %swap3A_2948 = tpu.vector_load %arg16[%swap3A_2947] {strides = array<i32>} : memref<6144xf32, #tpu.memory_space<vmem>>, vector<16xf32>,
      tpu.vector_store %arg16[%swap3A_2947], %sub3A_2922 {strides = array<i32>} : memref<6144xf32, #tpu.memory_space<vmem>>, vector<16xf32>,
      %swap3A_2949 = arith.index_cast %add3A_2884 : i32 to index
      %swap3A_2950 = tpu.vector_load %arg17[%swap3A_2949] {strides = array<i32>} : memref<6144xi32, #tpu.memory_space<vmem>>, vector<16xi32>,
      tpu.vector_store %arg17[%swap3A_2949], %select_n3A_2940 {strides = array<i32>} : memref<6144xi32, #tpu.memory_space<vmem>>, vector<16xi32>,
      %swap3A_2951 = arith.index_cast %add3A_2884 : i32 to index
      %swap3A_2952 = tpu.vector_load %arg18[%swap3A_2951] {strides = array<i32>} : memref<6144xf32, #tpu.memory_space<vmem>>, vector<16xf32>,
      tpu.vector_store %arg18[%swap3A_2951], %div3A_2925 {strides = array<i32>} : memref<6144xf32, #tpu.memory_space<vmem>>, vector<16xf32>,
      %mul3A_2953 = arith.constant 96 : i32
      %mul3A_2954 = arith.muli %scan3A_2273, %mul3A_2953 : i32
      %add3A_2955 = arith.constant 16 : i32
      %add3A_2956 = arith.addi %mul3A_2954, %add3A_2955 : i32
      %add3A_2957 = arith.constant 1280 : i32
      %add3A_2958 = vector.broadcast %add3A_2957 : i32 to vector<16xi32>
      %add3A_2959 = arith.addi %while3A_2869#7, %add3A_2958 : vector<16xi32>
      %gather3A_2960 = tpu.vector_load_idx %arg10[%add3A_2959] : memref<3072xf32, #tpu.memory_space<vmem>>[vector<16xi32>], vector<16xf32>,
      %add3A_2961 = arith.constant 1536 : i32
      %add3A_2962 = vector.broadcast %add3A_2961 : i32 to vector<16xi32>
      %add3A_2963 = arith.addi %while3A_2869#7, %add3A_2962 : vector<16xi32>
      %gather3A_2964 = tpu.vector_load_idx %arg10[%add3A_2963] : memref<3072xf32, #tpu.memory_space<vmem>>[vector<16xi32>], vector<16xf32>,
      %add3A_2965 = arith.constant 2304 : i32
      %add3A_2966 = vector.broadcast %add3A_2965 : i32 to vector<16xi32>
      %add3A_2967 = arith.addi %while3A_2869#7, %add3A_2966 : vector<16xi32>
      %gather3A_2968 = tpu.vector_load_idx %arg10[%add3A_2967] : memref<3072xf32, #tpu.memory_space<vmem>>[vector<16xi32>], vector<16xf32>,
      %add3A_2969 = arith.constant 2560 : i32
      %add3A_2970 = vector.broadcast %add3A_2969 : i32 to vector<16xi32>
      %add3A_2971 = arith.addi %while3A_2869#7, %add3A_2970 : vector<16xi32>
      %gather3A_2972 = tpu.vector_load_idx %arg10[%add3A_2971] : memref<3072xf32, #tpu.memory_space<vmem>>[vector<16xi32>], vector<16xf32>,
      %add3A_2973 = arith.constant 1024 : i32
      %add3A_2974 = vector.broadcast %add3A_2973 : i32 to vector<16xi32>
      %add3A_2975 = arith.addi %while3A_2869#7, %add3A_2974 : vector<16xi32>
      %gather3A_2976 = tpu.vector_load_idx %arg10[%add3A_2975] : memref<3072xf32, #tpu.memory_space<vmem>>[vector<16xi32>], vector<16xf32>,
      %gather3A_2977 = tpu.vector_load_idx %arg11[%while3A_2869#7] : memref<256xi32, #tpu.memory_space<vmem>>[vector<16xi32>], vector<16xi32>,
      %sub3A_2978 = arith.subf %gather3A_2960, %get3A_2698 : vector<16xf32>
      %div3A_2979 = arith.divf %sub3A_2978, %get3A_2710 : vector<16xf32>
      %sub3A_2980 = arith.subf %gather3A_2964, %get3A_2704 : vector<16xf32>
      %div3A_2981 = arith.divf %sub3A_2980, %get3A_2716 : vector<16xf32>
      %add3A_2982 = arith.constant 384 : i32
      %add3A_2983 = arith.addi %add3A_2661, %add3A_2982 : i32
      %add3A_2984 = arith.constant 16 : i32
      %add3A_2985 = arith.addi %add3A_2983, %add3A_2984 : i32
      %get3A_2986 = arith.index_cast %add3A_2985 : i32 to index
      %get3A_2987 = tpu.vector_load %arg8[%get3A_2986] {strides = array<i32>} : memref<37376xf32, #tpu.memory_space<vmem>>, vector<16xf32>,
      %sub3A_2988 = arith.subf %gather3A_2968, %get3A_2987 : vector<16xf32>
      %add3A_2989 = arith.constant 480 : i32
      %add3A_2990 = arith.addi %add3A_2661, %add3A_2989 : i32
      %add3A_2991 = arith.constant 16 : i32
      %add3A_2992 = arith.addi %add3A_2990, %add3A_2991 : i32
      %get3A_2993 = arith.index_cast %add3A_2992 : i32 to index
      %get3A_2994 = tpu.vector_load %arg8[%get3A_2993] {strides = array<i32>} : memref<37376xf32, #tpu.memory_space<vmem>>, vector<16xf32>,
      %sub3A_2995 = arith.subf %gather3A_2972, %get3A_2994 : vector<16xf32>
      %add3A_2996 = arith.addf %mul3A_2727, %gather3A_2976 : vector<16xf32>
      %sub3A_2997 = arith.subf %add3A_2996, %while3A_2869#1 : vector<16xf32>
      %div3A_2998 = arith.divf %while3A_2869#1, %sub3A_2997 : vector<16xf32>
      %gt3A_2999 = arith.constant 5.000000e-01 : f32
      %gt3A_3000 = vector.broadcast %gt3A_2999 : f32 to vector<16xf32>
      %gt3A_3001 = arith.cmpf ogt, %div3A_2998, %gt3A_3000 : vector<16xf32>
      %add3A_3002 = arith.constant 1 : i32
      %add3A_3003 = vector.broadcast %add3A_3002 : i32 to vector<16xi32>
      %add3A_3004 = arith.addi %gather3A_2977, %add3A_3003 : vector<16xi32>
      %gt3A_3005 = arith.constant 4.000000e-01 : f32
      %gt3A_3006 = vector.broadcast %gt3A_3005 : f32 to vector<16xf32>
      %gt3A_3007 = arith.cmpf ogt, %div3A_2998, %gt3A_3006 : vector<16xf32>
      %jit3A_3008 = arith.constant -1 : i32
      %jit3A_3009 = arith.constant 0 : i32
      %broadcast_in_dim3A_3010 = vector.broadcast %jit3A_3008 : i32 to vector<16xi32>
      %broadcast_in_dim3A_3011 = vector.broadcast %jit3A_3009 : i32 to vector<16xi32>
      %select_n3A_3012 = arith.select %gt3A_3007, %broadcast_in_dim3A_3010, %broadcast_in_dim3A_3011 : vector<16xi1>, vector<16xi32>
      %select_n3A_3013 = arith.select %gt3A_3001, %add3A_3004, %select_n3A_3012 : vector<16xi1>, vector<16xi32>
      %swap3A_3014 = arith.index_cast %add3A_2956 : i32 to index
      %swap3A_3015 = tpu.vector_load %arg13[%swap3A_3014] {strides = array<i32>} : memref<6144xf32, #tpu.memory_space<vmem>>, vector<16xf32>,
      tpu.vector_store %arg13[%swap3A_3014], %div3A_2979 {strides = array<i32>} : memref<6144xf32, #tpu.memory_space<vmem>>, vector<16xf32>,
      %swap3A_3016 = arith.index_cast %add3A_2956 : i32 to index
      %swap3A_3017 = tpu.vector_load %arg14[%swap3A_3016] {strides = array<i32>} : memref<6144xf32, #tpu.memory_space<vmem>>, vector<16xf32>,
      tpu.vector_store %arg14[%swap3A_3016], %div3A_2981 {strides = array<i32>} : memref<6144xf32, #tpu.memory_space<vmem>>, vector<16xf32>,
      %swap3A_3018 = arith.index_cast %add3A_2956 : i32 to index
      %swap3A_3019 = tpu.vector_load %arg15[%swap3A_3018] {strides = array<i32>} : memref<6144xf32, #tpu.memory_space<vmem>>, vector<16xf32>,
      tpu.vector_store %arg15[%swap3A_3018], %sub3A_2988 {strides = array<i32>} : memref<6144xf32, #tpu.memory_space<vmem>>, vector<16xf32>,
      %swap3A_3020 = arith.index_cast %add3A_2956 : i32 to index
      %swap3A_3021 = tpu.vector_load %arg16[%swap3A_3020] {strides = array<i32>} : memref<6144xf32, #tpu.memory_space<vmem>>, vector<16xf32>,
      tpu.vector_store %arg16[%swap3A_3020], %sub3A_2995 {strides = array<i32>} : memref<6144xf32, #tpu.memory_space<vmem>>, vector<16xf32>,
      %swap3A_3022 = arith.index_cast %add3A_2956 : i32 to index
      %swap3A_3023 = tpu.vector_load %arg17[%swap3A_3022] {strides = array<i32>} : memref<6144xi32, #tpu.memory_space<vmem>>, vector<16xi32>,
      tpu.vector_store %arg17[%swap3A_3022], %select_n3A_3013 {strides = array<i32>} : memref<6144xi32, #tpu.memory_space<vmem>>, vector<16xi32>,
      %swap3A_3024 = arith.index_cast %add3A_2956 : i32 to index
      %swap3A_3025 = tpu.vector_load %arg18[%swap3A_3024] {strides = array<i32>} : memref<6144xf32, #tpu.memory_space<vmem>>, vector<16xf32>,
      tpu.vector_store %arg18[%swap3A_3024], %div3A_2998 {strides = array<i32>} : memref<6144xf32, #tpu.memory_space<vmem>>, vector<16xf32>,
      %mul3A_3026 = arith.constant 96 : i32
      %mul3A_3027 = arith.muli %scan3A_2273, %mul3A_3026 : i32
      %add3A_3028 = arith.constant 32 : i32
      %add3A_3029 = arith.addi %mul3A_3027, %add3A_3028 : i32
      %add3A_3030 = arith.constant 1280 : i32
      %add3A_3031 = vector.broadcast %add3A_3030 : i32 to vector<16xi32>
      %add3A_3032 = arith.addi %while3A_2869#8, %add3A_3031 : vector<16xi32>
      %gather3A_3033 = tpu.vector_load_idx %arg10[%add3A_3032] : memref<3072xf32, #tpu.memory_space<vmem>>[vector<16xi32>], vector<16xf32>,
      %add3A_3034 = arith.constant 1536 : i32
      %add3A_3035 = vector.broadcast %add3A_3034 : i32 to vector<16xi32>
      %add3A_3036 = arith.addi %while3A_2869#8, %add3A_3035 : vector<16xi32>
      %gather3A_3037 = tpu.vector_load_idx %arg10[%add3A_3036] : memref<3072xf32, #tpu.memory_space<vmem>>[vector<16xi32>], vector<16xf32>,
      %add3A_3038 = arith.constant 2304 : i32
      %add3A_3039 = vector.broadcast %add3A_3038 : i32 to vector<16xi32>
      %add3A_3040 = arith.addi %while3A_2869#8, %add3A_3039 : vector<16xi32>
      %gather3A_3041 = tpu.vector_load_idx %arg10[%add3A_3040] : memref<3072xf32, #tpu.memory_space<vmem>>[vector<16xi32>], vector<16xf32>,
      %add3A_3042 = arith.constant 2560 : i32
      %add3A_3043 = vector.broadcast %add3A_3042 : i32 to vector<16xi32>
      %add3A_3044 = arith.addi %while3A_2869#8, %add3A_3043 : vector<16xi32>
      %gather3A_3045 = tpu.vector_load_idx %arg10[%add3A_3044] : memref<3072xf32, #tpu.memory_space<vmem>>[vector<16xi32>], vector<16xf32>,
      %add3A_3046 = arith.constant 1024 : i32
      %add3A_3047 = vector.broadcast %add3A_3046 : i32 to vector<16xi32>
      %add3A_3048 = arith.addi %while3A_2869#8, %add3A_3047 : vector<16xi32>
      %gather3A_3049 = tpu.vector_load_idx %arg10[%add3A_3048] : memref<3072xf32, #tpu.memory_space<vmem>>[vector<16xi32>], vector<16xf32>,
      %gather3A_3050 = tpu.vector_load_idx %arg11[%while3A_2869#8] : memref<256xi32, #tpu.memory_space<vmem>>[vector<16xi32>], vector<16xi32>,
      %sub3A_3051 = arith.subf %gather3A_3033, %get3A_2731 : vector<16xf32>
      %div3A_3052 = arith.divf %sub3A_3051, %get3A_2743 : vector<16xf32>
      %sub3A_3053 = arith.subf %gather3A_3037, %get3A_2737 : vector<16xf32>
      %div3A_3054 = arith.divf %sub3A_3053, %get3A_2749 : vector<16xf32>
      %add3A_3055 = arith.constant 384 : i32
      %add3A_3056 = arith.addi %add3A_2661, %add3A_3055 : i32
      %add3A_3057 = arith.constant 32 : i32
      %add3A_3058 = arith.addi %add3A_3056, %add3A_3057 : i32
      %get3A_3059 = arith.index_cast %add3A_3058 : i32 to index
      %get3A_3060 = tpu.vector_load %arg8[%get3A_3059] {strides = array<i32>} : memref<37376xf32, #tpu.memory_space<vmem>>, vector<16xf32>,
      %sub3A_3061 = arith.subf %gather3A_3041, %get3A_3060 : vector<16xf32>
      %add3A_3062 = arith.constant 480 : i32
      %add3A_3063 = arith.addi %add3A_2661, %add3A_3062 : i32
      %add3A_3064 = arith.constant 32 : i32
      %add3A_3065 = arith.addi %add3A_3063, %add3A_3064 : i32
      %get3A_3066 = arith.index_cast %add3A_3065 : i32 to index
      %get3A_3067 = tpu.vector_load %arg8[%get3A_3066] {strides = array<i32>} : memref<37376xf32, #tpu.memory_space<vmem>>, vector<16xf32>,
      %sub3A_3068 = arith.subf %gather3A_3045, %get3A_3067 : vector<16xf32>
      %add3A_3069 = arith.addf %mul3A_2760, %gather3A_3049 : vector<16xf32>
      %sub3A_3070 = arith.subf %add3A_3069, %while3A_2869#2 : vector<16xf32>
      %div3A_3071 = arith.divf %while3A_2869#2, %sub3A_3070 : vector<16xf32>
      %gt3A_3072 = arith.constant 5.000000e-01 : f32
      %gt3A_3073 = vector.broadcast %gt3A_3072 : f32 to vector<16xf32>
      %gt3A_3074 = arith.cmpf ogt, %div3A_3071, %gt3A_3073 : vector<16xf32>
      %add3A_3075 = arith.constant 1 : i32
      %add3A_3076 = vector.broadcast %add3A_3075 : i32 to vector<16xi32>
      %add3A_3077 = arith.addi %gather3A_3050, %add3A_3076 : vector<16xi32>
      %gt3A_3078 = arith.constant 4.000000e-01 : f32
      %gt3A_3079 = vector.broadcast %gt3A_3078 : f32 to vector<16xf32>
      %gt3A_3080 = arith.cmpf ogt, %div3A_3071, %gt3A_3079 : vector<16xf32>
      %jit3A_3081 = arith.constant -1 : i32
      %jit3A_3082 = arith.constant 0 : i32
      %broadcast_in_dim3A_3083 = vector.broadcast %jit3A_3081 : i32 to vector<16xi32>
      %broadcast_in_dim3A_3084 = vector.broadcast %jit3A_3082 : i32 to vector<16xi32>
      %select_n3A_3085 = arith.select %gt3A_3080, %broadcast_in_dim3A_3083, %broadcast_in_dim3A_3084 : vector<16xi1>, vector<16xi32>
      %select_n3A_3086 = arith.select %gt3A_3074, %add3A_3077, %select_n3A_3085 : vector<16xi1>, vector<16xi32>
      %swap3A_3087 = arith.index_cast %add3A_3029 : i32 to index
      %swap3A_3088 = tpu.vector_load %arg13[%swap3A_3087] {strides = array<i32>} : memref<6144xf32, #tpu.memory_space<vmem>>, vector<16xf32>,
      tpu.vector_store %arg13[%swap3A_3087], %div3A_3052 {strides = array<i32>} : memref<6144xf32, #tpu.memory_space<vmem>>, vector<16xf32>,
      %swap3A_3089 = arith.index_cast %add3A_3029 : i32 to index
      %swap3A_3090 = tpu.vector_load %arg14[%swap3A_3089] {strides = array<i32>} : memref<6144xf32, #tpu.memory_space<vmem>>, vector<16xf32>,
      tpu.vector_store %arg14[%swap3A_3089], %div3A_3054 {strides = array<i32>} : memref<6144xf32, #tpu.memory_space<vmem>>, vector<16xf32>,
      %swap3A_3091 = arith.index_cast %add3A_3029 : i32 to index
      %swap3A_3092 = tpu.vector_load %arg15[%swap3A_3091] {strides = array<i32>} : memref<6144xf32, #tpu.memory_space<vmem>>, vector<16xf32>,
      tpu.vector_store %arg15[%swap3A_3091], %sub3A_3061 {strides = array<i32>} : memref<6144xf32, #tpu.memory_space<vmem>>, vector<16xf32>,
      %swap3A_3093 = arith.index_cast %add3A_3029 : i32 to index
      %swap3A_3094 = tpu.vector_load %arg16[%swap3A_3093] {strides = array<i32>} : memref<6144xf32, #tpu.memory_space<vmem>>, vector<16xf32>,
      tpu.vector_store %arg16[%swap3A_3093], %sub3A_3068 {strides = array<i32>} : memref<6144xf32, #tpu.memory_space<vmem>>, vector<16xf32>,
      %swap3A_3095 = arith.index_cast %add3A_3029 : i32 to index
      %swap3A_3096 = tpu.vector_load %arg17[%swap3A_3095] {strides = array<i32>} : memref<6144xi32, #tpu.memory_space<vmem>>, vector<16xi32>,
      tpu.vector_store %arg17[%swap3A_3095], %select_n3A_3086 {strides = array<i32>} : memref<6144xi32, #tpu.memory_space<vmem>>, vector<16xi32>,
      %swap3A_3097 = arith.index_cast %add3A_3029 : i32 to index
      %swap3A_3098 = tpu.vector_load %arg18[%swap3A_3097] {strides = array<i32>} : memref<6144xf32, #tpu.memory_space<vmem>>, vector<16xf32>,
      tpu.vector_store %arg18[%swap3A_3097], %div3A_3071 {strides = array<i32>} : memref<6144xf32, #tpu.memory_space<vmem>>, vector<16xf32>,
      %mul3A_3099 = arith.constant 96 : i32
      %mul3A_3100 = arith.muli %scan3A_2273, %mul3A_3099 : i32
      %add3A_3101 = arith.constant 48 : i32
      %add3A_3102 = arith.addi %mul3A_3100, %add3A_3101 : i32
      %add3A_3103 = arith.constant 1280 : i32
      %add3A_3104 = vector.broadcast %add3A_3103 : i32 to vector<16xi32>
      %add3A_3105 = arith.addi %while3A_2880#6, %add3A_3104 : vector<16xi32>
      %gather3A_3106 = tpu.vector_load_idx %arg10[%add3A_3105] : memref<3072xf32, #tpu.memory_space<vmem>>[vector<16xi32>], vector<16xf32>,
      %add3A_3107 = arith.constant 1536 : i32
      %add3A_3108 = vector.broadcast %add3A_3107 : i32 to vector<16xi32>
      %add3A_3109 = arith.addi %while3A_2880#6, %add3A_3108 : vector<16xi32>
      %gather3A_3110 = tpu.vector_load_idx %arg10[%add3A_3109] : memref<3072xf32, #tpu.memory_space<vmem>>[vector<16xi32>], vector<16xf32>,
      %add3A_3111 = arith.constant 2304 : i32
      %add3A_3112 = vector.broadcast %add3A_3111 : i32 to vector<16xi32>
      %add3A_3113 = arith.addi %while3A_2880#6, %add3A_3112 : vector<16xi32>
      %gather3A_3114 = tpu.vector_load_idx %arg10[%add3A_3113] : memref<3072xf32, #tpu.memory_space<vmem>>[vector<16xi32>], vector<16xf32>,
      %add3A_3115 = arith.constant 2560 : i32
      %add3A_3116 = vector.broadcast %add3A_3115 : i32 to vector<16xi32>
      %add3A_3117 = arith.addi %while3A_2880#6, %add3A_3116 : vector<16xi32>
      %gather3A_3118 = tpu.vector_load_idx %arg10[%add3A_3117] : memref<3072xf32, #tpu.memory_space<vmem>>[vector<16xi32>], vector<16xf32>,
      %add3A_3119 = arith.constant 1024 : i32
      %add3A_3120 = vector.broadcast %add3A_3119 : i32 to vector<16xi32>
      %add3A_3121 = arith.addi %while3A_2880#6, %add3A_3120 : vector<16xi32>
      %gather3A_3122 = tpu.vector_load_idx %arg10[%add3A_3121] : memref<3072xf32, #tpu.memory_space<vmem>>[vector<16xi32>], vector<16xf32>,
      %gather3A_3123 = tpu.vector_load_idx %arg11[%while3A_2880#6] : memref<256xi32, #tpu.memory_space<vmem>>[vector<16xi32>], vector<16xi32>,
      %sub3A_3124 = arith.subf %gather3A_3106, %get3A_2764 : vector<16xf32>
      %div3A_3125 = arith.divf %sub3A_3124, %get3A_2776 : vector<16xf32>
      %sub3A_3126 = arith.subf %gather3A_3110, %get3A_2770 : vector<16xf32>
      %div3A_3127 = arith.divf %sub3A_3126, %get3A_2782 : vector<16xf32>
      %add3A_3128 = arith.constant 384 : i32
      %add3A_3129 = arith.addi %add3A_2661, %add3A_3128 : i32
      %add3A_3130 = arith.constant 48 : i32
      %add3A_3131 = arith.addi %add3A_3129, %add3A_3130 : i32
      %get3A_3132 = arith.index_cast %add3A_3131 : i32 to index
      %get3A_3133 = tpu.vector_load %arg8[%get3A_3132] {strides = array<i32>} : memref<37376xf32, #tpu.memory_space<vmem>>, vector<16xf32>,
      %sub3A_3134 = arith.subf %gather3A_3114, %get3A_3133 : vector<16xf32>
      %add3A_3135 = arith.constant 480 : i32
      %add3A_3136 = arith.addi %add3A_2661, %add3A_3135 : i32
      %add3A_3137 = arith.constant 48 : i32
      %add3A_3138 = arith.addi %add3A_3136, %add3A_3137 : i32
      %get3A_3139 = arith.index_cast %add3A_3138 : i32 to index
      %get3A_3140 = tpu.vector_load %arg8[%get3A_3139] {strides = array<i32>} : memref<37376xf32, #tpu.memory_space<vmem>>, vector<16xf32>,
      %sub3A_3141 = arith.subf %gather3A_3118, %get3A_3140 : vector<16xf32>
      %add3A_3142 = arith.addf %mul3A_2793, %gather3A_3122 : vector<16xf32>
      %sub3A_3143 = arith.subf %add3A_3142, %while3A_2880#0 : vector<16xf32>
      %div3A_3144 = arith.divf %while3A_2880#0, %sub3A_3143 : vector<16xf32>
      %gt3A_3145 = arith.constant 5.000000e-01 : f32
      %gt3A_3146 = vector.broadcast %gt3A_3145 : f32 to vector<16xf32>
      %gt3A_3147 = arith.cmpf ogt, %div3A_3144, %gt3A_3146 : vector<16xf32>
      %add3A_3148 = arith.constant 1 : i32
      %add3A_3149 = vector.broadcast %add3A_3148 : i32 to vector<16xi32>
      %add3A_3150 = arith.addi %gather3A_3123, %add3A_3149 : vector<16xi32>
      %gt3A_3151 = arith.constant 4.000000e-01 : f32
      %gt3A_3152 = vector.broadcast %gt3A_3151 : f32 to vector<16xf32>
      %gt3A_3153 = arith.cmpf ogt, %div3A_3144, %gt3A_3152 : vector<16xf32>
      %jit3A_3154 = arith.constant -1 : i32
      %jit3A_3155 = arith.constant 0 : i32
      %broadcast_in_dim3A_3156 = vector.broadcast %jit3A_3154 : i32 to vector<16xi32>
      %broadcast_in_dim3A_3157 = vector.broadcast %jit3A_3155 : i32 to vector<16xi32>
      %select_n3A_3158 = arith.select %gt3A_3153, %broadcast_in_dim3A_3156, %broadcast_in_dim3A_3157 : vector<16xi1>, vector<16xi32>
      %select_n3A_3159 = arith.select %gt3A_3147, %add3A_3150, %select_n3A_3158 : vector<16xi1>, vector<16xi32>
      %swap3A_3160 = arith.index_cast %add3A_3102 : i32 to index
      %swap3A_3161 = tpu.vector_load %arg13[%swap3A_3160] {strides = array<i32>} : memref<6144xf32, #tpu.memory_space<vmem>>, vector<16xf32>,
      tpu.vector_store %arg13[%swap3A_3160], %div3A_3125 {strides = array<i32>} : memref<6144xf32, #tpu.memory_space<vmem>>, vector<16xf32>,
      %swap3A_3162 = arith.index_cast %add3A_3102 : i32 to index
      %swap3A_3163 = tpu.vector_load %arg14[%swap3A_3162] {strides = array<i32>} : memref<6144xf32, #tpu.memory_space<vmem>>, vector<16xf32>,
      tpu.vector_store %arg14[%swap3A_3162], %div3A_3127 {strides = array<i32>} : memref<6144xf32, #tpu.memory_space<vmem>>, vector<16xf32>,
      %swap3A_3164 = arith.index_cast %add3A_3102 : i32 to index
      %swap3A_3165 = tpu.vector_load %arg15[%swap3A_3164] {strides = array<i32>} : memref<6144xf32, #tpu.memory_space<vmem>>, vector<16xf32>,
      tpu.vector_store %arg15[%swap3A_3164], %sub3A_3134 {strides = array<i32>} : memref<6144xf32, #tpu.memory_space<vmem>>, vector<16xf32>,
      %swap3A_3166 = arith.index_cast %add3A_3102 : i32 to index
      %swap3A_3167 = tpu.vector_load %arg16[%swap3A_3166] {strides = array<i32>} : memref<6144xf32, #tpu.memory_space<vmem>>, vector<16xf32>,
      tpu.vector_store %arg16[%swap3A_3166], %sub3A_3141 {strides = array<i32>} : memref<6144xf32, #tpu.memory_space<vmem>>, vector<16xf32>,
      %swap3A_3168 = arith.index_cast %add3A_3102 : i32 to index
      %swap3A_3169 = tpu.vector_load %arg17[%swap3A_3168] {strides = array<i32>} : memref<6144xi32, #tpu.memory_space<vmem>>, vector<16xi32>,
      tpu.vector_store %arg17[%swap3A_3168], %select_n3A_3159 {strides = array<i32>} : memref<6144xi32, #tpu.memory_space<vmem>>, vector<16xi32>,
      %swap3A_3170 = arith.index_cast %add3A_3102 : i32 to index
      %swap3A_3171 = tpu.vector_load %arg18[%swap3A_3170] {strides = array<i32>} : memref<6144xf32, #tpu.memory_space<vmem>>, vector<16xf32>,
      tpu.vector_store %arg18[%swap3A_3170], %div3A_3144 {strides = array<i32>} : memref<6144xf32, #tpu.memory_space<vmem>>, vector<16xf32>,
      %mul3A_3172 = arith.constant 96 : i32
      %mul3A_3173 = arith.muli %scan3A_2273, %mul3A_3172 : i32
      %add3A_3174 = arith.constant 64 : i32
      %add3A_3175 = arith.addi %mul3A_3173, %add3A_3174 : i32
      %add3A_3176 = arith.constant 1280 : i32
      %add3A_3177 = vector.broadcast %add3A_3176 : i32 to vector<16xi32>
      %add3A_3178 = arith.addi %while3A_2880#7, %add3A_3177 : vector<16xi32>
      %gather3A_3179 = tpu.vector_load_idx %arg10[%add3A_3178] : memref<3072xf32, #tpu.memory_space<vmem>>[vector<16xi32>], vector<16xf32>,
      %add3A_3180 = arith.constant 1536 : i32
      %add3A_3181 = vector.broadcast %add3A_3180 : i32 to vector<16xi32>
      %add3A_3182 = arith.addi %while3A_2880#7, %add3A_3181 : vector<16xi32>
      %gather3A_3183 = tpu.vector_load_idx %arg10[%add3A_3182] : memref<3072xf32, #tpu.memory_space<vmem>>[vector<16xi32>], vector<16xf32>,
      %add3A_3184 = arith.constant 2304 : i32
      %add3A_3185 = vector.broadcast %add3A_3184 : i32 to vector<16xi32>
      %add3A_3186 = arith.addi %while3A_2880#7, %add3A_3185 : vector<16xi32>
      %gather3A_3187 = tpu.vector_load_idx %arg10[%add3A_3186] : memref<3072xf32, #tpu.memory_space<vmem>>[vector<16xi32>], vector<16xf32>,
      %add3A_3188 = arith.constant 2560 : i32
      %add3A_3189 = vector.broadcast %add3A_3188 : i32 to vector<16xi32>
      %add3A_3190 = arith.addi %while3A_2880#7, %add3A_3189 : vector<16xi32>
      %gather3A_3191 = tpu.vector_load_idx %arg10[%add3A_3190] : memref<3072xf32, #tpu.memory_space<vmem>>[vector<16xi32>], vector<16xf32>,
      %add3A_3192 = arith.constant 1024 : i32
      %add3A_3193 = vector.broadcast %add3A_3192 : i32 to vector<16xi32>
      %add3A_3194 = arith.addi %while3A_2880#7, %add3A_3193 : vector<16xi32>
      %gather3A_3195 = tpu.vector_load_idx %arg10[%add3A_3194] : memref<3072xf32, #tpu.memory_space<vmem>>[vector<16xi32>], vector<16xf32>,
      %gather3A_3196 = tpu.vector_load_idx %arg11[%while3A_2880#7] : memref<256xi32, #tpu.memory_space<vmem>>[vector<16xi32>], vector<16xi32>,
      %sub3A_3197 = arith.subf %gather3A_3179, %get3A_2797 : vector<16xf32>
      %div3A_3198 = arith.divf %sub3A_3197, %get3A_2809 : vector<16xf32>
      %sub3A_3199 = arith.subf %gather3A_3183, %get3A_2803 : vector<16xf32>
      %div3A_3200 = arith.divf %sub3A_3199, %get3A_2815 : vector<16xf32>
      %add3A_3201 = arith.constant 384 : i32
      %add3A_3202 = arith.addi %add3A_2661, %add3A_3201 : i32
      %add3A_3203 = arith.constant 64 : i32
      %add3A_3204 = arith.addi %add3A_3202, %add3A_3203 : i32
      %get3A_3205 = arith.index_cast %add3A_3204 : i32 to index
      %get3A_3206 = tpu.vector_load %arg8[%get3A_3205] {strides = array<i32>} : memref<37376xf32, #tpu.memory_space<vmem>>, vector<16xf32>,
      %sub3A_3207 = arith.subf %gather3A_3187, %get3A_3206 : vector<16xf32>
      %add3A_3208 = arith.constant 480 : i32
      %add3A_3209 = arith.addi %add3A_2661, %add3A_3208 : i32
      %add3A_3210 = arith.constant 64 : i32
      %add3A_3211 = arith.addi %add3A_3209, %add3A_3210 : i32
      %get3A_3212 = arith.index_cast %add3A_3211 : i32 to index
      %get3A_3213 = tpu.vector_load %arg8[%get3A_3212] {strides = array<i32>} : memref<37376xf32, #tpu.memory_space<vmem>>, vector<16xf32>,
      %sub3A_3214 = arith.subf %gather3A_3191, %get3A_3213 : vector<16xf32>
      %add3A_3215 = arith.addf %mul3A_2826, %gather3A_3195 : vector<16xf32>
      %sub3A_3216 = arith.subf %add3A_3215, %while3A_2880#1 : vector<16xf32>
      %div3A_3217 = arith.divf %while3A_2880#1, %sub3A_3216 : vector<16xf32>
      %gt3A_3218 = arith.constant 5.000000e-01 : f32
      %gt3A_3219 = vector.broadcast %gt3A_3218 : f32 to vector<16xf32>
      %gt3A_3220 = arith.cmpf ogt, %div3A_3217, %gt3A_3219 : vector<16xf32>
      %add3A_3221 = arith.constant 1 : i32
      %add3A_3222 = vector.broadcast %add3A_3221 : i32 to vector<16xi32>
      %add3A_3223 = arith.addi %gather3A_3196, %add3A_3222 : vector<16xi32>
      %gt3A_3224 = arith.constant 4.000000e-01 : f32
      %gt3A_3225 = vector.broadcast %gt3A_3224 : f32 to vector<16xf32>
      %gt3A_3226 = arith.cmpf ogt, %div3A_3217, %gt3A_3225 : vector<16xf32>
      %jit3A_3227 = arith.constant -1 : i32
      %jit3A_3228 = arith.constant 0 : i32
      %broadcast_in_dim3A_3229 = vector.broadcast %jit3A_3227 : i32 to vector<16xi32>
      %broadcast_in_dim3A_3230 = vector.broadcast %jit3A_3228 : i32 to vector<16xi32>
      %select_n3A_3231 = arith.select %gt3A_3226, %broadcast_in_dim3A_3229, %broadcast_in_dim3A_3230 : vector<16xi1>, vector<16xi32>
      %select_n3A_3232 = arith.select %gt3A_3220, %add3A_3223, %select_n3A_3231 : vector<16xi1>, vector<16xi32>
      %swap3A_3233 = arith.index_cast %add3A_3175 : i32 to index
      %swap3A_3234 = tpu.vector_load %arg13[%swap3A_3233] {strides = array<i32>} : memref<6144xf32, #tpu.memory_space<vmem>>, vector<16xf32>,
      tpu.vector_store %arg13[%swap3A_3233], %div3A_3198 {strides = array<i32>} : memref<6144xf32, #tpu.memory_space<vmem>>, vector<16xf32>,
      %swap3A_3235 = arith.index_cast %add3A_3175 : i32 to index
      %swap3A_3236 = tpu.vector_load %arg14[%swap3A_3235] {strides = array<i32>} : memref<6144xf32, #tpu.memory_space<vmem>>, vector<16xf32>,
      tpu.vector_store %arg14[%swap3A_3235], %div3A_3200 {strides = array<i32>} : memref<6144xf32, #tpu.memory_space<vmem>>, vector<16xf32>,
      %swap3A_3237 = arith.index_cast %add3A_3175 : i32 to index
      %swap3A_3238 = tpu.vector_load %arg15[%swap3A_3237] {strides = array<i32>} : memref<6144xf32, #tpu.memory_space<vmem>>, vector<16xf32>,
      tpu.vector_store %arg15[%swap3A_3237], %sub3A_3207 {strides = array<i32>} : memref<6144xf32, #tpu.memory_space<vmem>>, vector<16xf32>,
      %swap3A_3239 = arith.index_cast %add3A_3175 : i32 to index
      %swap3A_3240 = tpu.vector_load %arg16[%swap3A_3239] {strides = array<i32>} : memref<6144xf32, #tpu.memory_space<vmem>>, vector<16xf32>,
      tpu.vector_store %arg16[%swap3A_3239], %sub3A_3214 {strides = array<i32>} : memref<6144xf32, #tpu.memory_space<vmem>>, vector<16xf32>,
      %swap3A_3241 = arith.index_cast %add3A_3175 : i32 to index
      %swap3A_3242 = tpu.vector_load %arg17[%swap3A_3241] {strides = array<i32>} : memref<6144xi32, #tpu.memory_space<vmem>>, vector<16xi32>,
      tpu.vector_store %arg17[%swap3A_3241], %select_n3A_3232 {strides = array<i32>} : memref<6144xi32, #tpu.memory_space<vmem>>, vector<16xi32>,
      %swap3A_3243 = arith.index_cast %add3A_3175 : i32 to index
      %swap3A_3244 = tpu.vector_load %arg18[%swap3A_3243] {strides = array<i32>} : memref<6144xf32, #tpu.memory_space<vmem>>, vector<16xf32>,
      tpu.vector_store %arg18[%swap3A_3243], %div3A_3217 {strides = array<i32>} : memref<6144xf32, #tpu.memory_space<vmem>>, vector<16xf32>,
      %mul3A_3245 = arith.constant 96 : i32
      %mul3A_3246 = arith.muli %scan3A_2273, %mul3A_3245 : i32
      %add3A_3247 = arith.constant 80 : i32
      %add3A_3248 = arith.addi %mul3A_3246, %add3A_3247 : i32
      %add3A_3249 = arith.constant 1280 : i32
      %add3A_3250 = vector.broadcast %add3A_3249 : i32 to vector<16xi32>
      %add3A_3251 = arith.addi %while3A_2880#8, %add3A_3250 : vector<16xi32>
      %gather3A_3252 = tpu.vector_load_idx %arg10[%add3A_3251] : memref<3072xf32, #tpu.memory_space<vmem>>[vector<16xi32>], vector<16xf32>,
      %add3A_3253 = arith.constant 1536 : i32
      %add3A_3254 = vector.broadcast %add3A_3253 : i32 to vector<16xi32>
      %add3A_3255 = arith.addi %while3A_2880#8, %add3A_3254 : vector<16xi32>
      %gather3A_3256 = tpu.vector_load_idx %arg10[%add3A_3255] : memref<3072xf32, #tpu.memory_space<vmem>>[vector<16xi32>], vector<16xf32>,
      %add3A_3257 = arith.constant 2304 : i32
      %add3A_3258 = vector.broadcast %add3A_3257 : i32 to vector<16xi32>
      %add3A_3259 = arith.addi %while3A_2880#8, %add3A_3258 : vector<16xi32>
      %gather3A_3260 = tpu.vector_load_idx %arg10[%add3A_3259] : memref<3072xf32, #tpu.memory_space<vmem>>[vector<16xi32>], vector<16xf32>,
      %add3A_3261 = arith.constant 2560 : i32
      %add3A_3262 = vector.broadcast %add3A_3261 : i32 to vector<16xi32>
      %add3A_3263 = arith.addi %while3A_2880#8, %add3A_3262 : vector<16xi32>
      %gather3A_3264 = tpu.vector_load_idx %arg10[%add3A_3263] : memref<3072xf32, #tpu.memory_space<vmem>>[vector<16xi32>], vector<16xf32>,
      %add3A_3265 = arith.constant 1024 : i32
      %add3A_3266 = vector.broadcast %add3A_3265 : i32 to vector<16xi32>
      %add3A_3267 = arith.addi %while3A_2880#8, %add3A_3266 : vector<16xi32>
      %gather3A_3268 = tpu.vector_load_idx %arg10[%add3A_3267] : memref<3072xf32, #tpu.memory_space<vmem>>[vector<16xi32>], vector<16xf32>,
      %gather3A_3269 = tpu.vector_load_idx %arg11[%while3A_2880#8] : memref<256xi32, #tpu.memory_space<vmem>>[vector<16xi32>], vector<16xi32>,
      %sub3A_3270 = arith.subf %gather3A_3252, %get3A_2830 : vector<16xf32>
      %div3A_3271 = arith.divf %sub3A_3270, %get3A_2842 : vector<16xf32>
      %sub3A_3272 = arith.subf %gather3A_3256, %get3A_2836 : vector<16xf32>
      %div3A_3273 = arith.divf %sub3A_3272, %get3A_2848 : vector<16xf32>
      %add3A_3274 = arith.constant 384 : i32
      %add3A_3275 = arith.addi %add3A_2661, %add3A_3274 : i32
      %add3A_3276 = arith.constant 80 : i32
      %add3A_3277 = arith.addi %add3A_3275, %add3A_3276 : i32
      %get3A_3278 = arith.index_cast %add3A_3277 : i32 to index
      %get3A_3279 = tpu.vector_load %arg8[%get3A_3278] {strides = array<i32>} : memref<37376xf32, #tpu.memory_space<vmem>>, vector<16xf32>,
      %sub3A_3280 = arith.subf %gather3A_3260, %get3A_3279 : vector<16xf32>
      %add3A_3281 = arith.constant 480 : i32
      %add3A_3282 = arith.addi %add3A_2661, %add3A_3281 : i32
      %add3A_3283 = arith.constant 80 : i32
      %add3A_3284 = arith.addi %add3A_3282, %add3A_3283 : i32
      %get3A_3285 = arith.index_cast %add3A_3284 : i32 to index
      %get3A_3286 = tpu.vector_load %arg8[%get3A_3285] {strides = array<i32>} : memref<37376xf32, #tpu.memory_space<vmem>>, vector<16xf32>,
      %sub3A_3287 = arith.subf %gather3A_3264, %get3A_3286 : vector<16xf32>
      %add3A_3288 = arith.addf %mul3A_2859, %gather3A_3268 : vector<16xf32>
      %sub3A_3289 = arith.subf %add3A_3288, %while3A_2880#2 : vector<16xf32>
      %div3A_3290 = arith.divf %while3A_2880#2, %sub3A_3289 : vector<16xf32>
      %gt3A_3291 = arith.constant 5.000000e-01 : f32
      %gt3A_3292 = vector.broadcast %gt3A_3291 : f32 to vector<16xf32>
      %gt3A_3293 = arith.cmpf ogt, %div3A_3290, %gt3A_3292 : vector<16xf32>
      %add3A_3294 = arith.constant 1 : i32
      %add3A_3295 = vector.broadcast %add3A_3294 : i32 to vector<16xi32>
      %add3A_3296 = arith.addi %gather3A_3269, %add3A_3295 : vector<16xi32>
      %gt3A_3297 = arith.constant 4.000000e-01 : f32
      %gt3A_3298 = vector.broadcast %gt3A_3297 : f32 to vector<16xf32>
      %gt3A_3299 = arith.cmpf ogt, %div3A_3290, %gt3A_3298 : vector<16xf32>
      %jit3A_3300 = arith.constant -1 : i32
      %jit3A_3301 = arith.constant 0 : i32
      %broadcast_in_dim3A_3302 = vector.broadcast %jit3A_3300 : i32 to vector<16xi32>
      %broadcast_in_dim3A_3303 = vector.broadcast %jit3A_3301 : i32 to vector<16xi32>
      %select_n3A_3304 = arith.select %gt3A_3299, %broadcast_in_dim3A_3302, %broadcast_in_dim3A_3303 : vector<16xi1>, vector<16xi32>
      %select_n3A_3305 = arith.select %gt3A_3293, %add3A_3296, %select_n3A_3304 : vector<16xi1>, vector<16xi32>
      %swap3A_3306 = arith.index_cast %add3A_3248 : i32 to index
      %swap3A_3307 = tpu.vector_load %arg13[%swap3A_3306] {strides = array<i32>} : memref<6144xf32, #tpu.memory_space<vmem>>, vector<16xf32>,
      tpu.vector_store %arg13[%swap3A_3306], %div3A_3271 {strides = array<i32>} : memref<6144xf32, #tpu.memory_space<vmem>>, vector<16xf32>,
      %swap3A_3308 = arith.index_cast %add3A_3248 : i32 to index
      %swap3A_3309 = tpu.vector_load %arg14[%swap3A_3308] {strides = array<i32>} : memref<6144xf32, #tpu.memory_space<vmem>>, vector<16xf32>,
      tpu.vector_store %arg14[%swap3A_3308], %div3A_3273 {strides = array<i32>} : memref<6144xf32, #tpu.memory_space<vmem>>, vector<16xf32>,
      %swap3A_3310 = arith.index_cast %add3A_3248 : i32 to index
      %swap3A_3311 = tpu.vector_load %arg15[%swap3A_3310] {strides = array<i32>} : memref<6144xf32, #tpu.memory_space<vmem>>, vector<16xf32>,
      tpu.vector_store %arg15[%swap3A_3310], %sub3A_3280 {strides = array<i32>} : memref<6144xf32, #tpu.memory_space<vmem>>, vector<16xf32>,
      %swap3A_3312 = arith.index_cast %add3A_3248 : i32 to index
      %swap3A_3313 = tpu.vector_load %arg16[%swap3A_3312] {strides = array<i32>} : memref<6144xf32, #tpu.memory_space<vmem>>, vector<16xf32>,
      tpu.vector_store %arg16[%swap3A_3312], %sub3A_3287 {strides = array<i32>} : memref<6144xf32, #tpu.memory_space<vmem>>, vector<16xf32>,
      %swap3A_3314 = arith.index_cast %add3A_3248 : i32 to index
      %swap3A_3315 = tpu.vector_load %arg17[%swap3A_3314] {strides = array<i32>} : memref<6144xi32, #tpu.memory_space<vmem>>, vector<16xi32>,
      tpu.vector_store %arg17[%swap3A_3314], %select_n3A_3305 {strides = array<i32>} : memref<6144xi32, #tpu.memory_space<vmem>>, vector<16xi32>,
      %swap3A_3316 = arith.index_cast %add3A_3248 : i32 to index
      %swap3A_3317 = tpu.vector_load %arg18[%swap3A_3316] {strides = array<i32>} : memref<6144xf32, #tpu.memory_space<vmem>>, vector<16xf32>,
      tpu.vector_store %arg18[%swap3A_3316], %div3A_3290 {strides = array<i32>} : memref<6144xf32, #tpu.memory_space<vmem>>, vector<16xf32>,
      %lt3A_3318 = arith.constant 2046 : i32
      %lt3A_3319 = arith.cmpi slt, %add3A_2278, %lt3A_3318 : i32
      %convert_element_type3A_3320 = arith.extui %lt3A_3319 : i1 to i32
      %cond3A_3321 = arith.constant 0 : i32
      %cond3A_3322 = arith.cmpi ne, %convert_element_type3A_3320, %cond3A_3321 : i32
      scf.if %cond3A_3322 {
        %mul3A_3328 = arith.constant 96 : i32
        %mul3A_3329 = arith.muli %scan3A_2273, %mul3A_3328 : i32
        %mul3A_3330 = arith.constant 96 : i32
        %mul3A_3331 = arith.muli %add3A_2278, %mul3A_3330 : i32
        %dma_start3A_3332 = tpu.memref_slice %arg13[%mul3A_3329] : memref<6144xf32, #tpu.memory_space<vmem>> -> memref<96xf32, #tpu.memory_space<vmem>>
        %dma_start3A_3333 = tpu.memref_slice %arg5[%mul3A_3331] : memref<785664xf32, #tpu.memory_space<hbm>> -> memref<96xf32, #tpu.memory_space<hbm>>
        %dma_start3A_3334 = tpu.memref_slice %arg5[%mul3A_3331] : memref<785664xf32, #tpu.memory_space<hbm>> -> memref<96xf32, #tpu.memory_space<hbm>>
        %dma_start3A_3335 = tpu.memref_slice %arg13[%mul3A_3329] : memref<6144xf32, #tpu.memory_space<vmem>> -> memref<96xf32, #tpu.memory_space<vmem>>
        tpu.enqueue_dma source(%dma_start3A_3335 : memref<96xf32, #tpu.memory_space<vmem>>) target(%dma_start3A_3334 : memref<96xf32, #tpu.memory_space<hbm>>) target_semaphore(%arg19 : memref<!tpu.dma_semaphore, #tpu.memory_space<semaphore_mem>>)
        %add3A_3336 = arith.constant 196416 : i32
        %add3A_3337 = arith.addi %add3A_3336, %mul3A_3331 : i32
        %dma_start3A_3338 = tpu.memref_slice %arg14[%mul3A_3329] : memref<6144xf32, #tpu.memory_space<vmem>> -> memref<96xf32, #tpu.memory_space<vmem>>
        %dma_start3A_3339 = tpu.memref_slice %arg5[%add3A_3337] : memref<785664xf32, #tpu.memory_space<hbm>> -> memref<96xf32, #tpu.memory_space<hbm>>
        %dma_start3A_3340 = tpu.memref_slice %arg5[%add3A_3337] : memref<785664xf32, #tpu.memory_space<hbm>> -> memref<96xf32, #tpu.memory_space<hbm>>
        %dma_start3A_3341 = tpu.memref_slice %arg14[%mul3A_3329] : memref<6144xf32, #tpu.memory_space<vmem>> -> memref<96xf32, #tpu.memory_space<vmem>>
        tpu.enqueue_dma source(%dma_start3A_3341 : memref<96xf32, #tpu.memory_space<vmem>>) target(%dma_start3A_3340 : memref<96xf32, #tpu.memory_space<hbm>>) target_semaphore(%arg19 : memref<!tpu.dma_semaphore, #tpu.memory_space<semaphore_mem>>)
        %add3A_3342 = arith.constant 392832 : i32
        %add3A_3343 = arith.addi %add3A_3342, %mul3A_3331 : i32
        %dma_start3A_3344 = tpu.memref_slice %arg15[%mul3A_3329] : memref<6144xf32, #tpu.memory_space<vmem>> -> memref<96xf32, #tpu.memory_space<vmem>>
        %dma_start3A_3345 = tpu.memref_slice %arg5[%add3A_3343] : memref<785664xf32, #tpu.memory_space<hbm>> -> memref<96xf32, #tpu.memory_space<hbm>>
        %dma_start3A_3346 = tpu.memref_slice %arg5[%add3A_3343] : memref<785664xf32, #tpu.memory_space<hbm>> -> memref<96xf32, #tpu.memory_space<hbm>>
        %dma_start3A_3347 = tpu.memref_slice %arg15[%mul3A_3329] : memref<6144xf32, #tpu.memory_space<vmem>> -> memref<96xf32, #tpu.memory_space<vmem>>
        tpu.enqueue_dma source(%dma_start3A_3347 : memref<96xf32, #tpu.memory_space<vmem>>) target(%dma_start3A_3346 : memref<96xf32, #tpu.memory_space<hbm>>) target_semaphore(%arg19 : memref<!tpu.dma_semaphore, #tpu.memory_space<semaphore_mem>>)
        %add3A_3348 = arith.constant 589248 : i32
        %add3A_3349 = arith.addi %add3A_3348, %mul3A_3331 : i32
        %dma_start3A_3350 = tpu.memref_slice %arg16[%mul3A_3329] : memref<6144xf32, #tpu.memory_space<vmem>> -> memref<96xf32, #tpu.memory_space<vmem>>
        %dma_start3A_3351 = tpu.memref_slice %arg5[%add3A_3349] : memref<785664xf32, #tpu.memory_space<hbm>> -> memref<96xf32, #tpu.memory_space<hbm>>
        %dma_start3A_3352 = tpu.memref_slice %arg5[%add3A_3349] : memref<785664xf32, #tpu.memory_space<hbm>> -> memref<96xf32, #tpu.memory_space<hbm>>
        %dma_start3A_3353 = tpu.memref_slice %arg16[%mul3A_3329] : memref<6144xf32, #tpu.memory_space<vmem>> -> memref<96xf32, #tpu.memory_space<vmem>>
        tpu.enqueue_dma source(%dma_start3A_3353 : memref<96xf32, #tpu.memory_space<vmem>>) target(%dma_start3A_3352 : memref<96xf32, #tpu.memory_space<hbm>>) target_semaphore(%arg19 : memref<!tpu.dma_semaphore, #tpu.memory_space<semaphore_mem>>)
        %dma_start3A_3354 = tpu.memref_slice %arg17[%mul3A_3329] : memref<6144xi32, #tpu.memory_space<vmem>> -> memref<96xi32, #tpu.memory_space<vmem>>
        %dma_start3A_3355 = tpu.memref_slice %arg6[%mul3A_3331] : memref<196416xi32, #tpu.memory_space<hbm>> -> memref<96xi32, #tpu.memory_space<hbm>>
        %dma_start3A_3356 = tpu.memref_slice %arg6[%mul3A_3331] : memref<196416xi32, #tpu.memory_space<hbm>> -> memref<96xi32, #tpu.memory_space<hbm>>
        %dma_start3A_3357 = tpu.memref_slice %arg17[%mul3A_3329] : memref<6144xi32, #tpu.memory_space<vmem>> -> memref<96xi32, #tpu.memory_space<vmem>>
        tpu.enqueue_dma source(%dma_start3A_3357 : memref<96xi32, #tpu.memory_space<vmem>>) target(%dma_start3A_3356 : memref<96xi32, #tpu.memory_space<hbm>>) target_semaphore(%arg19 : memref<!tpu.dma_semaphore, #tpu.memory_space<semaphore_mem>>)
        %dma_start3A_3358 = tpu.memref_slice %arg18[%mul3A_3329] : memref<6144xf32, #tpu.memory_space<vmem>> -> memref<96xf32, #tpu.memory_space<vmem>>
        %dma_start3A_3359 = tpu.memref_slice %arg7[%mul3A_3331] : memref<196416xf32, #tpu.memory_space<hbm>> -> memref<96xf32, #tpu.memory_space<hbm>>
        %dma_start3A_3360 = tpu.memref_slice %arg7[%mul3A_3331] : memref<196416xf32, #tpu.memory_space<hbm>> -> memref<96xf32, #tpu.memory_space<hbm>>
        %dma_start3A_3361 = tpu.memref_slice %arg18[%mul3A_3329] : memref<6144xf32, #tpu.memory_space<vmem>> -> memref<96xf32, #tpu.memory_space<vmem>>
        tpu.enqueue_dma source(%dma_start3A_3361 : memref<96xf32, #tpu.memory_space<vmem>>) target(%dma_start3A_3360 : memref<96xf32, #tpu.memory_space<hbm>>) target_semaphore(%arg19 : memref<!tpu.dma_semaphore, #tpu.memory_space<semaphore_mem>>)
      } else {
      }
      %ge3A_3323 = arith.constant 8 : i32
      %ge3A_3324 = arith.cmpi sge, %scan3A_2273, %ge3A_3323 : i32
      %convert_element_type3A_3325 = arith.extui %ge3A_3324 : i1 to i32
      %cond3A_3326 = arith.constant 0 : i32
      %cond3A_3327 = arith.cmpi ne, %convert_element_type3A_3325, %cond3A_3326 : i32
      scf.if %cond3A_3327 {
        %dma_wait3A_3328 = arith.constant 0 : i32
        %dma_wait3A_3329 = tpu.memref_slice %arg13[%dma_wait3A_3328] : memref<6144xf32, #tpu.memory_space<vmem>> -> memref<576xf32, #tpu.memory_space<vmem>>
        %dma_wait3A_3330 = arith.constant 0 : i32
        %dma_wait3A_3331 = tpu.memref_slice %arg5[%dma_wait3A_3330] : memref<785664xf32, #tpu.memory_space<hbm>> -> memref<576xf32, #tpu.memory_space<hbm>>
        %dma_wait3A_3332 = arith.constant 0 : i32
        %dma_wait3A_3333 = tpu.memref_slice %arg13[%dma_wait3A_3332] : memref<6144xf32, #tpu.memory_space<vmem>> -> memref<576xf32, #tpu.memory_space<vmem>>
        %dma_wait3A_3334 = arith.constant 0 : i32
        %dma_wait3A_3335 = tpu.memref_slice %arg5[%dma_wait3A_3334] : memref<785664xf32, #tpu.memory_space<hbm>> -> memref<576xf32, #tpu.memory_space<hbm>>
        tpu.wait_dma2 semaphore(%arg19 : memref<!tpu.dma_semaphore, #tpu.memory_space<semaphore_mem>>) src(%dma_wait3A_3335 : memref<576xf32, #tpu.memory_space<hbm>>) dst(%dma_wait3A_3333 : memref<576xf32, #tpu.memory_space<vmem>>)
      } else {
      }
    }
    %scan3A_2264 = arith.constant 64 : i32
    %lt3A_2265 = arith.constant 30 : i32
    %lt3A_2266 = arith.cmpi slt, %add3A, %lt3A_2265 : i32
    %convert_element_type3A_2267 = arith.extui %lt3A_2266 : i1 to i32
    %cond3A = arith.constant 0 : i32
    %cond3A_2268 = arith.cmpi ne, %convert_element_type3A_2267, %cond3A : i32
    scf.if %cond3A_2268 {
      %dma_wait3A_2273 = arith.constant 0 : i32
      %dma_wait3A_2274 = tpu.memref_slice %arg13[%dma_wait3A_2273] : memref<6144xf32, #tpu.memory_space<vmem>> -> memref<4608xf32, #tpu.memory_space<vmem>>
      %dma_wait3A_2275 = arith.constant 0 : i32
      %dma_wait3A_2276 = tpu.memref_slice %arg5[%dma_wait3A_2275] : memref<785664xf32, #tpu.memory_space<hbm>> -> memref<4608xf32, #tpu.memory_space<hbm>>
      %dma_wait3A_2277 = arith.constant 0 : i32
      %dma_wait3A_2278 = tpu.memref_slice %arg13[%dma_wait3A_2277] : memref<6144xf32, #tpu.memory_space<vmem>> -> memref<4608xf32, #tpu.memory_space<vmem>>
      %dma_wait3A_2279 = arith.constant 0 : i32
      %dma_wait3A_2280 = tpu.memref_slice %arg5[%dma_wait3A_2279] : memref<785664xf32, #tpu.memory_space<hbm>> -> memref<4608xf32, #tpu.memory_space<hbm>>
      tpu.wait_dma2 semaphore(%arg19 : memref<!tpu.dma_semaphore, #tpu.memory_space<semaphore_mem>>) src(%dma_wait3A_2280 : memref<4608xf32, #tpu.memory_space<hbm>>) dst(%dma_wait3A_2278 : memref<4608xf32, #tpu.memory_space<vmem>>)
    } else {
    }
    %ge3A = arith.constant 30 : i32
    %ge3A_2269 = arith.cmpi sge, %add3A, %ge3A : i32
    %convert_element_type3A_2270 = arith.extui %ge3A_2269 : i1 to i32
    %cond3A_2271 = arith.constant 0 : i32
    %cond3A_2272 = arith.cmpi ne, %convert_element_type3A_2270, %cond3A_2271 : i32
    scf.if %cond3A_2272 {
      %dma_wait3A_2273 = arith.constant 0 : i32
      %dma_wait3A_2274 = tpu.memref_slice %arg13[%dma_wait3A_2273] : memref<6144xf32, #tpu.memory_space<vmem>> -> memref<4032xf32, #tpu.memory_space<vmem>>
      %dma_wait3A_2275 = arith.constant 0 : i32
      %dma_wait3A_2276 = tpu.memref_slice %arg5[%dma_wait3A_2275] : memref<785664xf32, #tpu.memory_space<hbm>> -> memref<4032xf32, #tpu.memory_space<hbm>>
      %dma_wait3A_2277 = arith.constant 0 : i32
      %dma_wait3A_2278 = tpu.memref_slice %arg13[%dma_wait3A_2277] : memref<6144xf32, #tpu.memory_space<vmem>> -> memref<4032xf32, #tpu.memory_space<vmem>>
      %dma_wait3A_2279 = arith.constant 0 : i32
      %dma_wait3A_2280 = tpu.memref_slice %arg5[%dma_wait3A_2279] : memref<785664xf32, #tpu.memory_space<hbm>> -> memref<4032xf32, #tpu.memory_space<hbm>>
      tpu.wait_dma2 semaphore(%arg19 : memref<!tpu.dma_semaphore, #tpu.memory_space<semaphore_mem>>) src(%dma_wait3A_2280 : memref<4032xf32, #tpu.memory_space<hbm>>) dst(%dma_wait3A_2278 : memref<4032xf32, #tpu.memory_space<vmem>>)
    } else {
    }
    return
  }
}

</mosaic_0001>

<sc_bundles>
// kernel: kernel.3.cloned.1.call-start
scs
__scs_entry_jumppad:
0x0: {  	(pc) =	sbr.rel $0x88, $3  }
0x1: {  	(tag) =	ssettag $0x0;
	lr =	simm.s32 $0x1  }
0x2: {  	[smem:$0x3F9F] =	sst lr;
	_ =	strace $0xD0000000  }
0x3: {  	_ = 	snop  }
0x4: {  	_ = 	snop  }
0x5: {  	_ = 	snop  }
0x6: {  	_ = 	snop  }
0x7: {  	_ = 	snop  }
__scs_overlays_trampoline_lowered:
0x8: {  	[smem:$0x3FAE] =	sst s0  }
0x9: {  	[smem:$0x3FAF] =	sst s1  }
0xa: {  	[smem:$0x3FB0] =	sst s2  }
0xb: {  	[smem:$0x3FB1] =	sst s3  }
0xc: {  	[smem:$0x3FB2] =	sst s4  }
0xd: {  	[smem:$0x3FB3] =	sst s5  }
0xe: {  	[smem:$0x3FB4] =	sst s6  }
0xf: {  	[smem:$0x3FB5] =	sst s7  }
0x10: {  	[smem:$0x3FB6] =	sst s8  }
0x11: {  	[smem:$0x3FB7] =	sst s9;
	s0 =	simm.s32 @!p0 $0x0  }
0x12: {  	s1 =	sld [smem:$0x3F9D];
	s0 =	simm.s32 @p0 $0x1  }
0x13: {  	[smem:$0x3FB8] =	sst s0;
	s0 =	simm.s32 @!p1 $0x0  }
0x14: {  	s2 =	sld [smem:$0x3F9C];
	s0 =	simm.s32 @p1 $0x1  }
0x15: {  	[smem:$0x3FB9] =	sst s0;
	s0 =	simm.s32 @!p2 $0x0  }
0x16: {  	s3 =	sld [smem:$0x3FDB];
	s0 =	simm.s32 @p2 $0x1  }
0x17: {  	s4 =	simm.s32 $0x1BF5;
	[smem:$0x3FBB] =	sst s0  }
0x18: {  	s0 =	sld [smem:$0x3F9E];
	_ =	swait.ge [sflag:s4], $0x0  }
0x19: {  	s7 =	sld [smem:$0x3F9F]  }
0x1a: {  	s8 =	sadd.s32 $0xFFFFE003, lr  }
0x1b: {  	s9 =	sadd.s32 $0xFFFFFEF7, lr;
	s5 =	simm.s32 $0xFFFFFFFF;
	p2 =	slt.u32 s8, $0xFFFFF086  }
0x1c: {  	p1 =	slt.u32 s9, $0xF7A;
	s5 =	simm.s32 @!p2 $0x0  }
0x1d: {  	s5 =	simm.s32 @p1 $0x1;
	p0 =	seq.s32 s7, s2  }
0x1e: {  	s7 =	smul.u32 @!p0 $0xF7A, s2;
	p2 =	seq.s32 @!p0 s5, $0x0  }
0x1f: {  	s9 =	smul.u32 $0xF7A, s1;
	s8 =	simm.s32 @!p0 $0x1BF5;
	p2 =	por !p2, p0  }
0x20: {  	[sflag:s8] =	ssyncset.s32 @!p0 $0xFFFFF086;
	s6 =	sadd.s32 @!p0 s3, s7;
	s7 =	simm.s32 @!p0 $0x108  }
0x21: {  	s3 =	sadd.s32 s3, s9;
	s6 =	sadd.s32 @!p0 $0x88, s6;
	s7 =	simm.s32 @p2 $0x1082  }
0x22: {  	[simem:s7], [sflag:s8] =	dma.local @!p0 [hbm:s6], $0xF7A  }
0x23: {  	s9 =	sor.u32 $0xD0000000, s2;
	s6 =	simm.s32 $0x108;
	_ =	swait.ge @!p0 [sflag:s8], $0x0  }
0x24: {  	s3 =	sadd.s32 $0x88, s3;
	s6 =	simm.s32 @!p1 $0x1082;
	[sflag:s4] =	ssyncset.s32 $0xFFFFF086  }
0x25: {  	[simem:s6], [sflag:s4] =	dma.local [hbm:s3], $0xF7A  }
0x26: {  	[smem:$0x3F9F] =	sst s1;
	(tag) =	ssettag s2;
	_ =	strace s9  }
0x27: {  	s1 =	sld [smem:$0x3FAF]  }
0x28: {  	s2 =	sld [smem:$0x3FB0]  }
0x29: {  	s4 =	sld [smem:$0x3FB2]  }
0x2a: {  	p0 =	seq.s32 s5, $0x0;
	s5 =	sld [smem:$0x3FB3]  }
0x2b: {  	s6 =	sld [smem:$0x3FB4]  }
0x2c: {  	s7 =	sld [smem:$0x3FB5]  }
0x2d: {  	s3 =	simm.s32 $0x108;
	s8 =	sld [smem:$0x3FB6]  }
0x2e: {  	s3 =	simm.s32 @!p0 $0x1082;
	s9 =	sld [smem:$0x3FB7]  }
0x2f: {  	lr =	sadd.s32 s0, s3;
	s0 =	sld [smem:$0x3FAE]  }
0x30: {  	s3 =	sld [smem:$0x3FB1]  }
0x31: {  	[smem:$0x3FBA] =	sst s10  }
0x32: {  	s10 =	sld [smem:$0x3FB8];
	_ =	sdelay $0x3  }
0x33: {  	p0 =	seq.s32 s10, $0x1;
	s10 =	sld [smem:$0x3FBA];
	_ =	sdelay $0x3  }
0x34: {  	[smem:$0x3FBA] =	sst s10  }
0x35: {  	s10 =	sld [smem:$0x3FB9];
	_ =	sdelay $0x3  }
0x36: {  	p1 =	seq.s32 s10, $0x1;
	s10 =	sld [smem:$0x3FBA];
	_ =	sdelay $0x3  }
0x37: {  	[smem:$0x3FBA] =	sst s10  }
0x38: {  	s10 =	sld [smem:$0x3FBB]  }
0x39: {  	_ = 	snop;
	(pc) =	sbr.ind lr, $3  }
0x3a: {  	_ = 	snop  }
0x3b: {  	_ = 	snop  }
0x3c: {  	p2 =	seq.s32 s10, $0x1;
	s10 =	sld [smem:$0x3FBA]  }
0x3d: {  	_ =	shalt  }
0x3e: {  	_ =	shalt  }
0x3f: {  	_ =	shalt  }
0x40: {  	_ =	shalt  }
0x41: {  	_ =	shalt  }
0x42: {  	_ =	shalt  }
0x43: {  	_ =	shalt  }
0x44: {  	_ =	shalt  }
0x45: {  	_ =	shalt  }
0x46: {  	_ =	shalt  }
0x47: {  	_ =	shalt  }
0x48: {  	_ =	shalt  }
0x49: {  	_ =	shalt  }
0x4a: {  	_ =	shalt  }
0x4b: {  	_ =	shalt  }
0x4c: {  	_ =	shalt  }
0x4d: {  	_ =	shalt  }
0x4e: {  	_ =	shalt  }
0x4f: {  	_ =	shalt  }
0x50: {  	_ =	shalt  }
0x51: {  	_ =	shalt  }
0x52: {  	_ =	shalt  }
0x53: {  	_ =	shalt  }
0x54: {  	_ =	shalt  }
0x55: {  	_ =	shalt  }
0x56: {  	_ =	shalt  }
0x57: {  	_ =	shalt  }
0x58: {  	_ =	shalt  }
0x59: {  	_ =	shalt  }
0x5a: {  	_ =	shalt  }
0x5b: {  	_ =	shalt  }
0x5c: {  	_ =	shalt  }
0x5d: {  	_ =	shalt  }
0x5e: {  	_ =	shalt  }
0x5f: {  	_ =	shalt  }
0x60: {  	_ =	shalt  }
0x61: {  	_ =	shalt  }
0x62: {  	_ =	shalt  }
0x63: {  	_ =	shalt  }
0x64: {  	_ =	shalt  }
0x65: {  	_ =	shalt  }
0x66: {  	_ =	shalt  }
0x67: {  	_ =	shalt  }
0x68: {  	_ =	shalt  }
0x69: {  	_ =	shalt  }
0x6a: {  	_ =	shalt  }
0x6b: {  	_ =	shalt  }
0x6c: {  	_ =	shalt  }
0x6d: {  	_ =	shalt  }
0x6e: {  	_ =	shalt  }
0x6f: {  	_ =	shalt  }
0x70: {  	_ =	shalt  }
0x71: {  	_ =	shalt  }
0x72: {  	_ =	shalt  }
0x73: {  	_ =	shalt  }
0x74: {  	_ =	shalt  }
0x75: {  	_ =	shalt  }
0x76: {  	_ =	shalt  }
0x77: {  	_ =	shalt  }
0x78: {  	_ =	shalt  }
0x79: {  	_ =	shalt  }
0x7a: {  	_ =	shalt  }
0x7b: {  	_ =	shalt  }
0x7c: {  	_ =	shalt  }
0x7d: {  	_ =	shalt  }
0x7e: {  	_ =	shalt  }
0x7f: {  	_ =	shalt  }
0x80: {  	_ =	shalt  }
0x81: {  	_ =	shalt  }
0x82: {  	_ =	shalt  }
0x83: {  	_ =	shalt  }
0x84: {  	_ =	shalt  }
0x85: {  	_ =	shalt  }
0x86: {  	_ =	shalt  }
0x87: {  	_ =	shalt  }
.Lfunc_end0:
.L_simem_size_0:
called_computation_lowered:
.L_overlay_start_0:
0x88: {  	s2 =	sld [smem:$0x3FD9]  }
0x89: {  	s3 =	sld [smem:$0x3FFE];
	_ =	sdelay $0x1  }
0x8a: {  	s1 =	srdreg.scid  }
0x8b: {  	s0 =	sand.u32 $0x1, s1  }
0x8c: {  	s14 =	sshll.u32 s0, $0xA;
	s2 =	sadd.s32 s3, s2  }
0x8d: {  	s2 =	sadd.s32 s2, s14  }
0x8e: {  	[smem:$0x3FC6] =	sst s2  }
0x8f: {  	_ = 	snop  }
0x90: {  	s2 =	sld [smem:$0x3FD0];
	_ =	sdelay $0x2  }
0x91: {  	s4 =	simm.s32 $0xA;
	s5 =	simm.s32 $0x10;
	s15 =	sld [smem:$0x3FC8]  }
0x92: {  	[smem:s5], [sflag:s4] =	dma.local [hbm:s2], $0x1  }
0x93: {  	_ =	swait.eq [sflag:s4], $0x1  }
0x94: {  	s16 =	sld [smem:$0x10];
	[sflag:s4] =	ssyncset.done $0x0  }
0x95: {  	s17 =	sld [smem:$0x11];
	[sflag:s4] =	ssyncadd.s32 $0xFFFFFFFF  }
0x96: {  	s18 =	sld [smem:$0x12];
	(tm) =	ssettm $0x1  }
0x97: {  	s6 =	sld [smem:$0x3FFB];
	_ =	sdelay $0x3  }
0x98: {  	_ =	strace s6  }
0x99: {  	s6 =	sld [smem:$0x3FFC];
	_ =	sdelay $0x3  }
0x9a: {  	_ =	strace s6  }
0x9b: {  	s6 =	sld [smem:$0x3FFD];
	_ =	sdelay $0x3  }
0x9c: {  	_ =	strace s6  }
0x9d: {  	_ =	strace $0x8FFFFFFF  }
0x9e: {  	s19 =	sld [smem:$0x3FDB];
	_ =	sdelay $0x1  }
0x9f: {  	s7 =	simm.s32 $_scs_section_size  }
0xa0: {  	s8 =	simm.s32 $_size__tile_overlayer_lowered;
	s9 =	simm.s32 $_tile_overlayer_lowered  }
0xa1: {  	s22 =	simm.s32 $0x1BFF;
	s21 =	sshll.u32 s9, $0x1;
	s6 =	sadd.s32 s7, s19  }
0xa2: {  	s10 =	simm.s32 $0x0;
	s20 =	sshll.u32 s8, $0x1;
	s8 =	sadd.s32 s21, s6  }
0xa3: {  	[timem:s10], [sflag:s22] =	dma.local [hbm:s8], s20  }
0xa4: {  	_ =	swait.ge [sflag:s22], s20  }
0xa5: {  	s7 =	ssub.s32 $0x0, s20;
	[sflag:s22] =	ssyncset.done $0x0  }
0xa6: {  	[sflag:s22] =	ssyncadd.s32 s7;
	_ =	sdelay $0x1  }
0xa7: {  	s23 =	simm.s32 $0x1B8B  }
0xa8: {  	_ =	swait.ge [sflag:s23], $0x1  }
0xa9: {  	[sflag:s23] =	ssyncset.done $0x0  }
0xaa: {  	s25 =	simm.s32 $0x1B8E;
	s24 =	sld [smem:$0x3FFE];
	[sflag:s23] =	ssyncadd.s32 $0xFFFFFFFF  }
0xab: {  	s26 =	simm.s32 $execute0_lowered;
	[smem:$0x3FD2] =	sst s25  }
0xac: {  	s8 =	sshll.u32 s26, $0x1;
	_ =	strace $0x80000046;
	[dreg:$0x1] =	wrdreg $0xFFFFFFFF  }
0xad: {  	s28 =	simm.s32 $_size_execute0_lowered;
	s6 =	sadd.s32 s6, s8;
	[dreg:$0x0] =	wrdreg $0x0  }
0xae: {  	s8 =	sshll.u32 s28, $0x1;
	[dreg:$0x2] =	wrdreg s6  }
0xaf: {  	[dreg:$0x3] =	wrdreg s8  }
0xb0: {  	[dreg:$0x4] =	wrdreg $0xC0  }
0xb1: {  	_ =	task [dreg:s10], $0x5FFFF  }
0xb2: {  	[dreg:$0x1] =	wrdreg $0xFFFFFFFF  }
0xb3: {  	[dreg:$0x0] =	wrdreg $0x60  }
0xb4: {  	[dreg:$0x2] =	wrdreg s24  }
0xb5: {  	[dreg:$0x3] =	wrdreg s16  }
0xb6: {  	[dreg:$0x4] =	wrdreg s15  }
0xb7: {  	[dreg:$0x5] =	wrdreg s17  }
0xb8: {  	[dreg:$0x6] =	wrdreg s18  }
0xb9: {  	[dreg:$0x7] =	wrdreg $0x9  }
0xba: {  	_ =	task.clear_ibuf [dreg:s10], $0x8FFFF;
	_ =	strace $0x90000046  }
0xbb: {  	s29 =	simm.s32 $0x9;
	_ =	strace $0x80000048  }
0xbc: {  	_ =	swait.ge [sflag:s29], $0x1  }
0xbd: {  	[sflag:s29] =	ssyncadd.s32 $0xFFFFFFFF  }
0xbe: {  	_ =	strace $0x90000048  }
0xbf: {  	_ =	sfence  }
0xc0: {  	s30 =	sld [smem:$0x0];
	_ =	sdelay $0x2  }
0xc1: {  	s31 =	sshll.u32 s1, $0xD;
	s1 =	sshrl.u32 s1, $0x2  }
0xc2: {  	s3 =	sand.u32 $0x4000, s31;
	s1 =	sadd.s32 s1, s30  }
0xc3: {  	s0 =	sor.u32 s3, s0;
	s1 =	sshll.u32 s1, $0x11  }
0xc4: {  	s0 =	sor.u32 s1, s0  }
0xc5: {  	s0 =	sadd.s32 $0x8F2B, s0  }
0xc6: {  	[sflag:s0] =	ssyncadd.remote.s32 $0x1  }
0xc7: {  	_ =	sfence.sel $0xFFFF  }
0xc8: {  	[dreg:$0x0] =	wrdreg $0xFFFFFFFF;
	(pc) =	sbr.abs _section_cstart, $3  }
0xc9: {  	[dreg:$0x1] =	wrdreg $0xFFFFFFFF  }
0xca: {  	_ =	task.clear_ibuf [dreg:s10], $0x2FFFF;
	_ =	strace $0x9FFFFFFF  }
0xcb: {  	(tm) =	ssettm $0x7FFFFFFF  }
tec
execute0_lowered:
.L_overlay_start_1:
0x0: {  	(tag) =	ssettag $0x1  }
0x1: {  	v0 =	vlaneseq.u32  }
0x2: {  	v0 =	vmul.u32 $0x4, v0;
	_ =	sdelay $0x1  }
0x3: {  	v1 =	vor.u32 $0x1, v0  }
0x4: {  	v15 =	vor.u32 $0x2, v0;
	[tilespmem:$0x1FCC0] =	vst v1  }
0x5: {  	v16 =	vor.u32 $0x3, v0;
	[tilespmem:$0x1FCD0] =	vst v15  }
0x6: {  	v17 =	vor.u32 $0x40, v0;
	[tilespmem:$0x1FCE0] =	vst v16  }
0x7: {  	v18 =	vor.u32 $0x41, v0;
	[tilespmem:$0x1FCF0] =	vst v17  }
0x8: {  	v19 =	vor.u32 $0x42, v0;
	[tilespmem:$0x1FD00] =	vst v18  }
0x9: {  	v20 =	vor.u32 $0x43, v0;
	[tilespmem:$0x1FD10] =	vst v19  }
0xa: {  	v21 =	vor.u32 $0x80, v0;
	[tilespmem:$0x1FD20] =	vst v20  }
0xb: {  	v22 =	vor.u32 $0x81, v0;
	[tilespmem:$0x1FD30] =	vst v21  }
0xc: {  	v23 =	vor.u32 $0x82, v0;
	[tilespmem:$0x1FD40] =	vst v22  }
0xd: {  	v24 =	vor.u32 $0x83, v0;
	[tilespmem:$0x1FD50] =	vst v23  }
0xe: {  	v25 =	vor.u32 $0xC0, v0;
	[tilespmem:$0x1FD60] =	vst v24  }
0xf: {  	v26 =	vor.u32 $0xC1, v0;
	[tilespmem:$0x1FD70] =	vst v25  }
0x10: {  	v27 =	vor.u32 $0xC2, v0;
	[tilespmem:$0x1FD80] =	vst v26  }
0x11: {  	v28 =	vor.u32 $0xC3, v0;
	[tilespmem:$0x1FD90] =	vst v27  }
0x12: {  	v29 =	vor.u32 $0x100, v0;
	[tilespmem:$0x1FDA0] =	vst v28  }
0x13: {  	v30 =	vor.u32 $0x101, v0;
	[tilespmem:$0x1FDB0] =	vst v29  }
0x14: {  	v31 =	vor.u32 $0x102, v0;
	[tilespmem:$0x1FDC0] =	vst v30  }
0x15: {  	v32 =	vor.u32 $0x103, v0;
	[tilespmem:$0x1FDD0] =	vst v31  }
0x16: {  	v33 =	vor.u32 $0x140, v0;
	[tilespmem:$0x1FDE0] =	vst v32  }
0x17: {  	v34 =	vor.u32 $0x141, v0;
	[tilespmem:$0x1FDF0] =	vst v33  }
0x18: {  	v35 =	vor.u32 $0x142, v0;
	[tilespmem:$0x1FE00] =	vst v34  }
0x19: {  	v36 =	vor.u32 $0x143, v0;
	[tilespmem:$0x1FE10] =	vst v35  }
0x1a: {  	v37 =	vor.u32 $0x180, v0;
	[tilespmem:$0x1FE20] =	vst v36  }
0x1b: {  	v38 =	vor.u32 $0x181, v0;
	[tilespmem:$0x1FE30] =	vst v37  }
0x1c: {  	v39 =	vor.u32 $0x182, v0;
	[tilespmem:$0x1FE40] =	vst v38  }
0x1d: {  	v40 =	vor.u32 $0x183, v0;
	[tilespmem:$0x1FE50] =	vst v39  }
0x1e: {  	v41 =	vor.u32 $0x1C0, v0;
	[tilespmem:$0x1FE60] =	vst v40  }
0x1f: {  	v42 =	vor.u32 $0x1C1, v0;
	[tilespmem:$0x1FE70] =	vst v41  }
0x20: {  	v43 =	vor.u32 $0x1C2, v0;
	[tilespmem:$0x1FE80] =	vst v42  }
0x21: {  	v44 =	vor.u32 $0x1C3, v0;
	[tilespmem:$0x1FE90] =	vst v43  }
0x22: {  	v45 =	vor.u32 $0x200, v0;
	[tilespmem:$0x1FEA0] =	vst v44  }
0x23: {  	v46 =	vor.u32 $0x201, v0;
	[tilespmem:$0x1FEB0] =	vst v45  }
0x24: {  	s8 =	rddreg [dreg:$0x0];
	v47 =	vor.u32 $0x202, v0;
	[tilespmem:$0x1FEC0] =	vst v46  }
0x25: {  	s0 =	rddreg [dreg:$0x1];
	v48 =	vor.u32 $0x203, v0;
	[tilespmem:$0x1FED0] =	vst v47  }
0x26: {  	s1 =	rddreg [dreg:$0x2];
	v49 =	vor.u32 $0x240, v0;
	[tilespmem:$0x1FEE0] =	vst v48  }
0x27: {  	s3 =	rddreg [dreg:$0x3];
	v50 =	vor.u32 $0x241, v0;
	[tilespmem:$0x1FEF0] =	vst v49  }
0x28: {  	s5 =	rddreg [dreg:$0x4];
	s7 =	simm.s32 $0x0;
	v51 =	vor.u32 $0x242, v0;
	[tilespmem:$0x1FF00] =	vst v50  }
0x29: {  	s4 =	srdreg.scid;
	[smem:$0x7FF] =	sst s7;
	v52 =	vor.u32 $0x243, v0;
	[tilespmem:$0x1FF10] =	vst v51  }
0x2a: {  	s9 =	sand.u32 $0x1, s4;
	s4 =	rddreg [dreg:$0x5];
	v53 =	vor.u32 $0x280, v0;
	_ =	strace $0x80000047;
	[tilespmem:$0x1FF20] =	vst v52  }
0x2b: {  	v54 =	vor.u32 $0x281, v0;
	[tilespmem:$0x1FF30] =	vst v53  }
0x2c: {  	v55 =	vor.u32 $0x282, v0;
	[tilespmem:$0x1FF40] =	vst v54  }
0x2d: {  	v56 =	vor.u32 $0x283, v0;
	[tilespmem:$0x1FF50] =	vst v55  }
0x2e: {  	v57 =	vor.u32 $0x2C0, v0;
	[tilespmem:$0x1FF60] =	vst v56  }
0x2f: {  	v58 =	vor.u32 $0x2C1, v0;
	[tilespmem:$0x1FF70] =	vst v57  }
0x30: {  	v59 =	vor.u32 $0x2C2, v0;
	[tilespmem:$0x1FF80] =	vst v58  }
0x31: {  	s2 =	stileid.u32;
	s12 =	simm.s32 $0x3;
	v60 =	vor.u32 $0x2C3, v0;
	[tilespmem:$0x1FF90] =	vst v59  }
0x32: {  	s13 =	simm.s32 $0xA180;
	s14 =	simm.s32 $0x2;
	s31 =	sshll.u32 s2, $0x1;
	v61 =	vor.u32 $0x300, v0;
	[tilespmem:$0x1FFA0] =	vst v60  }
.Ltmp0:
0x33: {  	s15 =	simm.s32 $0xA280;
	s6 =	sor.u32 s9, s31;
	v62 =	vor.u32 $0x301, v0;
	[tilespmem:$0x1FFB0] =	vst v61;
	(pc) =	sbr.rel .LBB2_1-.Ltmp0, $4  }
0x34: {  	s16 =	simm.s32 $0x9580;
	s9 =	ssub.s32 $0x2, s9;
	s10 =	smul.u32 $0x1240, s6;
	v63 =	vor.u32 $0x302, v0;
	[tilespmem:$0x1FFC0] =	vst v62  }
0x35: {  	s17 =	simm.s32 $0x0;
	p0 =	seq.s32 s2, $0xF;
	s11 =	sshrl.u32 s9, $0x1;
	[tilespmem:$0x1FFD0] =	vst v63  }
0x36: {  	s11 =	ssub.s32 s9, s11;
	s10 =	sadd.s32 s10, s8;
	s8 =	sadd.s32 $0x25000, s8;
	[tilespmem:$0x1FFE0] =	vst v0;
	v0 =	vor.u32 $0x303, v0  }
0x37: {  	vm0 =	vmmov $0xff;
	v56 =	vimm.s32 $0x0;
	s9 =	sadd.s32 $0x800, s10;
	s10 =	smax.u32 s11, $0x1;
	s11 =	simm.s32 $0x9200;
	[tilespmem:$0x1FFF0] =	vst v0  }
.LBB2_16:
0x38: {  	s18 =	simm.s32 @p0 $0x1;
	s17 =	sadd.s32 $0x1, s17  }
0x39: {  	_ =	swait.ge @p0 [sflag:s18], $0xFC0;
	p1 =	sne.s32 s17, s10  }
.Ltmp1:
0x3a: {  	[sflag:s18] =	ssyncset.done @p0 $0x0;
	(pc) =	sbr.rel @!p1 .LBB2_17-.Ltmp1, $4  }
0x3b: {  	[sflag:s18] =	ssyncadd.s32 @p0 $0xFFFFF040;
	s18 =	simm.s32 @!p0 $0x1  }
0x3c: {  	_ =	swait.ge @!p0 [sflag:s18], $0x1200  }
0x3d: {  	[sflag:s18] =	ssyncset.done @!p0 $0x0  }
0x3e: {  	[sflag:s18] =	ssyncadd.s32 @!p0 $0xFFFFEE00  }
.LBB2_1:
0x3f: {  	[tilespmem:s7], [sflag:$0x2] =	stream.linear.gather [hbm4b:s9+s7], $0x9200, $0x38;
	[tilespmem:$0x13380] =	vst v63  }
0x40: {  	_ = 	snop  }
0x41: {  	[tilespmem:s11], [sflag:$0x3] =	stream.linear.gather [hbm4b:s0+s7], $0x320, $0x38;
	[tilespmem:$0x13380] =	vst v63  }
0x42: {  	_ =	swait.ge [sflag:s12], $0x320  }
0x43: {  	[sflag:s12] =	ssyncset.done $0x0  }
0x44: {  	[sflag:s12] =	ssyncadd.s32 $0xFFFFFCE0  }
0x45: {  	[tilespmem:s13], [sflag:$0x3] =	stream.linear.gather [hbm4b:s1+s7], $0xC8, $0x38;
	[tilespmem:$0x13380] =	vst v63  }
0x46: {  	_ =	swait.ge [sflag:s12], $0xC8  }
0x47: {  	v0 =	vld [tilespmem:$0x1FFE0]  }
0x48: {  	v1 =	vld [tilespmem:$0x1FCC0]  }
0x49: {  	v2 =	vld [tilespmem:$0x1FCD0]  }
0x4a: {  	v3 =	vld [tilespmem:$0x1FCE0];
	_ =	sdelay $0x2  }
0x4b: {  	[sflag:s12] =	ssyncset.done $0x0  }
0x4c: {  	[sflag:s12] =	ssyncadd.s32 $0xFFFFFF38  }
0x4d: {  	v0 =	vld.idx.msk [tilespmem:v0+s11+$0x0], $0xffff  }
0x4e: {  	v1 =	vld.idx.msk [tilespmem:v1+s11+$0x0], $0xffff  }
0x4f: {  	v2 =	vld.idx.msk [tilespmem:v2+s11+$0x0], $0xffff  }
0x50: {  	v3 =	vld.idx.msk [tilespmem:v3+s11+$0x0], $0xffff;
	_ =	sdelay $0x3  }
0x51: {  	v4 =	vsub.f32 v2, v0  }
0x52: {  	v5 =	vsub.f32 v3, v1  }
0x53: {  	v6 =	vand.u32 $0x7FFFFF, v4  }
0x54: {  	v7 =	vand.u32 $0x7FFFFF, v5;
	v6 =	vor.u32 $0x3F800000, v6  }
0x55: {  	v7 =	vor.u32 $0x3F800000, v7;
	v6 =	vadd.f32 $-1.000000000e+00, v6  }
0x56: {  	v7 =	vadd.f32 $-1.000000000e+00, v7  }
0x57: {  	v8 =	vmul.f32 $2.606629950e-02, v6  }
0x58: {  	v9 =	vmul.f32 $2.606629950e-02, v7  }
0x59: {  	v8 =	vsub.f32 $1.219141410e-01, v8  }
0x5a: {  	v9 =	vsub.f32 $1.219141410e-01, v9  }
0x5b: {  	v8 =	vmul.f32 v8, v6  }
0x5c: {  	v9 =	vmul.f32 v9, v7  }
0x5d: {  	v8 =	vadd.f32 $-2.773650590e-01, v8  }
0x5e: {  	v9 =	vadd.f32 $-2.773650590e-01, v9  }
0x5f: {  	v8 =	vmul.f32 v8, v6  }
0x60: {  	v9 =	vmul.f32 v9, v7  }
0x61: {  	v40 =	vadd.f32 $4.568941590e-01, v8  }
0x62: {  	v41 =	vadd.f32 $4.568941590e-01, v9  }
0x63: {  	v0 =	vadd.f32 v2, v0;
	v2 =	vmul.f32 v40, v6  }
0x64: {  	v1 =	vadd.f32 v3, v1;
	v8 =	vmul.f32 v41, v7  }
0x65: {  	v0 =	vmul.f32 $5.000000000e-01, v0;
	v2 =	vadd.f32 $-7.178983690e-01, v2  }
0x66: {  	v42 =	vmul.f32 $5.000000000e-01, v4;
	v1 =	vmul.f32 $5.000000000e-01, v1;
	v8 =	vadd.f32 $-7.178983690e-01, v8  }
0x67: {  	v43 =	vmul.f32 $5.000000000e-01, v5;
	v2 =	vmul.f32 v2, v6  }
0x68: {  	v44 =	vmul.f32 v5, v4;
	[tilespmem:$0x9C80] =	vst v4;
	v8 =	vmul.f32 v8, v7  }
0x69: {  	v45 =	vshra.s32 v4, $0x17;
	[tilespmem:$0x9D80] =	vst v5;
	v3 =	vadd.f32 v42, v0;
	v2 =	vadd.f32 $1.442517040e+00, v2  }
0x6a: {  	v47 =	vshra.s32 v5, $0x17;
	v46 =	vadd.s32 $0xFFFFFF81, v45;
	[tilespmem:$0x9980] =	vst v44;
	v8 =	vadd.f32 $1.442517040e+00, v8  }
0x6b: {  	v51 =	vld [tilespmem:$0x1FCF0];
	v48 =	vadd.s32 $0xFFFFFF81, v47;
	[tilespmem:$0x9780] =	vst v3;
	v3 =	vcvt.s32.f32 v46;
	v2 =	vmul.f32 v2, v6  }
0x6c: {  	v52 =	vld [tilespmem:$0x1FD00];
	v10 =	vsub.f32 v0, v42;
	[tilespmem:$0x9A80] =	vst v0;
	v7 =	vmul.f32 v8, v7;
	v6 =	vcvt.s32.f32 v48  }
0x6d: {  	v53 =	vld [tilespmem:$0x1FD10];
	v11 =	vsub.f32 v1, v43;
	[tilespmem:$0x9B80] =	vst v1;
	v49 =	vadd.f32 v3, v2  }
0x6e: {  	v54 =	vld [tilespmem:$0x1FD20];
	[tilespmem:$0x9580] =	vst v10;
	v9 =	vadd.f32 v43, v1;
	v50 =	vadd.f32 v6, v7  }
0x6f: {  	[tilespmem:$0x9680] =	vst v11;
	v0 =	vmul.f32 $6.931471820e-01, v49  }
0x70: {  	[tilespmem:$0x9880] =	vst v9;
	v1 =	vmul.f32 $6.931471820e-01, v50  }
0x71: {  	[tilespmem:$0x9E80] =	vst v0  }
0x72: {  	[tilespmem:$0x9F80] =	vst v1  }
0x73: {  	v0 =	vld.idx.msk [tilespmem:v51+s11+$0x0], $0xffff  }
0x74: {  	v1 =	vld.idx.msk [tilespmem:v52+s11+$0x0], $0xffff  }
0x75: {  	v2 =	vld.idx.msk [tilespmem:v53+s11+$0x0], $0xffff  }
0x76: {  	v3 =	vld.idx.msk [tilespmem:v54+s11+$0x0], $0xffff;
	_ =	sdelay $0x3  }
0x77: {  	v55 =	vsub.f32 v2, v0  }
0x78: {  	v57 =	vsub.f32 v3, v1  }
0x79: {  	v58 =	vand.u32 $0x7FFFFF, v55  }
0x7a: {  	v59 =	vand.u32 $0x7FFFFF, v57;
	v6 =	vor.u32 $0x3F800000, v58  }
0x7b: {  	v7 =	vor.u32 $0x3F800000, v59;
	v6 =	vadd.f32 $-1.000000000e+00, v6  }
0x7c: {  	v7 =	vadd.f32 $-1.000000000e+00, v7  }
0x7d: {  	v60 =	vmul.f32 $2.606629950e-02, v6  }
0x7e: {  	v61 =	vmul.f32 $2.606629950e-02, v7  }
0x7f: {  	v8 =	vsub.f32 $1.219141410e-01, v60  }
0x80: {  	v9 =	vsub.f32 $1.219141410e-01, v61  }
0x81: {  	v8 =	vmul.f32 v8, v6  }
0x82: {  	v9 =	vmul.f32 v9, v7  }
0x83: {  	v8 =	vadd.f32 $-2.773650590e-01, v8  }
0x84: {  	v9 =	vadd.f32 $-2.773650590e-01, v9  }
0x85: {  	v8 =	vmul.f32 v8, v6  }
0x86: {  	v9 =	vmul.f32 v9, v7  }
0x87: {  	v62 =	vadd.f32 $4.568941590e-01, v8  }
0x88: {  	v63 =	vadd.f32 $4.568941590e-01, v9  }
0x89: {  	v0 =	vadd.f32 v2, v0;
	v2 =	vmul.f32 v62, v6  }
0x8a: {  	v1 =	vadd.f32 v3, v1;
	v8 =	vmul.f32 v63, v7  }
0x8b: {  	v0 =	vmul.f32 $5.000000000e-01, v0;
	v2 =	vadd.f32 $-7.178983690e-01, v2  }
0x8c: {  	v12 =	vmul.f32 $5.000000000e-01, v55;
	v1 =	vmul.f32 $5.000000000e-01, v1;
	v8 =	vadd.f32 $-7.178983690e-01, v8  }
0x8d: {  	v13 =	vmul.f32 $5.000000000e-01, v57;
	v2 =	vmul.f32 v2, v6  }
0x8e: {  	v16 =	vmul.f32 v57, v55;
	[tilespmem:$0x9C90] =	vst v55;
	v8 =	vmul.f32 v8, v7  }
0x8f: {  	v17 =	vshra.s32 v55, $0x17;
	[tilespmem:$0x9D90] =	vst v57;
	v3 =	vadd.f32 v12, v0;
	v2 =	vadd.f32 $1.442517040e+00, v2  }
0x90: {  	v19 =	vshra.s32 v57, $0x17;
	v18 =	vadd.s32 $0xFFFFFF81, v17;
	[tilespmem:$0x9990] =	vst v16;
	v8 =	vadd.f32 $1.442517040e+00, v8  }
0x91: {  	v23 =	vld [tilespmem:$0x1FD30];
	v20 =	vadd.s32 $0xFFFFFF81, v19;
	[tilespmem:$0x9790] =	vst v3;
	v3 =	vcvt.s32.f32 v18;
	v2 =	vmul.f32 v2, v6  }
0x92: {  	v24 =	vld [tilespmem:$0x1FD40];
	v14 =	vsub.f32 v0, v12;
	[tilespmem:$0x9A90] =	vst v0;
	v7 =	vmul.f32 v8, v7;
	v6 =	vcvt.s32.f32 v20  }
0x93: {  	v25 =	vld [tilespmem:$0x1FD50];
	v15 =	vsub.f32 v1, v13;
	[tilespmem:$0x9B90] =	vst v1;
	v21 =	vadd.f32 v3, v2  }
0x94: {  	v26 =	vld [tilespmem:$0x1FD60];
	[tilespmem:$0x9590] =	vst v14;
	v9 =	vadd.f32 v13, v1;
	v22 =	vadd.f32 v6, v7  }
0x95: {  	[tilespmem:$0x9690] =	vst v15;
	v0 =	vmul.f32 $6.931471820e-01, v21  }
0x96: {  	[tilespmem:$0x9890] =	vst v9;
	v1 =	vmul.f32 $6.931471820e-01, v22  }
0x97: {  	[tilespmem:$0x9E90] =	vst v0  }
0x98: {  	[tilespmem:$0x9F90] =	vst v1  }
0x99: {  	v0 =	vld.idx.msk [tilespmem:v23+s11+$0x0], $0xffff  }
0x9a: {  	v1 =	vld.idx.msk [tilespmem:v24+s11+$0x0], $0xffff  }
0x9b: {  	v2 =	vld.idx.msk [tilespmem:v25+s11+$0x0], $0xffff  }
0x9c: {  	v3 =	vld.idx.msk [tilespmem:v26+s11+$0x0], $0xffff;
	_ =	sdelay $0x3  }
0x9d: {  	v27 =	vsub.f32 v2, v0  }
0x9e: {  	v28 =	vsub.f32 v3, v1  }
0x9f: {  	v29 =	vand.u32 $0x7FFFFF, v27  }
0xa0: {  	v30 =	vand.u32 $0x7FFFFF, v28;
	v6 =	vor.u32 $0x3F800000, v29  }
0xa1: {  	v7 =	vor.u32 $0x3F800000, v30;
	v6 =	vadd.f32 $-1.000000000e+00, v6  }
0xa2: {  	v7 =	vadd.f32 $-1.000000000e+00, v7  }
0xa3: {  	v31 =	vmul.f32 $2.606629950e-02, v6  }
0xa4: {  	v32 =	vmul.f32 $2.606629950e-02, v7  }
0xa5: {  	v8 =	vsub.f32 $1.219141410e-01, v31  }
0xa6: {  	v9 =	vsub.f32 $1.219141410e-01, v32  }
0xa7: {  	v8 =	vmul.f32 v8, v6  }
0xa8: {  	v9 =	vmul.f32 v9, v7  }
0xa9: {  	v8 =	vadd.f32 $-2.773650590e-01, v8  }
0xaa: {  	v9 =	vadd.f32 $-2.773650590e-01, v9  }
0xab: {  	v8 =	vmul.f32 v8, v6  }
0xac: {  	v9 =	vmul.f32 v9, v7  }
0xad: {  	v33 =	vadd.f32 $4.568941590e-01, v8  }
0xae: {  	v34 =	vadd.f32 $4.568941590e-01, v9  }
0xaf: {  	v0 =	vadd.f32 v2, v0;
	v2 =	vmul.f32 v33, v6  }
0xb0: {  	v1 =	vadd.f32 v3, v1;
	v8 =	vmul.f32 v34, v7  }
0xb1: {  	v0 =	vmul.f32 $5.000000000e-01, v0;
	v2 =	vadd.f32 $-7.178983690e-01, v2  }
0xb2: {  	v35 =	vmul.f32 $5.000000000e-01, v27;
	v1 =	vmul.f32 $5.000000000e-01, v1;
	v8 =	vadd.f32 $-7.178983690e-01, v8  }
0xb3: {  	v36 =	vmul.f32 $5.000000000e-01, v28;
	v2 =	vmul.f32 v2, v6  }
0xb4: {  	v39 =	vmul.f32 v28, v27;
	[tilespmem:$0x9CA0] =	vst v27;
	v8 =	vmul.f32 v8, v7  }
0xb5: {  	v40 =	vshra.s32 v27, $0x17;
	[tilespmem:$0x9DA0] =	vst v28;
	v3 =	vadd.f32 v35, v0;
	v2 =	vadd.f32 $1.442517040e+00, v2  }
0xb6: {  	v42 =	vshra.s32 v28, $0x17;
	v41 =	vadd.s32 $0xFFFFFF81, v40;
	[tilespmem:$0x99A0] =	vst v39;
	v8 =	vadd.f32 $1.442517040e+00, v8  }
0xb7: {  	v46 =	vld [tilespmem:$0x1FD70];
	v43 =	vadd.s32 $0xFFFFFF81, v42;
	[tilespmem:$0x97A0] =	vst v3;
	v3 =	vcvt.s32.f32 v41;
	v2 =	vmul.f32 v2, v6  }
0xb8: {  	v47 =	vld [tilespmem:$0x1FD80];
	v37 =	vsub.f32 v0, v35;
	[tilespmem:$0x9AA0] =	vst v0;
	v7 =	vmul.f32 v8, v7;
	v6 =	vcvt.s32.f32 v43  }
0xb9: {  	v48 =	vld [tilespmem:$0x1FD90];
	v38 =	vsub.f32 v1, v36;
	[tilespmem:$0x9BA0] =	vst v1;
	v44 =	vadd.f32 v3, v2  }
0xba: {  	v49 =	vld [tilespmem:$0x1FDA0];
	[tilespmem:$0x95A0] =	vst v37;
	v9 =	vadd.f32 v36, v1;
	v45 =	vadd.f32 v6, v7  }
0xbb: {  	[tilespmem:$0x96A0] =	vst v38;
	v0 =	vmul.f32 $6.931471820e-01, v44  }
0xbc: {  	[tilespmem:$0x98A0] =	vst v9;
	v1 =	vmul.f32 $6.931471820e-01, v45  }
0xbd: {  	[tilespmem:$0x9EA0] =	vst v0  }
0xbe: {  	[tilespmem:$0x9FA0] =	vst v1  }
0xbf: {  	v0 =	vld.idx.msk [tilespmem:v46+s11+$0x0], $0xffff  }
0xc0: {  	v1 =	vld.idx.msk [tilespmem:v47+s11+$0x0], $0xffff  }
0xc1: {  	v2 =	vld.idx.msk [tilespmem:v48+s11+$0x0], $0xffff  }
0xc2: {  	v3 =	vld.idx.msk [tilespmem:v49+s11+$0x0], $0xffff;
	_ =	sdelay $0x3  }
0xc3: {  	v50 =	vsub.f32 v2, v0  }
0xc4: {  	v51 =	vsub.f32 v3, v1  }
0xc5: {  	v52 =	vand.u32 $0x7FFFFF, v50  }
0xc6: {  	v53 =	vand.u32 $0x7FFFFF, v51;
	v6 =	vor.u32 $0x3F800000, v52  }
0xc7: {  	v7 =	vor.u32 $0x3F800000, v53;
	v6 =	vadd.f32 $-1.000000000e+00, v6  }
0xc8: {  	v7 =	vadd.f32 $-1.000000000e+00, v7  }
0xc9: {  	v54 =	vmul.f32 $2.606629950e-02, v6  }
0xca: {  	v55 =	vmul.f32 $2.606629950e-02, v7  }
0xcb: {  	v8 =	vsub.f32 $1.219141410e-01, v54  }
0xcc: {  	v9 =	vsub.f32 $1.219141410e-01, v55  }
0xcd: {  	v8 =	vmul.f32 v8, v6  }
0xce: {  	v9 =	vmul.f32 v9, v7  }
0xcf: {  	v8 =	vadd.f32 $-2.773650590e-01, v8  }
0xd0: {  	v9 =	vadd.f32 $-2.773650590e-01, v9  }
0xd1: {  	v8 =	vmul.f32 v8, v6  }
0xd2: {  	v9 =	vmul.f32 v9, v7  }
0xd3: {  	v57 =	vadd.f32 $4.568941590e-01, v8  }
0xd4: {  	v58 =	vadd.f32 $4.568941590e-01, v9  }
0xd5: {  	v0 =	vadd.f32 v2, v0;
	v2 =	vmul.f32 v57, v6  }
0xd6: {  	v1 =	vadd.f32 v3, v1;
	v8 =	vmul.f32 v58, v7  }
0xd7: {  	v0 =	vmul.f32 $5.000000000e-01, v0;
	v2 =	vadd.f32 $-7.178983690e-01, v2  }
0xd8: {  	v59 =	vmul.f32 $5.000000000e-01, v50;
	v1 =	vmul.f32 $5.000000000e-01, v1;
	v8 =	vadd.f32 $-7.178983690e-01, v8  }
0xd9: {  	v60 =	vmul.f32 $5.000000000e-01, v51;
	v2 =	vmul.f32 v2, v6  }
0xda: {  	v63 =	vmul.f32 v51, v50;
	[tilespmem:$0x9CB0] =	vst v50;
	v8 =	vmul.f32 v8, v7  }
0xdb: {  	v12 =	vshra.s32 v50, $0x17;
	[tilespmem:$0x9DB0] =	vst v51;
	v3 =	vadd.f32 v59, v0;
	v2 =	vadd.f32 $1.442517040e+00, v2  }
0xdc: {  	v14 =	vshra.s32 v51, $0x17;
	v13 =	vadd.s32 $0xFFFFFF81, v12;
	[tilespmem:$0x99B0] =	vst v63;
	v8 =	vadd.f32 $1.442517040e+00, v8  }
0xdd: {  	v18 =	vld [tilespmem:$0x1FDB0];
	v15 =	vadd.s32 $0xFFFFFF81, v14;
	[tilespmem:$0x97B0] =	vst v3;
	v3 =	vcvt.s32.f32 v13;
	v2 =	vmul.f32 v2, v6  }
0xde: {  	v19 =	vld [tilespmem:$0x1FDC0];
	v61 =	vsub.f32 v0, v59;
	[tilespmem:$0x9AB0] =	vst v0;
	v7 =	vmul.f32 v8, v7;
	v6 =	vcvt.s32.f32 v15  }
0xdf: {  	v20 =	vld [tilespmem:$0x1FDD0];
	v62 =	vsub.f32 v1, v60;
	[tilespmem:$0x9BB0] =	vst v1;
	v16 =	vadd.f32 v3, v2  }
0xe0: {  	v21 =	vld [tilespmem:$0x1FDE0];
	[tilespmem:$0x95B0] =	vst v61;
	v9 =	vadd.f32 v60, v1;
	v17 =	vadd.f32 v6, v7  }
0xe1: {  	[tilespmem:$0x96B0] =	vst v62;
	v0 =	vmul.f32 $6.931471820e-01, v16  }
0xe2: {  	[tilespmem:$0x98B0] =	vst v9;
	v1 =	vmul.f32 $6.931471820e-01, v17  }
0xe3: {  	[tilespmem:$0x9EB0] =	vst v0  }
0xe4: {  	[tilespmem:$0x9FB0] =	vst v1  }
0xe5: {  	v0 =	vld.idx.msk [tilespmem:v18+s11+$0x0], $0xffff  }
0xe6: {  	v1 =	vld.idx.msk [tilespmem:v19+s11+$0x0], $0xffff  }
0xe7: {  	v2 =	vld.idx.msk [tilespmem:v20+s11+$0x0], $0xffff  }
0xe8: {  	v3 =	vld.idx.msk [tilespmem:v21+s11+$0x0], $0xffff;
	_ =	sdelay $0x3  }
0xe9: {  	v22 =	vsub.f32 v2, v0  }
0xea: {  	v23 =	vsub.f32 v3, v1  }
0xeb: {  	v24 =	vand.u32 $0x7FFFFF, v22  }
0xec: {  	v25 =	vand.u32 $0x7FFFFF, v23;
	v6 =	vor.u32 $0x3F800000, v24  }
0xed: {  	v7 =	vor.u32 $0x3F800000, v25;
	v6 =	vadd.f32 $-1.000000000e+00, v6  }
0xee: {  	v7 =	vadd.f32 $-1.000000000e+00, v7  }
0xef: {  	v26 =	vmul.f32 $2.606629950e-02, v6  }
0xf0: {  	v27 =	vmul.f32 $2.606629950e-02, v7  }
0xf1: {  	v8 =	vsub.f32 $1.219141410e-01, v26  }
0xf2: {  	v9 =	vsub.f32 $1.219141410e-01, v27  }
0xf3: {  	v8 =	vmul.f32 v8, v6  }
0xf4: {  	v9 =	vmul.f32 v9, v7  }
0xf5: {  	v8 =	vadd.f32 $-2.773650590e-01, v8  }
0xf6: {  	v9 =	vadd.f32 $-2.773650590e-01, v9  }
0xf7: {  	v8 =	vmul.f32 v8, v6  }
0xf8: {  	v9 =	vmul.f32 v9, v7  }
0xf9: {  	v28 =	vadd.f32 $4.568941590e-01, v8  }
0xfa: {  	v29 =	vadd.f32 $4.568941590e-01, v9  }
0xfb: {  	v0 =	vadd.f32 v2, v0;
	v2 =	vmul.f32 v28, v6  }
0xfc: {  	v1 =	vadd.f32 v3, v1;
	v8 =	vmul.f32 v29, v7  }
0xfd: {  	v0 =	vmul.f32 $5.000000000e-01, v0;
	v2 =	vadd.f32 $-7.178983690e-01, v2  }
0xfe: {  	v30 =	vmul.f32 $5.000000000e-01, v22;
	v1 =	vmul.f32 $5.000000000e-01, v1;
	v8 =	vadd.f32 $-7.178983690e-01, v8  }
0xff: {  	v31 =	vmul.f32 $5.000000000e-01, v23;
	v2 =	vmul.f32 v2, v6  }
0x100: {  	v34 =	vmul.f32 v23, v22;
	[tilespmem:$0x9CC0] =	vst v22;
	v8 =	vmul.f32 v8, v7  }
0x101: {  	v35 =	vshra.s32 v22, $0x17;
	[tilespmem:$0x9DC0] =	vst v23;
	v3 =	vadd.f32 v30, v0;
	v2 =	vadd.f32 $1.442517040e+00, v2  }
0x102: {  	v37 =	vshra.s32 v23, $0x17;
	v36 =	vadd.s32 $0xFFFFFF81, v35;
	[tilespmem:$0x99C0] =	vst v34;
	v8 =	vadd.f32 $1.442517040e+00, v8  }
0x103: {  	v41 =	vld [tilespmem:$0x1FDF0];
	v38 =	vadd.s32 $0xFFFFFF81, v37;
	[tilespmem:$0x97C0] =	vst v3;
	v3 =	vcvt.s32.f32 v36;
	v2 =	vmul.f32 v2, v6  }
0x104: {  	v42 =	vld [tilespmem:$0x1FE00];
	v32 =	vsub.f32 v0, v30;
	[tilespmem:$0x9AC0] =	vst v0;
	v7 =	vmul.f32 v8, v7;
	v6 =	vcvt.s32.f32 v38  }
0x105: {  	v43 =	vld [tilespmem:$0x1FE10];
	v33 =	vsub.f32 v1, v31;
	[tilespmem:$0x9BC0] =	vst v1;
	v39 =	vadd.f32 v3, v2  }
0x106: {  	v44 =	vld [tilespmem:$0x1FE20];
	[tilespmem:$0x95C0] =	vst v32;
	v9 =	vadd.f32 v31, v1;
	v40 =	vadd.f32 v6, v7  }
0x107: {  	[tilespmem:$0x96C0] =	vst v33;
	v0 =	vmul.f32 $6.931471820e-01, v39  }
0x108: {  	[tilespmem:$0x98C0] =	vst v9;
	v1 =	vmul.f32 $6.931471820e-01, v40  }
0x109: {  	[tilespmem:$0x9EC0] =	vst v0  }
0x10a: {  	[tilespmem:$0x9FC0] =	vst v1  }
0x10b: {  	v0 =	vld.idx.msk [tilespmem:v41+s11+$0x0], $0xffff  }
0x10c: {  	v1 =	vld.idx.msk [tilespmem:v42+s11+$0x0], $0xffff  }
0x10d: {  	v2 =	vld.idx.msk [tilespmem:v43+s11+$0x0], $0xffff  }
0x10e: {  	v3 =	vld.idx.msk [tilespmem:v44+s11+$0x0], $0xffff;
	_ =	sdelay $0x3  }
0x10f: {  	v45 =	vsub.f32 v2, v0  }
0x110: {  	v46 =	vsub.f32 v3, v1  }
0x111: {  	v47 =	vand.u32 $0x7FFFFF, v45  }
0x112: {  	v48 =	vand.u32 $0x7FFFFF, v46;
	v6 =	vor.u32 $0x3F800000, v47  }
0x113: {  	v7 =	vor.u32 $0x3F800000, v48;
	v6 =	vadd.f32 $-1.000000000e+00, v6  }
0x114: {  	v7 =	vadd.f32 $-1.000000000e+00, v7  }
0x115: {  	v49 =	vmul.f32 $2.606629950e-02, v6  }
0x116: {  	v50 =	vmul.f32 $2.606629950e-02, v7  }
0x117: {  	v8 =	vsub.f32 $1.219141410e-01, v49  }
0x118: {  	v9 =	vsub.f32 $1.219141410e-01, v50  }
0x119: {  	v8 =	vmul.f32 v8, v6  }
0x11a: {  	v9 =	vmul.f32 v9, v7  }
0x11b: {  	v8 =	vadd.f32 $-2.773650590e-01, v8  }
0x11c: {  	v9 =	vadd.f32 $-2.773650590e-01, v9  }
0x11d: {  	v8 =	vmul.f32 v8, v6  }
0x11e: {  	v9 =	vmul.f32 v9, v7  }
0x11f: {  	v51 =	vadd.f32 $4.568941590e-01, v8  }
0x120: {  	v52 =	vadd.f32 $4.568941590e-01, v9  }
0x121: {  	v0 =	vadd.f32 v2, v0;
	v2 =	vmul.f32 v51, v6  }
0x122: {  	v1 =	vadd.f32 v3, v1;
	v8 =	vmul.f32 v52, v7  }
0x123: {  	v0 =	vmul.f32 $5.000000000e-01, v0;
	v2 =	vadd.f32 $-7.178983690e-01, v2  }
0x124: {  	v53 =	vmul.f32 $5.000000000e-01, v45;
	v1 =	vmul.f32 $5.000000000e-01, v1;
	v8 =	vadd.f32 $-7.178983690e-01, v8  }
0x125: {  	v54 =	vmul.f32 $5.000000000e-01, v46;
	v2 =	vmul.f32 v2, v6  }
0x126: {  	v58 =	vmul.f32 v46, v45;
	[tilespmem:$0x9CD0] =	vst v45;
	v3 =	vadd.f32 v53, v0;
	v8 =	vmul.f32 v8, v7  }
0x127: {  	v59 =	vshra.s32 v45, $0x17;
	[tilespmem:$0x9DD0] =	vst v46;
	v9 =	vadd.f32 v54, v1;
	v2 =	vadd.f32 $1.442517040e+00, v2  }
0x128: {  	v61 =	vshra.s32 v46, $0x17;
	v60 =	vadd.s32 $0xFFFFFF81, v59;
	[tilespmem:$0x97D0] =	vst v3;
	v8 =	vadd.f32 $1.442517040e+00, v8  }
0x129: {  	v62 =	vadd.s32 $0xFFFFFF81, v61;
	v3 =	vcvt.s32.f32 v60;
	[tilespmem:$0x98D0] =	vst v9;
	v9 =	vld [tilespmem:$0x1FE40];
	v2 =	vmul.f32 v2, v6  }
0x12a: {  	v10 =	vld [tilespmem:$0x1FE50];
	[tilespmem:$0x99D0] =	vst v58;
	v7 =	vmul.f32 v8, v7;
	v6 =	vcvt.s32.f32 v62  }
0x12b: {  	v55 =	vsub.f32 v0, v53;
	[tilespmem:$0x9AD0] =	vst v0;
	v8 =	vld [tilespmem:$0x1FE30];
	v63 =	vadd.f32 v3, v2  }
0x12c: {  	v11 =	vld [tilespmem:$0x1FE60];
	v57 =	vsub.f32 v1, v54;
	[tilespmem:$0x9BD0] =	vst v1;
	v7 =	vadd.f32 v6, v7  }
0x12d: {  	[tilespmem:$0x95D0] =	vst v55;
	v0 =	vmul.f32 $6.931471820e-01, v63  }
0x12e: {  	[tilespmem:$0x96D0] =	vst v57;
	v1 =	vmul.f32 $6.931471820e-01, v7  }
0x12f: {  	[tilespmem:$0x9ED0] =	vst v0  }
0x130: {  	[tilespmem:$0x9FD0] =	vst v1  }
0x131: {  	v1 =	vld.idx.msk [tilespmem:v9+s11+$0x0], $0xffff  }
0x132: {  	v2 =	vld.idx.msk [tilespmem:v10+s11+$0x0], $0xffff  }
0x133: {  	v0 =	vld.idx.msk [tilespmem:v8+s11+$0x0], $0xffff  }
0x134: {  	v3 =	vld.idx.msk [tilespmem:v11+s11+$0x0], $0xffff;
	_ =	sdelay $0x3  }
0x135: {  	v12 =	vsub.f32 v2, v0  }
0x136: {  	v13 =	vsub.f32 v3, v1  }
0x137: {  	v14 =	vand.u32 $0x7FFFFF, v12  }
0x138: {  	v15 =	vand.u32 $0x7FFFFF, v13;
	v6 =	vor.u32 $0x3F800000, v14  }
0x139: {  	v7 =	vor.u32 $0x3F800000, v15;
	v6 =	vadd.f32 $-1.000000000e+00, v6  }
0x13a: {  	v7 =	vadd.f32 $-1.000000000e+00, v7  }
0x13b: {  	v16 =	vmul.f32 $2.606629950e-02, v6  }
0x13c: {  	v17 =	vmul.f32 $2.606629950e-02, v7  }
0x13d: {  	v8 =	vsub.f32 $1.219141410e-01, v16  }
0x13e: {  	v9 =	vsub.f32 $1.219141410e-01, v17  }
0x13f: {  	v8 =	vmul.f32 v8, v6  }
0x140: {  	v9 =	vmul.f32 v9, v7  }
0x141: {  	v8 =	vadd.f32 $-2.773650590e-01, v8  }
0x142: {  	v9 =	vadd.f32 $-2.773650590e-01, v9  }
0x143: {  	v8 =	vmul.f32 v8, v6  }
0x144: {  	v9 =	vmul.f32 v9, v7  }
0x145: {  	v18 =	vadd.f32 $4.568941590e-01, v8  }
0x146: {  	v19 =	vadd.f32 $4.568941590e-01, v9  }
0x147: {  	v0 =	vadd.f32 v2, v0;
	v2 =	vmul.f32 v18, v6  }
0x148: {  	v1 =	vadd.f32 v3, v1;
	v8 =	vmul.f32 v19, v7  }
0x149: {  	v2 =	vadd.f32 $-7.178983690e-01, v2  }
0x14a: {  	v1 =	vmul.f32 $5.000000000e-01, v1;
	v0 =	vmul.f32 $5.000000000e-01, v0;
	v8 =	vadd.f32 $-7.178983690e-01, v8  }
0x14b: {  	v20 =	vmul.f32 $5.000000000e-01, v12;
	v2 =	vmul.f32 v2, v6  }
0x14c: {  	v21 =	vmul.f32 $5.000000000e-01, v13;
	v27 =	vshra.s32 v13, $0x17;
	[tilespmem:$0x9DE0] =	vst v13;
	v8 =	vmul.f32 v8, v7  }
0x14d: {  	v25 =	vshra.s32 v12, $0x17;
	[tilespmem:$0x9CE0] =	vst v12;
	v3 =	vadd.f32 v20, v0;
	v2 =	vadd.f32 $1.442517040e+00, v2  }
0x14e: {  	v24 =	vmul.f32 v13, v12;
	v26 =	vadd.s32 $0xFFFFFF81, v25;
	[tilespmem:$0x9BE0] =	vst v1;
	v8 =	vadd.f32 $1.442517040e+00, v8  }
0x14f: {  	v31 =	vld [tilespmem:$0x1FE70];
	v28 =	vadd.s32 $0xFFFFFF81, v27;
	[tilespmem:$0x97E0] =	vst v3;
	v3 =	vcvt.s32.f32 v26;
	v2 =	vmul.f32 v2, v6  }
0x150: {  	v32 =	vld [tilespmem:$0x1FE80];
	v23 =	vsub.f32 v1, v21;
	[tilespmem:$0x99E0] =	vst v24;
	v7 =	vmul.f32 v8, v7;
	v6 =	vcvt.s32.f32 v28  }
0x151: {  	v33 =	vld [tilespmem:$0x1FE90];
	v22 =	vsub.f32 v0, v20;
	[tilespmem:$0x9AE0] =	vst v0;
	v29 =	vadd.f32 v3, v2  }
0x152: {  	v34 =	vld [tilespmem:$0x1FEA0];
	[tilespmem:$0x96E0] =	vst v23;
	v9 =	vadd.f32 v21, v1;
	v30 =	vadd.f32 v6, v7  }
0x153: {  	[tilespmem:$0x95E0] =	vst v22;
	v0 =	vmul.f32 $6.931471820e-01, v29  }
0x154: {  	[tilespmem:$0x98E0] =	vst v9;
	v1 =	vmul.f32 $6.931471820e-01, v30  }
0x155: {  	[tilespmem:$0x9EE0] =	vst v0  }
0x156: {  	[tilespmem:$0x9FE0] =	vst v1  }
0x157: {  	v0 =	vld.idx.msk [tilespmem:v31+s11+$0x0], $0xffff  }
0x158: {  	v1 =	vld.idx.msk [tilespmem:v32+s11+$0x0], $0xffff  }
0x159: {  	v2 =	vld.idx.msk [tilespmem:v33+s11+$0x0], $0xffff  }
0x15a: {  	v3 =	vld.idx.msk [tilespmem:v34+s11+$0x0], $0xffff;
	_ =	sdelay $0x3  }
0x15b: {  	v35 =	vsub.f32 v2, v0  }
0x15c: {  	v36 =	vsub.f32 v3, v1  }
0x15d: {  	v37 =	vand.u32 $0x7FFFFF, v35  }
0x15e: {  	v38 =	vand.u32 $0x7FFFFF, v36;
	v6 =	vor.u32 $0x3F800000, v37  }
0x15f: {  	v7 =	vor.u32 $0x3F800000, v38;
	v6 =	vadd.f32 $-1.000000000e+00, v6  }
0x160: {  	v7 =	vadd.f32 $-1.000000000e+00, v7  }
0x161: {  	v39 =	vmul.f32 $2.606629950e-02, v6  }
0x162: {  	v40 =	vmul.f32 $2.606629950e-02, v7  }
0x163: {  	v8 =	vsub.f32 $1.219141410e-01, v39  }
0x164: {  	v9 =	vsub.f32 $1.219141410e-01, v40  }
0x165: {  	v8 =	vmul.f32 v8, v6  }
0x166: {  	v9 =	vmul.f32 v9, v7  }
0x167: {  	v8 =	vadd.f32 $-2.773650590e-01, v8  }
0x168: {  	v9 =	vadd.f32 $-2.773650590e-01, v9  }
0x169: {  	v8 =	vmul.f32 v8, v6  }
0x16a: {  	v9 =	vmul.f32 v9, v7  }
0x16b: {  	v41 =	vadd.f32 $4.568941590e-01, v8  }
0x16c: {  	v42 =	vadd.f32 $4.568941590e-01, v9  }
0x16d: {  	v0 =	vadd.f32 v2, v0;
	v2 =	vmul.f32 v41, v6  }
0x16e: {  	v1 =	vadd.f32 v3, v1;
	v8 =	vmul.f32 v42, v7  }
0x16f: {  	v0 =	vmul.f32 $5.000000000e-01, v0;
	v2 =	vadd.f32 $-7.178983690e-01, v2  }
0x170: {  	v43 =	vmul.f32 $5.000000000e-01, v35;
	v1 =	vmul.f32 $5.000000000e-01, v1;
	v8 =	vadd.f32 $-7.178983690e-01, v8  }
0x171: {  	v44 =	vmul.f32 $5.000000000e-01, v36;
	v2 =	vmul.f32 v2, v6  }
0x172: {  	v47 =	vmul.f32 v36, v35;
	[tilespmem:$0x9CF0] =	vst v35;
	v8 =	vmul.f32 v8, v7  }
0x173: {  	v48 =	vshra.s32 v35, $0x17;
	[tilespmem:$0x9DF0] =	vst v36;
	v3 =	vadd.f32 v43, v0;
	v2 =	vadd.f32 $1.442517040e+00, v2  }
0x174: {  	v50 =	vshra.s32 v36, $0x17;
	v49 =	vadd.s32 $0xFFFFFF81, v48;
	[tilespmem:$0x99F0] =	vst v47;
	v8 =	vadd.f32 $1.442517040e+00, v8  }
0x175: {  	v54 =	vld [tilespmem:$0x1FEB0];
	v51 =	vadd.s32 $0xFFFFFF81, v50;
	[tilespmem:$0x97F0] =	vst v3;
	v3 =	vcvt.s32.f32 v49;
	v2 =	vmul.f32 v2, v6  }
0x176: {  	v55 =	vld [tilespmem:$0x1FEC0];
	v45 =	vsub.f32 v0, v43;
	[tilespmem:$0x9AF0] =	vst v0;
	v7 =	vmul.f32 v8, v7;
	v6 =	vcvt.s32.f32 v51  }
0x177: {  	v57 =	vld [tilespmem:$0x1FED0];
	v46 =	vsub.f32 v1, v44;
	[tilespmem:$0x9BF0] =	vst v1;
	v52 =	vadd.f32 v3, v2  }
0x178: {  	v58 =	vld [tilespmem:$0x1FEE0];
	[tilespmem:$0x95F0] =	vst v45;
	v9 =	vadd.f32 v44, v1;
	v53 =	vadd.f32 v6, v7  }
0x179: {  	[tilespmem:$0x96F0] =	vst v46;
	v0 =	vmul.f32 $6.931471820e-01, v52  }
0x17a: {  	[tilespmem:$0x98F0] =	vst v9;
	v1 =	vmul.f32 $6.931471820e-01, v53  }
0x17b: {  	[tilespmem:$0x9EF0] =	vst v0  }
0x17c: {  	[tilespmem:$0x9FF0] =	vst v1  }
0x17d: {  	v0 =	vld.idx.msk [tilespmem:v54+s11+$0x0], $0xffff  }
0x17e: {  	v1 =	vld.idx.msk [tilespmem:v55+s11+$0x0], $0xffff  }
0x17f: {  	v2 =	vld.idx.msk [tilespmem:v57+s11+$0x0], $0xffff  }
0x180: {  	v3 =	vld.idx.msk [tilespmem:v58+s11+$0x0], $0xffff;
	_ =	sdelay $0x3  }
0x181: {  	v59 =	vsub.f32 v2, v0  }
0x182: {  	v60 =	vsub.f32 v3, v1  }
0x183: {  	v61 =	vand.u32 $0x7FFFFF, v59  }
0x184: {  	v62 =	vand.u32 $0x7FFFFF, v60;
	v6 =	vor.u32 $0x3F800000, v61  }
0x185: {  	v7 =	vor.u32 $0x3F800000, v62;
	v6 =	vadd.f32 $-1.000000000e+00, v6  }
0x186: {  	v7 =	vadd.f32 $-1.000000000e+00, v7  }
0x187: {  	v63 =	vmul.f32 $2.606629950e-02, v6  }
0x188: {  	v12 =	vmul.f32 $2.606629950e-02, v7  }
0x189: {  	v8 =	vsub.f32 $1.219141410e-01, v63  }
0x18a: {  	v9 =	vsub.f32 $1.219141410e-01, v12  }
0x18b: {  	v8 =	vmul.f32 v8, v6  }
0x18c: {  	v9 =	vmul.f32 v9, v7  }
0x18d: {  	v8 =	vadd.f32 $-2.773650590e-01, v8  }
0x18e: {  	v9 =	vadd.f32 $-2.773650590e-01, v9  }
0x18f: {  	v8 =	vmul.f32 v8, v6  }
0x190: {  	v9 =	vmul.f32 v9, v7  }
0x191: {  	v13 =	vadd.f32 $4.568941590e-01, v8  }
0x192: {  	v14 =	vadd.f32 $4.568941590e-01, v9  }
0x193: {  	v0 =	vadd.f32 v2, v0;
	v2 =	vmul.f32 v13, v6  }
0x194: {  	v1 =	vadd.f32 v3, v1;
	v8 =	vmul.f32 v14, v7  }
0x195: {  	v0 =	vmul.f32 $5.000000000e-01, v0;
	v2 =	vadd.f32 $-7.178983690e-01, v2  }
0x196: {  	v15 =	vmul.f32 $5.000000000e-01, v59;
	v1 =	vmul.f32 $5.000000000e-01, v1;
	v8 =	vadd.f32 $-7.178983690e-01, v8  }
0x197: {  	v16 =	vmul.f32 $5.000000000e-01, v60;
	v2 =	vmul.f32 v2, v6  }
0x198: {  	v19 =	vmul.f32 v60, v59;
	[tilespmem:$0x9D00] =	vst v59;
	v8 =	vmul.f32 v8, v7  }
0x199: {  	v20 =	vshra.s32 v59, $0x17;
	[tilespmem:$0x9E00] =	vst v60;
	v3 =	vadd.f32 v15, v0;
	v2 =	vadd.f32 $1.442517040e+00, v2  }
0x19a: {  	v22 =	vshra.s32 v60, $0x17;
	v21 =	vadd.s32 $0xFFFFFF81, v20;
	[tilespmem:$0x9A00] =	vst v19;
	v8 =	vadd.f32 $1.442517040e+00, v8  }
0x19b: {  	v26 =	vld [tilespmem:$0x1FEF0];
	v23 =	vadd.s32 $0xFFFFFF81, v22;
	[tilespmem:$0x9800] =	vst v3;
	v3 =	vcvt.s32.f32 v21;
	v2 =	vmul.f32 v2, v6  }
0x19c: {  	v27 =	vld [tilespmem:$0x1FF00];
	v17 =	vsub.f32 v0, v15;
	[tilespmem:$0x9B00] =	vst v0;
	v7 =	vmul.f32 v8, v7;
	v6 =	vcvt.s32.f32 v23  }
0x19d: {  	v28 =	vld [tilespmem:$0x1FF10];
	v18 =	vsub.f32 v1, v16;
	[tilespmem:$0x9C00] =	vst v1;
	v24 =	vadd.f32 v3, v2  }
0x19e: {  	v29 =	vld [tilespmem:$0x1FF20];
	[tilespmem:$0x9600] =	vst v17;
	v9 =	vadd.f32 v16, v1;
	v25 =	vadd.f32 v6, v7  }
0x19f: {  	[tilespmem:$0x9700] =	vst v18;
	v0 =	vmul.f32 $6.931471820e-01, v24  }
0x1a0: {  	[tilespmem:$0x9900] =	vst v9;
	v1 =	vmul.f32 $6.931471820e-01, v25  }
0x1a1: {  	[tilespmem:$0x9F00] =	vst v0  }
0x1a2: {  	[tilespmem:$0xA000] =	vst v1  }
0x1a3: {  	v0 =	vld.idx.msk [tilespmem:v26+s11+$0x0], $0xffff  }
0x1a4: {  	v1 =	vld.idx.msk [tilespmem:v27+s11+$0x0], $0xffff  }
0x1a5: {  	v2 =	vld.idx.msk [tilespmem:v28+s11+$0x0], $0xffff  }
0x1a6: {  	v3 =	vld.idx.msk [tilespmem:v29+s11+$0x0], $0xffff;
	_ =	sdelay $0x3  }
0x1a7: {  	v30 =	vsub.f32 v2, v0  }
0x1a8: {  	v31 =	vsub.f32 v3, v1  }
0x1a9: {  	v32 =	vand.u32 $0x7FFFFF, v30  }
0x1aa: {  	v33 =	vand.u32 $0x7FFFFF, v31;
	v6 =	vor.u32 $0x3F800000, v32  }
0x1ab: {  	v7 =	vor.u32 $0x3F800000, v33;
	v6 =	vadd.f32 $-1.000000000e+00, v6  }
0x1ac: {  	v7 =	vadd.f32 $-1.000000000e+00, v7  }
0x1ad: {  	v34 =	vmul.f32 $2.606629950e-02, v6  }
0x1ae: {  	v35 =	vmul.f32 $2.606629950e-02, v7  }
0x1af: {  	v8 =	vsub.f32 $1.219141410e-01, v34  }
0x1b0: {  	v9 =	vsub.f32 $1.219141410e-01, v35  }
0x1b1: {  	v8 =	vmul.f32 v8, v6  }
0x1b2: {  	v9 =	vmul.f32 v9, v7  }
0x1b3: {  	v8 =	vadd.f32 $-2.773650590e-01, v8  }
0x1b4: {  	v9 =	vadd.f32 $-2.773650590e-01, v9  }
0x1b5: {  	v8 =	vmul.f32 v8, v6  }
0x1b6: {  	v9 =	vmul.f32 v9, v7  }
0x1b7: {  	v36 =	vadd.f32 $4.568941590e-01, v8  }
0x1b8: {  	v37 =	vadd.f32 $4.568941590e-01, v9  }
0x1b9: {  	v0 =	vadd.f32 v2, v0;
	v2 =	vmul.f32 v36, v6  }
0x1ba: {  	v1 =	vadd.f32 v3, v1;
	v8 =	vmul.f32 v37, v7  }
0x1bb: {  	v0 =	vmul.f32 $5.000000000e-01, v0;
	v2 =	vadd.f32 $-7.178983690e-01, v2  }
0x1bc: {  	v38 =	vmul.f32 $5.000000000e-01, v30;
	v1 =	vmul.f32 $5.000000000e-01, v1;
	v8 =	vadd.f32 $-7.178983690e-01, v8  }
0x1bd: {  	v39 =	vmul.f32 $5.000000000e-01, v31;
	v2 =	vmul.f32 v2, v6  }
0x1be: {  	v42 =	vmul.f32 v31, v30;
	[tilespmem:$0x9D10] =	vst v30;
	v8 =	vmul.f32 v8, v7  }
0x1bf: {  	v43 =	vshra.s32 v30, $0x17;
	[tilespmem:$0x9E10] =	vst v31;
	v3 =	vadd.f32 v38, v0;
	v2 =	vadd.f32 $1.442517040e+00, v2  }
0x1c0: {  	v45 =	vshra.s32 v31, $0x17;
	v44 =	vadd.s32 $0xFFFFFF81, v43;
	[tilespmem:$0x9A10] =	vst v42;
	v8 =	vadd.f32 $1.442517040e+00, v8  }
0x1c1: {  	v49 =	vld [tilespmem:$0x1FF30];
	v46 =	vadd.s32 $0xFFFFFF81, v45;
	[tilespmem:$0x9810] =	vst v3;
	v3 =	vcvt.s32.f32 v44;
	v2 =	vmul.f32 v2, v6  }
0x1c2: {  	v50 =	vld [tilespmem:$0x1FF40];
	v40 =	vsub.f32 v0, v38;
	[tilespmem:$0x9B10] =	vst v0;
	v7 =	vmul.f32 v8, v7;
	v6 =	vcvt.s32.f32 v46  }
0x1c3: {  	v51 =	vld [tilespmem:$0x1FF50];
	v41 =	vsub.f32 v1, v39;
	[tilespmem:$0x9C10] =	vst v1;
	v47 =	vadd.f32 v3, v2  }
0x1c4: {  	v52 =	vld [tilespmem:$0x1FF60];
	[tilespmem:$0x9610] =	vst v40;
	v9 =	vadd.f32 v39, v1;
	v48 =	vadd.f32 v6, v7  }
0x1c5: {  	[tilespmem:$0x9710] =	vst v41;
	v0 =	vmul.f32 $6.931471820e-01, v47  }
0x1c6: {  	[tilespmem:$0x9910] =	vst v9;
	v1 =	vmul.f32 $6.931471820e-01, v48  }
0x1c7: {  	[tilespmem:$0x9F10] =	vst v0  }
0x1c8: {  	[tilespmem:$0xA010] =	vst v1  }
0x1c9: {  	v0 =	vld.idx.msk [tilespmem:v49+s11+$0x0], $0xffff  }
0x1ca: {  	v1 =	vld.idx.msk [tilespmem:v50+s11+$0x0], $0xffff  }
0x1cb: {  	v2 =	vld.idx.msk [tilespmem:v51+s11+$0x0], $0xffff  }
0x1cc: {  	v3 =	vld.idx.msk [tilespmem:v52+s11+$0x0], $0xffff;
	_ =	sdelay $0x3  }
0x1cd: {  	v53 =	vsub.f32 v2, v0  }
0x1ce: {  	v54 =	vsub.f32 v3, v1  }
0x1cf: {  	v55 =	vand.u32 $0x7FFFFF, v53  }
0x1d0: {  	v57 =	vand.u32 $0x7FFFFF, v54;
	v6 =	vor.u32 $0x3F800000, v55  }
0x1d1: {  	v7 =	vor.u32 $0x3F800000, v57;
	v6 =	vadd.f32 $-1.000000000e+00, v6  }
0x1d2: {  	v7 =	vadd.f32 $-1.000000000e+00, v7  }
0x1d3: {  	v58 =	vmul.f32 $2.606629950e-02, v6  }
0x1d4: {  	v59 =	vmul.f32 $2.606629950e-02, v7  }
0x1d5: {  	v8 =	vsub.f32 $1.219141410e-01, v58  }
0x1d6: {  	v9 =	vsub.f32 $1.219141410e-01, v59  }
0x1d7: {  	v8 =	vmul.f32 v8, v6  }
0x1d8: {  	v9 =	vmul.f32 v9, v7  }
0x1d9: {  	v8 =	vadd.f32 $-2.773650590e-01, v8  }
0x1da: {  	v9 =	vadd.f32 $-2.773650590e-01, v9  }
0x1db: {  	v8 =	vmul.f32 v8, v6  }
0x1dc: {  	v9 =	vmul.f32 v9, v7  }
0x1dd: {  	v60 =	vadd.f32 $4.568941590e-01, v8  }
0x1de: {  	v61 =	vadd.f32 $4.568941590e-01, v9  }
0x1df: {  	v0 =	vadd.f32 v2, v0;
	v2 =	vmul.f32 v60, v6  }
0x1e0: {  	v1 =	vadd.f32 v3, v1;
	v8 =	vmul.f32 v61, v7  }
0x1e1: {  	v0 =	vmul.f32 $5.000000000e-01, v0;
	v2 =	vadd.f32 $-7.178983690e-01, v2  }
0x1e2: {  	v62 =	vmul.f32 $5.000000000e-01, v53;
	v1 =	vmul.f32 $5.000000000e-01, v1;
	v8 =	vadd.f32 $-7.178983690e-01, v8  }
0x1e3: {  	v63 =	vmul.f32 $5.000000000e-01, v54;
	v2 =	vmul.f32 v2, v6  }
0x1e4: {  	v14 =	vmul.f32 v54, v53;
	[tilespmem:$0x9D20] =	vst v53;
	v8 =	vmul.f32 v8, v7  }
0x1e5: {  	v15 =	vshra.s32 v53, $0x17;
	[tilespmem:$0x9E20] =	vst v54;
	v3 =	vadd.f32 v62, v0;
	v2 =	vadd.f32 $1.442517040e+00, v2  }
0x1e6: {  	v17 =	vshra.s32 v54, $0x17;
	v16 =	vadd.s32 $0xFFFFFF81, v15;
	[tilespmem:$0x9A20] =	vst v14;
	v8 =	vadd.f32 $1.442517040e+00, v8  }
0x1e7: {  	v21 =	vld [tilespmem:$0x1FF70];
	v18 =	vadd.s32 $0xFFFFFF81, v17;
	[tilespmem:$0x9820] =	vst v3;
	v3 =	vcvt.s32.f32 v16;
	v2 =	vmul.f32 v2, v6  }
0x1e8: {  	v22 =	vld [tilespmem:$0x1FF80];
	v12 =	vsub.f32 v0, v62;
	[tilespmem:$0x9B20] =	vst v0;
	v7 =	vmul.f32 v8, v7;
	v6 =	vcvt.s32.f32 v18  }
0x1e9: {  	v23 =	vld [tilespmem:$0x1FF90];
	v13 =	vsub.f32 v1, v63;
	[tilespmem:$0x9C20] =	vst v1;
	v19 =	vadd.f32 v3, v2  }
0x1ea: {  	v24 =	vld [tilespmem:$0x1FFA0];
	[tilespmem:$0x9620] =	vst v12;
	v9 =	vadd.f32 v63, v1;
	v20 =	vadd.f32 v6, v7  }
0x1eb: {  	[tilespmem:$0x9720] =	vst v13;
	v0 =	vmul.f32 $6.931471820e-01, v19  }
0x1ec: {  	[tilespmem:$0x9920] =	vst v9;
	v1 =	vmul.f32 $6.931471820e-01, v20  }
0x1ed: {  	[tilespmem:$0x9F20] =	vst v0  }
0x1ee: {  	[tilespmem:$0xA020] =	vst v1  }
0x1ef: {  	v0 =	vld.idx.msk [tilespmem:v21+s11+$0x0], $0xffff  }
0x1f0: {  	v1 =	vld.idx.msk [tilespmem:v22+s11+$0x0], $0xffff  }
0x1f1: {  	v2 =	vld.idx.msk [tilespmem:v23+s11+$0x0], $0xffff  }
0x1f2: {  	v3 =	vld.idx.msk [tilespmem:v24+s11+$0x0], $0xffff;
	_ =	sdelay $0x3  }
0x1f3: {  	v25 =	vsub.f32 v2, v0  }
0x1f4: {  	v26 =	vsub.f32 v3, v1  }
0x1f5: {  	v27 =	vand.u32 $0x7FFFFF, v25  }
0x1f6: {  	v28 =	vand.u32 $0x7FFFFF, v26;
	v6 =	vor.u32 $0x3F800000, v27  }
0x1f7: {  	v7 =	vor.u32 $0x3F800000, v28;
	v6 =	vadd.f32 $-1.000000000e+00, v6  }
0x1f8: {  	v7 =	vadd.f32 $-1.000000000e+00, v7  }
0x1f9: {  	v29 =	vmul.f32 $2.606629950e-02, v6  }
0x1fa: {  	v30 =	vmul.f32 $2.606629950e-02, v7  }
0x1fb: {  	v8 =	vsub.f32 $1.219141410e-01, v29  }
0x1fc: {  	v9 =	vsub.f32 $1.219141410e-01, v30  }
0x1fd: {  	v8 =	vmul.f32 v8, v6  }
0x1fe: {  	v9 =	vmul.f32 v9, v7  }
0x1ff: {  	v8 =	vadd.f32 $-2.773650590e-01, v8  }
0x200: {  	v9 =	vadd.f32 $-2.773650590e-01, v9  }
0x201: {  	v8 =	vmul.f32 v8, v6  }
0x202: {  	v9 =	vmul.f32 v9, v7  }
0x203: {  	v31 =	vadd.f32 $4.568941590e-01, v8  }
0x204: {  	v32 =	vadd.f32 $4.568941590e-01, v9  }
0x205: {  	v0 =	vadd.f32 v2, v0;
	v2 =	vmul.f32 v31, v6  }
0x206: {  	v1 =	vadd.f32 v3, v1;
	v8 =	vmul.f32 v32, v7  }
0x207: {  	v0 =	vmul.f32 $5.000000000e-01, v0;
	v2 =	vadd.f32 $-7.178983690e-01, v2  }
0x208: {  	v33 =	vmul.f32 $5.000000000e-01, v25;
	v1 =	vmul.f32 $5.000000000e-01, v1;
	v8 =	vadd.f32 $-7.178983690e-01, v8  }
0x209: {  	v34 =	vmul.f32 $5.000000000e-01, v26;
	v2 =	vmul.f32 v2, v6  }
0x20a: {  	v37 =	vmul.f32 v26, v25;
	[tilespmem:$0x9D30] =	vst v25;
	v8 =	vmul.f32 v8, v7  }
0x20b: {  	v38 =	vshra.s32 v25, $0x17;
	[tilespmem:$0x9E30] =	vst v26;
	v3 =	vadd.f32 v33, v0;
	v2 =	vadd.f32 $1.442517040e+00, v2  }
0x20c: {  	v40 =	vshra.s32 v26, $0x17;
	v39 =	vadd.s32 $0xFFFFFF81, v38;
	[tilespmem:$0x9A30] =	vst v37;
	v8 =	vadd.f32 $1.442517040e+00, v8  }
0x20d: {  	v44 =	vld [tilespmem:$0x1FFB0];
	v41 =	vadd.s32 $0xFFFFFF81, v40;
	[tilespmem:$0x9830] =	vst v3;
	v3 =	vcvt.s32.f32 v39;
	v2 =	vmul.f32 v2, v6  }
0x20e: {  	v45 =	vld [tilespmem:$0x1FFD0];
	v35 =	vsub.f32 v0, v33;
	[tilespmem:$0x9B30] =	vst v0;
	v7 =	vmul.f32 v8, v7;
	v6 =	vcvt.s32.f32 v41  }
0x20f: {  	v46 =	vld [tilespmem:$0x1FFC0];
	v36 =	vsub.f32 v1, v34;
	[tilespmem:$0x9C30] =	vst v1;
	v42 =	vadd.f32 v3, v2  }
0x210: {  	v47 =	vld [tilespmem:$0x1FFF0];
	[tilespmem:$0x9630] =	vst v35;
	v9 =	vadd.f32 v34, v1;
	v43 =	vadd.f32 v6, v7  }
0x211: {  	[tilespmem:$0x9730] =	vst v36;
	v0 =	vmul.f32 $6.931471820e-01, v42  }
0x212: {  	[tilespmem:$0x9930] =	vst v9;
	v1 =	vmul.f32 $6.931471820e-01, v43  }
0x213: {  	[tilespmem:$0x9F30] =	vst v0  }
0x214: {  	[tilespmem:$0xA030] =	vst v1  }
0x215: {  	v0 =	vld.idx.msk [tilespmem:v44+s11+$0x0], $0xffff  }
0x216: {  	v1 =	vld.idx.msk [tilespmem:v45+s11+$0x0], $0xffff  }
0x217: {  	v2 =	vld.idx.msk [tilespmem:v46+s11+$0x0], $0xffff  }
0x218: {  	v3 =	vld.idx.msk [tilespmem:v47+s11+$0x0], $0xffff;
	_ =	sdelay $0x3  }
0x219: {  	v48 =	vsub.f32 v1, v0  }
0x21a: {  	v50 =	vsub.f32 v3, v2  }
0x21b: {  	v49 =	vnsel vm0, $0x3F800000, v48  }
0x21c: {  	v52 =	vnsel vm0, $0x3F800000, v50;
	v51 =	vand.u32 $0x7FFFFF, v49  }
0x21d: {  	v53 =	vand.u32 $0x7FFFFF, v52;
	v7 =	vor.u32 $0x3F800000, v51  }
0x21e: {  	v9 =	vor.u32 $0x3F800000, v53;
	v7 =	vadd.f32 $-1.000000000e+00, v7  }
0x21f: {  	v9 =	vadd.f32 $-1.000000000e+00, v9  }
0x220: {  	v54 =	vmul.f32 $2.606629950e-02, v7  }
0x221: {  	v55 =	vmul.f32 $2.606629950e-02, v9  }
0x222: {  	v10 =	vsub.f32 $1.219141410e-01, v54  }
0x223: {  	v11 =	vsub.f32 $1.219141410e-01, v55  }
0x224: {  	v10 =	vmul.f32 v10, v7  }
0x225: {  	v11 =	vmul.f32 v11, v9  }
0x226: {  	v10 =	vadd.f32 $-2.773650590e-01, v10  }
0x227: {  	v11 =	vadd.f32 $-2.773650590e-01, v11  }
0x228: {  	v10 =	vmul.f32 v10, v7  }
0x229: {  	v57 =	vmul.f32 v11, v9  }
0x22a: {  	v10 =	vadd.f32 $4.568941590e-01, v10  }
0x22b: {  	v0 =	vadd.f32 v1, v0;
	v1 =	vadd.f32 $4.568941590e-01, v57  }
0x22c: {  	v58 =	vmul.f32 v10, v7  }
0x22d: {  	v2 =	vadd.f32 v3, v2;
	v1 =	vmul.f32 v1, v9  }
0x22e: {  	v0 =	vmul.f32 $5.000000000e-01, v0;
	v59 =	vmul.f32 $5.000000000e-01, v48;
	v3 =	vadd.f32 $-7.178983690e-01, v58  }
0x22f: {  	v2 =	vmul.f32 $5.000000000e-01, v2;
	v60 =	vmul.f32 $5.000000000e-01, v50;
	v1 =	vadd.f32 $-7.178983690e-01, v1  }
0x230: {  	v5 =	vshra.s32 v49, $0x17;
	v8 =	vshra.s32 v52, $0x17;
	v3 =	vmul.f32 v3, v7  }
0x231: {  	[tilespmem:$0x9D40] =	vst v48;
	v12 =	vsub.f32 v0, v59;
	v13 =	vsub.f32 v2, v60;
	v1 =	vmul.f32 v1, v9  }
0x232: {  	[tilespmem:$0x9E40] =	vst v50;
	v5 =	vadd.s32 $0xFFFFFF81, v5;
	v8 =	vadd.s32 $0xFFFFFF81, v8;
	v3 =	vadd.f32 $1.442517040e+00, v3  }
0x233: {  	[tilespmem:$0x9B40] =	vst v0;
	v5 =	vcvt.s32.f32 v5;
	v62 =	vcvt.s32.f32 v8;
	v1 =	vadd.f32 $1.442517040e+00, v1  }
0x234: {  	[tilespmem:$0x9C40] =	vst v2;
	v12 =	vnsel vm0, $0x7F61B1E6, v12;
	v11 =	vadd.f32 v60, v2;
	v3 =	vmul.f32 v3, v7  }
0x235: {  	v13 =	vnsel vm0, $0x7F61B1E6, v13;
	[tilespmem:$0x9640] =	vst v12;
	v10 =	vadd.f32 v59, v0;
	v1 =	vmul.f32 v1, v9  }
0x236: {  	v61 =	vmul.f32 v50, v48;
	[tilespmem:$0x9740] =	vst v13;
	v11 =	vnsel vm0, $0xFF61B1E6, v11;
	v63 =	vadd.f32 v5, v3  }
0x237: {  	[tilespmem:$0x9940] =	vst v11;
	v10 =	vnsel vm0, $0xFF61B1E6, v10;
	v1 =	vadd.f32 v62, v1  }
0x238: {  	[tilespmem:$0x9840] =	vst v10;
	v7 =	vnsel vm0, $0x0, v61;
	v0 =	vmul.f32 $6.931471820e-01, v63  }
0x239: {  	[tilespmem:$0x9A40] =	vst v7;
	v1 =	vmul.f32 $6.931471820e-01, v1  }
.Ltmp2:
0x23a: {  	[tilespmem:$0x9F40] =	vst v0;
	(pc) =	sbr.rel .LBB2_2-.Ltmp2, $4  }
0x23b: {  	[tilespmem:$0xA040] =	vst v1  }
0x23c: {  	_ =	swait.ge [sflag:s14], $0x9200  }
0x23d: {  	[sflag:s14] =	ssyncset.done $0x0  }
0x23e: {  	s18 =	simm.s32 $0x0;
	[sflag:s14] =	ssyncadd.s32 $0xFFFF6E00  }
.LBB2_3:
0x23f: {  	v38 =	vimm.s32 $0x0  }
0x240: {  	v40 =	vimm.s32 $0x0;
	v41 =	vimm.s32 $0x0;
	v37 =	vimm.f32 $0.0e+00  }
0x241: {  	v39 =	vimm.f32 $0.0e+00;
	v42 =	vimm.f32 $0.0e+00;
	v26 =	vimm.f32 $0.0e+00  }
0x242: {  	v24 =	vimm.f32 $0.0e+00;
	v27 =	vimm.s32 $0x0;
	v25 =	vimm.s32 $0x0  }
.LBB2_15:
0x243: {  	v0 =	vadd.s32 $0x400, v41;
	_ =	sdelay $0x4  }
0x244: {  	v0 =	vld.idx.msk [tilespmem:v0+s16+$0x0], $0xffff;
	_ =	sdelay $0x4  }
0x245: {  	v1 =	vadd.s32 $0x500, v41;
	v0 =	vadd.f32 v0, v23  }
0x246: {  	v2 =	vadd.s32 $0x600, v41  }
0x247: {  	(erf) = vrcp.f32 v22;
	v3 =	vadd.s32 $0x900, v41;
	v0 =	vsub.f32 v0, v42  }
0x248: {  	v4 =	vadd.s32 $0xA00, v41;
	v51 =	vld [tilespmem:s19+$0x188];
	(erf) = vrcp.f32 v21  }
0x249: {  	v9 =	vld [tilespmem:s19+$0x1E8];
	(erf) = vrcp.f32 v0  }
0x24a: {  	v47 =	vld.idx.msk [tilespmem:v1+s16+$0x0], $0xffff  }
0x24b: {  	v48 =	vld.idx.msk [tilespmem:v2+s16+$0x0], $0xffff  }
0x24c: {  	v49 =	vld.idx.msk [tilespmem:v3+s16+$0x0], $0xffff  }
0x24d: {  	v50 =	vld.idx.msk [tilespmem:v4+s16+$0x0], $0xffff;
	_ =	sdelay $0x2  }
0x24e: {  	v52 =	vpop (erf)  }
0x24f: {  	v10 =	vld.idx.msk [tilespmem:v41+s13+$0x0], $0xffff;
	s20 =	smul.u32 $0x60, s18;
	v1 =	vsub.f32 v48, v11;
	v53 =	vpop (erf);
	v2 =	vsub.f32 v49, v51  }
0x250: {  	v55 =	vsub.f32 v50, v9;
	v0 =	vsub.f32 v47, v5;
	v54 =	vpop (erf)  }
0x251: {  	v1 =	vmul.f32 v1, v53;
	[tilespmem:s20+$0xD380] =	vst v2;
	v5 =	vmul.f32 v54, v42  }
0x252: {  	v9 =	vadd.s32 $0x400, v40;
	[tilespmem:s20+$0xEB80] =	vst v55;
	v0 =	vmul.f32 v0, v52  }
0x253: {  	[tilespmem:s20+$0xBB80] =	vst v1;
	vm1 =	vgt.f32 v5, $4.000000060e-01  }
0x254: {  	v11 =	vadd.s32 $0x1, v10;
	[tilespmem:s20+$0xA380] =	vst v0;
	vm2 =	vgt.f32 v5, $5.000000000e-01;
	v21 =	vsel vm1, $0xFFFFFFFF, v56  }
0x255: {  	[tilespmem:s20+$0x11B80] =	vst v5;
	v22 =	vsel vm2, v11, v21  }
0x256: {  	[tilespmem:s20+$0x10380] =	vst v22  }
0x257: {  	v0 =	vld.idx.msk [tilespmem:v9+s16+$0x0], $0xffff;
	_ =	sdelay $0x2  }
0x258: {  	v23 =	vadd.s32 $0x500, v40  }
0x259: {  	v36 =	vadd.s32 $0x600, v40  }
0x25a: {  	v41 =	vadd.s32 $0x900, v40;
	v0 =	vadd.f32 v0, v20  }
0x25b: {  	v42 =	vadd.s32 $0xA00, v40  }
0x25c: {  	(erf) = vrcp.f32 v35;
	v0 =	vsub.f32 v0, v39  }
0x25d: {  	(erf) = vrcp.f32 v34;
	v43 =	vld.idx.msk [tilespmem:v23+s16+$0x0], $0xffff  }
0x25e: {  	v44 =	vld.idx.msk [tilespmem:v36+s16+$0x0], $0xffff;
	(erf) = vrcp.f32 v0  }
0x25f: {  	v45 =	vld.idx.msk [tilespmem:v41+s16+$0x0], $0xffff  }
0x260: {  	v46 =	vld.idx.msk [tilespmem:v42+s16+$0x0], $0xffff  }
0x261: {  	v47 =	vld [tilespmem:s19+$0x198]  }
0x262: {  	v49 =	vld [tilespmem:s19+$0x1F8];
	_ =	sdelay $0x2  }
0x263: {  	v48 =	vpop (erf)  }
0x264: {  	v51 =	vpop (erf);
	v50 =	vld.idx.msk [tilespmem:v40+s13+$0x0], $0xffff;
	v1 =	vsub.f32 v44, v32;
	v2 =	vsub.f32 v45, v47  }
0x265: {  	v53 =	vsub.f32 v46, v49;
	v0 =	vsub.f32 v43, v33;
	v52 =	vpop (erf)  }
0x266: {  	v1 =	vmul.f32 v1, v51;
	[tilespmem:s20+$0xD390] =	vst v2;
	v5 =	vmul.f32 v52, v39  }
0x267: {  	v54 =	vadd.s32 $0x400, v38;
	[tilespmem:s20+$0xEB90] =	vst v53;
	v0 =	vmul.f32 v0, v48  }
0x268: {  	[tilespmem:s20+$0xBB90] =	vst v1;
	vm1 =	vgt.f32 v5, $4.000000060e-01  }
0x269: {  	v55 =	vadd.s32 $0x1, v50;
	[tilespmem:s20+$0xA390] =	vst v0;
	vm2 =	vgt.f32 v5, $5.000000000e-01;
	v9 =	vsel vm1, $0xFFFFFFFF, v56  }
0x26a: {  	[tilespmem:s20+$0x11B90] =	vst v5;
	v10 =	vsel vm2, v55, v9  }
0x26b: {  	[tilespmem:s20+$0x10390] =	vst v10  }
0x26c: {  	v0 =	vld.idx.msk [tilespmem:v54+s16+$0x0], $0xffff;
	_ =	sdelay $0x2  }
0x26d: {  	v11 =	vadd.s32 $0x500, v38  }
0x26e: {  	v20 =	vadd.s32 $0x900, v38  }
0x26f: {  	v21 =	vadd.s32 $0xA00, v38;
	v0 =	vadd.f32 v0, v13;
	_ =	sdelay $0x1  }
0x270: {  	(erf) = vrcp.f32 v31;
	v0 =	vsub.f32 v0, v37  }
0x271: {  	(erf) = vrcp.f32 v30;
	v22 =	vld.idx.msk [tilespmem:v11+s16+$0x0], $0xffff;
	v13 =	vadd.s32 $0x600, v38  }
0x272: {  	v30 =	vld.idx.msk [tilespmem:v20+s16+$0x0], $0xffff;
	(erf) = vrcp.f32 v0  }
0x273: {  	v31 =	vld.idx.msk [tilespmem:v21+s16+$0x0], $0xffff  }
0x274: {  	v32 =	vld [tilespmem:s19+$0x1A8]  }
0x275: {  	v34 =	vld [tilespmem:s19+$0x208]  }
0x276: {  	v23 =	vld.idx.msk [tilespmem:v13+s16+$0x0], $0xffff;
	_ =	sdelay $0x2  }
0x277: {  	v33 =	vpop (erf)  }
0x278: {  	v36 =	vpop (erf);
	v35 =	vld.idx.msk [tilespmem:v38+s13+$0x0], $0xffff;
	v2 =	vsub.f32 v30, v32;
	v0 =	vsub.f32 v22, v29  }
0x279: {  	v39 =	vsub.f32 v31, v34;
	v1 =	vsub.f32 v23, v28;
	v38 =	vpop (erf)  }
0x27a: {  	[tilespmem:s20+$0xD3A0] =	vst v2;
	v0 =	vmul.f32 v0, v33;
	v5 =	vmul.f32 v38, v37  }
0x27b: {  	v40 =	vadd.s32 $0x400, v6;
	[tilespmem:s20+$0xEBA0] =	vst v39;
	v1 =	vmul.f32 v1, v36  }
0x27c: {  	[tilespmem:s20+$0xA3A0] =	vst v0;
	vm1 =	vgt.f32 v5, $4.000000060e-01  }
0x27d: {  	v41 =	vadd.s32 $0x1, v35;
	[tilespmem:s20+$0xBBA0] =	vst v1;
	vm2 =	vgt.f32 v5, $5.000000000e-01;
	v42 =	vsel vm1, $0xFFFFFFFF, v56  }
0x27e: {  	[tilespmem:s20+$0x11BA0] =	vst v5;
	v43 =	vsel vm2, v41, v42  }
0x27f: {  	[tilespmem:s20+$0x103A0] =	vst v43  }
0x280: {  	v0 =	vld.idx.msk [tilespmem:v40+s16+$0x0], $0xffff;
	_ =	sdelay $0x2  }
0x281: {  	v44 =	vadd.s32 $0x500, v6  }
0x282: {  	v45 =	vadd.s32 $0x600, v6  }
0x283: {  	v46 =	vadd.s32 $0x900, v6;
	v0 =	vadd.f32 v0, v8  }
0x284: {  	v47 =	vadd.s32 $0xA00, v6  }
0x285: {  	(erf) = vrcp.f32 v19;
	v0 =	vsub.f32 v0, v7  }
0x286: {  	(erf) = vrcp.f32 v18;
	v48 =	vld.idx.msk [tilespmem:v44+s16+$0x0], $0xffff  }
0x287: {  	v49 =	vld.idx.msk [tilespmem:v45+s16+$0x0], $0xffff;
	(erf) = vrcp.f32 v0  }
0x288: {  	v50 =	vld.idx.msk [tilespmem:v46+s16+$0x0], $0xffff  }
0x289: {  	v51 =	vld.idx.msk [tilespmem:v47+s16+$0x0], $0xffff  }
0x28a: {  	v52 =	vld [tilespmem:s19+$0x1B8]  }
0x28b: {  	v54 =	vld [tilespmem:s19+$0x218];
	_ =	sdelay $0x2  }
0x28c: {  	v53 =	vpop (erf)  }
0x28d: {  	v13 =	vpop (erf);
	v55 =	vld.idx.msk [tilespmem:v6+s13+$0x0], $0xffff;
	v1 =	vsub.f32 v49, v17;
	v2 =	vsub.f32 v50, v52  }
0x28e: {  	v17 =	vsub.f32 v51, v54;
	v0 =	vsub.f32 v48, v16;
	v16 =	vpop (erf)  }
0x28f: {  	v1 =	vmul.f32 v1, v13;
	[tilespmem:s20+$0xD3B0] =	vst v2;
	v5 =	vmul.f32 v16, v7  }
0x290: {  	v18 =	vadd.s32 $0x400, v27;
	[tilespmem:s20+$0xEBB0] =	vst v17;
	v0 =	vmul.f32 v0, v53  }
0x291: {  	[tilespmem:s20+$0xBBB0] =	vst v1;
	vm1 =	vgt.f32 v5, $4.000000060e-01  }
0x292: {  	v19 =	vadd.s32 $0x1, v55;
	[tilespmem:s20+$0xA3B0] =	vst v0;
	vm2 =	vgt.f32 v5, $5.000000000e-01;
	v20 =	vsel vm1, $0xFFFFFFFF, v56  }
0x293: {  	[tilespmem:s20+$0x11BB0] =	vst v5;
	v21 =	vsel vm2, v19, v20  }
0x294: {  	[tilespmem:s20+$0x103B0] =	vst v21  }
0x295: {  	v0 =	vld.idx.msk [tilespmem:v18+s16+$0x0], $0xffff;
	_ =	sdelay $0x2  }
0x296: {  	v22 =	vadd.s32 $0x500, v27  }
0x297: {  	v23 =	vadd.s32 $0x600, v27  }
0x298: {  	v28 =	vadd.s32 $0x900, v27;
	v0 =	vadd.f32 v0, v63  }
0x299: {  	v29 =	vadd.s32 $0xA00, v27  }
0x29a: {  	(erf) = vrcp.f32 v15;
	v0 =	vsub.f32 v0, v26  }
0x29b: {  	(erf) = vrcp.f32 v14;
	v30 =	vld.idx.msk [tilespmem:v22+s16+$0x0], $0xffff  }
0x29c: {  	v31 =	vld.idx.msk [tilespmem:v23+s16+$0x0], $0xffff;
	(erf) = vrcp.f32 v0  }
0x29d: {  	v32 =	vld.idx.msk [tilespmem:v28+s16+$0x0], $0xffff  }
0x29e: {  	v33 =	vld.idx.msk [tilespmem:v29+s16+$0x0], $0xffff  }
0x29f: {  	v34 =	vld [tilespmem:s19+$0x1C8]  }
0x2a0: {  	v36 =	vld [tilespmem:s19+$0x228];
	_ =	sdelay $0x2  }
0x2a1: {  	v35 =	vpop (erf)  }
0x2a2: {  	v38 =	vpop (erf);
	v37 =	vld.idx.msk [tilespmem:v27+s13+$0x0], $0xffff;
	v1 =	vsub.f32 v31, v12;
	v2 =	vsub.f32 v32, v34  }
0x2a3: {  	v40 =	vsub.f32 v33, v36;
	v0 =	vsub.f32 v30, v62;
	v39 =	vpop (erf)  }
0x2a4: {  	v1 =	vmul.f32 v1, v38;
	[tilespmem:s20+$0xD3C0] =	vst v2;
	v5 =	vmul.f32 v39, v26  }
0x2a5: {  	v41 =	vadd.s32 $0x400, v25;
	[tilespmem:s20+$0xEBC0] =	vst v40;
	v0 =	vmul.f32 v0, v35  }
0x2a6: {  	[tilespmem:s20+$0xBBC0] =	vst v1;
	vm1 =	vgt.f32 v5, $4.000000060e-01  }
0x2a7: {  	v42 =	vadd.s32 $0x1, v37;
	[tilespmem:s20+$0xA3C0] =	vst v0;
	vm2 =	vgt.f32 v5, $5.000000000e-01;
	v43 =	vsel vm1, $0xFFFFFFFF, v56  }
0x2a8: {  	[tilespmem:s20+$0x11BC0] =	vst v5;
	v44 =	vsel vm2, v42, v43  }
0x2a9: {  	[tilespmem:s20+$0x103C0] =	vst v44  }
0x2aa: {  	v0 =	vld.idx.msk [tilespmem:v41+s16+$0x0], $0xffff;
	_ =	sdelay $0x2  }
0x2ab: {  	v45 =	vadd.s32 $0x500, v25  }
0x2ac: {  	v46 =	vadd.s32 $0x600, v25  }
0x2ad: {  	v47 =	vadd.s32 $0x900, v25;
	v0 =	vadd.f32 v0, v58  }
0x2ae: {  	v48 =	vadd.s32 $0xA00, v25  }
0x2af: {  	(erf) = vrcp.f32 v61;
	v0 =	vsub.f32 v0, v24  }
0x2b0: {  	(erf) = vrcp.f32 v59;
	v49 =	vld.idx.msk [tilespmem:v45+s16+$0x0], $0xffff  }
0x2b1: {  	v50 =	vld.idx.msk [tilespmem:v46+s16+$0x0], $0xffff;
	(erf) = vrcp.f32 v0  }
0x2b2: {  	v51 =	vld.idx.msk [tilespmem:v47+s16+$0x0], $0xffff  }
0x2b3: {  	v52 =	vld.idx.msk [tilespmem:v48+s16+$0x0], $0xffff  }
0x2b4: {  	v53 =	vld [tilespmem:s19+$0x1D8]  }
0x2b5: {  	v55 =	vld [tilespmem:s19+$0x238];
	_ =	sdelay $0x2  }
0x2b6: {  	v54 =	vpop (erf)  }
0x2b7: {  	v59 =	vld.idx.msk [tilespmem:v25+s13+$0x0], $0xffff;
	v58 =	vpop (erf);
	v1 =	vsub.f32 v50, v57;
	v2 =	vsub.f32 v51, v53  }
0x2b8: {  	s31 =	sshll.u32 s18, $0x5;
	v61 =	vsub.f32 v52, v55;
	v0 =	vsub.f32 v49, v60;
	v60 =	vpop (erf)  }
0x2b9: {  	s19 =	sor.u32 s6, s31;
	v1 =	vmul.f32 v1, v58;
	[tilespmem:s20+$0xD3D0] =	vst v2;
	v5 =	vmul.f32 v60, v24  }
0x2ba: {  	p1 =	sgt.u32 s19, $0x7FD;
	[tilespmem:s20+$0xEBD0] =	vst v61;
	v0 =	vmul.f32 v0, v54  }
0x2bb: {  	s19 =	smul.u32 @!p1 $0x60, s19;
	[tilespmem:s20+$0xBBD0] =	vst v1;
	vm1 =	vgt.f32 v5, $4.000000060e-01  }
0x2bc: {  	v62 =	vadd.s32 $0x1, v59;
	[tilespmem:s20+$0xA3D0] =	vst v0;
	vm2 =	vgt.f32 v5, $5.000000000e-01;
	v63 =	vsel vm1, $0xFFFFFFFF, v56  }
0x2bd: {  	s19 =	sshrl.u32 @!p1 s19, $0x3;
	[tilespmem:s20+$0x11BD0] =	vst v5;
	v1 =	vsel vm2, v62, v63  }
0x2be: {  	s21 =	sadd.s32 $0xA380, s20;
	s23 =	simm.s32 @!p1 $0x0;
	s22 =	sadd.s32 @!p1 s8, s19;
	[tilespmem:s20+$0x103D0] =	vst v1  }
0x2bf: {  	[hbm4b:s22+s23] =	stream.linear.scatter @!p1 [tilespmem:s21], [sflag:$0x1], $0x60, $0x38;
	[tilespmem:$0x13380] =	vst v63  }
0x2c0: {  	s24 =	sadd.s32 @!p1 $0x5FE8, s22;
	s21 =	sadd.s32 $0xBB80, s20  }
0x2c1: {  	[hbm4b:s24+s23] =	stream.linear.scatter @!p1 [tilespmem:s21], [sflag:$0x1], $0x60, $0x38;
	[tilespmem:$0x13380] =	vst v63  }
0x2c2: {  	s21 =	sadd.s32 $0xD380, s20;
	s24 =	sadd.s32 @!p1 $0xBFD0, s22  }
0x2c3: {  	[hbm4b:s24+s23] =	stream.linear.scatter @!p1 [tilespmem:s21], [sflag:$0x1], $0x60, $0x38;
	[tilespmem:$0x13380] =	vst v63  }
0x2c4: {  	s22 =	sadd.s32 @!p1 $0x11FB8, s22;
	s21 =	sadd.s32 $0xEB80, s20  }
0x2c5: {  	[hbm4b:s22+s23] =	stream.linear.scatter @!p1 [tilespmem:s21], [sflag:$0x1], $0x60, $0x38;
	[tilespmem:$0x13380] =	vst v63  }
0x2c6: {  	s21 =	sadd.s32 $0x10380, s20;
	s22 =	sadd.s32 @!p1 s3, s19  }
0x2c7: {  	[hbm4b:s22+s23] =	stream.linear.scatter @!p1 [tilespmem:s21], [sflag:$0x1], $0x60, $0x38;
	[tilespmem:$0x13380] =	vst v63  }
0x2c8: {  	s20 =	sadd.s32 $0x11B80, s20;
	s19 =	sadd.s32 @!p1 s5, s19  }
0x2c9: {  	[hbm4b:s19+s23] =	stream.linear.scatter @!p1 [tilespmem:s20], [sflag:$0x1], $0x60, $0x38;
	[tilespmem:$0x13380] =	vst v63  }
0x2ca: {  	p1 =	slt.u32 s18, $0x8;
	s18 =	sadd.s32 $0x1, s18  }
0x2cb: {  	p2 =	sne.s32 s18, $0x40  }
.Ltmp3:
0x2cc: {  	_ = 	snop;
	(pc) =	sbr.rel @!p2 .LBB2_16-.Ltmp3, $4  }
0x2cd: {  	s19 =	simm.s32 @!p1 $0x1  }
0x2ce: {  	_ =	swait.ge @!p1 [sflag:s19], $0x240  }
0x2cf: {  	[sflag:s19] =	ssyncset.done @!p1 $0x0  }
0x2d0: {  	[sflag:s19] =	ssyncadd.s32 @!p1 $0xFFFFFDC0  }
.LBB2_2:
0x2d1: {  	s19 =	smul.u32 $0x248, s18;
	_ =	sdelay $0x1  }
0x2d2: {  	v0 =	vmov s19  }
0x2d3: {  	v1 =	vor.u32 $0x1, v0  }
0x2d4: {  	v3 =	vor.u32 $0x2, v0  }
0x2d5: {  	v55 =	vld [tilespmem:$0x9780];
	v6 =	vor.u32 $0x3, v0  }
0x2d6: {  	s21 =	simm.s32 $0x0;
	v57 =	vld [tilespmem:$0x9880]  }
0x2d7: {  	v4 =	vld.idx.msk [tilespmem:v0+s21+$0x0], $0xffff  }
0x2d8: {  	v2 =	vld.idx.msk [tilespmem:v1+s21+$0x0], $0xffff  }
0x2d9: {  	v5 =	vld.idx.msk [tilespmem:v3+s21+$0x0], $0xffff  }
0x2da: {  	v3 =	vld.idx.msk [tilespmem:v6+s21+$0x0], $0xffff  }
0x2db: {  	v6 =	vld [tilespmem:$0x9580]  }
0x2dc: {  	v7 =	vld [tilespmem:$0x9680];
	_ =	sdelay $0x2  }
0x2dd: {  	vm1 =	vgt.f32 v55, v4;
	vm2 =	vgt.f32 v57, v5  }
0x2de: {  	vm3 =	vlt.f32 v6, v2;
	vm1 =	vmand vm1, vm2  }
0x2df: {  	vm2 =	vlt.f32 v7, v3;
	vm1 =	vmand vm1, vm3  }
0x2e0: {  	vm1 =	vmand vm2, vm1  }
0x2e1: {  	v58 =	vsel vm1, $0x1, v56  }
0x2e2: {  	(xrf0) =	vadd.scan.msk.s32 $0xffff, v58;
	_ =	sdelay $0x5  }
0x2e3: {  	v0, _, _ =	vpop (xrf0)  }
0x2e4: {  	v0 =	vadd.s32 $0xFFFFFFFF, v0;
	_ =	sdelay $0x3  }
0x2e5: {  	v9 =	vlaneseq.u32  }
0x2e6: {  	[tilespmem:v0+s15+$0x0] =	vst.idx.msk vm1, v9  }
0x2e7: {  	v0 =	vld [tilespmem:$0x9790]  }
0x2e8: {  	v59 =	vld [tilespmem:$0x9890]  }
0x2e9: {  	v6 =	vld [tilespmem:$0x9590]  }
0x2ea: {  	v7 =	vld [tilespmem:$0x9690];
	_ =	sdelay $0x2  }
0x2eb: {  	vm2 =	vgt.f32 v0, v4;
	vm3 =	vgt.f32 v59, v5  }
0x2ec: {  	vm2 =	vmand vm2, vm3;
	vm3 =	vlt.f32 v6, v2  }
0x2ed: {  	vm2 =	vmand vm2, vm3;
	vm3 =	vlt.f32 v7, v3  }
0x2ee: {  	vm2 =	vmand vm3, vm2  }
0x2ef: {  	v60 =	vsel vm2, $0x1, v56  }
0x2f0: {  	(xrf0) =	vadd.scan.msk.s32 $0xffff, v60;
	_ =	sdelay $0x4  }
0x2f1: {  	v61 =	vmpcnt.ones.xlane vm1  }
0x2f2: {  	v62, _, _ =	vpop (xrf0)  }
0x2f3: {  	v1 =	vadd.s32 v62, v61  }
0x2f4: {  	v1 =	vadd.s32 $0xFFFFFFFF, v1;
	_ =	sdelay $0x3  }
0x2f5: {  	v6 =	vor.u32 $0x10, v9  }
0x2f6: {  	[tilespmem:v1+s15+$0x0] =	vst.idx.msk vm2, v6  }
0x2f7: {  	v1 =	vld [tilespmem:$0x97A0]  }
0x2f8: {  	v6 =	vld [tilespmem:$0x98A0]  }
0x2f9: {  	v7 =	vld [tilespmem:$0x95A0]  }
0x2fa: {  	v8 =	vld [tilespmem:$0x96A0];
	_ =	sdelay $0x2  }
0x2fb: {  	vm1 =	vgt.f32 v1, v4;
	vm3 =	vgt.f32 v6, v5  }
0x2fc: {  	vm1 =	vmand vm1, vm3;
	vm3 =	vlt.f32 v7, v2  }
0x2fd: {  	vm1 =	vmand vm1, vm3;
	vm3 =	vlt.f32 v8, v3  }
0x2fe: {  	vm1 =	vmand vm3, vm1  }
0x2ff: {  	v63 =	vsel vm1, $0x1, v56  }
0x300: {  	(xrf0) =	vadd.scan.msk.s32 $0xffff, v63;
	_ =	sdelay $0x3  }
0x301: {  	v24 =	vmpcnt.ones.xlane vm2;
	_ =	sdelay $0x1  }
0x302: {  	v0 =	vadd.s32 v61, v24;
	v25, _, _ =	vpop (xrf0)  }
0x303: {  	v1 =	vadd.s32 v25, v0  }
0x304: {  	v1 =	vadd.s32 $0xFFFFFFFF, v1;
	_ =	sdelay $0x3  }
0x305: {  	v6 =	vor.u32 $0x20, v9  }
0x306: {  	[tilespmem:v1+s15+$0x0] =	vst.idx.msk vm1, v6  }
0x307: {  	v1 =	vld [tilespmem:$0x97B0]  }
0x308: {  	v6 =	vld [tilespmem:$0x98B0]  }
0x309: {  	v7 =	vld [tilespmem:$0x95B0]  }
0x30a: {  	v8 =	vld [tilespmem:$0x96B0];
	_ =	sdelay $0x2  }
0x30b: {  	vm2 =	vgt.f32 v1, v4;
	vm3 =	vgt.f32 v6, v5  }
0x30c: {  	vm2 =	vmand vm2, vm3;
	vm3 =	vlt.f32 v7, v2  }
0x30d: {  	vm2 =	vmand vm2, vm3;
	vm3 =	vlt.f32 v8, v3  }
0x30e: {  	vm2 =	vmand vm3, vm2  }
0x30f: {  	v26 =	vsel vm2, $0x1, v56  }
0x310: {  	(xrf0) =	vadd.scan.msk.s32 $0xffff, v26;
	_ =	sdelay $0x3  }
0x311: {  	v32 =	vmpcnt.ones.xlane vm1;
	_ =	sdelay $0x1  }
0x312: {  	v0 =	vadd.s32 v0, v32;
	v33, _, _ =	vpop (xrf0)  }
0x313: {  	v1 =	vadd.s32 v33, v0  }
0x314: {  	v1 =	vadd.s32 $0xFFFFFFFF, v1;
	_ =	sdelay $0x3  }
0x315: {  	v6 =	vor.u32 $0x30, v9  }
0x316: {  	[tilespmem:v1+s15+$0x0] =	vst.idx.msk vm2, v6  }
0x317: {  	v1 =	vld [tilespmem:$0x97C0]  }
0x318: {  	v6 =	vld [tilespmem:$0x98C0]  }
0x319: {  	v7 =	vld [tilespmem:$0x95C0]  }
0x31a: {  	v8 =	vld [tilespmem:$0x96C0];
	_ =	sdelay $0x2  }
0x31b: {  	vm1 =	vgt.f32 v1, v4;
	vm3 =	vgt.f32 v6, v5  }
0x31c: {  	vm1 =	vmand vm1, vm3;
	vm3 =	vlt.f32 v7, v2  }
0x31d: {  	vm1 =	vmand vm1, vm3;
	vm3 =	vlt.f32 v8, v3  }
0x31e: {  	vm1 =	vmand vm3, vm1  }
0x31f: {  	v34 =	vsel vm1, $0x1, v56  }
0x320: {  	(xrf0) =	vadd.scan.msk.s32 $0xffff, v34;
	_ =	sdelay $0x3  }
0x321: {  	v35 =	vmpcnt.ones.xlane vm2;
	_ =	sdelay $0x1  }
0x322: {  	v0 =	vadd.s32 v0, v35;
	v36, _, _ =	vpop (xrf0)  }
0x323: {  	v1 =	vadd.s32 v36, v0  }
0x324: {  	v1 =	vadd.s32 $0xFFFFFFFF, v1;
	_ =	sdelay $0x3  }
0x325: {  	v6 =	vor.u32 $0x40, v9  }
0x326: {  	[tilespmem:v1+s15+$0x0] =	vst.idx.msk vm1, v6  }
0x327: {  	v1 =	vld [tilespmem:$0x97D0]  }
0x328: {  	v6 =	vld [tilespmem:$0x98D0]  }
0x329: {  	v7 =	vld [tilespmem:$0x95D0]  }
0x32a: {  	v8 =	vld [tilespmem:$0x96D0];
	_ =	sdelay $0x2  }
0x32b: {  	vm2 =	vgt.f32 v1, v4;
	vm3 =	vgt.f32 v6, v5  }
0x32c: {  	vm2 =	vmand vm2, vm3;
	vm3 =	vlt.f32 v7, v2  }
0x32d: {  	vm2 =	vmand vm2, vm3;
	vm3 =	vlt.f32 v8, v3  }
0x32e: {  	vm2 =	vmand vm3, vm2  }
0x32f: {  	v37 =	vsel vm2, $0x1, v56  }
0x330: {  	(xrf0) =	vadd.scan.msk.s32 $0xffff, v37;
	_ =	sdelay $0x3  }
0x331: {  	v38 =	vmpcnt.ones.xlane vm1;
	_ =	sdelay $0x1  }
0x332: {  	v0 =	vadd.s32 v0, v38;
	v39, _, _ =	vpop (xrf0)  }
0x333: {  	v1 =	vadd.s32 v39, v0  }
0x334: {  	v1 =	vadd.s32 $0xFFFFFFFF, v1;
	_ =	sdelay $0x3  }
0x335: {  	v6 =	vor.u32 $0x50, v9  }
0x336: {  	[tilespmem:v1+s15+$0x0] =	vst.idx.msk vm2, v6  }
0x337: {  	v1 =	vld [tilespmem:$0x97E0]  }
0x338: {  	v6 =	vld [tilespmem:$0x98E0]  }
0x339: {  	v7 =	vld [tilespmem:$0x95E0]  }
0x33a: {  	v8 =	vld [tilespmem:$0x96E0];
	_ =	sdelay $0x2  }
0x33b: {  	vm1 =	vgt.f32 v1, v4;
	vm3 =	vgt.f32 v6, v5  }
0x33c: {  	vm1 =	vmand vm1, vm3;
	vm3 =	vlt.f32 v7, v2  }
0x33d: {  	vm1 =	vmand vm1, vm3;
	vm3 =	vlt.f32 v8, v3  }
0x33e: {  	vm1 =	vmand vm3, vm1  }
0x33f: {  	v40 =	vsel vm1, $0x1, v56  }
0x340: {  	(xrf0) =	vadd.scan.msk.s32 $0xffff, v40;
	_ =	sdelay $0x3  }
0x341: {  	v41 =	vmpcnt.ones.xlane vm2;
	_ =	sdelay $0x1  }
0x342: {  	v0 =	vadd.s32 v0, v41;
	v42, _, _ =	vpop (xrf0)  }
0x343: {  	v1 =	vadd.s32 v42, v0  }
0x344: {  	v1 =	vadd.s32 $0xFFFFFFFF, v1;
	_ =	sdelay $0x3  }
0x345: {  	v6 =	vor.u32 $0x60, v9  }
0x346: {  	[tilespmem:v1+s15+$0x0] =	vst.idx.msk vm1, v6  }
0x347: {  	v1 =	vld [tilespmem:$0x97F0]  }
0x348: {  	v6 =	vld [tilespmem:$0x98F0]  }
0x349: {  	v7 =	vld [tilespmem:$0x95F0]  }
0x34a: {  	v8 =	vld [tilespmem:$0x96F0];
	_ =	sdelay $0x2  }
0x34b: {  	vm2 =	vgt.f32 v1, v4;
	vm3 =	vgt.f32 v6, v5  }
0x34c: {  	vm2 =	vmand vm2, vm3;
	vm3 =	vlt.f32 v7, v2  }
0x34d: {  	vm2 =	vmand vm2, vm3;
	vm3 =	vlt.f32 v8, v3  }
0x34e: {  	vm2 =	vmand vm3, vm2  }
0x34f: {  	v43 =	vsel vm2, $0x1, v56  }
0x350: {  	(xrf0) =	vadd.scan.msk.s32 $0xffff, v43;
	_ =	sdelay $0x3  }
0x351: {  	v44 =	vmpcnt.ones.xlane vm1;
	_ =	sdelay $0x1  }
0x352: {  	v0 =	vadd.s32 v0, v44;
	v45, _, _ =	vpop (xrf0)  }
0x353: {  	v1 =	vadd.s32 v45, v0  }
0x354: {  	v1 =	vadd.s32 $0xFFFFFFFF, v1;
	_ =	sdelay $0x3  }
0x355: {  	v6 =	vor.u32 $0x70, v9  }
0x356: {  	[tilespmem:v1+s15+$0x0] =	vst.idx.msk vm2, v6  }
0x357: {  	v1 =	vld [tilespmem:$0x9800]  }
0x358: {  	v6 =	vld [tilespmem:$0x9900]  }
0x359: {  	v7 =	vld [tilespmem:$0x9600]  }
0x35a: {  	v8 =	vld [tilespmem:$0x9700];
	_ =	sdelay $0x2  }
0x35b: {  	vm1 =	vgt.f32 v1, v4;
	vm3 =	vgt.f32 v6, v5  }
0x35c: {  	vm1 =	vmand vm1, vm3;
	vm3 =	vlt.f32 v7, v2  }
0x35d: {  	vm1 =	vmand vm1, vm3;
	vm3 =	vlt.f32 v8, v3  }
0x35e: {  	vm1 =	vmand vm3, vm1  }
0x35f: {  	v46 =	vsel vm1, $0x1, v56  }
0x360: {  	(xrf0) =	vadd.scan.msk.s32 $0xffff, v46;
	_ =	sdelay $0x3  }
0x361: {  	v47 =	vmpcnt.ones.xlane vm2;
	_ =	sdelay $0x1  }
0x362: {  	v0 =	vadd.s32 v0, v47;
	v48, _, _ =	vpop (xrf0)  }
0x363: {  	v1 =	vadd.s32 v48, v0  }
0x364: {  	v1 =	vadd.s32 $0xFFFFFFFF, v1;
	_ =	sdelay $0x3  }
0x365: {  	v6 =	vor.u32 $0x80, v9  }
0x366: {  	[tilespmem:v1+s15+$0x0] =	vst.idx.msk vm1, v6  }
0x367: {  	v1 =	vld [tilespmem:$0x9810]  }
0x368: {  	v6 =	vld [tilespmem:$0x9910]  }
0x369: {  	v7 =	vld [tilespmem:$0x9610]  }
0x36a: {  	v8 =	vld [tilespmem:$0x9710];
	_ =	sdelay $0x2  }
0x36b: {  	vm2 =	vgt.f32 v1, v4;
	vm3 =	vgt.f32 v6, v5  }
0x36c: {  	vm2 =	vmand vm2, vm3;
	vm3 =	vlt.f32 v7, v2  }
0x36d: {  	vm2 =	vmand vm2, vm3;
	vm3 =	vlt.f32 v8, v3  }
0x36e: {  	vm2 =	vmand vm3, vm2  }
0x36f: {  	v49 =	vsel vm2, $0x1, v56  }
0x370: {  	(xrf0) =	vadd.scan.msk.s32 $0xffff, v49;
	_ =	sdelay $0x3  }
0x371: {  	v50 =	vmpcnt.ones.xlane vm1;
	_ =	sdelay $0x1  }
0x372: {  	v0 =	vadd.s32 v0, v50;
	v51, _, _ =	vpop (xrf0)  }
0x373: {  	v1 =	vadd.s32 v51, v0  }
0x374: {  	v1 =	vadd.s32 $0xFFFFFFFF, v1;
	_ =	sdelay $0x3  }
0x375: {  	v6 =	vor.u32 $0x90, v9  }
0x376: {  	[tilespmem:v1+s15+$0x0] =	vst.idx.msk vm2, v6  }
0x377: {  	v1 =	vld [tilespmem:$0x9820]  }
0x378: {  	v6 =	vld [tilespmem:$0x9920]  }
0x379: {  	v7 =	vld [tilespmem:$0x9620]  }
0x37a: {  	v8 =	vld [tilespmem:$0x9720];
	_ =	sdelay $0x2  }
0x37b: {  	vm1 =	vgt.f32 v1, v4;
	vm3 =	vgt.f32 v6, v5  }
0x37c: {  	vm1 =	vmand vm1, vm3;
	vm3 =	vlt.f32 v7, v2  }
0x37d: {  	vm1 =	vmand vm1, vm3;
	vm3 =	vlt.f32 v8, v3  }
0x37e: {  	vm1 =	vmand vm3, vm1  }
0x37f: {  	v52 =	vsel vm1, $0x1, v56  }
0x380: {  	(xrf0) =	vadd.scan.msk.s32 $0xffff, v52;
	_ =	sdelay $0x3  }
0x381: {  	v53 =	vmpcnt.ones.xlane vm2;
	_ =	sdelay $0x1  }
0x382: {  	v0 =	vadd.s32 v0, v53;
	v54, _, _ =	vpop (xrf0)  }
0x383: {  	v1 =	vadd.s32 v54, v0  }
0x384: {  	v1 =	vadd.s32 $0xFFFFFFFF, v1;
	_ =	sdelay $0x3  }
0x385: {  	v6 =	vor.u32 $0xA0, v9  }
0x386: {  	[tilespmem:v1+s15+$0x0] =	vst.idx.msk vm1, v6  }
0x387: {  	v1 =	vld [tilespmem:$0x9830]  }
0x388: {  	v6 =	vld [tilespmem:$0x9930]  }
0x389: {  	v7 =	vld [tilespmem:$0x9630]  }
0x38a: {  	v8 =	vld [tilespmem:$0x9730];
	_ =	sdelay $0x2  }
0x38b: {  	vm2 =	vgt.f32 v1, v4;
	vm3 =	vgt.f32 v6, v5  }
0x38c: {  	vm2 =	vmand vm2, vm3;
	vm3 =	vlt.f32 v7, v2  }
0x38d: {  	vm2 =	vmand vm2, vm3;
	vm3 =	vlt.f32 v8, v3  }
0x38e: {  	vm2 =	vmand vm3, vm2  }
0x38f: {  	v55 =	vsel vm2, $0x1, v56  }
0x390: {  	(xrf0) =	vadd.scan.msk.s32 $0xffff, v55;
	_ =	sdelay $0x3  }
0x391: {  	v57 =	vmpcnt.ones.xlane vm1;
	_ =	sdelay $0x1  }
0x392: {  	v0 =	vadd.s32 v0, v57;
	v58, _, _ =	vpop (xrf0)  }
0x393: {  	v1 =	vadd.s32 v58, v0  }
0x394: {  	v1 =	vadd.s32 $0xFFFFFFFF, v1;
	_ =	sdelay $0x3  }
0x395: {  	v6 =	vor.u32 $0xB0, v9  }
0x396: {  	[tilespmem:v1+s15+$0x0] =	vst.idx.msk vm2, v6  }
0x397: {  	v1 =	vld [tilespmem:$0x9840]  }
0x398: {  	v6 =	vld [tilespmem:$0x9940]  }
0x399: {  	v7 =	vld [tilespmem:$0x9640]  }
0x39a: {  	v8 =	vld [tilespmem:$0x9740];
	_ =	sdelay $0x2  }
0x39b: {  	vm1 =	vgt.f32 v1, v4;
	vm3 =	vgt.f32 v6, v5  }
0x39c: {  	vm1 =	vmand vm1, vm3;
	vm3 =	vlt.f32 v7, v2  }
0x39d: {  	vm1 =	vmand vm1, vm3;
	vm3 =	vlt.f32 v8, v3  }
0x39e: {  	vm1 =	vmand vm3, vm1  }
0x39f: {  	v59 =	vsel vm1, $0x1, v56  }
0x3a0: {  	(xrf0) =	vadd.scan.msk.s32 $0xffff, v59;
	_ =	sdelay $0x3  }
0x3a1: {  	v60 =	vmpcnt.ones.xlane vm2  }
0x3a2: {  	v62 =	vmpcnt.ones.xlane vm1  }
0x3a3: {  	v0 =	vadd.s32 v0, v60;
	v61, _, _ =	vpop (xrf0)  }
0x3a4: {  	v1 =	vadd.s32 v61, v0;
	v0 =	vadd.s32 v0, v62  }
0x3a5: {  	v0 =	vxor.u32 $0x80000000, v0  }
0x3a6: {  	v1 =	vadd.s32 $0xFFFFFFFF, v1;
	(xrf0) =	vmax.scan.msk.u32 $0xffff, v0;
	_ =	sdelay $0x3  }
0x3a7: {  	v63 =	vor.u32 $0xC0, v9  }
0x3a8: {  	[tilespmem:v1+s15+$0x0] =	vst.idx.msk vm1, v63  }
0x3a9: {  	v5 =	vld [tilespmem:s19+$0x8];
	v0, _, _ =	vpop (xrf0)  }
0x3aa: {  	v11 =	vld [tilespmem:s19+$0x68];
	(v2sf) =	vpush v0, $0xF  }
0x3ab: {  	v22 =	vld [tilespmem:s19+$0xC8]  }
0x3ac: {  	v21 =	vld [tilespmem:s19+$0x128]  }
0x3ad: {  	v33 =	vld [tilespmem:s19+$0x18]  }
0x3ae: {  	v32 =	vld [tilespmem:s19+$0x78]  }
0x3af: {  	v35 =	vld [tilespmem:s19+$0xD8]  }
0x3b0: {  	v34 =	vld [tilespmem:s19+$0x138]  }
0x3b1: {  	v29 =	vld [tilespmem:s19+$0x28]  }
0x3b2: {  	v28 =	vld [tilespmem:s19+$0x88]  }
0x3b3: {  	v31 =	vld [tilespmem:s19+$0xE8]  }
0x3b4: {  	v30 =	vld [tilespmem:s19+$0x148]  }
0x3b5: {  	v16 =	vld [tilespmem:s19+$0x38]  }
0x3b6: {  	v19 =	vld [tilespmem:s19+$0xF8]  }
0x3b7: {  	v18 =	vld [tilespmem:s19+$0x158]  }
0x3b8: {  	v15 =	vld [tilespmem:s19+$0x108]  }
0x3b9: {  	v14 =	vld [tilespmem:s19+$0x168];
	s20 =	spop (v2sf)  }
0x3ba: {  	v61 =	vld [tilespmem:s19+$0x118];
	s20 =	sxor.u32 $0x80000000, s20  }
0x3bb: {  	v59 =	vld [tilespmem:s19+$0x178];
	p1 =	slt.s32 s20, $0x1  }
.Ltmp4:
0x3bc: {  	v17 =	vld [tilespmem:s19+$0x98];
	(pc) =	sbr.rel @p1 .LBB2_3-.Ltmp4, $4  }
0x3bd: {  	v62 =	vld [tilespmem:s19+$0x48]  }
0x3be: {  	v12 =	vld [tilespmem:s19+$0xA8];
	v23 =	vmul.f32 v21, v22;
	v20 =	vmul.f32 v34, v35  }
0x3bf: {  	v6 =	vimm.s32 $0x0;
	v60 =	vld [tilespmem:s19+$0x58];
	v13 =	vmul.f32 v30, v31;
	v8 =	vmul.f32 v18, v19  }
0x3c0: {  	v7 =	vimm.f32 $0.0e+00;
	v57 =	vld [tilespmem:s19+$0xB8];
	v63 =	vmul.f32 v14, v15;
	v58 =	vmul.f32 v59, v61  }
0x3c1: {  	[tilespmem:$0x1FB60] =	vst v5  }
0x3c2: {  	[tilespmem:$0x1FB70] =	vst v35  }
0x3c3: {  	[tilespmem:$0x1FB80] =	vst v11  }
0x3c4: {  	[tilespmem:$0x1FB90] =	vst v34  }
0x3c5: {  	[tilespmem:$0x1FBA0] =	vst v31  }
0x3c6: {  	[tilespmem:$0x1FBB0] =	vst v33  }
0x3c7: {  	[tilespmem:$0x1FBC0] =	vst v30  }
0x3c8: {  	v0 =	vmul.f32 $5.000000000e-01, v22;
	[tilespmem:$0x1FBD0] =	vst v32  }
0x3c9: {  	v1 =	vmul.f32 $5.000000000e-01, v21;
	v2 =	vmul.f32 $5.000000000e-01, v31;
	[tilespmem:$0x1FBE0] =	vst v19  }
0x3ca: {  	v37 =	vmov s21;
	[tilespmem:$0x1FBF0] =	vst v29;
	v43 =	vsub.f32 v5, v0;
	v38 =	vadd.f32 v0, v5  }
0x3cb: {  	[tilespmem:$0x1FC00] =	vst v18;
	v0 =	vmul.f32 $5.000000000e-01, v35;
	v40 =	vsub.f32 v11, v1;
	v41 =	vadd.f32 v1, v11  }
0x3cc: {  	[tilespmem:$0x1FC10] =	vst v28;
	v1 =	vmul.f32 $5.000000000e-01, v34;
	v48 =	vsub.f32 v29, v2;
	v44 =	vadd.f32 v2, v29  }
0x3cd: {  	[tilespmem:$0x1FC20] =	vst v15;
	v2 =	vmul.f32 $5.000000000e-01, v18;
	v46 =	vsub.f32 v33, v0;
	v39 =	vadd.f32 v0, v33  }
0x3ce: {  	[tilespmem:$0x1FC30] =	vst v16;
	v42 =	vsub.f32 v32, v1;
	v0 =	vmul.f32 $5.000000000e-01, v30;
	v47 =	vadd.f32 v1, v32  }
0x3cf: {  	[tilespmem:$0x1FC40] =	vst v14;
	v1 =	vmul.f32 $5.000000000e-01, v19;
	v27 =	vsub.f32 v17, v2;
	v29 =	vadd.f32 v2, v17  }
0x3d0: {  	[tilespmem:$0x1FC50] =	vst v17;
	v2 =	vmul.f32 $5.000000000e-01, v61;
	v51 =	vld.idx.msk [tilespmem:v37+s15+$0x0], $0xffff;
	v45 =	vsub.f32 v28, v0;
	v49 =	vadd.f32 v0, v28  }
0x3d1: {  	[tilespmem:$0x1FC60] =	vst v61;
	p2 =	sne.s32 s20, $0x1;
	v31 =	vsub.f32 v16, v1;
	v0 =	vmul.f32 $5.000000000e-01, v15;
	v25 =	vadd.f32 v1, v16  }
.Ltmp5:
0x3d2: {  	[tilespmem:$0x1FC80] =	vst v59;
	v1 =	vmul.f32 $5.000000000e-01, v14;
	v35 =	vsub.f32 v60, v2;
	v30 =	vadd.f32 v2, v60;
	(pc) =	sbr.rel @!p2 .LBB2_5-.Ltmp5, $4  }
0x3d3: {  	[tilespmem:$0x1FC70] =	vst v62;
	v34 =	vsub.f32 v62, v0;
	v26 =	vadd.f32 v0, v62;
	v0 =	vmul.f32 $5.000000000e-01, v59  }
0x3d4: {  	[tilespmem:$0x1FC90] =	vst v12;
	v28 =	vsub.f32 v12, v1;
	v33 =	vadd.f32 v1, v12  }
0x3d5: {  	[tilespmem:$0x1FCB0] =	vst v57;
	v32 =	vsub.f32 v57, v0;
	v36 =	vadd.f32 v0, v57;
	v57 =	vadd.s32 $0x100, v51  }
0x3d6: {  	s21 =	simm.s32 $0x1;
	p1 =	por $0x0, $0x0;
	[tilespmem:$0x1FCA0] =	vst v60;
	v3 =	vadd.s32 $0x200, v51;
	v62 =	vadd.s32 $0x400, v51;
	v61 =	vadd.s32 $0x300, v51  }
0x3d7: {  	_ =	sdelay $0x3  }
0x3d8: {  	v0 =	vld.idx.msk [tilespmem:v51+s16+$0x0], $0xffff  }
0x3d9: {  	v52 =	vld.idx.msk [tilespmem:v62+s16+$0x0], $0xffff  }
0x3da: {  	v2 =	vld.idx.msk [tilespmem:v61+s16+$0x0], $0xffff  }
0x3db: {  	v4 =	vmov s21;
	v5 =	vld.idx.msk [tilespmem:v57+s16+$0x0], $0xffff  }
0x3dc: {  	v3 =	vld.idx.msk [tilespmem:v3+s16+$0x0], $0xffff  }
0x3dd: {  	v56 =	vimm.f32 $1.000000000e+00;
	v54 =	vimm.f32 $0.0e+00;
	v59 =	vimm.f32 $1.000000000e+00  }
0x3de: {  	v55 =	vimm.f32 $0.0e+00;
	v9 =	vmax.f32 v43, v0;
	v1 =	vadd.f32 v52, v23  }
0x3df: {  	v10 =	vmax.f32 v46, v0;
	v0 =	vmax.f32 v48, v0;
	v14 =	vmin.f32 v49, v2  }
0x3e0: {  	v60 =	vadd.f32 v52, v13;
	v50 =	vld.idx.msk [tilespmem:v4+s15+$0x0], $0xffff;
	v4 =	vmax.f32 v40, v5;
	v15 =	vmin.f32 v41, v2  }
0x3e1: {  	v2 =	vmin.f32 v47, v2;
	v18 =	vmin.f32 v38, v3;
	v24 =	vmax.f32 v42, v5  }
0x3e2: {  	v5 =	vmax.f32 v45, v5;
	v9 =	vsub.f32 v18, v9;
	v18 =	vmin.f32 v44, v3  }
0x3e3: {  	p4 =	sne.s32 s20, $0x2;
	v19 =	vsub.f32 v15, v4;
	v3 =	vmin.f32 v39, v3;
	v14 =	vsub.f32 v14, v5  }
.Ltmp6:
0x3e4: {  	v53 =	vmul.f32 v1, v7;
	v15 =	vsub.f32 v3, v10;
	v5 =	vsub.f32 v18, v0;
	(pc) =	sbr.rel @!p4 .LBB2_7-.Ltmp6, $4  }
0x3e5: {  	v18 =	vsub.f32 v2, v24;
	v0 =	vimm.f32 $1.000000000e+00;
	v24 =	vimm.f32 $0.0e+00  }
0x3e6: {  	v2 =	vimm.s32 $0x0;
	v10 =	vimm.s32 $0x0;
	v4 =	vmax.f32 v9, $0.0e+00  }
0x3e7: {  	v19 =	vmax.f32 v19, $0.0e+00;
	v9 =	vimm.s32 $0x0;
	v62 =	vadd.s32 $0x400, v50  }
0x3e8: {  	s22 =	simm.s32 $0x2;
	p3 =	por $0x1, $0x1;
	v57 =	vadd.s32 $0x100, v50;
	v3 =	vadd.s32 $0x200, v50;
	v61 =	vadd.s32 $0x300, v50  }
.LBB2_8:
0x3e9: {  	v4 =	vmul.f32 v19, v4;
	v5 =	vmax.f32 v5, $0.0e+00;
	v14 =	vmax.f32 v14, $0.0e+00;
	s23 =	smov.u32 s22;
	s22 =	sadd.s32 $0x1, s22  }
0x3ea: {  	v15 =	vmax.f32 v15, $0.0e+00;
	p4 =	sne.s32 s20, s22;
	v18 =	vmax.f32 v18, $0.0e+00;
	v5 =	vmul.f32 v14, v5  }
0x3eb: {  	v14 =	vld.idx.msk [tilespmem:v50+s16+$0x0], $0xffff;
	v19 =	vmul.f32 v4, v0;
	v15 =	vmul.f32 v18, v15;
	v18 =	vadd.f32 v52, v20  }
0x3ec: {  	v11 =	vmul.f32 v60, v54;
	v52 =	vld.idx.msk [tilespmem:v62+s16+$0x0], $0xffff;
	v62 =	vmul.f32 v5, v56  }
0x3ed: {  	v61 =	vld.idx.msk [tilespmem:v61+s16+$0x0], $0xffff;
	vm1 =	vgt.f32 v19, v53;
	v19 =	vmul.f32 v15, v59;
	v53 =	vmul.f32 v18, v24  }
0x3ee: {  	v12 =	vmov s23;
	v57 =	vld.idx.msk [tilespmem:v57+s16+$0x0], $0xffff;
	v2 =	vsel vm1, v51, v2;
	vm2 =	vgt.f32 v62, v11  }
0x3ef: {  	v3 =	vld.idx.msk [tilespmem:v3+s16+$0x0], $0xffff;
	vm3 =	vgt.f32 v19, v53;
	v56 =	vsel vm2, v60, v56;
	v9 =	vsel vm2, v51, v9  }
0x3f0: {  	v0 =	vsel vm1, v1, v0;
	v54 =	vsel vm2, v5, v54;
	v24 =	vsel vm3, v15, v24  }
0x3f1: {  	v55 =	vsel vm1, v4, v55;
	v59 =	vsel vm3, v18, v59;
	v10 =	vsel vm3, v51, v10;
	v51 =	vmovc v50  }
0x3f2: {  	v4 =	vmax.f32 v43, v14;
	v5 =	vmax.f32 v46, v14;
	v1 =	vadd.f32 v52, v23  }
0x3f3: {  	v11 =	vmax.f32 v48, v14;
	v60 =	vadd.f32 v52, v13;
	v50 =	vld.idx.msk [tilespmem:v12+s15+$0x0], $0xffff;
	v12 =	vmin.f32 v49, v61  }
0x3f4: {  	v15 =	vmin.f32 v41, v61;
	v18 =	vmin.f32 v47, v61;
	v14 =	vmax.f32 v40, v57  }
0x3f5: {  	v53 =	vmul.f32 v1, v55;
	v16 =	vmax.f32 v42, v57;
	v19 =	vmin.f32 v38, v3  }
.Ltmp7:
0x3f6: {  	v4 =	vsub.f32 v19, v4;
	v19 =	vmax.f32 v45, v57;
	v57 =	vmin.f32 v44, v3;
	(pc) =	sbr.rel @p4 .LBB2_8-.Ltmp7, $4  }
0x3f7: {  	v17 =	vsub.f32 v15, v14;
	v3 =	vmin.f32 v39, v3;
	v14 =	vsub.f32 v12, v19  }
0x3f8: {  	v15 =	vsub.f32 v3, v5;
	v5 =	vsub.f32 v57, v11;
	v4 =	vmax.f32 v4, $0.0e+00  }
0x3f9: {  	v57 =	vadd.s32 $0x100, v50;
	v3 =	vadd.s32 $0x200, v50;
	v62 =	vadd.s32 $0x400, v50  }
0x3fa: {  	v18 =	vsub.f32 v18, v16;
	v19 =	vmax.f32 v17, $0.0e+00;
	v61 =	vadd.s32 $0x300, v50  }
.LBB2_9:
0x3fb: {  	_ =	sdelay $0x2  }
0x3fc: {  	v4 =	vmul.f32 @p3 v19, v4;
	v5 =	vmax.f32 @p3 v5, $0.0e+00;
	v11 =	vmax.f32 @p3 v14, $0.0e+00  }
0x3fd: {  	v12 =	vmax.f32 @p3 v15, $0.0e+00;
	v57 =	vld.idx.msk [tilespmem:v57+s16+$0x0], $0xffff;
	v14 =	vmax.f32 @p3 v18, $0.0e+00;
	v5 =	vmul.f32 @p3 v11, v5  }
0x3fe: {  	v15 =	vld.idx.msk [tilespmem:v50+s16+$0x0], $0xffff;
	v11 =	vmul.f32 @p3 v4, v0;
	v12 =	vmul.f32 @p3 v14, v12;
	v14 =	vadd.f32 @p3 v52, v20  }
0x3ff: {  	v17 =	vmul.f32 @p3 v60, v54;
	v18 =	vld.idx.msk [tilespmem:v62+s16+$0x0], $0xffff;
	v62 =	vimm.f32 $1.000000000e+00;
	v16 =	vmul.f32 @p3 v5, v56  }
0x400: {  	v19 =	vmul.f32 @p3 v12, v59;
	v52 =	vmul.f32 @p3 v14, v24;
	vm1 =	vgt.f32 @p3 v11, v53  }
0x401: {  	v2 =	vsel @p3 vm1, v51, v2;
	vm2 =	vgt.f32 @p3 v16, v17;
	v0 =	vsel @p3 vm1, v1, v0  }
0x402: {  	v4 =	vsel @p3 vm1, v4, v55;
	v40 =	vmax.f32 v40, v57;
	v42 =	vmax.f32 v42, v57  }
0x403: {  	v11 =	vld.idx.msk [tilespmem:v61+s16+$0x0], $0xffff;
	v61 =	vmax.f32 v45, v57;
	vm3 =	vgt.f32 @p3 v19, v52;
	v16 =	vsel @p3 vm2, v60, v56  }
0x404: {  	v9 =	vsel @p3 vm2, v51, v9;
	v5 =	vsel @p3 vm2, v5, v54;
	v19 =	vmax.f32 v46, v15  }
0x405: {  	v60 =	vadd.f32 v18, v13;
	v4 =	vpsel p3, v4, v7;
	v0 =	vpsel p3, v0, v62  }
0x406: {  	v1 =	vld.idx.msk [tilespmem:v3+s16+$0x0], $0xffff;
	v2 =	vpsel p3, v2, v6;
	v3 =	vsel @p3 vm3, v12, v24;
	v12 =	vsel @p3 vm3, v14, v59  }
0x407: {  	v10 =	vsel @p3 vm3, v51, v10;
	v14 =	vmax.f32 v43, v15;
	v59 =	vadd.f32 v18, v23  }
0x408: {  	v15 =	vmax.f32 v48, v15;
	v16 =	vpsel p3, v16, v62;
	v5 =	vpsel p3, v5, v7  }
0x409: {  	v9 =	vpsel p3, v9, v6;
	v12 =	vpsel p3, v12, v62;
	v3 =	vpsel p3, v3, v7  }
0x40a: {  	v24 =	vmin.f32 v49, v11;
	v41 =	vmin.f32 v41, v11;
	v11 =	vmin.f32 v47, v11  }
0x40b: {  	v38 =	vmin.f32 v38, v1;
	v44 =	vmin.f32 v44, v1;
	v40 =	vsub.f32 v41, v40  }
0x40c: {  	v1 =	vmin.f32 v39, v1;
	v11 =	vsub.f32 v11, v42;
	v14 =	vsub.f32 v38, v14  }
0x40d: {  	v17 =	vmul.f32 v59, v4;
	v1 =	vsub.f32 v1, v19;
	v15 =	vsub.f32 v44, v15  }
0x40e: {  	v43 =	vld.idx.msk [tilespmem:v37+s15+$0x0], $0xffff;
	v24 =	vsub.f32 v24, v61;
	v19 =	vmax.f32 v40, $0.0e+00;
	v11 =	vmax.f32 v11, $0.0e+00  }
0x40f: {  	v14 =	vmax.f32 v14, $0.0e+00;
	v15 =	vmax.f32 v15, $0.0e+00;
	v1 =	vmax.f32 v1, $0.0e+00  }
0x410: {  	v14 =	vmul.f32 v19, v14;
	v19 =	vmax.f32 v24, $0.0e+00;
	v1 =	vmul.f32 v11, v1  }
0x411: {  	v11 =	vadd.f32 v18, v20;
	v18 =	vmul.f32 v60, v5;
	v15 =	vmul.f32 v19, v15  }
0x412: {  	v10 =	vpsel p3, v10, v6;
	v0 =	vmul.f32 v14, v0;
	v12 =	vmul.f32 v1, v12  }
.Ltmp8:
0x413: {  	v51 =	vadd.s32 $0x100, v43;
	v11 =	vmul.f32 v11, v3;
	v16 =	vmul.f32 v15, v16;
	(pc) =	sbr.rel @!p2 .LBB2_10-.Ltmp8, $4  }
0x414: {  	v54 =	vadd.s32 $0x400, v43;
	v53 =	vadd.s32 $0x300, v43;
	vm1 =	vgt.f32 v0, v17  }
0x415: {  	vm3 =	vgt.f32 v12, v11;
	v41 =	vsel vm1, v50, v2;
	vm2 =	vgt.f32 v16, v18  }
0x416: {  	v39 =	vsel vm3, v1, v3;
	v42 =	vsel vm1, v14, v4;
	v40 =	vsel vm3, v50, v10  }
0x417: {  	v3 =	vadd.s32 $0x200, v43;
	v38 =	vsel vm2, v50, v9;
	v37 =	vsel vm2, v15, v5  }
0x418: {  	_ =	sdelay $0x3  }
0x419: {  	v0 =	vld.idx.msk [tilespmem:v43+s16+$0x0], $0xffff  }
0x41a: {  	v46 =	vld.idx.msk [tilespmem:v54+s16+$0x0], $0xffff  }
0x41b: {  	v2 =	vld.idx.msk [tilespmem:v53+s16+$0x0], $0xffff  }
0x41c: {  	v4 =	vmov s21;
	v5 =	vld.idx.msk [tilespmem:v51+s16+$0x0], $0xffff  }
0x41d: {  	v3 =	vld.idx.msk [tilespmem:v3+s16+$0x0], $0xffff;
	v48 =	vimm.f32 $1.000000000e+00  }
0x41e: {  	v47 =	vimm.f32 $0.0e+00;
	v49 =	vimm.f32 $1.000000000e+00;
	v24 =	vimm.f32 $0.0e+00  }
0x41f: {  	v45 =	vimm.s32 $0x0;
	v56 =	vimm.s32 $0x0;
	v9 =	vmax.f32 v31, v0  }
0x420: {  	v1 =	vadd.f32 v46, v8;
	v10 =	vmax.f32 v34, v0;
	v0 =	vmax.f32 v35, v0  }
0x421: {  	v11 =	vmin.f32 v36, v2;
	v50 =	vadd.f32 v46, v58;
	v44 =	vld.idx.msk [tilespmem:v4+s15+$0x0], $0xffff;
	v4 =	vmax.f32 v27, v5  }
0x422: {  	v12 =	vmin.f32 v29, v2;
	v14 =	vmin.f32 v25, v3;
	v16 =	vmax.f32 v28, v5  }
0x423: {  	v5 =	vmax.f32 v32, v5;
	v17 =	vmin.f32 v30, v3;
	v9 =	vsub.f32 v14, v9  }
0x424: {  	p2 =	sne.s32 s20, $0x2;
	v3 =	vmin.f32 v26, v3;
	v12 =	vsub.f32 v12, v4;
	v14 =	vsub.f32 v11, v5  }
.Ltmp9:
0x425: {  	v57 =	vld [tilespmem:$0x1FCB0];
	v2 =	vmin.f32 v33, v2;
	v15 =	vsub.f32 v3, v10;
	v5 =	vsub.f32 v17, v0;
	(pc) =	sbr.rel @!p2 .LBB2_12-.Ltmp9, $4  }
0x426: {  	v59 =	vld [tilespmem:$0x1FC80];
	v18 =	vsub.f32 v2, v16;
	v0 =	vimm.f32 $1.000000000e+00;
	v2 =	vimm.s32 $0x0  }
0x427: {  	v60 =	vld [tilespmem:$0x1FCA0];
	v10 =	vimm.s32 $0x0;
	v52 =	vmul.f32 v1, v7;
	v4 =	vmax.f32 v9, $0.0e+00  }
0x428: {  	v61 =	vld [tilespmem:$0x1FC60];
	v19 =	vmax.f32 v12, $0.0e+00;
	v9 =	vimm.f32 $0.0e+00;
	v54 =	vadd.s32 $0x400, v44  }
0x429: {  	s21 =	simm.s32 $0x2;
	p1 =	por $0x1, $0x1;
	v62 =	vld [tilespmem:$0x1FC70];
	v51 =	vadd.s32 $0x100, v44;
	v3 =	vadd.s32 $0x200, v44;
	v53 =	vadd.s32 $0x300, v44  }
.LBB2_13:
0x42a: {  	v4 =	vmul.f32 v19, v4;
	v5 =	vmax.f32 v5, $0.0e+00;
	v11 =	vmax.f32 v14, $0.0e+00;
	s22 =	smov.u32 s21;
	s21 =	sadd.s32 $0x1, s21  }
0x42b: {  	v12 =	vmax.f32 v15, $0.0e+00;
	p2 =	sne.s32 s20, s21;
	v14 =	vmax.f32 v18, $0.0e+00;
	v5 =	vmul.f32 v11, v5  }
0x42c: {  	v11 =	vld.idx.msk [tilespmem:v44+s16+$0x0], $0xffff;
	v15 =	vmul.f32 v4, v0;
	v12 =	vmul.f32 v14, v12;
	v14 =	vadd.f32 v46, v63  }
0x42d: {  	v17 =	vmul.f32 v50, v47;
	v46 =	vld.idx.msk [tilespmem:v54+s16+$0x0], $0xffff;
	v16 =	vmul.f32 v5, v48  }
0x42e: {  	v18 =	vld.idx.msk [tilespmem:v53+s16+$0x0], $0xffff;
	vm1 =	vgt.f32 v15, v52;
	v15 =	vmul.f32 v12, v49;
	v19 =	vmul.f32 v14, v24  }
0x42f: {  	v52 =	vmov s22;
	v51 =	vld.idx.msk [tilespmem:v51+s16+$0x0], $0xffff;
	v2 =	vsel vm1, v43, v2;
	vm2 =	vgt.f32 v16, v17  }
0x430: {  	v3 =	vld.idx.msk [tilespmem:v3+s16+$0x0], $0xffff;
	vm3 =	vgt.f32 v15, v19;
	v48 =	vsel vm2, v50, v48;
	v10 =	vsel vm2, v43, v10  }
0x431: {  	v0 =	vsel vm1, v1, v0;
	v47 =	vsel vm2, v5, v47;
	v24 =	vsel vm3, v12, v24  }
0x432: {  	v9 =	vsel vm1, v4, v9;
	v49 =	vsel vm3, v14, v49;
	v45 =	vsel vm3, v43, v45;
	v43 =	vmovc v44  }
0x433: {  	v4 =	vmax.f32 v31, v11;
	v5 =	vmax.f32 v34, v11;
	v1 =	vadd.f32 v46, v8  }
0x434: {  	v11 =	vmax.f32 v35, v11;
	v50 =	vadd.f32 v46, v58;
	v12 =	vmin.f32 v36, v18;
	v44 =	vld.idx.msk [tilespmem:v52+s15+$0x0], $0xffff  }
0x435: {  	v15 =	vmin.f32 v29, v18;
	v16 =	vmin.f32 v33, v18;
	v14 =	vmax.f32 v27, v51  }
0x436: {  	v52 =	vmul.f32 v1, v9;
	v18 =	vmax.f32 v28, v51;
	v17 =	vmin.f32 v25, v3  }
.Ltmp10:
0x437: {  	v19 =	vmin.f32 v30, v3;
	v4 =	vsub.f32 v17, v4;
	v17 =	vmax.f32 v32, v51;
	(pc) =	sbr.rel @p2 .LBB2_13-.Ltmp10, $4  }
0x438: {  	v55 =	vsub.f32 v15, v14;
	v3 =	vmin.f32 v26, v3;
	v14 =	vsub.f32 v12, v17  }
0x439: {  	v15 =	vsub.f32 v3, v5;
	v5 =	vsub.f32 v19, v11;
	v4 =	vmax.f32 v4, $0.0e+00  }
0x43a: {  	v51 =	vadd.s32 $0x100, v44;
	v3 =	vadd.s32 $0x200, v44;
	v54 =	vadd.s32 $0x400, v44  }
0x43b: {  	v18 =	vsub.f32 v16, v18;
	v19 =	vmax.f32 v55, $0.0e+00;
	v53 =	vadd.s32 $0x300, v44  }
.LBB2_14:
0x43c: {  	_ =	sdelay $0x3  }
0x43d: {  	v4 =	vmul.f32 @p1 v19, v4;
	v5 =	vmax.f32 @p1 v5, $0.0e+00;
	v11 =	vmax.f32 @p1 v14, $0.0e+00;
	v19 =	vld.idx.msk [tilespmem:v53+s16+$0x0], $0xffff  }
0x43e: {  	v12 =	vmax.f32 @p1 v15, $0.0e+00;
	v51 =	vld.idx.msk [tilespmem:v51+s16+$0x0], $0xffff;
	v14 =	vmax.f32 @p1 v18, $0.0e+00;
	v5 =	vmul.f32 @p1 v11, v5  }
0x43f: {  	v3 =	vld.idx.msk [tilespmem:v3+s16+$0x0], $0xffff;
	v15 =	vmul.f32 @p1 v4, v0;
	v12 =	vmul.f32 @p1 v14, v12  }
0x440: {  	v18 =	vmul.f32 @p1 v50, v47;
	v14 =	vadd.f32 @p1 v46, v63;
	v17 =	vmul.f32 @p1 v5, v48  }
0x441: {  	vm2 =	vgt.f32 @p1 v15, v52;
	v15 =	vmul.f32 @p1 v12, v49  }
0x442: {  	v11 =	vld.idx.msk [tilespmem:v44+s16+$0x0], $0xffff;
	v46 =	vmul.f32 @p1 v14, v24;
	vm3 =	vgt.f32 @p1 v17, v18;
	v0 =	vsel @p1 vm2, v1, v0  }
0x443: {  	v4 =	vsel @p1 vm2, v4, v9;
	v18 =	vmin.f32 v36, v19;
	v27 =	vmax.f32 v27, v51  }
0x444: {  	v16 =	vld.idx.msk [tilespmem:v54+s16+$0x0], $0xffff;
	v29 =	vmin.f32 v29, v19;
	v19 =	vmin.f32 v33, v19;
	v25 =	vmin.f32 v25, v3  }
0x445: {  	v28 =	vmax.f32 v28, v51;
	v30 =	vmin.f32 v30, v3;
	v3 =	vmin.f32 v26, v3  }
0x446: {  	vm1 =	vgt.f32 @p1 v15, v46;
	v15 =	vsel @p1 vm3, v50, v48;
	v5 =	vsel @p1 vm3, v5, v47  }
0x447: {  	v17 =	vmax.f32 v34, v11;
	v4 =	vpsel p1, v4, v7;
	v27 =	vsub.f32 v29, v27  }
0x448: {  	v19 =	vsub.f32 v19, v28;
	v1 =	vsel @p1 vm1, v12, v24;
	v9 =	vsel @p1 vm1, v14, v49  }
0x449: {  	v33 =	vld [tilespmem:$0x1FBB0];
	v12 =	vmax.f32 v31, v11;
	v14 =	vadd.f32 v16, v8;
	v11 =	vmax.f32 v35, v11  }
0x44a: {  	v28 =	vld [tilespmem:$0x1FC10];
	v24 =	vadd.f32 v16, v58;
	v3 =	vsub.f32 v3, v17;
	v5 =	vpsel p1, v5, v7  }
0x44b: {  	v29 =	vld [tilespmem:$0x1FBF0];
	v16 =	vadd.f32 v16, v63;
	v12 =	vsub.f32 v25, v12;
	v25 =	vmax.f32 v32, v51  }
0x44c: {  	v34 =	vld [tilespmem:$0x1FB90];
	v11 =	vsub.f32 v30, v11;
	v17 =	vmax.f32 v27, $0.0e+00;
	v1 =	vpsel p1, v1, v7  }
0x44d: {  	v31 =	vld [tilespmem:$0x1FBA0];
	v14 =	vmul.f32 v14, v4;
	v18 =	vsub.f32 v18, v25;
	v25 =	vimm.f32 $1.000000000e+00  }
0x44e: {  	v35 =	vld [tilespmem:$0x1FB70];
	v3 =	vmax.f32 v3, $0.0e+00;
	v16 =	vmul.f32 v16, v1;
	v12 =	vmax.f32 v12, $0.0e+00  }
0x44f: {  	v30 =	vld [tilespmem:$0x1FBC0];
	v11 =	vmax.f32 v11, $0.0e+00;
	v12 =	vmul.f32 v17, v12;
	v17 =	vmax.f32 v18, $0.0e+00  }
0x450: {  	v32 =	vld [tilespmem:$0x1FBD0];
	v0 =	vpsel p1, v0, v25;
	v18 =	vmax.f32 v19, $0.0e+00;
	v11 =	vmul.f32 v17, v11  }
0x451: {  	v15 =	vpsel p1, v15, v25;
	v19 =	vld [tilespmem:$0x1FBE0];
	v3 =	vmul.f32 v18, v3;
	v0 =	vmul.f32 v12, v0  }
0x452: {  	v2 =	vsel @p1 vm2, v43, v2;
	v18 =	vld [tilespmem:$0x1FC00];
	v7 =	vmul.f32 v11, v15;
	v15 =	vmul.f32 v24, v5  }
0x453: {  	v9 =	vpsel p1, v9, v25;
	v17 =	vsel @p1 vm1, v43, v45;
	vm1 =	vgt.f32 v0, v14;
	v14 =	vld [tilespmem:$0x1FC40]  }
0x454: {  	v9 =	vmul.f32 v3, v9;
	vm2 =	vgt.f32 v7, v15;
	v7 =	vsel vm1, v12, v4;
	v12 =	vld [tilespmem:$0x1FC90]  }
.Ltmp11:
0x455: {  	v15 =	vld [tilespmem:$0x1FC20];
	(pc) =	sbr.rel .LBB2_15-.Ltmp11, $4  }
0x456: {  	v10 =	vsel @p1 vm3, v43, v10;
	v17 =	vpsel p1, v17, v6;
	vm3 =	vgt.f32 v9, v16;
	v16 =	vld [tilespmem:$0x1FC30]  }
0x457: {  	v27 =	vsel vm3, v44, v17;
	v17 =	vld [tilespmem:$0x1FC50]  }
0x458: {  	v2 =	vpsel p1, v2, v6;
	v10 =	vpsel p1, v10, v6;
	v24 =	vsel vm2, v11, v5;
	v11 =	vld [tilespmem:$0x1FB80]  }
0x459: {  	v6 =	vsel vm1, v44, v2;
	v25 =	vsel vm2, v44, v10;
	v26 =	vsel vm3, v3, v1;
	v5 =	vld [tilespmem:$0x1FB60]  }
.LBB2_5:
.Ltmp12:
0x45a: {  	(pc) =	sbr.rel .LBB2_9-.Ltmp12, $4  }
0x45b: {  	_ = 	snop  }
0x45c: {  	v0 =	vimm.f32 $1.000000000e+00;
	v56 =	vimm.f32 $1.000000000e+00;
	v54 =	vimm.f32 $0.0e+00  }
0x45d: {  	v59 =	vimm.f32 $1.000000000e+00;
	v24 =	vimm.f32 $0.0e+00;
	v2 =	vimm.s32 $0x0  }
0x45e: {  	v50 =	vmovc v51;
	v9 =	vimm.s32 $0x0;
	v55 =	vimm.f32 $0.0e+00;
	v10 =	vimm.s32 $0x0;
	p3 =	por $0x0, $0x0  }
.LBB2_10:
.Ltmp13:
0x45f: {  	v57 =	vld [tilespmem:$0x1FCB0];
	(pc) =	sbr.rel .LBB2_14-.Ltmp13, $4  }
0x460: {  	v0 =	vimm.f32 $1.000000000e+00;
	v59 =	vld [tilespmem:$0x1FC80]  }
0x461: {  	v48 =	vimm.f32 $1.000000000e+00;
	v47 =	vimm.f32 $0.0e+00;
	v49 =	vimm.f32 $1.000000000e+00;
	v60 =	vld [tilespmem:$0x1FCA0]  }
0x462: {  	v24 =	vimm.f32 $0.0e+00;
	v2 =	vimm.s32 $0x0;
	v10 =	vimm.s32 $0x0;
	v61 =	vld [tilespmem:$0x1FC60]  }
0x463: {  	v44 =	vmovc v43;
	v9 =	vimm.f32 $0.0e+00;
	v45 =	vimm.s32 $0x0;
	v56 =	vimm.s32 $0x0;
	v62 =	vld [tilespmem:$0x1FC70]  }
.LBB2_7:
.Ltmp14:
0x464: {  	(pc) =	sbr.rel .LBB2_9-.Ltmp14, $4  }
0x465: {  	_ = 	snop  }
0x466: {  	v0 =	vimm.f32 $1.000000000e+00;
	v56 =	vimm.f32 $1.000000000e+00;
	v54 =	vimm.f32 $0.0e+00  }
0x467: {  	v59 =	vimm.f32 $1.000000000e+00;
	v24 =	vimm.f32 $0.0e+00;
	v2 =	vimm.s32 $0x0  }
0x468: {  	v9 =	vimm.s32 $0x0;
	v55 =	vimm.f32 $0.0e+00;
	v10 =	vimm.s32 $0x0  }
.LBB2_12:
.Ltmp15:
0x469: {  	(pc) =	sbr.rel .LBB2_14-.Ltmp15, $4  }
0x46a: {  	_ = 	snop  }
0x46b: {  	v0 =	vimm.f32 $1.000000000e+00;
	v48 =	vimm.f32 $1.000000000e+00;
	v47 =	vimm.f32 $0.0e+00  }
0x46c: {  	v49 =	vimm.f32 $1.000000000e+00;
	v24 =	vimm.f32 $0.0e+00;
	v2 =	vimm.s32 $0x0  }
0x46d: {  	v10 =	vimm.s32 $0x0;
	v9 =	vimm.f32 $0.0e+00;
	v45 =	vimm.s32 $0x0  }
.LBB2_17:
0x46e: {  	_ =	sfence.sel $0x180000  }
0x46f: {  	[bflag:$0x0] =	sbarrier.arrive $0xFFFF  }
0x470: {  	p0 =	sne.s32 s2, $0x0;
	_ =	strace $0x90000047  }
0x471: {  	s0 =	sadd.s32 @!p0 $0x100000, s4;
	[bflag:$0x2] =	sbarrier.arrive $0xFFFF  }
0x472: {  	[sflag:s0] =	ssyncadd.tile.s32 @!p0 $0x1;
	_ =	shalt  }
.Lfunc_end2:
_tile_overlayer_lowered:
.L_overlay_start_2:
0x473: {  	(tag) =	ssettag $0x2  }
0x474: {  	s0 =	rddreg [dreg:$0x0];
	s2 =	stileid.u32  }
0x475: {  	s1 =	rddreg [dreg:$0x1];
	p0 =	sne.s32 s2, $0x0  }
0x476: {  	s3 =	rddreg [dreg:$0x2];
	[bflag:$0x3] =	sbarrier.arrive $0xFFFF;
	s2 =	simm.s32 @!p0 $0x1C03  }
0x477: {  	[timem:s3], [sflag:s2] =	dma.local @!p0 [hbm:s0], s1  }
0x478: {  	s0 =	simm.s32 @!p0 $0x3  }
0x479: {  	_ =	swait.ge @!p0 [sflag:s0], s1  }
0x47a: {  	s1 =	ssub.s32 @!p0 $0x0, s1;
	[sflag:s0] =	ssyncset.done @!p0 $0x0  }
0x47b: {  	[sflag:s0] =	ssyncadd.s32 @!p0 s1  }
0x47c: {  	[bflag:$0x3] =	sbarrier.arrive $0xFFFF  }
0x47d: {  	_ =	shalt  }

</sc_bundles>
